<compile_context>
chip_gen: v7x
topology: tpu7x:2x2x1
jax: 0.10.2.dev20260603
libtpu: 0.0.44.dev20260713+nightly
codegen_flags: <defaults>
</compile_context>

<pallas_src>
import functools

import jax
import jax.numpy as jnp
from jax import lax
from jax.experimental import pallas as pl
from jax.experimental.pallas import tpu as pltpu
from jax.experimental.pallas import tpu_sc as plsc

E = 320000
D = 256
H = 64
N_NODES = 10000


BLK = 8000
NB = E // BLK


def _mlp_body(emb_ref, w1_ref, b1_ref, w2_ref, b2_ref, out_ref):
    h = jnp.dot(emb_ref[...], w1_ref[...], preferred_element_type=jnp.float32)
    h = jnp.maximum(h + b1_ref[...], 0.0)
    lg = lax.dot_general(w2_ref[...], h, (((0,), (1,)), ((), ())),
                         preferred_element_type=jnp.float32)
    lg = lg + b2_ref[...]
    out_ref[...] = (1.0 / (1.0 + jnp.exp(-lg))).reshape(1, 1, BLK)


def _edge_scores(emb, W1, b1, W2, b2):
    out = pl.pallas_call(
        _mlp_body,
        grid=(NB,),
        in_specs=[
            pl.BlockSpec((BLK, D), lambda i: (i, 0)),
            pl.BlockSpec((D, H), lambda i: (0, 0)),
            pl.BlockSpec((1, H), lambda i: (0, 0)),
            pl.BlockSpec((H, 1), lambda i: (0, 0)),
            pl.BlockSpec((1, 1), lambda i: (0, 0)),
        ],
        out_specs=pl.BlockSpec((1, 1, BLK), lambda i: (i, 0, 0)),
        out_shape=jax.ShapeDtypeStruct((NB, 1, BLK), jnp.float32),
    )(emb, W1, b1.reshape(1, H), W2, b2.reshape(1, 1))
    return out.reshape(E)



NT = 16
CH = E // NT
NV = CH // 16
NPAD = 10240
NCH = NPAD // NT

_mesh = plsc.VectorSubcoreMesh(core_axis_name="c", subcore_axis_name="s",
                               num_cores=1)


@functools.partial(
    pl.kernel,
    out_type=(jax.ShapeDtypeStruct((E,), jnp.float32),
              jax.ShapeDtypeStruct((NPAD,), jnp.int32)),
    mesh=_mesh,
    compiler_params=pltpu.CompilerParams(needs_layout_passes=False),
    scratch_types=[
        pltpu.VMEM((CH,), jnp.float32),
        pltpu.VMEM((CH,), jnp.int32),
        pltpu.VMEM((CH,), jnp.int32),
        pltpu.VMEM((4096,), jnp.int32),
        pltpu.VMEM((256,), jnp.int32),
        pltpu.VMEM((16, 256), jnp.int32),
        pltpu.VMEM((NPAD,), jnp.int32),
        pltpu.VMEM((16, NCH), jnp.int32),
        pltpu.VMEM((NCH,), jnp.int32),
        pltpu.VMEM((16,), jnp.int32),
        pltpu.VMEM_SHARED((4, 16, 256), jnp.int32),
        pltpu.VMEM_SHARED((16, NPAD), jnp.int32),
        pltpu.SemaphoreType.DMA,
        pltpu.SemaphoreType.DMA,
    ],
)
def _select(mask_hbm, src_hbm, dst_hbm, rank_hbm, out_hbm, nodes_hbm,
            keys, srcv, dstv, hist16, merged, gbuf, node_loc, ngather, nout,
            rbuf, sh_hist, sh_nodes, sem_s, sem_d):
    sid = lax.axis_index("s")
    base = sid * CH

    d_src = pltpu.async_copy(src_hbm.at[pl.ds(base, CH)], srcv, sem_s)
    d_dst = pltpu.async_copy(dst_hbm.at[pl.ds(base, CH)], dstv, sem_d)
    pltpu.sync_copy(mask_hbm.at[pl.ds(base, CH)], keys)
    pltpu.sync_copy(rank_hbm, rbuf)
    r_v = rbuf[...]

    lane_base = lax.iota(jnp.int32, 16) * 256
    ones = jnp.ones((16,), jnp.int32)
    zz = jnp.zeros((16,), jnp.int32)

    def _zero_nodes(i, _):
        node_loc[pl.ds(i * 16, 16)] = zz
        return 0
    lax.fori_loop(0, NPAD // 16, _zero_nodes, 0)

    prefix = jnp.int32(0)
    for p in range(4):
        shift = 24 - 8 * p
        shift_v = jnp.full((16,), shift, jnp.int32)
        eight_v = jnp.full((16,), 8, jnp.int32)
        prefix_v = jnp.full((16,), prefix, jnp.int32)

        def _zero_hist(i, _):
            for u in range(4):
                hist16[pl.ds(i * 64 + u * 16, 16)] = zz
            return 0
        lax.fori_loop(0, 64, _zero_hist, 0)

        def _histo(i, _, _pv=prefix_v, _sv=shift_v, _p=p):
            for u in range(5):
                v = keys[pl.ds(i * 80 + u * 16, 16)]
                bits = plsc.bitcast(v, jnp.int32)
                t = lax.shift_right_logical(bits, _sv)
                byte = jnp.bitwise_and(t, 255)
                idx = lane_base + byte
                if _p == 0:
                    plsc.addupdate_scatter(hist16, [idx], ones)
                else:
                    pred = lax.shift_right_logical(t, eight_v) == _pv
                    plsc.addupdate_scatter(hist16, [idx], ones, mask=pred)
            return 0
        lax.fori_loop(0, NV // 5, _histo, 0)

        def _lane_merge(j, _):
            acc = hist16[pl.ds(j * 16, 16)]
            for l in range(1, 16):
                acc = acc + hist16[pl.ds(l * 256 + j * 16, 16)]
            merged[pl.ds(j * 16, 16)] = acc
            return 0
        lax.fori_loop(0, 16, _lane_merge, 0)

        pltpu.sync_copy(merged, sh_hist.at[p, sid])
        plsc.subcore_barrier()
        pltpu.sync_copy(sh_hist.at[p], gbuf)

        def _tile_merge(j, _):
            acc = gbuf[0, pl.ds(j * 16, 16)]
            for t in range(1, 16):
                acc = acc + gbuf[t, pl.ds(j * 16, 16)]
            merged[pl.ds(j * 16, 16)] = acc
            return 0
        lax.fori_loop(0, 16, _tile_merge, 0)

        carry = jnp.zeros((16,), jnp.int32)
        ntrue = jnp.zeros((16,), jnp.int32)
        gt_acc = jnp.zeros((16,), jnp.int32)
        for j in reversed(range(16)):
            v = merged[pl.ds(j * 16, 16)]
            cum = plsc.cumsum(v)
            tot = cum[15]
            suffix = (tot - cum) + v + carry
            carry = carry + tot
            p = suffix > r_v
            ntrue = ntrue + plsc.all_reduce_population_count(p)
            gt_acc = gt_acc + jnp.where(p, zz, v)
        bn = ntrue[0] - 1
        r_v = r_v - jnp.sum(gt_acc)
        prefix = prefix * 256 + bn

    thr_v = plsc.bitcast(jnp.full((16,), prefix, jnp.int32), jnp.float32)
    zf = jnp.zeros((16,), jnp.float32)

    d_src.wait()
    d_dst.wait()

    def _final(i, _):
        for u in range(5):
            o = i * 80 + u * 16
            v = keys[pl.ds(o, 16)]
            m = v > thr_v
            keys[pl.ds(o, 16)] = jnp.where(m, v, zf)
            si = srcv[pl.ds(o, 16)]
            plsc.store_scatter(node_loc, [si], ones, mask=m)
            di = dstv[pl.ds(o, 16)]
            plsc.store_scatter(node_loc, [di], ones, mask=m)
        return 0
    lax.fori_loop(0, NV // 5, _final, 0)

    pltpu.sync_copy(keys, out_hbm.at[pl.ds(base, CH)])
    pltpu.sync_copy(node_loc, sh_nodes.at[sid])
    plsc.subcore_barrier()

    nb = sid * NCH
    for t in range(16):
        pltpu.sync_copy(sh_nodes.at[t, pl.ds(nb, NCH)], ngather.at[t])

    def _node_merge(j, _):
        acc = ngather[0, pl.ds(j * 16, 16)]
        for t in range(1, 16):
            acc = jnp.bitwise_or(acc, ngather[t, pl.ds(j * 16, 16)])
        nout[pl.ds(j * 16, 16)] = acc
        return 0
    lax.fori_loop(0, NCH // 16, _node_merge, 0)
    pltpu.sync_copy(nout, nodes_hbm.at[pl.ds(nb, NCH)])


def kernel(emb, edge_index, top_k, W1, b1, W2, b2):
    edge_mask = _edge_scores(emb, W1, b1, W2, b2)
    rank = jnp.minimum(jnp.asarray(top_k, jnp.int32), E - 1)
    rank_arr = jnp.full((16,), rank, dtype=jnp.int32)
    masked, nodes = _select(edge_mask, edge_index[0], edge_index[1], rank_arr)
    return masked, nodes[:N_NODES].astype(bool)

# --- scband reference (transcript-rebuilt; emitter-appended) ---
"""Pipeline reference for scband-pgexplainer-43439299231976 (READ-ONLY COPY).

The authoritative reference and input builder live on the scoring server;
editing this copy changes nothing except your own understanding.
"""

import jax, jax.numpy as jnp
import numpy as np

N_NODES = 10000
E = 320000
D = 256
H = 64

def setup_inputs(seed: int = 0) -> dict:
    key = jax.random.key(seed)
    k1, k2, k3, k4 = jax.random.split(key, 4)
    emb = jax.random.normal(k1, (E, D), dtype=jnp.float32)
    edge_index = jax.random.randint(k2, (2, E), 0, N_NODES, dtype=jnp.int32)
    W1 = jax.random.normal(k3, (D, H), dtype=jnp.float32) * (1.0 / np.sqrt(D))
    b1 = jnp.zeros((H,), dtype=jnp.float32)
    W2 = jax.random.normal(k4, (H, 1), dtype=jnp.float32) * (1.0 / np.sqrt(H))
    b2 = jnp.zeros((1,), dtype=jnp.float32)
    top_k = 3200
    return {"emb": emb, "edge_index": edge_index, "top_k": top_k,
            "W1": W1, "b1": b1, "W2": W2, "b2": b2}

def reference(emb, edge_index, top_k, W1, b1, W2, b2):
    # PGExplainer explanation MLP: scores each edge from concatenated node embeddings
    h = jax.nn.relu(emb @ W1 + b1)
    logits = (h @ W2 + b2)[:, 0]
    edge_mask = jax.nn.sigmoid(logits)
    # calculate_selected_nodes: top-k threshold masking
    sorted_desc = jnp.sort(edge_mask)[::-1]
    thr = sorted_desc[jnp.minimum(top_k, E - 1).astype(jnp.int32)]
    hard_mask = edge_mask > thr
    masked_scores = edge_mask * hard_mask.astype(edge_mask.dtype)
    # selected nodes: endpoints of surviving edges (scatter of hard mask onto nodes)
    hm_i = hard_mask.astype(jnp.int32)
    counts = jnp.zeros((N_NODES,), dtype=jnp.int32)
    counts = counts.at[edge_index[0]].add(hm_i)
    counts = counts.at[edge_index[1]].add(hm_i)
    node_selected = counts > 0
    return masked_scores, node_selected

if __name__ == "__main__":
    import jax
    _d = setup_inputs()
    print(jax.jit(kernel)(*tuple(_d.values())))

</pallas_src>

<mosaic_0001>
#map = affine_map<(d0, d1) -> (0)>
module attributes {stable_mosaic.version = 14 : i64} {
  func.func @_select(%arg0: i32, %arg1: i32, %arg2: memref<320000xf32, #tpu.memory_space<hbm>>, %arg3: memref<320000xi32, #tpu.memory_space<hbm>>, %arg4: memref<320000xi32, #tpu.memory_space<hbm>>, %arg5: memref<16xi32, #tpu.memory_space<hbm>>, %arg6: memref<320000xf32, #tpu.memory_space<hbm>>, %arg7: memref<10240xi32, #tpu.memory_space<hbm>>, %arg8: memref<20000xf32, #tpu.memory_space<vmem>>, %arg9: memref<20000xi32, #tpu.memory_space<vmem>>, %arg10: memref<20000xi32, #tpu.memory_space<vmem>>, %arg11: memref<4096xi32, #tpu.memory_space<vmem>>, %arg12: memref<256xi32, #tpu.memory_space<vmem>>, %arg13: memref<16x256xi32, #tpu.memory_space<vmem>>, %arg14: memref<10240xi32, #tpu.memory_space<vmem>>, %arg15: memref<16x640xi32, #tpu.memory_space<vmem>>, %arg16: memref<640xi32, #tpu.memory_space<vmem>>, %arg17: memref<16xi32, #tpu.memory_space<vmem>>, %arg18: memref<4x16x256xi32, #tpu.memory_space<vmem_shared>>, %arg19: memref<16x10240xi32, #tpu.memory_space<vmem_shared>>, %arg20: memref<!tpu.dma_semaphore, #tpu.memory_space<semaphore_mem>>, %arg21: memref<!tpu.dma_semaphore, #tpu.memory_space<semaphore_mem>>) attributes {dimension_semantics = [#tpu.dimension_semantics<core_parallel>, #tpu.dimension_semantics<subcore_parallel>], iteration_bounds = array<i64: 1, 16>, scalar_prefetch = 0 : i64, scratch_operands = 14 : i64, tpu.core_type = #tpu.core_type<sc_vector_subcore>, window_params = [{transform_indices = #map}, {transform_indices = #map}, {transform_indices = #map}, {transform_indices = #map}, {transform_indices = #map}, {transform_indices = #map}]} {
    %mul3A = arith.constant 20000 : i32
    %mul3A_0 = arith.muli %arg1, %mul3A : i32
    %dma_start3A = tpu.memref_slice %arg3[%mul3A_0] : memref<320000xi32, #tpu.memory_space<hbm>> -> memref<20000xi32, #tpu.memory_space<hbm>>
    %dma_start3A_1 = tpu.memref_slice %arg3[%mul3A_0] : memref<320000xi32, #tpu.memory_space<hbm>> -> memref<20000xi32, #tpu.memory_space<hbm>>
    tpu.enqueue_dma source(%dma_start3A_1 : memref<20000xi32, #tpu.memory_space<hbm>>) target(%arg9 : memref<20000xi32, #tpu.memory_space<vmem>>) target_semaphore(%arg20 : memref<!tpu.dma_semaphore, #tpu.memory_space<semaphore_mem>>)
    %dma_start3A_2 = tpu.memref_slice %arg4[%mul3A_0] : memref<320000xi32, #tpu.memory_space<hbm>> -> memref<20000xi32, #tpu.memory_space<hbm>>
    %dma_start3A_3 = tpu.memref_slice %arg4[%mul3A_0] : memref<320000xi32, #tpu.memory_space<hbm>> -> memref<20000xi32, #tpu.memory_space<hbm>>
    tpu.enqueue_dma source(%dma_start3A_3 : memref<20000xi32, #tpu.memory_space<hbm>>) target(%arg10 : memref<20000xi32, #tpu.memory_space<vmem>>) target_semaphore(%arg21 : memref<!tpu.dma_semaphore, #tpu.memory_space<semaphore_mem>>)
    "tpu.region"() ({
      %run_scoped3A_1435 = tpu.sem_alloc : memref<!tpu.dma_semaphore, #tpu.memory_space<semaphore_mem>>
      %dma_start3A_1436 = tpu.memref_slice %arg2[%mul3A_0] : memref<320000xf32, #tpu.memory_space<hbm>> -> memref<20000xf32, #tpu.memory_space<hbm>>
      %dma_start3A_1437 = tpu.memref_slice %arg2[%mul3A_0] : memref<320000xf32, #tpu.memory_space<hbm>> -> memref<20000xf32, #tpu.memory_space<hbm>>
      tpu.enqueue_dma source(%dma_start3A_1437 : memref<20000xf32, #tpu.memory_space<hbm>>) target(%arg8 : memref<20000xf32, #tpu.memory_space<vmem>>) target_semaphore(%run_scoped3A_1435 : memref<!tpu.dma_semaphore, #tpu.memory_space<semaphore_mem>>)
      %dma_wait3A_1438 = tpu.memref_slice %arg2[%mul3A_0] : memref<320000xf32, #tpu.memory_space<hbm>> -> memref<20000xf32, #tpu.memory_space<hbm>>
      %dma_wait3A_1439 = tpu.memref_slice %arg2[%mul3A_0] : memref<320000xf32, #tpu.memory_space<hbm>> -> memref<20000xf32, #tpu.memory_space<hbm>>
      tpu.wait_dma2 semaphore(%run_scoped3A_1435 : memref<!tpu.dma_semaphore, #tpu.memory_space<semaphore_mem>>) src(%dma_wait3A_1439 : memref<20000xf32, #tpu.memory_space<hbm>>) dst(%arg8 : memref<20000xf32, #tpu.memory_space<vmem>>)
      tpu.yield
    }) : () -> ()
    "tpu.region"() ({
      %run_scoped3A_1435 = tpu.sem_alloc : memref<!tpu.dma_semaphore, #tpu.memory_space<semaphore_mem>>
      tpu.enqueue_dma source(%arg5 : memref<16xi32, #tpu.memory_space<hbm>>) target(%arg17 : memref<16xi32, #tpu.memory_space<vmem>>) target_semaphore(%run_scoped3A_1435 : memref<!tpu.dma_semaphore, #tpu.memory_space<semaphore_mem>>)
      tpu.wait_dma2 semaphore(%run_scoped3A_1435 : memref<!tpu.dma_semaphore, #tpu.memory_space<semaphore_mem>>) src(%arg5 : memref<16xi32, #tpu.memory_space<hbm>>) dst(%arg17 : memref<16xi32, #tpu.memory_space<vmem>>)
      tpu.yield
    }) : () -> ()
    %get3A = arith.constant 0 : index
    %get3A_4 = tpu.vector_load %arg17[%get3A] {strides = array<i32>} : memref<16xi32, #tpu.memory_space<vmem>>, vector<16xi32>,
    %iota3A = tpu.iota {dimensions = array<i32: 0>} : vector<16xi32>
    %mul3A_5 = arith.constant 256 : i32
    %mul3A_6 = vector.broadcast %mul3A_5 : i32 to vector<16xi32>
    %mul3A_7 = arith.muli %iota3A, %mul3A_6 : vector<16xi32>
    %broadcast_in_dim3A = arith.constant 1 : i32
    %broadcast_in_dim3A_8 = vector.broadcast %broadcast_in_dim3A : i32 to vector<16xi32>
    %broadcast_in_dim3A_9 = arith.constant 0 : i32
    %broadcast_in_dim3A_10 = vector.broadcast %broadcast_in_dim3A_9 : i32 to vector<16xi32>
    %scan3A = arith.constant 0 : i32
    %scan3A_11 = arith.constant 0 : i32
    %scan3A_12 = arith.constant 640 : i32
    %scan3A_13 = arith.addi %scan3A_11, %scan3A_12 : i32
    %scan3A_14 = arith.constant 1 : i32
    %scan3A_15 = scf.for %scan3A_1435 = %scan3A_11 to %scan3A_13 step %scan3A_14 iter_args(%scan3A_1436 = %scan3A) -> (i32)  : i32 {
      %mul3A_1437 = arith.constant 16 : i32
      %mul3A_1438 = arith.muli %scan3A_1435, %mul3A_1437 : i32
      %swap3A = arith.index_cast %mul3A_1438 : i32 to index
      %swap3A_1439 = tpu.vector_load %arg14[%swap3A] {strides = array<i32>} : memref<10240xi32, #tpu.memory_space<vmem>>, vector<16xi32>,
      tpu.vector_store %arg14[%swap3A], %broadcast_in_dim3A_10 {strides = array<i32>} : memref<10240xi32, #tpu.memory_space<vmem>>, vector<16xi32>,
      %scan3A_1440 = arith.constant 0 : i32
      scf.yield %scan3A_1440 : i32
    }
    %scan3A_16 = arith.constant 640 : i32
    %broadcast_in_dim3A_17 = arith.constant 24 : i32
    %broadcast_in_dim3A_18 = vector.broadcast %broadcast_in_dim3A_17 : i32 to vector<16xi32>
    %broadcast_in_dim3A_19 = arith.constant 8 : i32
    %broadcast_in_dim3A_20 = vector.broadcast %broadcast_in_dim3A_19 : i32 to vector<16xi32>
    %broadcast_in_dim3A_21 = arith.constant 0 : i32
    %broadcast_in_dim3A_22 = vector.broadcast %broadcast_in_dim3A_21 : i32 to vector<16xi32>
    %scan3A_23 = arith.constant 0 : i32
    %scan3A_24 = arith.constant 0 : i32
    %scan3A_25 = arith.constant 64 : i32
    %scan3A_26 = arith.addi %scan3A_24, %scan3A_25 : i32
    %scan3A_27 = arith.constant 1 : i32
    %scan3A_28 = scf.for %scan3A_1435 = %scan3A_24 to %scan3A_26 step %scan3A_27 iter_args(%scan3A_1436 = %scan3A_23) -> (i32)  : i32 {
      %mul3A_1437 = arith.constant 64 : i32
      %mul3A_1438 = arith.muli %scan3A_1435, %mul3A_1437 : i32
      %add3A_1439 = arith.constant 0 : i32
      %add3A_1440 = arith.addi %mul3A_1438, %add3A_1439 : i32
      %swap3A = arith.index_cast %add3A_1440 : i32 to index
      %swap3A_1441 = tpu.vector_load %arg11[%swap3A] {strides = array<i32>} : memref<4096xi32, #tpu.memory_space<vmem>>, vector<16xi32>,
      tpu.vector_store %arg11[%swap3A], %broadcast_in_dim3A_10 {strides = array<i32>} : memref<4096xi32, #tpu.memory_space<vmem>>, vector<16xi32>,
      %mul3A_1442 = arith.constant 64 : i32
      %mul3A_1443 = arith.muli %scan3A_1435, %mul3A_1442 : i32
      %add3A_1444 = arith.constant 16 : i32
      %add3A_1445 = arith.addi %mul3A_1443, %add3A_1444 : i32
      %swap3A_1446 = arith.index_cast %add3A_1445 : i32 to index
      %swap3A_1447 = tpu.vector_load %arg11[%swap3A_1446] {strides = array<i32>} : memref<4096xi32, #tpu.memory_space<vmem>>, vector<16xi32>,
      tpu.vector_store %arg11[%swap3A_1446], %broadcast_in_dim3A_10 {strides = array<i32>} : memref<4096xi32, #tpu.memory_space<vmem>>, vector<16xi32>,
      %mul3A_1448 = arith.constant 64 : i32
      %mul3A_1449 = arith.muli %scan3A_1435, %mul3A_1448 : i32
      %add3A_1450 = arith.constant 32 : i32
      %add3A_1451 = arith.addi %mul3A_1449, %add3A_1450 : i32
      %swap3A_1452 = arith.index_cast %add3A_1451 : i32 to index
      %swap3A_1453 = tpu.vector_load %arg11[%swap3A_1452] {strides = array<i32>} : memref<4096xi32, #tpu.memory_space<vmem>>, vector<16xi32>,
      tpu.vector_store %arg11[%swap3A_1452], %broadcast_in_dim3A_10 {strides = array<i32>} : memref<4096xi32, #tpu.memory_space<vmem>>, vector<16xi32>,
      %mul3A_1454 = arith.constant 64 : i32
      %mul3A_1455 = arith.muli %scan3A_1435, %mul3A_1454 : i32
      %add3A_1456 = arith.constant 48 : i32
      %add3A_1457 = arith.addi %mul3A_1455, %add3A_1456 : i32
      %swap3A_1458 = arith.index_cast %add3A_1457 : i32 to index
      %swap3A_1459 = tpu.vector_load %arg11[%swap3A_1458] {strides = array<i32>} : memref<4096xi32, #tpu.memory_space<vmem>>, vector<16xi32>,
      tpu.vector_store %arg11[%swap3A_1458], %broadcast_in_dim3A_10 {strides = array<i32>} : memref<4096xi32, #tpu.memory_space<vmem>>, vector<16xi32>,
      %scan3A_1460 = arith.constant 0 : i32
      scf.yield %scan3A_1460 : i32
    }
    %scan3A_29 = arith.constant 64 : i32
    %scan3A_30 = arith.constant 0 : i32
    %scan3A_31 = arith.constant 0 : i32
    %scan3A_32 = arith.constant 250 : i32
    %scan3A_33 = arith.addi %scan3A_31, %scan3A_32 : i32
    %scan3A_34 = arith.constant 1 : i32
    %scan3A_35 = scf.for %scan3A_1435 = %scan3A_31 to %scan3A_33 step %scan3A_34 iter_args(%scan3A_1436 = %scan3A_30) -> (i32)  : i32 {
      %mul3A_1437 = arith.constant 80 : i32
      %mul3A_1438 = arith.muli %scan3A_1435, %mul3A_1437 : i32
      %add3A_1439 = arith.constant 0 : i32
      %add3A_1440 = arith.addi %mul3A_1438, %add3A_1439 : i32
      %get3A_1441 = arith.index_cast %add3A_1440 : i32 to index
      %get3A_1442 = tpu.vector_load %arg8[%get3A_1441] {strides = array<i32>} : memref<20000xf32, #tpu.memory_space<vmem>>, vector<16xf32>,
      %bitcast3A_1443 = vector.bitcast %get3A_1442 : vector<16xf32> to vector<16xi32>
      %shift_right_logical3A = arith.shrui %bitcast3A_1443, %broadcast_in_dim3A_18 : vector<16xi32>
      %and3A = arith.constant 255 : i32
      %and3A_1444 = vector.broadcast %and3A : i32 to vector<16xi32>
      %and3A_1445 = arith.andi %shift_right_logical3A, %and3A_1444 : vector<16xi32>
      %add3A_1446 = arith.addi %mul3A_7, %and3A_1445 : vector<16xi32>
      tpu.vector_store_idx %arg11[%add3A_1446], %broadcast_in_dim3A_8 {add = true} : memref<4096xi32, #tpu.memory_space<vmem>>[vector<16xi32>], vector<16xi32>,
      %mul3A_1447 = arith.constant 80 : i32
      %mul3A_1448 = arith.muli %scan3A_1435, %mul3A_1447 : i32
      %add3A_1449 = arith.constant 16 : i32
      %add3A_1450 = arith.addi %mul3A_1448, %add3A_1449 : i32
      %get3A_1451 = arith.index_cast %add3A_1450 : i32 to index
      %get3A_1452 = tpu.vector_load %arg8[%get3A_1451] {strides = array<i32>} : memref<20000xf32, #tpu.memory_space<vmem>>, vector<16xf32>,
      %bitcast3A_1453 = vector.bitcast %get3A_1452 : vector<16xf32> to vector<16xi32>
      %shift_right_logical3A_1454 = arith.shrui %bitcast3A_1453, %broadcast_in_dim3A_18 : vector<16xi32>
      %and3A_1455 = arith.constant 255 : i32
      %and3A_1456 = vector.broadcast %and3A_1455 : i32 to vector<16xi32>
      %and3A_1457 = arith.andi %shift_right_logical3A_1454, %and3A_1456 : vector<16xi32>
      %add3A_1458 = arith.addi %mul3A_7, %and3A_1457 : vector<16xi32>
      tpu.vector_store_idx %arg11[%add3A_1458], %broadcast_in_dim3A_8 {add = true} : memref<4096xi32, #tpu.memory_space<vmem>>[vector<16xi32>], vector<16xi32>,
      %mul3A_1459 = arith.constant 80 : i32
      %mul3A_1460 = arith.muli %scan3A_1435, %mul3A_1459 : i32
      %add3A_1461 = arith.constant 32 : i32
      %add3A_1462 = arith.addi %mul3A_1460, %add3A_1461 : i32
      %get3A_1463 = arith.index_cast %add3A_1462 : i32 to index
      %get3A_1464 = tpu.vector_load %arg8[%get3A_1463] {strides = array<i32>} : memref<20000xf32, #tpu.memory_space<vmem>>, vector<16xf32>,
      %bitcast3A_1465 = vector.bitcast %get3A_1464 : vector<16xf32> to vector<16xi32>
      %shift_right_logical3A_1466 = arith.shrui %bitcast3A_1465, %broadcast_in_dim3A_18 : vector<16xi32>
      %and3A_1467 = arith.constant 255 : i32
      %and3A_1468 = vector.broadcast %and3A_1467 : i32 to vector<16xi32>
      %and3A_1469 = arith.andi %shift_right_logical3A_1466, %and3A_1468 : vector<16xi32>
      %add3A_1470 = arith.addi %mul3A_7, %and3A_1469 : vector<16xi32>
      tpu.vector_store_idx %arg11[%add3A_1470], %broadcast_in_dim3A_8 {add = true} : memref<4096xi32, #tpu.memory_space<vmem>>[vector<16xi32>], vector<16xi32>,
      %mul3A_1471 = arith.constant 80 : i32
      %mul3A_1472 = arith.muli %scan3A_1435, %mul3A_1471 : i32
      %add3A_1473 = arith.constant 48 : i32
      %add3A_1474 = arith.addi %mul3A_1472, %add3A_1473 : i32
      %get3A_1475 = arith.index_cast %add3A_1474 : i32 to index
      %get3A_1476 = tpu.vector_load %arg8[%get3A_1475] {strides = array<i32>} : memref<20000xf32, #tpu.memory_space<vmem>>, vector<16xf32>,
      %bitcast3A_1477 = vector.bitcast %get3A_1476 : vector<16xf32> to vector<16xi32>
      %shift_right_logical3A_1478 = arith.shrui %bitcast3A_1477, %broadcast_in_dim3A_18 : vector<16xi32>
      %and3A_1479 = arith.constant 255 : i32
      %and3A_1480 = vector.broadcast %and3A_1479 : i32 to vector<16xi32>
      %and3A_1481 = arith.andi %shift_right_logical3A_1478, %and3A_1480 : vector<16xi32>
      %add3A_1482 = arith.addi %mul3A_7, %and3A_1481 : vector<16xi32>
      tpu.vector_store_idx %arg11[%add3A_1482], %broadcast_in_dim3A_8 {add = true} : memref<4096xi32, #tpu.memory_space<vmem>>[vector<16xi32>], vector<16xi32>,
      %mul3A_1483 = arith.constant 80 : i32
      %mul3A_1484 = arith.muli %scan3A_1435, %mul3A_1483 : i32
      %add3A_1485 = arith.constant 64 : i32
      %add3A_1486 = arith.addi %mul3A_1484, %add3A_1485 : i32
      %get3A_1487 = arith.index_cast %add3A_1486 : i32 to index
      %get3A_1488 = tpu.vector_load %arg8[%get3A_1487] {strides = array<i32>} : memref<20000xf32, #tpu.memory_space<vmem>>, vector<16xf32>,
      %bitcast3A_1489 = vector.bitcast %get3A_1488 : vector<16xf32> to vector<16xi32>
      %shift_right_logical3A_1490 = arith.shrui %bitcast3A_1489, %broadcast_in_dim3A_18 : vector<16xi32>
      %and3A_1491 = arith.constant 255 : i32
      %and3A_1492 = vector.broadcast %and3A_1491 : i32 to vector<16xi32>
      %and3A_1493 = arith.andi %shift_right_logical3A_1490, %and3A_1492 : vector<16xi32>
      %add3A_1494 = arith.addi %mul3A_7, %and3A_1493 : vector<16xi32>
      tpu.vector_store_idx %arg11[%add3A_1494], %broadcast_in_dim3A_8 {add = true} : memref<4096xi32, #tpu.memory_space<vmem>>[vector<16xi32>], vector<16xi32>,
      %scan3A_1495 = arith.constant 0 : i32
      scf.yield %scan3A_1495 : i32
    }
    %scan3A_36 = arith.constant 250 : i32
    %scan3A_37 = arith.constant 0 : i32
    %scan3A_38 = arith.constant 0 : i32
    %scan3A_39 = arith.constant 16 : i32
    %scan3A_40 = arith.addi %scan3A_38, %scan3A_39 : i32
    %scan3A_41 = arith.constant 1 : i32
    %scan3A_42 = scf.for %scan3A_1435 = %scan3A_38 to %scan3A_40 step %scan3A_41 iter_args(%scan3A_1436 = %scan3A_37) -> (i32)  : i32 {
      %mul3A_1437 = arith.constant 16 : i32
      %mul3A_1438 = arith.muli %scan3A_1435, %mul3A_1437 : i32
      %get3A_1439 = arith.index_cast %mul3A_1438 : i32 to index
      %get3A_1440 = tpu.vector_load %arg11[%get3A_1439] {strides = array<i32>} : memref<4096xi32, #tpu.memory_space<vmem>>, vector<16xi32>,
      %mul3A_1441 = arith.constant 16 : i32
      %mul3A_1442 = arith.muli %scan3A_1435, %mul3A_1441 : i32
      %add3A_1443 = arith.constant 256 : i32
      %add3A_1444 = arith.addi %add3A_1443, %mul3A_1442 : i32
      %get3A_1445 = arith.index_cast %add3A_1444 : i32 to index
      %get3A_1446 = tpu.vector_load %arg11[%get3A_1445] {strides = array<i32>} : memref<4096xi32, #tpu.memory_space<vmem>>, vector<16xi32>,
      %add3A_1447 = arith.addi %get3A_1440, %get3A_1446 : vector<16xi32>
      %mul3A_1448 = arith.constant 16 : i32
      %mul3A_1449 = arith.muli %scan3A_1435, %mul3A_1448 : i32
      %add3A_1450 = arith.constant 512 : i32
      %add3A_1451 = arith.addi %add3A_1450, %mul3A_1449 : i32
      %get3A_1452 = arith.index_cast %add3A_1451 : i32 to index
      %get3A_1453 = tpu.vector_load %arg11[%get3A_1452] {strides = array<i32>} : memref<4096xi32, #tpu.memory_space<vmem>>, vector<16xi32>,
      %add3A_1454 = arith.addi %add3A_1447, %get3A_1453 : vector<16xi32>
      %mul3A_1455 = arith.constant 16 : i32
      %mul3A_1456 = arith.muli %scan3A_1435, %mul3A_1455 : i32
      %add3A_1457 = arith.constant 768 : i32
      %add3A_1458 = arith.addi %add3A_1457, %mul3A_1456 : i32
      %get3A_1459 = arith.index_cast %add3A_1458 : i32 to index
      %get3A_1460 = tpu.vector_load %arg11[%get3A_1459] {strides = array<i32>} : memref<4096xi32, #tpu.memory_space<vmem>>, vector<16xi32>,
      %add3A_1461 = arith.addi %add3A_1454, %get3A_1460 : vector<16xi32>
      %mul3A_1462 = arith.constant 16 : i32
      %mul3A_1463 = arith.muli %scan3A_1435, %mul3A_1462 : i32
      %add3A_1464 = arith.constant 1024 : i32
      %add3A_1465 = arith.addi %add3A_1464, %mul3A_1463 : i32
      %get3A_1466 = arith.index_cast %add3A_1465 : i32 to index
      %get3A_1467 = tpu.vector_load %arg11[%get3A_1466] {strides = array<i32>} : memref<4096xi32, #tpu.memory_space<vmem>>, vector<16xi32>,
      %add3A_1468 = arith.addi %add3A_1461, %get3A_1467 : vector<16xi32>
      %mul3A_1469 = arith.constant 16 : i32
      %mul3A_1470 = arith.muli %scan3A_1435, %mul3A_1469 : i32
      %add3A_1471 = arith.constant 1280 : i32
      %add3A_1472 = arith.addi %add3A_1471, %mul3A_1470 : i32
      %get3A_1473 = arith.index_cast %add3A_1472 : i32 to index
      %get3A_1474 = tpu.vector_load %arg11[%get3A_1473] {strides = array<i32>} : memref<4096xi32, #tpu.memory_space<vmem>>, vector<16xi32>,
      %add3A_1475 = arith.addi %add3A_1468, %get3A_1474 : vector<16xi32>
      %mul3A_1476 = arith.constant 16 : i32
      %mul3A_1477 = arith.muli %scan3A_1435, %mul3A_1476 : i32
      %add3A_1478 = arith.constant 1536 : i32
      %add3A_1479 = arith.addi %add3A_1478, %mul3A_1477 : i32
      %get3A_1480 = arith.index_cast %add3A_1479 : i32 to index
      %get3A_1481 = tpu.vector_load %arg11[%get3A_1480] {strides = array<i32>} : memref<4096xi32, #tpu.memory_space<vmem>>, vector<16xi32>,
      %add3A_1482 = arith.addi %add3A_1475, %get3A_1481 : vector<16xi32>
      %mul3A_1483 = arith.constant 16 : i32
      %mul3A_1484 = arith.muli %scan3A_1435, %mul3A_1483 : i32
      %add3A_1485 = arith.constant 1792 : i32
      %add3A_1486 = arith.addi %add3A_1485, %mul3A_1484 : i32
      %get3A_1487 = arith.index_cast %add3A_1486 : i32 to index
      %get3A_1488 = tpu.vector_load %arg11[%get3A_1487] {strides = array<i32>} : memref<4096xi32, #tpu.memory_space<vmem>>, vector<16xi32>,
      %add3A_1489 = arith.addi %add3A_1482, %get3A_1488 : vector<16xi32>
      %mul3A_1490 = arith.constant 16 : i32
      %mul3A_1491 = arith.muli %scan3A_1435, %mul3A_1490 : i32
      %add3A_1492 = arith.constant 2048 : i32
      %add3A_1493 = arith.addi %add3A_1492, %mul3A_1491 : i32
      %get3A_1494 = arith.index_cast %add3A_1493 : i32 to index
      %get3A_1495 = tpu.vector_load %arg11[%get3A_1494] {strides = array<i32>} : memref<4096xi32, #tpu.memory_space<vmem>>, vector<16xi32>,
      %add3A_1496 = arith.addi %add3A_1489, %get3A_1495 : vector<16xi32>
      %mul3A_1497 = arith.constant 16 : i32
      %mul3A_1498 = arith.muli %scan3A_1435, %mul3A_1497 : i32
      %add3A_1499 = arith.constant 2304 : i32
      %add3A_1500 = arith.addi %add3A_1499, %mul3A_1498 : i32
      %get3A_1501 = arith.index_cast %add3A_1500 : i32 to index
      %get3A_1502 = tpu.vector_load %arg11[%get3A_1501] {strides = array<i32>} : memref<4096xi32, #tpu.memory_space<vmem>>, vector<16xi32>,
      %add3A_1503 = arith.addi %add3A_1496, %get3A_1502 : vector<16xi32>
      %mul3A_1504 = arith.constant 16 : i32
      %mul3A_1505 = arith.muli %scan3A_1435, %mul3A_1504 : i32
      %add3A_1506 = arith.constant 2560 : i32
      %add3A_1507 = arith.addi %add3A_1506, %mul3A_1505 : i32
      %get3A_1508 = arith.index_cast %add3A_1507 : i32 to index
      %get3A_1509 = tpu.vector_load %arg11[%get3A_1508] {strides = array<i32>} : memref<4096xi32, #tpu.memory_space<vmem>>, vector<16xi32>,
      %add3A_1510 = arith.addi %add3A_1503, %get3A_1509 : vector<16xi32>
      %mul3A_1511 = arith.constant 16 : i32
      %mul3A_1512 = arith.muli %scan3A_1435, %mul3A_1511 : i32
      %add3A_1513 = arith.constant 2816 : i32
      %add3A_1514 = arith.addi %add3A_1513, %mul3A_1512 : i32
      %get3A_1515 = arith.index_cast %add3A_1514 : i32 to index
      %get3A_1516 = tpu.vector_load %arg11[%get3A_1515] {strides = array<i32>} : memref<4096xi32, #tpu.memory_space<vmem>>, vector<16xi32>,
      %add3A_1517 = arith.addi %add3A_1510, %get3A_1516 : vector<16xi32>
      %mul3A_1518 = arith.constant 16 : i32
      %mul3A_1519 = arith.muli %scan3A_1435, %mul3A_1518 : i32
      %add3A_1520 = arith.constant 3072 : i32
      %add3A_1521 = arith.addi %add3A_1520, %mul3A_1519 : i32
      %get3A_1522 = arith.index_cast %add3A_1521 : i32 to index
      %get3A_1523 = tpu.vector_load %arg11[%get3A_1522] {strides = array<i32>} : memref<4096xi32, #tpu.memory_space<vmem>>, vector<16xi32>,
      %add3A_1524 = arith.addi %add3A_1517, %get3A_1523 : vector<16xi32>
      %mul3A_1525 = arith.constant 16 : i32
      %mul3A_1526 = arith.muli %scan3A_1435, %mul3A_1525 : i32
      %add3A_1527 = arith.constant 3328 : i32
      %add3A_1528 = arith.addi %add3A_1527, %mul3A_1526 : i32
      %get3A_1529 = arith.index_cast %add3A_1528 : i32 to index
      %get3A_1530 = tpu.vector_load %arg11[%get3A_1529] {strides = array<i32>} : memref<4096xi32, #tpu.memory_space<vmem>>, vector<16xi32>,
      %add3A_1531 = arith.addi %add3A_1524, %get3A_1530 : vector<16xi32>
      %mul3A_1532 = arith.constant 16 : i32
      %mul3A_1533 = arith.muli %scan3A_1435, %mul3A_1532 : i32
      %add3A_1534 = arith.constant 3584 : i32
      %add3A_1535 = arith.addi %add3A_1534, %mul3A_1533 : i32
      %get3A_1536 = arith.index_cast %add3A_1535 : i32 to index
      %get3A_1537 = tpu.vector_load %arg11[%get3A_1536] {strides = array<i32>} : memref<4096xi32, #tpu.memory_space<vmem>>, vector<16xi32>,
      %add3A_1538 = arith.addi %add3A_1531, %get3A_1537 : vector<16xi32>
      %mul3A_1539 = arith.constant 16 : i32
      %mul3A_1540 = arith.muli %scan3A_1435, %mul3A_1539 : i32
      %add3A_1541 = arith.constant 3840 : i32
      %add3A_1542 = arith.addi %add3A_1541, %mul3A_1540 : i32
      %get3A_1543 = arith.index_cast %add3A_1542 : i32 to index
      %get3A_1544 = tpu.vector_load %arg11[%get3A_1543] {strides = array<i32>} : memref<4096xi32, #tpu.memory_space<vmem>>, vector<16xi32>,
      %add3A_1545 = arith.addi %add3A_1538, %get3A_1544 : vector<16xi32>
      %mul3A_1546 = arith.constant 16 : i32
      %mul3A_1547 = arith.muli %scan3A_1435, %mul3A_1546 : i32
      %swap3A = arith.index_cast %mul3A_1547 : i32 to index
      %swap3A_1548 = tpu.vector_load %arg12[%swap3A] {strides = array<i32>} : memref<256xi32, #tpu.memory_space<vmem>>, vector<16xi32>,
      tpu.vector_store %arg12[%swap3A], %add3A_1545 {strides = array<i32>} : memref<256xi32, #tpu.memory_space<vmem>>, vector<16xi32>,
      %scan3A_1549 = arith.constant 0 : i32
      scf.yield %scan3A_1549 : i32
    }
    %scan3A_43 = arith.constant 16 : i32
    %run_scoped3A = arith.constant 0 : i32
    "tpu.region"() ({
      %run_scoped3A_1435 = tpu.sem_alloc : memref<!tpu.dma_semaphore, #tpu.memory_space<semaphore_mem>>
      %dma_start3A_1436 = arith.constant 0 : i32
      %dma_start3A_1437 = tpu.memref_slice %arg18[%run_scoped3A, %arg1, %dma_start3A_1436] : memref<4x16x256xi32, #tpu.memory_space<vmem_shared>> -> memref<1x1x256xi32, #tpu.memory_space<vmem_shared>>
      %dma_start3A_1438 = tpu.memref_squeeze %dma_start3A_1437 : memref<1x1x256xi32, #tpu.memory_space<vmem_shared>> -> memref<256xi32, #tpu.memory_space<vmem_shared>>
      %dma_start3A_1439 = arith.constant 0 : i32
      %dma_start3A_1440 = tpu.memref_slice %arg18[%run_scoped3A, %arg1, %dma_start3A_1439] : memref<4x16x256xi32, #tpu.memory_space<vmem_shared>> -> memref<1x1x256xi32, #tpu.memory_space<vmem_shared>>
      %dma_start3A_1441 = tpu.memref_squeeze %dma_start3A_1440 : memref<1x1x256xi32, #tpu.memory_space<vmem_shared>> -> memref<256xi32, #tpu.memory_space<vmem_shared>>
      tpu.enqueue_dma source(%arg12 : memref<256xi32, #tpu.memory_space<vmem>>) target(%dma_start3A_1441 : memref<256xi32, #tpu.memory_space<vmem_shared>>) target_semaphore(%run_scoped3A_1435 : memref<!tpu.dma_semaphore, #tpu.memory_space<semaphore_mem>>)
      %dma_wait3A_1442 = arith.constant 0 : i32
      %dma_wait3A_1443 = tpu.memref_slice %arg18[%run_scoped3A, %arg1, %dma_wait3A_1442] : memref<4x16x256xi32, #tpu.memory_space<vmem_shared>> -> memref<1x1x256xi32, #tpu.memory_space<vmem_shared>>
      %dma_wait3A_1444 = tpu.memref_squeeze %dma_wait3A_1443 : memref<1x1x256xi32, #tpu.memory_space<vmem_shared>> -> memref<256xi32, #tpu.memory_space<vmem_shared>>
      %dma_wait3A_1445 = arith.constant 0 : i32
      %dma_wait3A_1446 = tpu.memref_slice %arg18[%run_scoped3A, %arg1, %dma_wait3A_1445] : memref<4x16x256xi32, #tpu.memory_space<vmem_shared>> -> memref<1x1x256xi32, #tpu.memory_space<vmem_shared>>
      %dma_wait3A_1447 = tpu.memref_squeeze %dma_wait3A_1446 : memref<1x1x256xi32, #tpu.memory_space<vmem_shared>> -> memref<256xi32, #tpu.memory_space<vmem_shared>>
      tpu.wait_dma2 semaphore(%run_scoped3A_1435 : memref<!tpu.dma_semaphore, #tpu.memory_space<semaphore_mem>>) src(%arg12 : memref<256xi32, #tpu.memory_space<vmem>>) dst(%dma_wait3A_1447 : memref<256xi32, #tpu.memory_space<vmem_shared>>)
      tpu.yield
    }) : () -> ()
    %barrier3A = arith.constant 0 : index
    tpu.barrier barrier_id(%barrier3A)
    %run_scoped3A_44 = arith.constant 0 : i32
    "tpu.region"() ({
      %run_scoped3A_1435 = tpu.sem_alloc : memref<!tpu.dma_semaphore, #tpu.memory_space<semaphore_mem>>
      %dma_start3A_1436 = arith.constant 0 : i32
      %dma_start3A_1437 = arith.constant 0 : i32
      %dma_start3A_1438 = tpu.memref_slice %arg18[%run_scoped3A_44, %dma_start3A_1436, %dma_start3A_1437] : memref<4x16x256xi32, #tpu.memory_space<vmem_shared>> -> memref<1x16x256xi32, #tpu.memory_space<vmem_shared>>
      %dma_start3A_1439 = tpu.memref_squeeze %dma_start3A_1438 : memref<1x16x256xi32, #tpu.memory_space<vmem_shared>> -> memref<16x256xi32, #tpu.memory_space<vmem_shared>>
      %dma_start3A_1440 = arith.constant 0 : i32
      %dma_start3A_1441 = arith.constant 0 : i32
      %dma_start3A_1442 = tpu.memref_slice %arg18[%run_scoped3A_44, %dma_start3A_1440, %dma_start3A_1441] : memref<4x16x256xi32, #tpu.memory_space<vmem_shared>> -> memref<1x16x256xi32, #tpu.memory_space<vmem_shared>>
      %dma_start3A_1443 = tpu.memref_squeeze %dma_start3A_1442 : memref<1x16x256xi32, #tpu.memory_space<vmem_shared>> -> memref<16x256xi32, #tpu.memory_space<vmem_shared>>
      tpu.enqueue_dma source(%dma_start3A_1443 : memref<16x256xi32, #tpu.memory_space<vmem_shared>>) target(%arg13 : memref<16x256xi32, #tpu.memory_space<vmem>>) target_semaphore(%run_scoped3A_1435 : memref<!tpu.dma_semaphore, #tpu.memory_space<semaphore_mem>>)
      %dma_wait3A_1444 = arith.constant 0 : i32
      %dma_wait3A_1445 = arith.constant 0 : i32
      %dma_wait3A_1446 = tpu.memref_slice %arg18[%run_scoped3A_44, %dma_wait3A_1444, %dma_wait3A_1445] : memref<4x16x256xi32, #tpu.memory_space<vmem_shared>> -> memref<1x16x256xi32, #tpu.memory_space<vmem_shared>>
      %dma_wait3A_1447 = tpu.memref_squeeze %dma_wait3A_1446 : memref<1x16x256xi32, #tpu.memory_space<vmem_shared>> -> memref<16x256xi32, #tpu.memory_space<vmem_shared>>
      %dma_wait3A_1448 = arith.constant 0 : i32
      %dma_wait3A_1449 = arith.constant 0 : i32
      %dma_wait3A_1450 = tpu.memref_slice %arg18[%run_scoped3A_44, %dma_wait3A_1448, %dma_wait3A_1449] : memref<4x16x256xi32, #tpu.memory_space<vmem_shared>> -> memref<1x16x256xi32, #tpu.memory_space<vmem_shared>>
      %dma_wait3A_1451 = tpu.memref_squeeze %dma_wait3A_1450 : memref<1x16x256xi32, #tpu.memory_space<vmem_shared>> -> memref<16x256xi32, #tpu.memory_space<vmem_shared>>
      tpu.wait_dma2 semaphore(%run_scoped3A_1435 : memref<!tpu.dma_semaphore, #tpu.memory_space<semaphore_mem>>) src(%dma_wait3A_1451 : memref<16x256xi32, #tpu.memory_space<vmem_shared>>) dst(%arg13 : memref<16x256xi32, #tpu.memory_space<vmem>>)
      tpu.yield
    }) : () -> ()
    %scan3A_45 = arith.constant 0 : i32
    %scan3A_46 = arith.constant 0 : i32
    %scan3A_47 = arith.constant 16 : i32
    %scan3A_48 = arith.addi %scan3A_46, %scan3A_47 : i32
    %scan3A_49 = arith.constant 1 : i32
    %scan3A_50 = scf.for %scan3A_1435 = %scan3A_46 to %scan3A_48 step %scan3A_49 iter_args(%scan3A_1436 = %scan3A_45) -> (i32)  : i32 {
      %mul3A_1437 = arith.constant 16 : i32
      %mul3A_1438 = arith.muli %scan3A_1435, %mul3A_1437 : i32
      %get3A_1439 = arith.constant 0 : i32
      %get3A_1440 = arith.index_cast %get3A_1439 : i32 to index
      %get3A_1441 = arith.index_cast %mul3A_1438 : i32 to index
      %get3A_1442 = tpu.vector_load %arg13[%get3A_1440, %get3A_1441] {strides = array<i32>} : memref<16x256xi32, #tpu.memory_space<vmem>>, vector<16xi32>,
      %mul3A_1443 = arith.constant 16 : i32
      %mul3A_1444 = arith.muli %scan3A_1435, %mul3A_1443 : i32
      %get3A_1445 = arith.constant 1 : i32
      %get3A_1446 = arith.index_cast %get3A_1445 : i32 to index
      %get3A_1447 = arith.index_cast %mul3A_1444 : i32 to index
      %get3A_1448 = tpu.vector_load %arg13[%get3A_1446, %get3A_1447] {strides = array<i32>} : memref<16x256xi32, #tpu.memory_space<vmem>>, vector<16xi32>,
      %add3A_1449 = arith.addi %get3A_1442, %get3A_1448 : vector<16xi32>
      %mul3A_1450 = arith.constant 16 : i32
      %mul3A_1451 = arith.muli %scan3A_1435, %mul3A_1450 : i32
      %get3A_1452 = arith.constant 2 : i32
      %get3A_1453 = arith.index_cast %get3A_1452 : i32 to index
      %get3A_1454 = arith.index_cast %mul3A_1451 : i32 to index
      %get3A_1455 = tpu.vector_load %arg13[%get3A_1453, %get3A_1454] {strides = array<i32>} : memref<16x256xi32, #tpu.memory_space<vmem>>, vector<16xi32>,
      %add3A_1456 = arith.addi %add3A_1449, %get3A_1455 : vector<16xi32>
      %mul3A_1457 = arith.constant 16 : i32
      %mul3A_1458 = arith.muli %scan3A_1435, %mul3A_1457 : i32
      %get3A_1459 = arith.constant 3 : i32
      %get3A_1460 = arith.index_cast %get3A_1459 : i32 to index
      %get3A_1461 = arith.index_cast %mul3A_1458 : i32 to index
      %get3A_1462 = tpu.vector_load %arg13[%get3A_1460, %get3A_1461] {strides = array<i32>} : memref<16x256xi32, #tpu.memory_space<vmem>>, vector<16xi32>,
      %add3A_1463 = arith.addi %add3A_1456, %get3A_1462 : vector<16xi32>
      %mul3A_1464 = arith.constant 16 : i32
      %mul3A_1465 = arith.muli %scan3A_1435, %mul3A_1464 : i32
      %get3A_1466 = arith.constant 4 : i32
      %get3A_1467 = arith.index_cast %get3A_1466 : i32 to index
      %get3A_1468 = arith.index_cast %mul3A_1465 : i32 to index
      %get3A_1469 = tpu.vector_load %arg13[%get3A_1467, %get3A_1468] {strides = array<i32>} : memref<16x256xi32, #tpu.memory_space<vmem>>, vector<16xi32>,
      %add3A_1470 = arith.addi %add3A_1463, %get3A_1469 : vector<16xi32>
      %mul3A_1471 = arith.constant 16 : i32
      %mul3A_1472 = arith.muli %scan3A_1435, %mul3A_1471 : i32
      %get3A_1473 = arith.constant 5 : i32
      %get3A_1474 = arith.index_cast %get3A_1473 : i32 to index
      %get3A_1475 = arith.index_cast %mul3A_1472 : i32 to index
      %get3A_1476 = tpu.vector_load %arg13[%get3A_1474, %get3A_1475] {strides = array<i32>} : memref<16x256xi32, #tpu.memory_space<vmem>>, vector<16xi32>,
      %add3A_1477 = arith.addi %add3A_1470, %get3A_1476 : vector<16xi32>
      %mul3A_1478 = arith.constant 16 : i32
      %mul3A_1479 = arith.muli %scan3A_1435, %mul3A_1478 : i32
      %get3A_1480 = arith.constant 6 : i32
      %get3A_1481 = arith.index_cast %get3A_1480 : i32 to index
      %get3A_1482 = arith.index_cast %mul3A_1479 : i32 to index
      %get3A_1483 = tpu.vector_load %arg13[%get3A_1481, %get3A_1482] {strides = array<i32>} : memref<16x256xi32, #tpu.memory_space<vmem>>, vector<16xi32>,
      %add3A_1484 = arith.addi %add3A_1477, %get3A_1483 : vector<16xi32>
      %mul3A_1485 = arith.constant 16 : i32
      %mul3A_1486 = arith.muli %scan3A_1435, %mul3A_1485 : i32
      %get3A_1487 = arith.constant 7 : i32
      %get3A_1488 = arith.index_cast %get3A_1487 : i32 to index
      %get3A_1489 = arith.index_cast %mul3A_1486 : i32 to index
      %get3A_1490 = tpu.vector_load %arg13[%get3A_1488, %get3A_1489] {strides = array<i32>} : memref<16x256xi32, #tpu.memory_space<vmem>>, vector<16xi32>,
      %add3A_1491 = arith.addi %add3A_1484, %get3A_1490 : vector<16xi32>
      %mul3A_1492 = arith.constant 16 : i32
      %mul3A_1493 = arith.muli %scan3A_1435, %mul3A_1492 : i32
      %get3A_1494 = arith.constant 8 : i32
      %get3A_1495 = arith.index_cast %get3A_1494 : i32 to index
      %get3A_1496 = arith.index_cast %mul3A_1493 : i32 to index
      %get3A_1497 = tpu.vector_load %arg13[%get3A_1495, %get3A_1496] {strides = array<i32>} : memref<16x256xi32, #tpu.memory_space<vmem>>, vector<16xi32>,
      %add3A_1498 = arith.addi %add3A_1491, %get3A_1497 : vector<16xi32>
      %mul3A_1499 = arith.constant 16 : i32
      %mul3A_1500 = arith.muli %scan3A_1435, %mul3A_1499 : i32
      %get3A_1501 = arith.constant 9 : i32
      %get3A_1502 = arith.index_cast %get3A_1501 : i32 to index
      %get3A_1503 = arith.index_cast %mul3A_1500 : i32 to index
      %get3A_1504 = tpu.vector_load %arg13[%get3A_1502, %get3A_1503] {strides = array<i32>} : memref<16x256xi32, #tpu.memory_space<vmem>>, vector<16xi32>,
      %add3A_1505 = arith.addi %add3A_1498, %get3A_1504 : vector<16xi32>
      %mul3A_1506 = arith.constant 16 : i32
      %mul3A_1507 = arith.muli %scan3A_1435, %mul3A_1506 : i32
      %get3A_1508 = arith.constant 10 : i32
      %get3A_1509 = arith.index_cast %get3A_1508 : i32 to index
      %get3A_1510 = arith.index_cast %mul3A_1507 : i32 to index
      %get3A_1511 = tpu.vector_load %arg13[%get3A_1509, %get3A_1510] {strides = array<i32>} : memref<16x256xi32, #tpu.memory_space<vmem>>, vector<16xi32>,
      %add3A_1512 = arith.addi %add3A_1505, %get3A_1511 : vector<16xi32>
      %mul3A_1513 = arith.constant 16 : i32
      %mul3A_1514 = arith.muli %scan3A_1435, %mul3A_1513 : i32
      %get3A_1515 = arith.constant 11 : i32
      %get3A_1516 = arith.index_cast %get3A_1515 : i32 to index
      %get3A_1517 = arith.index_cast %mul3A_1514 : i32 to index
      %get3A_1518 = tpu.vector_load %arg13[%get3A_1516, %get3A_1517] {strides = array<i32>} : memref<16x256xi32, #tpu.memory_space<vmem>>, vector<16xi32>,
      %add3A_1519 = arith.addi %add3A_1512, %get3A_1518 : vector<16xi32>
      %mul3A_1520 = arith.constant 16 : i32
      %mul3A_1521 = arith.muli %scan3A_1435, %mul3A_1520 : i32
      %get3A_1522 = arith.constant 12 : i32
      %get3A_1523 = arith.index_cast %get3A_1522 : i32 to index
      %get3A_1524 = arith.index_cast %mul3A_1521 : i32 to index
      %get3A_1525 = tpu.vector_load %arg13[%get3A_1523, %get3A_1524] {strides = array<i32>} : memref<16x256xi32, #tpu.memory_space<vmem>>, vector<16xi32>,
      %add3A_1526 = arith.addi %add3A_1519, %get3A_1525 : vector<16xi32>
      %mul3A_1527 = arith.constant 16 : i32
      %mul3A_1528 = arith.muli %scan3A_1435, %mul3A_1527 : i32
      %get3A_1529 = arith.constant 13 : i32
      %get3A_1530 = arith.index_cast %get3A_1529 : i32 to index
      %get3A_1531 = arith.index_cast %mul3A_1528 : i32 to index
      %get3A_1532 = tpu.vector_load %arg13[%get3A_1530, %get3A_1531] {strides = array<i32>} : memref<16x256xi32, #tpu.memory_space<vmem>>, vector<16xi32>,
      %add3A_1533 = arith.addi %add3A_1526, %get3A_1532 : vector<16xi32>
      %mul3A_1534 = arith.constant 16 : i32
      %mul3A_1535 = arith.muli %scan3A_1435, %mul3A_1534 : i32
      %get3A_1536 = arith.constant 14 : i32
      %get3A_1537 = arith.index_cast %get3A_1536 : i32 to index
      %get3A_1538 = arith.index_cast %mul3A_1535 : i32 to index
      %get3A_1539 = tpu.vector_load %arg13[%get3A_1537, %get3A_1538] {strides = array<i32>} : memref<16x256xi32, #tpu.memory_space<vmem>>, vector<16xi32>,
      %add3A_1540 = arith.addi %add3A_1533, %get3A_1539 : vector<16xi32>
      %mul3A_1541 = arith.constant 16 : i32
      %mul3A_1542 = arith.muli %scan3A_1435, %mul3A_1541 : i32
      %get3A_1543 = arith.constant 15 : i32
      %get3A_1544 = arith.index_cast %get3A_1543 : i32 to index
      %get3A_1545 = arith.index_cast %mul3A_1542 : i32 to index
      %get3A_1546 = tpu.vector_load %arg13[%get3A_1544, %get3A_1545] {strides = array<i32>} : memref<16x256xi32, #tpu.memory_space<vmem>>, vector<16xi32>,
      %add3A_1547 = arith.addi %add3A_1540, %get3A_1546 : vector<16xi32>
      %mul3A_1548 = arith.constant 16 : i32
      %mul3A_1549 = arith.muli %scan3A_1435, %mul3A_1548 : i32
      %swap3A = arith.index_cast %mul3A_1549 : i32 to index
      %swap3A_1550 = tpu.vector_load %arg12[%swap3A] {strides = array<i32>} : memref<256xi32, #tpu.memory_space<vmem>>, vector<16xi32>,
      tpu.vector_store %arg12[%swap3A], %add3A_1547 {strides = array<i32>} : memref<256xi32, #tpu.memory_space<vmem>>, vector<16xi32>,
      %scan3A_1551 = arith.constant 0 : i32
      scf.yield %scan3A_1551 : i32
    }
    %scan3A_51 = arith.constant 16 : i32
    %broadcast_in_dim3A_52 = arith.constant 0 : i32
    %broadcast_in_dim3A_53 = vector.broadcast %broadcast_in_dim3A_52 : i32 to vector<16xi32>
    %broadcast_in_dim3A_54 = arith.constant 0 : i32
    %broadcast_in_dim3A_55 = vector.broadcast %broadcast_in_dim3A_54 : i32 to vector<16xi32>
    %broadcast_in_dim3A_56 = arith.constant 0 : i32
    %broadcast_in_dim3A_57 = vector.broadcast %broadcast_in_dim3A_56 : i32 to vector<16xi32>
    %get3A_58 = arith.constant 240 : index
    %get3A_59 = tpu.vector_load %arg12[%get3A_58] {strides = array<i32>} : memref<256xi32, #tpu.memory_space<vmem>>, vector<16xi32>,
    %broadcast_in_dim3A_60 = arith.constant true
    %broadcast_in_dim3A_61 = vector.broadcast %broadcast_in_dim3A_60 : i1 to vector<16xi1>
    %masked_cumsum3A = tpu.scan <sum>, %get3A_59 masked %broadcast_in_dim3A_61 : vector<16xi32>, vector<16xi1> -> vector<16xi32>
    %slice3A = vector.extract_strided_slice %masked_cumsum3A {offsets = [15], sizes = [1], strides = [1]} : vector<16xi32> to vector<1xi32>
    %squeeze3A = vector.extract %slice3A[0] : i32 from vector<1xi32>
    %sub3A = vector.broadcast %squeeze3A : i32 to vector<16xi32>
    %sub3A_62 = arith.subi %sub3A, %masked_cumsum3A : vector<16xi32>
    %add3A = arith.addi %sub3A_62, %get3A_59 : vector<16xi32>
    %add3A_63 = arith.addi %add3A, %broadcast_in_dim3A_53 : vector<16xi32>
    %add3A_64 = vector.broadcast %squeeze3A : i32 to vector<16xi32>
    %add3A_65 = arith.addi %broadcast_in_dim3A_53, %add3A_64 : vector<16xi32>
    %gt3A = arith.cmpi sgt, %add3A_63, %get3A_4 : vector<16xi32>
    %all_reduce_population_count3A = tpu.all_reduce %gt3A {dim = 0 : i64, kind = #tpu.reduction_kind<sum>} : vector<16xi1> -> vector<16xi32>
    %add3A_66 = arith.addi %broadcast_in_dim3A_55, %all_reduce_population_count3A : vector<16xi32>
    %select_n3A = arith.select %gt3A, %broadcast_in_dim3A_10, %get3A_59 : vector<16xi1>, vector<16xi32>
    %add3A_67 = arith.addi %broadcast_in_dim3A_57, %select_n3A : vector<16xi32>
    %get3A_68 = arith.constant 224 : index
    %get3A_69 = tpu.vector_load %arg12[%get3A_68] {strides = array<i32>} : memref<256xi32, #tpu.memory_space<vmem>>, vector<16xi32>,
    %broadcast_in_dim3A_70 = arith.constant true
    %broadcast_in_dim3A_71 = vector.broadcast %broadcast_in_dim3A_70 : i1 to vector<16xi1>
    %masked_cumsum3A_72 = tpu.scan <sum>, %get3A_69 masked %broadcast_in_dim3A_71 : vector<16xi32>, vector<16xi1> -> vector<16xi32>
    %slice3A_73 = vector.extract_strided_slice %masked_cumsum3A_72 {offsets = [15], sizes = [1], strides = [1]} : vector<16xi32> to vector<1xi32>
    %squeeze3A_74 = vector.extract %slice3A_73[0] : i32 from vector<1xi32>
    %sub3A_75 = vector.broadcast %squeeze3A_74 : i32 to vector<16xi32>
    %sub3A_76 = arith.subi %sub3A_75, %masked_cumsum3A_72 : vector<16xi32>
    %add3A_77 = arith.addi %sub3A_76, %get3A_69 : vector<16xi32>
    %add3A_78 = arith.addi %add3A_77, %add3A_65 : vector<16xi32>
    %add3A_79 = vector.broadcast %squeeze3A_74 : i32 to vector<16xi32>
    %add3A_80 = arith.addi %add3A_65, %add3A_79 : vector<16xi32>
    %gt3A_81 = arith.cmpi sgt, %add3A_78, %get3A_4 : vector<16xi32>
    %all_reduce_population_count3A_82 = tpu.all_reduce %gt3A_81 {dim = 0 : i64, kind = #tpu.reduction_kind<sum>} : vector<16xi1> -> vector<16xi32>
    %add3A_83 = arith.addi %add3A_66, %all_reduce_population_count3A_82 : vector<16xi32>
    %select_n3A_84 = arith.select %gt3A_81, %broadcast_in_dim3A_10, %get3A_69 : vector<16xi1>, vector<16xi32>
    %add3A_85 = arith.addi %add3A_67, %select_n3A_84 : vector<16xi32>
    %get3A_86 = arith.constant 208 : index
    %get3A_87 = tpu.vector_load %arg12[%get3A_86] {strides = array<i32>} : memref<256xi32, #tpu.memory_space<vmem>>, vector<16xi32>,
    %broadcast_in_dim3A_88 = arith.constant true
    %broadcast_in_dim3A_89 = vector.broadcast %broadcast_in_dim3A_88 : i1 to vector<16xi1>
    %masked_cumsum3A_90 = tpu.scan <sum>, %get3A_87 masked %broadcast_in_dim3A_89 : vector<16xi32>, vector<16xi1> -> vector<16xi32>
    %slice3A_91 = vector.extract_strided_slice %masked_cumsum3A_90 {offsets = [15], sizes = [1], strides = [1]} : vector<16xi32> to vector<1xi32>
    %squeeze3A_92 = vector.extract %slice3A_91[0] : i32 from vector<1xi32>
    %sub3A_93 = vector.broadcast %squeeze3A_92 : i32 to vector<16xi32>
    %sub3A_94 = arith.subi %sub3A_93, %masked_cumsum3A_90 : vector<16xi32>
    %add3A_95 = arith.addi %sub3A_94, %get3A_87 : vector<16xi32>
    %add3A_96 = arith.addi %add3A_95, %add3A_80 : vector<16xi32>
    %add3A_97 = vector.broadcast %squeeze3A_92 : i32 to vector<16xi32>
    %add3A_98 = arith.addi %add3A_80, %add3A_97 : vector<16xi32>
    %gt3A_99 = arith.cmpi sgt, %add3A_96, %get3A_4 : vector<16xi32>
    %all_reduce_population_count3A_100 = tpu.all_reduce %gt3A_99 {dim = 0 : i64, kind = #tpu.reduction_kind<sum>} : vector<16xi1> -> vector<16xi32>
    %add3A_101 = arith.addi %add3A_83, %all_reduce_population_count3A_100 : vector<16xi32>
    %select_n3A_102 = arith.select %gt3A_99, %broadcast_in_dim3A_10, %get3A_87 : vector<16xi1>, vector<16xi32>
    %add3A_103 = arith.addi %add3A_85, %select_n3A_102 : vector<16xi32>
    %get3A_104 = arith.constant 192 : index
    %get3A_105 = tpu.vector_load %arg12[%get3A_104] {strides = array<i32>} : memref<256xi32, #tpu.memory_space<vmem>>, vector<16xi32>,
    %broadcast_in_dim3A_106 = arith.constant true
    %broadcast_in_dim3A_107 = vector.broadcast %broadcast_in_dim3A_106 : i1 to vector<16xi1>
    %masked_cumsum3A_108 = tpu.scan <sum>, %get3A_105 masked %broadcast_in_dim3A_107 : vector<16xi32>, vector<16xi1> -> vector<16xi32>
    %slice3A_109 = vector.extract_strided_slice %masked_cumsum3A_108 {offsets = [15], sizes = [1], strides = [1]} : vector<16xi32> to vector<1xi32>
    %squeeze3A_110 = vector.extract %slice3A_109[0] : i32 from vector<1xi32>
    %sub3A_111 = vector.broadcast %squeeze3A_110 : i32 to vector<16xi32>
    %sub3A_112 = arith.subi %sub3A_111, %masked_cumsum3A_108 : vector<16xi32>
    %add3A_113 = arith.addi %sub3A_112, %get3A_105 : vector<16xi32>
    %add3A_114 = arith.addi %add3A_113, %add3A_98 : vector<16xi32>
    %add3A_115 = vector.broadcast %squeeze3A_110 : i32 to vector<16xi32>
    %add3A_116 = arith.addi %add3A_98, %add3A_115 : vector<16xi32>
    %gt3A_117 = arith.cmpi sgt, %add3A_114, %get3A_4 : vector<16xi32>
    %all_reduce_population_count3A_118 = tpu.all_reduce %gt3A_117 {dim = 0 : i64, kind = #tpu.reduction_kind<sum>} : vector<16xi1> -> vector<16xi32>
    %add3A_119 = arith.addi %add3A_101, %all_reduce_population_count3A_118 : vector<16xi32>
    %select_n3A_120 = arith.select %gt3A_117, %broadcast_in_dim3A_10, %get3A_105 : vector<16xi1>, vector<16xi32>
    %add3A_121 = arith.addi %add3A_103, %select_n3A_120 : vector<16xi32>
    %get3A_122 = arith.constant 176 : index
    %get3A_123 = tpu.vector_load %arg12[%get3A_122] {strides = array<i32>} : memref<256xi32, #tpu.memory_space<vmem>>, vector<16xi32>,
    %broadcast_in_dim3A_124 = arith.constant true
    %broadcast_in_dim3A_125 = vector.broadcast %broadcast_in_dim3A_124 : i1 to vector<16xi1>
    %masked_cumsum3A_126 = tpu.scan <sum>, %get3A_123 masked %broadcast_in_dim3A_125 : vector<16xi32>, vector<16xi1> -> vector<16xi32>
    %slice3A_127 = vector.extract_strided_slice %masked_cumsum3A_126 {offsets = [15], sizes = [1], strides = [1]} : vector<16xi32> to vector<1xi32>
    %squeeze3A_128 = vector.extract %slice3A_127[0] : i32 from vector<1xi32>
    %sub3A_129 = vector.broadcast %squeeze3A_128 : i32 to vector<16xi32>
    %sub3A_130 = arith.subi %sub3A_129, %masked_cumsum3A_126 : vector<16xi32>
    %add3A_131 = arith.addi %sub3A_130, %get3A_123 : vector<16xi32>
    %add3A_132 = arith.addi %add3A_131, %add3A_116 : vector<16xi32>
    %add3A_133 = vector.broadcast %squeeze3A_128 : i32 to vector<16xi32>
    %add3A_134 = arith.addi %add3A_116, %add3A_133 : vector<16xi32>
    %gt3A_135 = arith.cmpi sgt, %add3A_132, %get3A_4 : vector<16xi32>
    %all_reduce_population_count3A_136 = tpu.all_reduce %gt3A_135 {dim = 0 : i64, kind = #tpu.reduction_kind<sum>} : vector<16xi1> -> vector<16xi32>
    %add3A_137 = arith.addi %add3A_119, %all_reduce_population_count3A_136 : vector<16xi32>
    %select_n3A_138 = arith.select %gt3A_135, %broadcast_in_dim3A_10, %get3A_123 : vector<16xi1>, vector<16xi32>
    %add3A_139 = arith.addi %add3A_121, %select_n3A_138 : vector<16xi32>
    %get3A_140 = arith.constant 160 : index
    %get3A_141 = tpu.vector_load %arg12[%get3A_140] {strides = array<i32>} : memref<256xi32, #tpu.memory_space<vmem>>, vector<16xi32>,
    %broadcast_in_dim3A_142 = arith.constant true
    %broadcast_in_dim3A_143 = vector.broadcast %broadcast_in_dim3A_142 : i1 to vector<16xi1>
    %masked_cumsum3A_144 = tpu.scan <sum>, %get3A_141 masked %broadcast_in_dim3A_143 : vector<16xi32>, vector<16xi1> -> vector<16xi32>
    %slice3A_145 = vector.extract_strided_slice %masked_cumsum3A_144 {offsets = [15], sizes = [1], strides = [1]} : vector<16xi32> to vector<1xi32>
    %squeeze3A_146 = vector.extract %slice3A_145[0] : i32 from vector<1xi32>
    %sub3A_147 = vector.broadcast %squeeze3A_146 : i32 to vector<16xi32>
    %sub3A_148 = arith.subi %sub3A_147, %masked_cumsum3A_144 : vector<16xi32>
    %add3A_149 = arith.addi %sub3A_148, %get3A_141 : vector<16xi32>
    %add3A_150 = arith.addi %add3A_149, %add3A_134 : vector<16xi32>
    %add3A_151 = vector.broadcast %squeeze3A_146 : i32 to vector<16xi32>
    %add3A_152 = arith.addi %add3A_134, %add3A_151 : vector<16xi32>
    %gt3A_153 = arith.cmpi sgt, %add3A_150, %get3A_4 : vector<16xi32>
    %all_reduce_population_count3A_154 = tpu.all_reduce %gt3A_153 {dim = 0 : i64, kind = #tpu.reduction_kind<sum>} : vector<16xi1> -> vector<16xi32>
    %add3A_155 = arith.addi %add3A_137, %all_reduce_population_count3A_154 : vector<16xi32>
    %select_n3A_156 = arith.select %gt3A_153, %broadcast_in_dim3A_10, %get3A_141 : vector<16xi1>, vector<16xi32>
    %add3A_157 = arith.addi %add3A_139, %select_n3A_156 : vector<16xi32>
    %get3A_158 = arith.constant 144 : index
    %get3A_159 = tpu.vector_load %arg12[%get3A_158] {strides = array<i32>} : memref<256xi32, #tpu.memory_space<vmem>>, vector<16xi32>,
    %broadcast_in_dim3A_160 = arith.constant true
    %broadcast_in_dim3A_161 = vector.broadcast %broadcast_in_dim3A_160 : i1 to vector<16xi1>
    %masked_cumsum3A_162 = tpu.scan <sum>, %get3A_159 masked %broadcast_in_dim3A_161 : vector<16xi32>, vector<16xi1> -> vector<16xi32>
    %slice3A_163 = vector.extract_strided_slice %masked_cumsum3A_162 {offsets = [15], sizes = [1], strides = [1]} : vector<16xi32> to vector<1xi32>
    %squeeze3A_164 = vector.extract %slice3A_163[0] : i32 from vector<1xi32>
    %sub3A_165 = vector.broadcast %squeeze3A_164 : i32 to vector<16xi32>
    %sub3A_166 = arith.subi %sub3A_165, %masked_cumsum3A_162 : vector<16xi32>
    %add3A_167 = arith.addi %sub3A_166, %get3A_159 : vector<16xi32>
    %add3A_168 = arith.addi %add3A_167, %add3A_152 : vector<16xi32>
    %add3A_169 = vector.broadcast %squeeze3A_164 : i32 to vector<16xi32>
    %add3A_170 = arith.addi %add3A_152, %add3A_169 : vector<16xi32>
    %gt3A_171 = arith.cmpi sgt, %add3A_168, %get3A_4 : vector<16xi32>
    %all_reduce_population_count3A_172 = tpu.all_reduce %gt3A_171 {dim = 0 : i64, kind = #tpu.reduction_kind<sum>} : vector<16xi1> -> vector<16xi32>
    %add3A_173 = arith.addi %add3A_155, %all_reduce_population_count3A_172 : vector<16xi32>
    %select_n3A_174 = arith.select %gt3A_171, %broadcast_in_dim3A_10, %get3A_159 : vector<16xi1>, vector<16xi32>
    %add3A_175 = arith.addi %add3A_157, %select_n3A_174 : vector<16xi32>
    %get3A_176 = arith.constant 128 : index
    %get3A_177 = tpu.vector_load %arg12[%get3A_176] {strides = array<i32>} : memref<256xi32, #tpu.memory_space<vmem>>, vector<16xi32>,
    %broadcast_in_dim3A_178 = arith.constant true
    %broadcast_in_dim3A_179 = vector.broadcast %broadcast_in_dim3A_178 : i1 to vector<16xi1>
    %masked_cumsum3A_180 = tpu.scan <sum>, %get3A_177 masked %broadcast_in_dim3A_179 : vector<16xi32>, vector<16xi1> -> vector<16xi32>
    %slice3A_181 = vector.extract_strided_slice %masked_cumsum3A_180 {offsets = [15], sizes = [1], strides = [1]} : vector<16xi32> to vector<1xi32>
    %squeeze3A_182 = vector.extract %slice3A_181[0] : i32 from vector<1xi32>
    %sub3A_183 = vector.broadcast %squeeze3A_182 : i32 to vector<16xi32>
    %sub3A_184 = arith.subi %sub3A_183, %masked_cumsum3A_180 : vector<16xi32>
    %add3A_185 = arith.addi %sub3A_184, %get3A_177 : vector<16xi32>
    %add3A_186 = arith.addi %add3A_185, %add3A_170 : vector<16xi32>
    %add3A_187 = vector.broadcast %squeeze3A_182 : i32 to vector<16xi32>
    %add3A_188 = arith.addi %add3A_170, %add3A_187 : vector<16xi32>
    %gt3A_189 = arith.cmpi sgt, %add3A_186, %get3A_4 : vector<16xi32>
    %all_reduce_population_count3A_190 = tpu.all_reduce %gt3A_189 {dim = 0 : i64, kind = #tpu.reduction_kind<sum>} : vector<16xi1> -> vector<16xi32>
    %add3A_191 = arith.addi %add3A_173, %all_reduce_population_count3A_190 : vector<16xi32>
    %select_n3A_192 = arith.select %gt3A_189, %broadcast_in_dim3A_10, %get3A_177 : vector<16xi1>, vector<16xi32>
    %add3A_193 = arith.addi %add3A_175, %select_n3A_192 : vector<16xi32>
    %get3A_194 = arith.constant 112 : index
    %get3A_195 = tpu.vector_load %arg12[%get3A_194] {strides = array<i32>} : memref<256xi32, #tpu.memory_space<vmem>>, vector<16xi32>,
    %broadcast_in_dim3A_196 = arith.constant true
    %broadcast_in_dim3A_197 = vector.broadcast %broadcast_in_dim3A_196 : i1 to vector<16xi1>
    %masked_cumsum3A_198 = tpu.scan <sum>, %get3A_195 masked %broadcast_in_dim3A_197 : vector<16xi32>, vector<16xi1> -> vector<16xi32>
    %slice3A_199 = vector.extract_strided_slice %masked_cumsum3A_198 {offsets = [15], sizes = [1], strides = [1]} : vector<16xi32> to vector<1xi32>
    %squeeze3A_200 = vector.extract %slice3A_199[0] : i32 from vector<1xi32>
    %sub3A_201 = vector.broadcast %squeeze3A_200 : i32 to vector<16xi32>
    %sub3A_202 = arith.subi %sub3A_201, %masked_cumsum3A_198 : vector<16xi32>
    %add3A_203 = arith.addi %sub3A_202, %get3A_195 : vector<16xi32>
    %add3A_204 = arith.addi %add3A_203, %add3A_188 : vector<16xi32>
    %add3A_205 = vector.broadcast %squeeze3A_200 : i32 to vector<16xi32>
    %add3A_206 = arith.addi %add3A_188, %add3A_205 : vector<16xi32>
    %gt3A_207 = arith.cmpi sgt, %add3A_204, %get3A_4 : vector<16xi32>
    %all_reduce_population_count3A_208 = tpu.all_reduce %gt3A_207 {dim = 0 : i64, kind = #tpu.reduction_kind<sum>} : vector<16xi1> -> vector<16xi32>
    %add3A_209 = arith.addi %add3A_191, %all_reduce_population_count3A_208 : vector<16xi32>
    %select_n3A_210 = arith.select %gt3A_207, %broadcast_in_dim3A_10, %get3A_195 : vector<16xi1>, vector<16xi32>
    %add3A_211 = arith.addi %add3A_193, %select_n3A_210 : vector<16xi32>
    %get3A_212 = arith.constant 96 : index
    %get3A_213 = tpu.vector_load %arg12[%get3A_212] {strides = array<i32>} : memref<256xi32, #tpu.memory_space<vmem>>, vector<16xi32>,
    %broadcast_in_dim3A_214 = arith.constant true
    %broadcast_in_dim3A_215 = vector.broadcast %broadcast_in_dim3A_214 : i1 to vector<16xi1>
    %masked_cumsum3A_216 = tpu.scan <sum>, %get3A_213 masked %broadcast_in_dim3A_215 : vector<16xi32>, vector<16xi1> -> vector<16xi32>
    %slice3A_217 = vector.extract_strided_slice %masked_cumsum3A_216 {offsets = [15], sizes = [1], strides = [1]} : vector<16xi32> to vector<1xi32>
    %squeeze3A_218 = vector.extract %slice3A_217[0] : i32 from vector<1xi32>
    %sub3A_219 = vector.broadcast %squeeze3A_218 : i32 to vector<16xi32>
    %sub3A_220 = arith.subi %sub3A_219, %masked_cumsum3A_216 : vector<16xi32>
    %add3A_221 = arith.addi %sub3A_220, %get3A_213 : vector<16xi32>
    %add3A_222 = arith.addi %add3A_221, %add3A_206 : vector<16xi32>
    %add3A_223 = vector.broadcast %squeeze3A_218 : i32 to vector<16xi32>
    %add3A_224 = arith.addi %add3A_206, %add3A_223 : vector<16xi32>
    %gt3A_225 = arith.cmpi sgt, %add3A_222, %get3A_4 : vector<16xi32>
    %all_reduce_population_count3A_226 = tpu.all_reduce %gt3A_225 {dim = 0 : i64, kind = #tpu.reduction_kind<sum>} : vector<16xi1> -> vector<16xi32>
    %add3A_227 = arith.addi %add3A_209, %all_reduce_population_count3A_226 : vector<16xi32>
    %select_n3A_228 = arith.select %gt3A_225, %broadcast_in_dim3A_10, %get3A_213 : vector<16xi1>, vector<16xi32>
    %add3A_229 = arith.addi %add3A_211, %select_n3A_228 : vector<16xi32>
    %get3A_230 = arith.constant 80 : index
    %get3A_231 = tpu.vector_load %arg12[%get3A_230] {strides = array<i32>} : memref<256xi32, #tpu.memory_space<vmem>>, vector<16xi32>,
    %broadcast_in_dim3A_232 = arith.constant true
    %broadcast_in_dim3A_233 = vector.broadcast %broadcast_in_dim3A_232 : i1 to vector<16xi1>
    %masked_cumsum3A_234 = tpu.scan <sum>, %get3A_231 masked %broadcast_in_dim3A_233 : vector<16xi32>, vector<16xi1> -> vector<16xi32>
    %slice3A_235 = vector.extract_strided_slice %masked_cumsum3A_234 {offsets = [15], sizes = [1], strides = [1]} : vector<16xi32> to vector<1xi32>
    %squeeze3A_236 = vector.extract %slice3A_235[0] : i32 from vector<1xi32>
    %sub3A_237 = vector.broadcast %squeeze3A_236 : i32 to vector<16xi32>
    %sub3A_238 = arith.subi %sub3A_237, %masked_cumsum3A_234 : vector<16xi32>
    %add3A_239 = arith.addi %sub3A_238, %get3A_231 : vector<16xi32>
    %add3A_240 = arith.addi %add3A_239, %add3A_224 : vector<16xi32>
    %add3A_241 = vector.broadcast %squeeze3A_236 : i32 to vector<16xi32>
    %add3A_242 = arith.addi %add3A_224, %add3A_241 : vector<16xi32>
    %gt3A_243 = arith.cmpi sgt, %add3A_240, %get3A_4 : vector<16xi32>
    %all_reduce_population_count3A_244 = tpu.all_reduce %gt3A_243 {dim = 0 : i64, kind = #tpu.reduction_kind<sum>} : vector<16xi1> -> vector<16xi32>
    %add3A_245 = arith.addi %add3A_227, %all_reduce_population_count3A_244 : vector<16xi32>
    %select_n3A_246 = arith.select %gt3A_243, %broadcast_in_dim3A_10, %get3A_231 : vector<16xi1>, vector<16xi32>
    %add3A_247 = arith.addi %add3A_229, %select_n3A_246 : vector<16xi32>
    %get3A_248 = arith.constant 64 : index
    %get3A_249 = tpu.vector_load %arg12[%get3A_248] {strides = array<i32>} : memref<256xi32, #tpu.memory_space<vmem>>, vector<16xi32>,
    %broadcast_in_dim3A_250 = arith.constant true
    %broadcast_in_dim3A_251 = vector.broadcast %broadcast_in_dim3A_250 : i1 to vector<16xi1>
    %masked_cumsum3A_252 = tpu.scan <sum>, %get3A_249 masked %broadcast_in_dim3A_251 : vector<16xi32>, vector<16xi1> -> vector<16xi32>
    %slice3A_253 = vector.extract_strided_slice %masked_cumsum3A_252 {offsets = [15], sizes = [1], strides = [1]} : vector<16xi32> to vector<1xi32>
    %squeeze3A_254 = vector.extract %slice3A_253[0] : i32 from vector<1xi32>
    %sub3A_255 = vector.broadcast %squeeze3A_254 : i32 to vector<16xi32>
    %sub3A_256 = arith.subi %sub3A_255, %masked_cumsum3A_252 : vector<16xi32>
    %add3A_257 = arith.addi %sub3A_256, %get3A_249 : vector<16xi32>
    %add3A_258 = arith.addi %add3A_257, %add3A_242 : vector<16xi32>
    %add3A_259 = vector.broadcast %squeeze3A_254 : i32 to vector<16xi32>
    %add3A_260 = arith.addi %add3A_242, %add3A_259 : vector<16xi32>
    %gt3A_261 = arith.cmpi sgt, %add3A_258, %get3A_4 : vector<16xi32>
    %all_reduce_population_count3A_262 = tpu.all_reduce %gt3A_261 {dim = 0 : i64, kind = #tpu.reduction_kind<sum>} : vector<16xi1> -> vector<16xi32>
    %add3A_263 = arith.addi %add3A_245, %all_reduce_population_count3A_262 : vector<16xi32>
    %select_n3A_264 = arith.select %gt3A_261, %broadcast_in_dim3A_10, %get3A_249 : vector<16xi1>, vector<16xi32>
    %add3A_265 = arith.addi %add3A_247, %select_n3A_264 : vector<16xi32>
    %get3A_266 = arith.constant 48 : index
    %get3A_267 = tpu.vector_load %arg12[%get3A_266] {strides = array<i32>} : memref<256xi32, #tpu.memory_space<vmem>>, vector<16xi32>,
    %broadcast_in_dim3A_268 = arith.constant true
    %broadcast_in_dim3A_269 = vector.broadcast %broadcast_in_dim3A_268 : i1 to vector<16xi1>
    %masked_cumsum3A_270 = tpu.scan <sum>, %get3A_267 masked %broadcast_in_dim3A_269 : vector<16xi32>, vector<16xi1> -> vector<16xi32>
    %slice3A_271 = vector.extract_strided_slice %masked_cumsum3A_270 {offsets = [15], sizes = [1], strides = [1]} : vector<16xi32> to vector<1xi32>
    %squeeze3A_272 = vector.extract %slice3A_271[0] : i32 from vector<1xi32>
    %sub3A_273 = vector.broadcast %squeeze3A_272 : i32 to vector<16xi32>
    %sub3A_274 = arith.subi %sub3A_273, %masked_cumsum3A_270 : vector<16xi32>
    %add3A_275 = arith.addi %sub3A_274, %get3A_267 : vector<16xi32>
    %add3A_276 = arith.addi %add3A_275, %add3A_260 : vector<16xi32>
    %add3A_277 = vector.broadcast %squeeze3A_272 : i32 to vector<16xi32>
    %add3A_278 = arith.addi %add3A_260, %add3A_277 : vector<16xi32>
    %gt3A_279 = arith.cmpi sgt, %add3A_276, %get3A_4 : vector<16xi32>
    %all_reduce_population_count3A_280 = tpu.all_reduce %gt3A_279 {dim = 0 : i64, kind = #tpu.reduction_kind<sum>} : vector<16xi1> -> vector<16xi32>
    %add3A_281 = arith.addi %add3A_263, %all_reduce_population_count3A_280 : vector<16xi32>
    %select_n3A_282 = arith.select %gt3A_279, %broadcast_in_dim3A_10, %get3A_267 : vector<16xi1>, vector<16xi32>
    %add3A_283 = arith.addi %add3A_265, %select_n3A_282 : vector<16xi32>
    %get3A_284 = arith.constant 32 : index
    %get3A_285 = tpu.vector_load %arg12[%get3A_284] {strides = array<i32>} : memref<256xi32, #tpu.memory_space<vmem>>, vector<16xi32>,
    %broadcast_in_dim3A_286 = arith.constant true
    %broadcast_in_dim3A_287 = vector.broadcast %broadcast_in_dim3A_286 : i1 to vector<16xi1>
    %masked_cumsum3A_288 = tpu.scan <sum>, %get3A_285 masked %broadcast_in_dim3A_287 : vector<16xi32>, vector<16xi1> -> vector<16xi32>
    %slice3A_289 = vector.extract_strided_slice %masked_cumsum3A_288 {offsets = [15], sizes = [1], strides = [1]} : vector<16xi32> to vector<1xi32>
    %squeeze3A_290 = vector.extract %slice3A_289[0] : i32 from vector<1xi32>
    %sub3A_291 = vector.broadcast %squeeze3A_290 : i32 to vector<16xi32>
    %sub3A_292 = arith.subi %sub3A_291, %masked_cumsum3A_288 : vector<16xi32>
    %add3A_293 = arith.addi %sub3A_292, %get3A_285 : vector<16xi32>
    %add3A_294 = arith.addi %add3A_293, %add3A_278 : vector<16xi32>
    %add3A_295 = vector.broadcast %squeeze3A_290 : i32 to vector<16xi32>
    %add3A_296 = arith.addi %add3A_278, %add3A_295 : vector<16xi32>
    %gt3A_297 = arith.cmpi sgt, %add3A_294, %get3A_4 : vector<16xi32>
    %all_reduce_population_count3A_298 = tpu.all_reduce %gt3A_297 {dim = 0 : i64, kind = #tpu.reduction_kind<sum>} : vector<16xi1> -> vector<16xi32>
    %add3A_299 = arith.addi %add3A_281, %all_reduce_population_count3A_298 : vector<16xi32>
    %select_n3A_300 = arith.select %gt3A_297, %broadcast_in_dim3A_10, %get3A_285 : vector<16xi1>, vector<16xi32>
    %add3A_301 = arith.addi %add3A_283, %select_n3A_300 : vector<16xi32>
    %get3A_302 = arith.constant 16 : index
    %get3A_303 = tpu.vector_load %arg12[%get3A_302] {strides = array<i32>} : memref<256xi32, #tpu.memory_space<vmem>>, vector<16xi32>,
    %broadcast_in_dim3A_304 = arith.constant true
    %broadcast_in_dim3A_305 = vector.broadcast %broadcast_in_dim3A_304 : i1 to vector<16xi1>
    %masked_cumsum3A_306 = tpu.scan <sum>, %get3A_303 masked %broadcast_in_dim3A_305 : vector<16xi32>, vector<16xi1> -> vector<16xi32>
    %slice3A_307 = vector.extract_strided_slice %masked_cumsum3A_306 {offsets = [15], sizes = [1], strides = [1]} : vector<16xi32> to vector<1xi32>
    %squeeze3A_308 = vector.extract %slice3A_307[0] : i32 from vector<1xi32>
    %sub3A_309 = vector.broadcast %squeeze3A_308 : i32 to vector<16xi32>
    %sub3A_310 = arith.subi %sub3A_309, %masked_cumsum3A_306 : vector<16xi32>
    %add3A_311 = arith.addi %sub3A_310, %get3A_303 : vector<16xi32>
    %add3A_312 = arith.addi %add3A_311, %add3A_296 : vector<16xi32>
    %add3A_313 = vector.broadcast %squeeze3A_308 : i32 to vector<16xi32>
    %add3A_314 = arith.addi %add3A_296, %add3A_313 : vector<16xi32>
    %gt3A_315 = arith.cmpi sgt, %add3A_312, %get3A_4 : vector<16xi32>
    %all_reduce_population_count3A_316 = tpu.all_reduce %gt3A_315 {dim = 0 : i64, kind = #tpu.reduction_kind<sum>} : vector<16xi1> -> vector<16xi32>
    %add3A_317 = arith.addi %add3A_299, %all_reduce_population_count3A_316 : vector<16xi32>
    %select_n3A_318 = arith.select %gt3A_315, %broadcast_in_dim3A_10, %get3A_303 : vector<16xi1>, vector<16xi32>
    %add3A_319 = arith.addi %add3A_301, %select_n3A_318 : vector<16xi32>
    %get3A_320 = arith.constant 0 : index
    %get3A_321 = tpu.vector_load %arg12[%get3A_320] {strides = array<i32>} : memref<256xi32, #tpu.memory_space<vmem>>, vector<16xi32>,
    %broadcast_in_dim3A_322 = arith.constant true
    %broadcast_in_dim3A_323 = vector.broadcast %broadcast_in_dim3A_322 : i1 to vector<16xi1>
    %masked_cumsum3A_324 = tpu.scan <sum>, %get3A_321 masked %broadcast_in_dim3A_323 : vector<16xi32>, vector<16xi1> -> vector<16xi32>
    %slice3A_325 = vector.extract_strided_slice %masked_cumsum3A_324 {offsets = [15], sizes = [1], strides = [1]} : vector<16xi32> to vector<1xi32>
    %squeeze3A_326 = vector.extract %slice3A_325[0] : i32 from vector<1xi32>
    %sub3A_327 = vector.broadcast %squeeze3A_326 : i32 to vector<16xi32>
    %sub3A_328 = arith.subi %sub3A_327, %masked_cumsum3A_324 : vector<16xi32>
    %add3A_329 = arith.addi %sub3A_328, %get3A_321 : vector<16xi32>
    %add3A_330 = arith.addi %add3A_329, %add3A_314 : vector<16xi32>
    %add3A_331 = vector.broadcast %squeeze3A_326 : i32 to vector<16xi32>
    %add3A_332 = arith.addi %add3A_314, %add3A_331 : vector<16xi32>
    %gt3A_333 = arith.cmpi sgt, %add3A_330, %get3A_4 : vector<16xi32>
    %all_reduce_population_count3A_334 = tpu.all_reduce %gt3A_333 {dim = 0 : i64, kind = #tpu.reduction_kind<sum>} : vector<16xi1> -> vector<16xi32>
    %add3A_335 = arith.addi %add3A_317, %all_reduce_population_count3A_334 : vector<16xi32>
    %select_n3A_336 = arith.select %gt3A_333, %broadcast_in_dim3A_10, %get3A_321 : vector<16xi1>, vector<16xi32>
    %add3A_337 = arith.addi %add3A_319, %select_n3A_336 : vector<16xi32>
    %slice3A_338 = vector.extract_strided_slice %add3A_335 {offsets = [0], sizes = [1], strides = [1]} : vector<16xi32> to vector<1xi32>
    %squeeze3A_339 = vector.extract %slice3A_338[0] : i32 from vector<1xi32>
    %sub3A_340 = arith.constant 1 : i32
    %sub3A_341 = arith.subi %squeeze3A_339, %sub3A_340 : i32
    %reduce_sum3A = arith.constant true
    %reduce_sum3A_342 = vector.broadcast %reduce_sum3A : i1 to vector<16xi1>
    %reduce_sum3A_343 = tpu.scan <sum>, %add3A_337 masked %reduce_sum3A_342 : vector<16xi32>, vector<16xi1> -> vector<16xi32>
    %reduce_sum3A_344 = vector.extract %reduce_sum3A_343[15] : i32 from vector<16xi32>
    %sub3A_345 = vector.broadcast %reduce_sum3A_344 : i32 to vector<16xi32>
    %sub3A_346 = arith.subi %get3A_4, %sub3A_345 : vector<16xi32>
    %mul3A_347 = arith.constant 0 : i32
    %mul3A_348 = arith.constant 256 : i32
    %mul3A_349 = arith.muli %mul3A_347, %mul3A_348 : i32
    %add3A_350 = arith.addi %mul3A_349, %sub3A_341 : i32
    %broadcast_in_dim3A_351 = arith.constant 16 : i32
    %broadcast_in_dim3A_352 = vector.broadcast %broadcast_in_dim3A_351 : i32 to vector<16xi32>
    %broadcast_in_dim3A_353 = arith.constant 8 : i32
    %broadcast_in_dim3A_354 = vector.broadcast %broadcast_in_dim3A_353 : i32 to vector<16xi32>
    %broadcast_in_dim3A_355 = vector.broadcast %add3A_350 : i32 to vector<16xi32>
    %scan3A_356 = arith.constant 0 : i32
    %scan3A_357 = arith.constant 0 : i32
    %scan3A_358 = arith.constant 64 : i32
    %scan3A_359 = arith.addi %scan3A_357, %scan3A_358 : i32
    %scan3A_360 = arith.constant 1 : i32
    %scan3A_361 = scf.for %scan3A_1435 = %scan3A_357 to %scan3A_359 step %scan3A_360 iter_args(%scan3A_1436 = %scan3A_356) -> (i32)  : i32 {
      %mul3A_1437 = arith.constant 64 : i32
      %mul3A_1438 = arith.muli %scan3A_1435, %mul3A_1437 : i32
      %add3A_1439 = arith.constant 0 : i32
      %add3A_1440 = arith.addi %mul3A_1438, %add3A_1439 : i32
      %swap3A = arith.index_cast %add3A_1440 : i32 to index
      %swap3A_1441 = tpu.vector_load %arg11[%swap3A] {strides = array<i32>} : memref<4096xi32, #tpu.memory_space<vmem>>, vector<16xi32>,
      tpu.vector_store %arg11[%swap3A], %broadcast_in_dim3A_10 {strides = array<i32>} : memref<4096xi32, #tpu.memory_space<vmem>>, vector<16xi32>,
      %mul3A_1442 = arith.constant 64 : i32
      %mul3A_1443 = arith.muli %scan3A_1435, %mul3A_1442 : i32
      %add3A_1444 = arith.constant 16 : i32
      %add3A_1445 = arith.addi %mul3A_1443, %add3A_1444 : i32
      %swap3A_1446 = arith.index_cast %add3A_1445 : i32 to index
      %swap3A_1447 = tpu.vector_load %arg11[%swap3A_1446] {strides = array<i32>} : memref<4096xi32, #tpu.memory_space<vmem>>, vector<16xi32>,
      tpu.vector_store %arg11[%swap3A_1446], %broadcast_in_dim3A_10 {strides = array<i32>} : memref<4096xi32, #tpu.memory_space<vmem>>, vector<16xi32>,
      %mul3A_1448 = arith.constant 64 : i32
      %mul3A_1449 = arith.muli %scan3A_1435, %mul3A_1448 : i32
      %add3A_1450 = arith.constant 32 : i32
      %add3A_1451 = arith.addi %mul3A_1449, %add3A_1450 : i32
      %swap3A_1452 = arith.index_cast %add3A_1451 : i32 to index
      %swap3A_1453 = tpu.vector_load %arg11[%swap3A_1452] {strides = array<i32>} : memref<4096xi32, #tpu.memory_space<vmem>>, vector<16xi32>,
      tpu.vector_store %arg11[%swap3A_1452], %broadcast_in_dim3A_10 {strides = array<i32>} : memref<4096xi32, #tpu.memory_space<vmem>>, vector<16xi32>,
      %mul3A_1454 = arith.constant 64 : i32
      %mul3A_1455 = arith.muli %scan3A_1435, %mul3A_1454 : i32
      %add3A_1456 = arith.constant 48 : i32
      %add3A_1457 = arith.addi %mul3A_1455, %add3A_1456 : i32
      %swap3A_1458 = arith.index_cast %add3A_1457 : i32 to index
      %swap3A_1459 = tpu.vector_load %arg11[%swap3A_1458] {strides = array<i32>} : memref<4096xi32, #tpu.memory_space<vmem>>, vector<16xi32>,
      tpu.vector_store %arg11[%swap3A_1458], %broadcast_in_dim3A_10 {strides = array<i32>} : memref<4096xi32, #tpu.memory_space<vmem>>, vector<16xi32>,
      %scan3A_1460 = arith.constant 0 : i32
      scf.yield %scan3A_1460 : i32
    }
    %scan3A_362 = arith.constant 64 : i32
    %scan3A_363 = arith.constant 0 : i32
    %scan3A_364 = arith.constant 0 : i32
    %scan3A_365 = arith.constant 250 : i32
    %scan3A_366 = arith.addi %scan3A_364, %scan3A_365 : i32
    %scan3A_367 = arith.constant 1 : i32
    %scan3A_368 = scf.for %scan3A_1435 = %scan3A_364 to %scan3A_366 step %scan3A_367 iter_args(%scan3A_1436 = %scan3A_363) -> (i32)  : i32 {
      %mul3A_1437 = arith.constant 80 : i32
      %mul3A_1438 = arith.muli %scan3A_1435, %mul3A_1437 : i32
      %add3A_1439 = arith.constant 0 : i32
      %add3A_1440 = arith.addi %mul3A_1438, %add3A_1439 : i32
      %get3A_1441 = arith.index_cast %add3A_1440 : i32 to index
      %get3A_1442 = tpu.vector_load %arg8[%get3A_1441] {strides = array<i32>} : memref<20000xf32, #tpu.memory_space<vmem>>, vector<16xf32>,
      %bitcast3A_1443 = vector.bitcast %get3A_1442 : vector<16xf32> to vector<16xi32>
      %shift_right_logical3A = arith.shrui %bitcast3A_1443, %broadcast_in_dim3A_352 : vector<16xi32>
      %and3A = arith.constant 255 : i32
      %and3A_1444 = vector.broadcast %and3A : i32 to vector<16xi32>
      %and3A_1445 = arith.andi %shift_right_logical3A, %and3A_1444 : vector<16xi32>
      %add3A_1446 = arith.addi %mul3A_7, %and3A_1445 : vector<16xi32>
      %shift_right_logical3A_1447 = arith.shrui %shift_right_logical3A, %broadcast_in_dim3A_354 : vector<16xi32>
      %eq3A = arith.cmpi eq, %shift_right_logical3A_1447, %broadcast_in_dim3A_355 : vector<16xi32>
      tpu.vector_store_idx %arg11[%add3A_1446], %broadcast_in_dim3A_8 masked %eq3A {add = true} : memref<4096xi32, #tpu.memory_space<vmem>>[vector<16xi32>], vector<16xi32>, vector<16xi1>
      %mul3A_1448 = arith.constant 80 : i32
      %mul3A_1449 = arith.muli %scan3A_1435, %mul3A_1448 : i32
      %add3A_1450 = arith.constant 16 : i32
      %add3A_1451 = arith.addi %mul3A_1449, %add3A_1450 : i32
      %get3A_1452 = arith.index_cast %add3A_1451 : i32 to index
      %get3A_1453 = tpu.vector_load %arg8[%get3A_1452] {strides = array<i32>} : memref<20000xf32, #tpu.memory_space<vmem>>, vector<16xf32>,
      %bitcast3A_1454 = vector.bitcast %get3A_1453 : vector<16xf32> to vector<16xi32>
      %shift_right_logical3A_1455 = arith.shrui %bitcast3A_1454, %broadcast_in_dim3A_352 : vector<16xi32>
      %and3A_1456 = arith.constant 255 : i32
      %and3A_1457 = vector.broadcast %and3A_1456 : i32 to vector<16xi32>
      %and3A_1458 = arith.andi %shift_right_logical3A_1455, %and3A_1457 : vector<16xi32>
      %add3A_1459 = arith.addi %mul3A_7, %and3A_1458 : vector<16xi32>
      %shift_right_logical3A_1460 = arith.shrui %shift_right_logical3A_1455, %broadcast_in_dim3A_354 : vector<16xi32>
      %eq3A_1461 = arith.cmpi eq, %shift_right_logical3A_1460, %broadcast_in_dim3A_355 : vector<16xi32>
      tpu.vector_store_idx %arg11[%add3A_1459], %broadcast_in_dim3A_8 masked %eq3A_1461 {add = true} : memref<4096xi32, #tpu.memory_space<vmem>>[vector<16xi32>], vector<16xi32>, vector<16xi1>
      %mul3A_1462 = arith.constant 80 : i32
      %mul3A_1463 = arith.muli %scan3A_1435, %mul3A_1462 : i32
      %add3A_1464 = arith.constant 32 : i32
      %add3A_1465 = arith.addi %mul3A_1463, %add3A_1464 : i32
      %get3A_1466 = arith.index_cast %add3A_1465 : i32 to index
      %get3A_1467 = tpu.vector_load %arg8[%get3A_1466] {strides = array<i32>} : memref<20000xf32, #tpu.memory_space<vmem>>, vector<16xf32>,
      %bitcast3A_1468 = vector.bitcast %get3A_1467 : vector<16xf32> to vector<16xi32>
      %shift_right_logical3A_1469 = arith.shrui %bitcast3A_1468, %broadcast_in_dim3A_352 : vector<16xi32>
      %and3A_1470 = arith.constant 255 : i32
      %and3A_1471 = vector.broadcast %and3A_1470 : i32 to vector<16xi32>
      %and3A_1472 = arith.andi %shift_right_logical3A_1469, %and3A_1471 : vector<16xi32>
      %add3A_1473 = arith.addi %mul3A_7, %and3A_1472 : vector<16xi32>
      %shift_right_logical3A_1474 = arith.shrui %shift_right_logical3A_1469, %broadcast_in_dim3A_354 : vector<16xi32>
      %eq3A_1475 = arith.cmpi eq, %shift_right_logical3A_1474, %broadcast_in_dim3A_355 : vector<16xi32>
      tpu.vector_store_idx %arg11[%add3A_1473], %broadcast_in_dim3A_8 masked %eq3A_1475 {add = true} : memref<4096xi32, #tpu.memory_space<vmem>>[vector<16xi32>], vector<16xi32>, vector<16xi1>
      %mul3A_1476 = arith.constant 80 : i32
      %mul3A_1477 = arith.muli %scan3A_1435, %mul3A_1476 : i32
      %add3A_1478 = arith.constant 48 : i32
      %add3A_1479 = arith.addi %mul3A_1477, %add3A_1478 : i32
      %get3A_1480 = arith.index_cast %add3A_1479 : i32 to index
      %get3A_1481 = tpu.vector_load %arg8[%get3A_1480] {strides = array<i32>} : memref<20000xf32, #tpu.memory_space<vmem>>, vector<16xf32>,
      %bitcast3A_1482 = vector.bitcast %get3A_1481 : vector<16xf32> to vector<16xi32>
      %shift_right_logical3A_1483 = arith.shrui %bitcast3A_1482, %broadcast_in_dim3A_352 : vector<16xi32>
      %and3A_1484 = arith.constant 255 : i32
      %and3A_1485 = vector.broadcast %and3A_1484 : i32 to vector<16xi32>
      %and3A_1486 = arith.andi %shift_right_logical3A_1483, %and3A_1485 : vector<16xi32>
      %add3A_1487 = arith.addi %mul3A_7, %and3A_1486 : vector<16xi32>
      %shift_right_logical3A_1488 = arith.shrui %shift_right_logical3A_1483, %broadcast_in_dim3A_354 : vector<16xi32>
      %eq3A_1489 = arith.cmpi eq, %shift_right_logical3A_1488, %broadcast_in_dim3A_355 : vector<16xi32>
      tpu.vector_store_idx %arg11[%add3A_1487], %broadcast_in_dim3A_8 masked %eq3A_1489 {add = true} : memref<4096xi32, #tpu.memory_space<vmem>>[vector<16xi32>], vector<16xi32>, vector<16xi1>
      %mul3A_1490 = arith.constant 80 : i32
      %mul3A_1491 = arith.muli %scan3A_1435, %mul3A_1490 : i32
      %add3A_1492 = arith.constant 64 : i32
      %add3A_1493 = arith.addi %mul3A_1491, %add3A_1492 : i32
      %get3A_1494 = arith.index_cast %add3A_1493 : i32 to index
      %get3A_1495 = tpu.vector_load %arg8[%get3A_1494] {strides = array<i32>} : memref<20000xf32, #tpu.memory_space<vmem>>, vector<16xf32>,
      %bitcast3A_1496 = vector.bitcast %get3A_1495 : vector<16xf32> to vector<16xi32>
      %shift_right_logical3A_1497 = arith.shrui %bitcast3A_1496, %broadcast_in_dim3A_352 : vector<16xi32>
      %and3A_1498 = arith.constant 255 : i32
      %and3A_1499 = vector.broadcast %and3A_1498 : i32 to vector<16xi32>
      %and3A_1500 = arith.andi %shift_right_logical3A_1497, %and3A_1499 : vector<16xi32>
      %add3A_1501 = arith.addi %mul3A_7, %and3A_1500 : vector<16xi32>
      %shift_right_logical3A_1502 = arith.shrui %shift_right_logical3A_1497, %broadcast_in_dim3A_354 : vector<16xi32>
      %eq3A_1503 = arith.cmpi eq, %shift_right_logical3A_1502, %broadcast_in_dim3A_355 : vector<16xi32>
      tpu.vector_store_idx %arg11[%add3A_1501], %broadcast_in_dim3A_8 masked %eq3A_1503 {add = true} : memref<4096xi32, #tpu.memory_space<vmem>>[vector<16xi32>], vector<16xi32>, vector<16xi1>
      %scan3A_1504 = arith.constant 0 : i32
      scf.yield %scan3A_1504 : i32
    }
    %scan3A_369 = arith.constant 250 : i32
    %scan3A_370 = arith.constant 0 : i32
    %scan3A_371 = arith.constant 0 : i32
    %scan3A_372 = arith.constant 16 : i32
    %scan3A_373 = arith.addi %scan3A_371, %scan3A_372 : i32
    %scan3A_374 = arith.constant 1 : i32
    %scan3A_375 = scf.for %scan3A_1435 = %scan3A_371 to %scan3A_373 step %scan3A_374 iter_args(%scan3A_1436 = %scan3A_370) -> (i32)  : i32 {
      %mul3A_1437 = arith.constant 16 : i32
      %mul3A_1438 = arith.muli %scan3A_1435, %mul3A_1437 : i32
      %get3A_1439 = arith.index_cast %mul3A_1438 : i32 to index
      %get3A_1440 = tpu.vector_load %arg11[%get3A_1439] {strides = array<i32>} : memref<4096xi32, #tpu.memory_space<vmem>>, vector<16xi32>,
      %mul3A_1441 = arith.constant 16 : i32
      %mul3A_1442 = arith.muli %scan3A_1435, %mul3A_1441 : i32
      %add3A_1443 = arith.constant 256 : i32
      %add3A_1444 = arith.addi %add3A_1443, %mul3A_1442 : i32
      %get3A_1445 = arith.index_cast %add3A_1444 : i32 to index
      %get3A_1446 = tpu.vector_load %arg11[%get3A_1445] {strides = array<i32>} : memref<4096xi32, #tpu.memory_space<vmem>>, vector<16xi32>,
      %add3A_1447 = arith.addi %get3A_1440, %get3A_1446 : vector<16xi32>
      %mul3A_1448 = arith.constant 16 : i32
      %mul3A_1449 = arith.muli %scan3A_1435, %mul3A_1448 : i32
      %add3A_1450 = arith.constant 512 : i32
      %add3A_1451 = arith.addi %add3A_1450, %mul3A_1449 : i32
      %get3A_1452 = arith.index_cast %add3A_1451 : i32 to index
      %get3A_1453 = tpu.vector_load %arg11[%get3A_1452] {strides = array<i32>} : memref<4096xi32, #tpu.memory_space<vmem>>, vector<16xi32>,
      %add3A_1454 = arith.addi %add3A_1447, %get3A_1453 : vector<16xi32>
      %mul3A_1455 = arith.constant 16 : i32
      %mul3A_1456 = arith.muli %scan3A_1435, %mul3A_1455 : i32
      %add3A_1457 = arith.constant 768 : i32
      %add3A_1458 = arith.addi %add3A_1457, %mul3A_1456 : i32
      %get3A_1459 = arith.index_cast %add3A_1458 : i32 to index
      %get3A_1460 = tpu.vector_load %arg11[%get3A_1459] {strides = array<i32>} : memref<4096xi32, #tpu.memory_space<vmem>>, vector<16xi32>,
      %add3A_1461 = arith.addi %add3A_1454, %get3A_1460 : vector<16xi32>
      %mul3A_1462 = arith.constant 16 : i32
      %mul3A_1463 = arith.muli %scan3A_1435, %mul3A_1462 : i32
      %add3A_1464 = arith.constant 1024 : i32
      %add3A_1465 = arith.addi %add3A_1464, %mul3A_1463 : i32
      %get3A_1466 = arith.index_cast %add3A_1465 : i32 to index
      %get3A_1467 = tpu.vector_load %arg11[%get3A_1466] {strides = array<i32>} : memref<4096xi32, #tpu.memory_space<vmem>>, vector<16xi32>,
      %add3A_1468 = arith.addi %add3A_1461, %get3A_1467 : vector<16xi32>
      %mul3A_1469 = arith.constant 16 : i32
      %mul3A_1470 = arith.muli %scan3A_1435, %mul3A_1469 : i32
      %add3A_1471 = arith.constant 1280 : i32
      %add3A_1472 = arith.addi %add3A_1471, %mul3A_1470 : i32
      %get3A_1473 = arith.index_cast %add3A_1472 : i32 to index
      %get3A_1474 = tpu.vector_load %arg11[%get3A_1473] {strides = array<i32>} : memref<4096xi32, #tpu.memory_space<vmem>>, vector<16xi32>,
      %add3A_1475 = arith.addi %add3A_1468, %get3A_1474 : vector<16xi32>
      %mul3A_1476 = arith.constant 16 : i32
      %mul3A_1477 = arith.muli %scan3A_1435, %mul3A_1476 : i32
      %add3A_1478 = arith.constant 1536 : i32
      %add3A_1479 = arith.addi %add3A_1478, %mul3A_1477 : i32
      %get3A_1480 = arith.index_cast %add3A_1479 : i32 to index
      %get3A_1481 = tpu.vector_load %arg11[%get3A_1480] {strides = array<i32>} : memref<4096xi32, #tpu.memory_space<vmem>>, vector<16xi32>,
      %add3A_1482 = arith.addi %add3A_1475, %get3A_1481 : vector<16xi32>
      %mul3A_1483 = arith.constant 16 : i32
      %mul3A_1484 = arith.muli %scan3A_1435, %mul3A_1483 : i32
      %add3A_1485 = arith.constant 1792 : i32
      %add3A_1486 = arith.addi %add3A_1485, %mul3A_1484 : i32
      %get3A_1487 = arith.index_cast %add3A_1486 : i32 to index
      %get3A_1488 = tpu.vector_load %arg11[%get3A_1487] {strides = array<i32>} : memref<4096xi32, #tpu.memory_space<vmem>>, vector<16xi32>,
      %add3A_1489 = arith.addi %add3A_1482, %get3A_1488 : vector<16xi32>
      %mul3A_1490 = arith.constant 16 : i32
      %mul3A_1491 = arith.muli %scan3A_1435, %mul3A_1490 : i32
      %add3A_1492 = arith.constant 2048 : i32
      %add3A_1493 = arith.addi %add3A_1492, %mul3A_1491 : i32
      %get3A_1494 = arith.index_cast %add3A_1493 : i32 to index
      %get3A_1495 = tpu.vector_load %arg11[%get3A_1494] {strides = array<i32>} : memref<4096xi32, #tpu.memory_space<vmem>>, vector<16xi32>,
      %add3A_1496 = arith.addi %add3A_1489, %get3A_1495 : vector<16xi32>
      %mul3A_1497 = arith.constant 16 : i32
      %mul3A_1498 = arith.muli %scan3A_1435, %mul3A_1497 : i32
      %add3A_1499 = arith.constant 2304 : i32
      %add3A_1500 = arith.addi %add3A_1499, %mul3A_1498 : i32
      %get3A_1501 = arith.index_cast %add3A_1500 : i32 to index
      %get3A_1502 = tpu.vector_load %arg11[%get3A_1501] {strides = array<i32>} : memref<4096xi32, #tpu.memory_space<vmem>>, vector<16xi32>,
      %add3A_1503 = arith.addi %add3A_1496, %get3A_1502 : vector<16xi32>
      %mul3A_1504 = arith.constant 16 : i32
      %mul3A_1505 = arith.muli %scan3A_1435, %mul3A_1504 : i32
      %add3A_1506 = arith.constant 2560 : i32
      %add3A_1507 = arith.addi %add3A_1506, %mul3A_1505 : i32
      %get3A_1508 = arith.index_cast %add3A_1507 : i32 to index
      %get3A_1509 = tpu.vector_load %arg11[%get3A_1508] {strides = array<i32>} : memref<4096xi32, #tpu.memory_space<vmem>>, vector<16xi32>,
      %add3A_1510 = arith.addi %add3A_1503, %get3A_1509 : vector<16xi32>
      %mul3A_1511 = arith.constant 16 : i32
      %mul3A_1512 = arith.muli %scan3A_1435, %mul3A_1511 : i32
      %add3A_1513 = arith.constant 2816 : i32
      %add3A_1514 = arith.addi %add3A_1513, %mul3A_1512 : i32
      %get3A_1515 = arith.index_cast %add3A_1514 : i32 to index
      %get3A_1516 = tpu.vector_load %arg11[%get3A_1515] {strides = array<i32>} : memref<4096xi32, #tpu.memory_space<vmem>>, vector<16xi32>,
      %add3A_1517 = arith.addi %add3A_1510, %get3A_1516 : vector<16xi32>
      %mul3A_1518 = arith.constant 16 : i32
      %mul3A_1519 = arith.muli %scan3A_1435, %mul3A_1518 : i32
      %add3A_1520 = arith.constant 3072 : i32
      %add3A_1521 = arith.addi %add3A_1520, %mul3A_1519 : i32
      %get3A_1522 = arith.index_cast %add3A_1521 : i32 to index
      %get3A_1523 = tpu.vector_load %arg11[%get3A_1522] {strides = array<i32>} : memref<4096xi32, #tpu.memory_space<vmem>>, vector<16xi32>,
      %add3A_1524 = arith.addi %add3A_1517, %get3A_1523 : vector<16xi32>
      %mul3A_1525 = arith.constant 16 : i32
      %mul3A_1526 = arith.muli %scan3A_1435, %mul3A_1525 : i32
      %add3A_1527 = arith.constant 3328 : i32
      %add3A_1528 = arith.addi %add3A_1527, %mul3A_1526 : i32
      %get3A_1529 = arith.index_cast %add3A_1528 : i32 to index
      %get3A_1530 = tpu.vector_load %arg11[%get3A_1529] {strides = array<i32>} : memref<4096xi32, #tpu.memory_space<vmem>>, vector<16xi32>,
      %add3A_1531 = arith.addi %add3A_1524, %get3A_1530 : vector<16xi32>
      %mul3A_1532 = arith.constant 16 : i32
      %mul3A_1533 = arith.muli %scan3A_1435, %mul3A_1532 : i32
      %add3A_1534 = arith.constant 3584 : i32
      %add3A_1535 = arith.addi %add3A_1534, %mul3A_1533 : i32
      %get3A_1536 = arith.index_cast %add3A_1535 : i32 to index
      %get3A_1537 = tpu.vector_load %arg11[%get3A_1536] {strides = array<i32>} : memref<4096xi32, #tpu.memory_space<vmem>>, vector<16xi32>,
      %add3A_1538 = arith.addi %add3A_1531, %get3A_1537 : vector<16xi32>
      %mul3A_1539 = arith.constant 16 : i32
      %mul3A_1540 = arith.muli %scan3A_1435, %mul3A_1539 : i32
      %add3A_1541 = arith.constant 3840 : i32
      %add3A_1542 = arith.addi %add3A_1541, %mul3A_1540 : i32
      %get3A_1543 = arith.index_cast %add3A_1542 : i32 to index
      %get3A_1544 = tpu.vector_load %arg11[%get3A_1543] {strides = array<i32>} : memref<4096xi32, #tpu.memory_space<vmem>>, vector<16xi32>,
      %add3A_1545 = arith.addi %add3A_1538, %get3A_1544 : vector<16xi32>
      %mul3A_1546 = arith.constant 16 : i32
      %mul3A_1547 = arith.muli %scan3A_1435, %mul3A_1546 : i32
      %swap3A = arith.index_cast %mul3A_1547 : i32 to index
      %swap3A_1548 = tpu.vector_load %arg12[%swap3A] {strides = array<i32>} : memref<256xi32, #tpu.memory_space<vmem>>, vector<16xi32>,
      tpu.vector_store %arg12[%swap3A], %add3A_1545 {strides = array<i32>} : memref<256xi32, #tpu.memory_space<vmem>>, vector<16xi32>,
      %scan3A_1549 = arith.constant 0 : i32
      scf.yield %scan3A_1549 : i32
    }
    %scan3A_376 = arith.constant 16 : i32
    %run_scoped3A_377 = arith.constant 1 : i32
    "tpu.region"() ({
      %run_scoped3A_1435 = tpu.sem_alloc : memref<!tpu.dma_semaphore, #tpu.memory_space<semaphore_mem>>
      %dma_start3A_1436 = arith.constant 0 : i32
      %dma_start3A_1437 = tpu.memref_slice %arg18[%run_scoped3A_377, %arg1, %dma_start3A_1436] : memref<4x16x256xi32, #tpu.memory_space<vmem_shared>> -> memref<1x1x256xi32, #tpu.memory_space<vmem_shared>>
      %dma_start3A_1438 = tpu.memref_squeeze %dma_start3A_1437 : memref<1x1x256xi32, #tpu.memory_space<vmem_shared>> -> memref<256xi32, #tpu.memory_space<vmem_shared>>
      %dma_start3A_1439 = arith.constant 0 : i32
      %dma_start3A_1440 = tpu.memref_slice %arg18[%run_scoped3A_377, %arg1, %dma_start3A_1439] : memref<4x16x256xi32, #tpu.memory_space<vmem_shared>> -> memref<1x1x256xi32, #tpu.memory_space<vmem_shared>>
      %dma_start3A_1441 = tpu.memref_squeeze %dma_start3A_1440 : memref<1x1x256xi32, #tpu.memory_space<vmem_shared>> -> memref<256xi32, #tpu.memory_space<vmem_shared>>
      tpu.enqueue_dma source(%arg12 : memref<256xi32, #tpu.memory_space<vmem>>) target(%dma_start3A_1441 : memref<256xi32, #tpu.memory_space<vmem_shared>>) target_semaphore(%run_scoped3A_1435 : memref<!tpu.dma_semaphore, #tpu.memory_space<semaphore_mem>>)
      %dma_wait3A_1442 = arith.constant 0 : i32
      %dma_wait3A_1443 = tpu.memref_slice %arg18[%run_scoped3A_377, %arg1, %dma_wait3A_1442] : memref<4x16x256xi32, #tpu.memory_space<vmem_shared>> -> memref<1x1x256xi32, #tpu.memory_space<vmem_shared>>
      %dma_wait3A_1444 = tpu.memref_squeeze %dma_wait3A_1443 : memref<1x1x256xi32, #tpu.memory_space<vmem_shared>> -> memref<256xi32, #tpu.memory_space<vmem_shared>>
      %dma_wait3A_1445 = arith.constant 0 : i32
      %dma_wait3A_1446 = tpu.memref_slice %arg18[%run_scoped3A_377, %arg1, %dma_wait3A_1445] : memref<4x16x256xi32, #tpu.memory_space<vmem_shared>> -> memref<1x1x256xi32, #tpu.memory_space<vmem_shared>>
      %dma_wait3A_1447 = tpu.memref_squeeze %dma_wait3A_1446 : memref<1x1x256xi32, #tpu.memory_space<vmem_shared>> -> memref<256xi32, #tpu.memory_space<vmem_shared>>
      tpu.wait_dma2 semaphore(%run_scoped3A_1435 : memref<!tpu.dma_semaphore, #tpu.memory_space<semaphore_mem>>) src(%arg12 : memref<256xi32, #tpu.memory_space<vmem>>) dst(%dma_wait3A_1447 : memref<256xi32, #tpu.memory_space<vmem_shared>>)
      tpu.yield
    }) : () -> ()
    %barrier3A_378 = arith.constant 0 : index
    tpu.barrier barrier_id(%barrier3A_378)
    %run_scoped3A_379 = arith.constant 1 : i32
    "tpu.region"() ({
      %run_scoped3A_1435 = tpu.sem_alloc : memref<!tpu.dma_semaphore, #tpu.memory_space<semaphore_mem>>
      %dma_start3A_1436 = arith.constant 0 : i32
      %dma_start3A_1437 = arith.constant 0 : i32
      %dma_start3A_1438 = tpu.memref_slice %arg18[%run_scoped3A_379, %dma_start3A_1436, %dma_start3A_1437] : memref<4x16x256xi32, #tpu.memory_space<vmem_shared>> -> memref<1x16x256xi32, #tpu.memory_space<vmem_shared>>
      %dma_start3A_1439 = tpu.memref_squeeze %dma_start3A_1438 : memref<1x16x256xi32, #tpu.memory_space<vmem_shared>> -> memref<16x256xi32, #tpu.memory_space<vmem_shared>>
      %dma_start3A_1440 = arith.constant 0 : i32
      %dma_start3A_1441 = arith.constant 0 : i32
      %dma_start3A_1442 = tpu.memref_slice %arg18[%run_scoped3A_379, %dma_start3A_1440, %dma_start3A_1441] : memref<4x16x256xi32, #tpu.memory_space<vmem_shared>> -> memref<1x16x256xi32, #tpu.memory_space<vmem_shared>>
      %dma_start3A_1443 = tpu.memref_squeeze %dma_start3A_1442 : memref<1x16x256xi32, #tpu.memory_space<vmem_shared>> -> memref<16x256xi32, #tpu.memory_space<vmem_shared>>
      tpu.enqueue_dma source(%dma_start3A_1443 : memref<16x256xi32, #tpu.memory_space<vmem_shared>>) target(%arg13 : memref<16x256xi32, #tpu.memory_space<vmem>>) target_semaphore(%run_scoped3A_1435 : memref<!tpu.dma_semaphore, #tpu.memory_space<semaphore_mem>>)
      %dma_wait3A_1444 = arith.constant 0 : i32
      %dma_wait3A_1445 = arith.constant 0 : i32
      %dma_wait3A_1446 = tpu.memref_slice %arg18[%run_scoped3A_379, %dma_wait3A_1444, %dma_wait3A_1445] : memref<4x16x256xi32, #tpu.memory_space<vmem_shared>> -> memref<1x16x256xi32, #tpu.memory_space<vmem_shared>>
      %dma_wait3A_1447 = tpu.memref_squeeze %dma_wait3A_1446 : memref<1x16x256xi32, #tpu.memory_space<vmem_shared>> -> memref<16x256xi32, #tpu.memory_space<vmem_shared>>
      %dma_wait3A_1448 = arith.constant 0 : i32
      %dma_wait3A_1449 = arith.constant 0 : i32
      %dma_wait3A_1450 = tpu.memref_slice %arg18[%run_scoped3A_379, %dma_wait3A_1448, %dma_wait3A_1449] : memref<4x16x256xi32, #tpu.memory_space<vmem_shared>> -> memref<1x16x256xi32, #tpu.memory_space<vmem_shared>>
      %dma_wait3A_1451 = tpu.memref_squeeze %dma_wait3A_1450 : memref<1x16x256xi32, #tpu.memory_space<vmem_shared>> -> memref<16x256xi32, #tpu.memory_space<vmem_shared>>
      tpu.wait_dma2 semaphore(%run_scoped3A_1435 : memref<!tpu.dma_semaphore, #tpu.memory_space<semaphore_mem>>) src(%dma_wait3A_1451 : memref<16x256xi32, #tpu.memory_space<vmem_shared>>) dst(%arg13 : memref<16x256xi32, #tpu.memory_space<vmem>>)
      tpu.yield
    }) : () -> ()
    %scan3A_380 = arith.constant 0 : i32
    %scan3A_381 = arith.constant 0 : i32
    %scan3A_382 = arith.constant 16 : i32
    %scan3A_383 = arith.addi %scan3A_381, %scan3A_382 : i32
    %scan3A_384 = arith.constant 1 : i32
    %scan3A_385 = scf.for %scan3A_1435 = %scan3A_381 to %scan3A_383 step %scan3A_384 iter_args(%scan3A_1436 = %scan3A_380) -> (i32)  : i32 {
      %mul3A_1437 = arith.constant 16 : i32
      %mul3A_1438 = arith.muli %scan3A_1435, %mul3A_1437 : i32
      %get3A_1439 = arith.constant 0 : i32
      %get3A_1440 = arith.index_cast %get3A_1439 : i32 to index
      %get3A_1441 = arith.index_cast %mul3A_1438 : i32 to index
      %get3A_1442 = tpu.vector_load %arg13[%get3A_1440, %get3A_1441] {strides = array<i32>} : memref<16x256xi32, #tpu.memory_space<vmem>>, vector<16xi32>,
      %mul3A_1443 = arith.constant 16 : i32
      %mul3A_1444 = arith.muli %scan3A_1435, %mul3A_1443 : i32
      %get3A_1445 = arith.constant 1 : i32
      %get3A_1446 = arith.index_cast %get3A_1445 : i32 to index
      %get3A_1447 = arith.index_cast %mul3A_1444 : i32 to index
      %get3A_1448 = tpu.vector_load %arg13[%get3A_1446, %get3A_1447] {strides = array<i32>} : memref<16x256xi32, #tpu.memory_space<vmem>>, vector<16xi32>,
      %add3A_1449 = arith.addi %get3A_1442, %get3A_1448 : vector<16xi32>
      %mul3A_1450 = arith.constant 16 : i32
      %mul3A_1451 = arith.muli %scan3A_1435, %mul3A_1450 : i32
      %get3A_1452 = arith.constant 2 : i32
      %get3A_1453 = arith.index_cast %get3A_1452 : i32 to index
      %get3A_1454 = arith.index_cast %mul3A_1451 : i32 to index
      %get3A_1455 = tpu.vector_load %arg13[%get3A_1453, %get3A_1454] {strides = array<i32>} : memref<16x256xi32, #tpu.memory_space<vmem>>, vector<16xi32>,
      %add3A_1456 = arith.addi %add3A_1449, %get3A_1455 : vector<16xi32>
      %mul3A_1457 = arith.constant 16 : i32
      %mul3A_1458 = arith.muli %scan3A_1435, %mul3A_1457 : i32
      %get3A_1459 = arith.constant 3 : i32
      %get3A_1460 = arith.index_cast %get3A_1459 : i32 to index
      %get3A_1461 = arith.index_cast %mul3A_1458 : i32 to index
      %get3A_1462 = tpu.vector_load %arg13[%get3A_1460, %get3A_1461] {strides = array<i32>} : memref<16x256xi32, #tpu.memory_space<vmem>>, vector<16xi32>,
      %add3A_1463 = arith.addi %add3A_1456, %get3A_1462 : vector<16xi32>
      %mul3A_1464 = arith.constant 16 : i32
      %mul3A_1465 = arith.muli %scan3A_1435, %mul3A_1464 : i32
      %get3A_1466 = arith.constant 4 : i32
      %get3A_1467 = arith.index_cast %get3A_1466 : i32 to index
      %get3A_1468 = arith.index_cast %mul3A_1465 : i32 to index
      %get3A_1469 = tpu.vector_load %arg13[%get3A_1467, %get3A_1468] {strides = array<i32>} : memref<16x256xi32, #tpu.memory_space<vmem>>, vector<16xi32>,
      %add3A_1470 = arith.addi %add3A_1463, %get3A_1469 : vector<16xi32>
      %mul3A_1471 = arith.constant 16 : i32
      %mul3A_1472 = arith.muli %scan3A_1435, %mul3A_1471 : i32
      %get3A_1473 = arith.constant 5 : i32
      %get3A_1474 = arith.index_cast %get3A_1473 : i32 to index
      %get3A_1475 = arith.index_cast %mul3A_1472 : i32 to index
      %get3A_1476 = tpu.vector_load %arg13[%get3A_1474, %get3A_1475] {strides = array<i32>} : memref<16x256xi32, #tpu.memory_space<vmem>>, vector<16xi32>,
      %add3A_1477 = arith.addi %add3A_1470, %get3A_1476 : vector<16xi32>
      %mul3A_1478 = arith.constant 16 : i32
      %mul3A_1479 = arith.muli %scan3A_1435, %mul3A_1478 : i32
      %get3A_1480 = arith.constant 6 : i32
      %get3A_1481 = arith.index_cast %get3A_1480 : i32 to index
      %get3A_1482 = arith.index_cast %mul3A_1479 : i32 to index
      %get3A_1483 = tpu.vector_load %arg13[%get3A_1481, %get3A_1482] {strides = array<i32>} : memref<16x256xi32, #tpu.memory_space<vmem>>, vector<16xi32>,
      %add3A_1484 = arith.addi %add3A_1477, %get3A_1483 : vector<16xi32>
      %mul3A_1485 = arith.constant 16 : i32
      %mul3A_1486 = arith.muli %scan3A_1435, %mul3A_1485 : i32
      %get3A_1487 = arith.constant 7 : i32
      %get3A_1488 = arith.index_cast %get3A_1487 : i32 to index
      %get3A_1489 = arith.index_cast %mul3A_1486 : i32 to index
      %get3A_1490 = tpu.vector_load %arg13[%get3A_1488, %get3A_1489] {strides = array<i32>} : memref<16x256xi32, #tpu.memory_space<vmem>>, vector<16xi32>,
      %add3A_1491 = arith.addi %add3A_1484, %get3A_1490 : vector<16xi32>
      %mul3A_1492 = arith.constant 16 : i32
      %mul3A_1493 = arith.muli %scan3A_1435, %mul3A_1492 : i32
      %get3A_1494 = arith.constant 8 : i32
      %get3A_1495 = arith.index_cast %get3A_1494 : i32 to index
      %get3A_1496 = arith.index_cast %mul3A_1493 : i32 to index
      %get3A_1497 = tpu.vector_load %arg13[%get3A_1495, %get3A_1496] {strides = array<i32>} : memref<16x256xi32, #tpu.memory_space<vmem>>, vector<16xi32>,
      %add3A_1498 = arith.addi %add3A_1491, %get3A_1497 : vector<16xi32>
      %mul3A_1499 = arith.constant 16 : i32
      %mul3A_1500 = arith.muli %scan3A_1435, %mul3A_1499 : i32
      %get3A_1501 = arith.constant 9 : i32
      %get3A_1502 = arith.index_cast %get3A_1501 : i32 to index
      %get3A_1503 = arith.index_cast %mul3A_1500 : i32 to index
      %get3A_1504 = tpu.vector_load %arg13[%get3A_1502, %get3A_1503] {strides = array<i32>} : memref<16x256xi32, #tpu.memory_space<vmem>>, vector<16xi32>,
      %add3A_1505 = arith.addi %add3A_1498, %get3A_1504 : vector<16xi32>
      %mul3A_1506 = arith.constant 16 : i32
      %mul3A_1507 = arith.muli %scan3A_1435, %mul3A_1506 : i32
      %get3A_1508 = arith.constant 10 : i32
      %get3A_1509 = arith.index_cast %get3A_1508 : i32 to index
      %get3A_1510 = arith.index_cast %mul3A_1507 : i32 to index
      %get3A_1511 = tpu.vector_load %arg13[%get3A_1509, %get3A_1510] {strides = array<i32>} : memref<16x256xi32, #tpu.memory_space<vmem>>, vector<16xi32>,
      %add3A_1512 = arith.addi %add3A_1505, %get3A_1511 : vector<16xi32>
      %mul3A_1513 = arith.constant 16 : i32
      %mul3A_1514 = arith.muli %scan3A_1435, %mul3A_1513 : i32
      %get3A_1515 = arith.constant 11 : i32
      %get3A_1516 = arith.index_cast %get3A_1515 : i32 to index
      %get3A_1517 = arith.index_cast %mul3A_1514 : i32 to index
      %get3A_1518 = tpu.vector_load %arg13[%get3A_1516, %get3A_1517] {strides = array<i32>} : memref<16x256xi32, #tpu.memory_space<vmem>>, vector<16xi32>,
      %add3A_1519 = arith.addi %add3A_1512, %get3A_1518 : vector<16xi32>
      %mul3A_1520 = arith.constant 16 : i32
      %mul3A_1521 = arith.muli %scan3A_1435, %mul3A_1520 : i32
      %get3A_1522 = arith.constant 12 : i32
      %get3A_1523 = arith.index_cast %get3A_1522 : i32 to index
      %get3A_1524 = arith.index_cast %mul3A_1521 : i32 to index
      %get3A_1525 = tpu.vector_load %arg13[%get3A_1523, %get3A_1524] {strides = array<i32>} : memref<16x256xi32, #tpu.memory_space<vmem>>, vector<16xi32>,
      %add3A_1526 = arith.addi %add3A_1519, %get3A_1525 : vector<16xi32>
      %mul3A_1527 = arith.constant 16 : i32
      %mul3A_1528 = arith.muli %scan3A_1435, %mul3A_1527 : i32
      %get3A_1529 = arith.constant 13 : i32
      %get3A_1530 = arith.index_cast %get3A_1529 : i32 to index
      %get3A_1531 = arith.index_cast %mul3A_1528 : i32 to index
      %get3A_1532 = tpu.vector_load %arg13[%get3A_1530, %get3A_1531] {strides = array<i32>} : memref<16x256xi32, #tpu.memory_space<vmem>>, vector<16xi32>,
      %add3A_1533 = arith.addi %add3A_1526, %get3A_1532 : vector<16xi32>
      %mul3A_1534 = arith.constant 16 : i32
      %mul3A_1535 = arith.muli %scan3A_1435, %mul3A_1534 : i32
      %get3A_1536 = arith.constant 14 : i32
      %get3A_1537 = arith.index_cast %get3A_1536 : i32 to index
      %get3A_1538 = arith.index_cast %mul3A_1535 : i32 to index
      %get3A_1539 = tpu.vector_load %arg13[%get3A_1537, %get3A_1538] {strides = array<i32>} : memref<16x256xi32, #tpu.memory_space<vmem>>, vector<16xi32>,
      %add3A_1540 = arith.addi %add3A_1533, %get3A_1539 : vector<16xi32>
      %mul3A_1541 = arith.constant 16 : i32
      %mul3A_1542 = arith.muli %scan3A_1435, %mul3A_1541 : i32
      %get3A_1543 = arith.constant 15 : i32
      %get3A_1544 = arith.index_cast %get3A_1543 : i32 to index
      %get3A_1545 = arith.index_cast %mul3A_1542 : i32 to index
      %get3A_1546 = tpu.vector_load %arg13[%get3A_1544, %get3A_1545] {strides = array<i32>} : memref<16x256xi32, #tpu.memory_space<vmem>>, vector<16xi32>,
      %add3A_1547 = arith.addi %add3A_1540, %get3A_1546 : vector<16xi32>
      %mul3A_1548 = arith.constant 16 : i32
      %mul3A_1549 = arith.muli %scan3A_1435, %mul3A_1548 : i32
      %swap3A = arith.index_cast %mul3A_1549 : i32 to index
      %swap3A_1550 = tpu.vector_load %arg12[%swap3A] {strides = array<i32>} : memref<256xi32, #tpu.memory_space<vmem>>, vector<16xi32>,
      tpu.vector_store %arg12[%swap3A], %add3A_1547 {strides = array<i32>} : memref<256xi32, #tpu.memory_space<vmem>>, vector<16xi32>,
      %scan3A_1551 = arith.constant 0 : i32
      scf.yield %scan3A_1551 : i32
    }
    %scan3A_386 = arith.constant 16 : i32
    %broadcast_in_dim3A_387 = arith.constant 0 : i32
    %broadcast_in_dim3A_388 = vector.broadcast %broadcast_in_dim3A_387 : i32 to vector<16xi32>
    %broadcast_in_dim3A_389 = arith.constant 0 : i32
    %broadcast_in_dim3A_390 = vector.broadcast %broadcast_in_dim3A_389 : i32 to vector<16xi32>
    %broadcast_in_dim3A_391 = arith.constant 0 : i32
    %broadcast_in_dim3A_392 = vector.broadcast %broadcast_in_dim3A_391 : i32 to vector<16xi32>
    %get3A_393 = arith.constant 240 : index
    %get3A_394 = tpu.vector_load %arg12[%get3A_393] {strides = array<i32>} : memref<256xi32, #tpu.memory_space<vmem>>, vector<16xi32>,
    %broadcast_in_dim3A_395 = arith.constant true
    %broadcast_in_dim3A_396 = vector.broadcast %broadcast_in_dim3A_395 : i1 to vector<16xi1>
    %masked_cumsum3A_397 = tpu.scan <sum>, %get3A_394 masked %broadcast_in_dim3A_396 : vector<16xi32>, vector<16xi1> -> vector<16xi32>
    %slice3A_398 = vector.extract_strided_slice %masked_cumsum3A_397 {offsets = [15], sizes = [1], strides = [1]} : vector<16xi32> to vector<1xi32>
    %squeeze3A_399 = vector.extract %slice3A_398[0] : i32 from vector<1xi32>
    %sub3A_400 = vector.broadcast %squeeze3A_399 : i32 to vector<16xi32>
    %sub3A_401 = arith.subi %sub3A_400, %masked_cumsum3A_397 : vector<16xi32>
    %add3A_402 = arith.addi %sub3A_401, %get3A_394 : vector<16xi32>
    %add3A_403 = arith.addi %add3A_402, %broadcast_in_dim3A_388 : vector<16xi32>
    %add3A_404 = vector.broadcast %squeeze3A_399 : i32 to vector<16xi32>
    %add3A_405 = arith.addi %broadcast_in_dim3A_388, %add3A_404 : vector<16xi32>
    %gt3A_406 = arith.cmpi sgt, %add3A_403, %sub3A_346 : vector<16xi32>
    %all_reduce_population_count3A_407 = tpu.all_reduce %gt3A_406 {dim = 0 : i64, kind = #tpu.reduction_kind<sum>} : vector<16xi1> -> vector<16xi32>
    %add3A_408 = arith.addi %broadcast_in_dim3A_390, %all_reduce_population_count3A_407 : vector<16xi32>
    %select_n3A_409 = arith.select %gt3A_406, %broadcast_in_dim3A_10, %get3A_394 : vector<16xi1>, vector<16xi32>
    %add3A_410 = arith.addi %broadcast_in_dim3A_392, %select_n3A_409 : vector<16xi32>
    %get3A_411 = arith.constant 224 : index
    %get3A_412 = tpu.vector_load %arg12[%get3A_411] {strides = array<i32>} : memref<256xi32, #tpu.memory_space<vmem>>, vector<16xi32>,
    %broadcast_in_dim3A_413 = arith.constant true
    %broadcast_in_dim3A_414 = vector.broadcast %broadcast_in_dim3A_413 : i1 to vector<16xi1>
    %masked_cumsum3A_415 = tpu.scan <sum>, %get3A_412 masked %broadcast_in_dim3A_414 : vector<16xi32>, vector<16xi1> -> vector<16xi32>
    %slice3A_416 = vector.extract_strided_slice %masked_cumsum3A_415 {offsets = [15], sizes = [1], strides = [1]} : vector<16xi32> to vector<1xi32>
    %squeeze3A_417 = vector.extract %slice3A_416[0] : i32 from vector<1xi32>
    %sub3A_418 = vector.broadcast %squeeze3A_417 : i32 to vector<16xi32>
    %sub3A_419 = arith.subi %sub3A_418, %masked_cumsum3A_415 : vector<16xi32>
    %add3A_420 = arith.addi %sub3A_419, %get3A_412 : vector<16xi32>
    %add3A_421 = arith.addi %add3A_420, %add3A_405 : vector<16xi32>
    %add3A_422 = vector.broadcast %squeeze3A_417 : i32 to vector<16xi32>
    %add3A_423 = arith.addi %add3A_405, %add3A_422 : vector<16xi32>
    %gt3A_424 = arith.cmpi sgt, %add3A_421, %sub3A_346 : vector<16xi32>
    %all_reduce_population_count3A_425 = tpu.all_reduce %gt3A_424 {dim = 0 : i64, kind = #tpu.reduction_kind<sum>} : vector<16xi1> -> vector<16xi32>
    %add3A_426 = arith.addi %add3A_408, %all_reduce_population_count3A_425 : vector<16xi32>
    %select_n3A_427 = arith.select %gt3A_424, %broadcast_in_dim3A_10, %get3A_412 : vector<16xi1>, vector<16xi32>
    %add3A_428 = arith.addi %add3A_410, %select_n3A_427 : vector<16xi32>
    %get3A_429 = arith.constant 208 : index
    %get3A_430 = tpu.vector_load %arg12[%get3A_429] {strides = array<i32>} : memref<256xi32, #tpu.memory_space<vmem>>, vector<16xi32>,
    %broadcast_in_dim3A_431 = arith.constant true
    %broadcast_in_dim3A_432 = vector.broadcast %broadcast_in_dim3A_431 : i1 to vector<16xi1>
    %masked_cumsum3A_433 = tpu.scan <sum>, %get3A_430 masked %broadcast_in_dim3A_432 : vector<16xi32>, vector<16xi1> -> vector<16xi32>
    %slice3A_434 = vector.extract_strided_slice %masked_cumsum3A_433 {offsets = [15], sizes = [1], strides = [1]} : vector<16xi32> to vector<1xi32>
    %squeeze3A_435 = vector.extract %slice3A_434[0] : i32 from vector<1xi32>
    %sub3A_436 = vector.broadcast %squeeze3A_435 : i32 to vector<16xi32>
    %sub3A_437 = arith.subi %sub3A_436, %masked_cumsum3A_433 : vector<16xi32>
    %add3A_438 = arith.addi %sub3A_437, %get3A_430 : vector<16xi32>
    %add3A_439 = arith.addi %add3A_438, %add3A_423 : vector<16xi32>
    %add3A_440 = vector.broadcast %squeeze3A_435 : i32 to vector<16xi32>
    %add3A_441 = arith.addi %add3A_423, %add3A_440 : vector<16xi32>
    %gt3A_442 = arith.cmpi sgt, %add3A_439, %sub3A_346 : vector<16xi32>
    %all_reduce_population_count3A_443 = tpu.all_reduce %gt3A_442 {dim = 0 : i64, kind = #tpu.reduction_kind<sum>} : vector<16xi1> -> vector<16xi32>
    %add3A_444 = arith.addi %add3A_426, %all_reduce_population_count3A_443 : vector<16xi32>
    %select_n3A_445 = arith.select %gt3A_442, %broadcast_in_dim3A_10, %get3A_430 : vector<16xi1>, vector<16xi32>
    %add3A_446 = arith.addi %add3A_428, %select_n3A_445 : vector<16xi32>
    %get3A_447 = arith.constant 192 : index
    %get3A_448 = tpu.vector_load %arg12[%get3A_447] {strides = array<i32>} : memref<256xi32, #tpu.memory_space<vmem>>, vector<16xi32>,
    %broadcast_in_dim3A_449 = arith.constant true
    %broadcast_in_dim3A_450 = vector.broadcast %broadcast_in_dim3A_449 : i1 to vector<16xi1>
    %masked_cumsum3A_451 = tpu.scan <sum>, %get3A_448 masked %broadcast_in_dim3A_450 : vector<16xi32>, vector<16xi1> -> vector<16xi32>
    %slice3A_452 = vector.extract_strided_slice %masked_cumsum3A_451 {offsets = [15], sizes = [1], strides = [1]} : vector<16xi32> to vector<1xi32>
    %squeeze3A_453 = vector.extract %slice3A_452[0] : i32 from vector<1xi32>
    %sub3A_454 = vector.broadcast %squeeze3A_453 : i32 to vector<16xi32>
    %sub3A_455 = arith.subi %sub3A_454, %masked_cumsum3A_451 : vector<16xi32>
    %add3A_456 = arith.addi %sub3A_455, %get3A_448 : vector<16xi32>
    %add3A_457 = arith.addi %add3A_456, %add3A_441 : vector<16xi32>
    %add3A_458 = vector.broadcast %squeeze3A_453 : i32 to vector<16xi32>
    %add3A_459 = arith.addi %add3A_441, %add3A_458 : vector<16xi32>
    %gt3A_460 = arith.cmpi sgt, %add3A_457, %sub3A_346 : vector<16xi32>
    %all_reduce_population_count3A_461 = tpu.all_reduce %gt3A_460 {dim = 0 : i64, kind = #tpu.reduction_kind<sum>} : vector<16xi1> -> vector<16xi32>
    %add3A_462 = arith.addi %add3A_444, %all_reduce_population_count3A_461 : vector<16xi32>
    %select_n3A_463 = arith.select %gt3A_460, %broadcast_in_dim3A_10, %get3A_448 : vector<16xi1>, vector<16xi32>
    %add3A_464 = arith.addi %add3A_446, %select_n3A_463 : vector<16xi32>
    %get3A_465 = arith.constant 176 : index
    %get3A_466 = tpu.vector_load %arg12[%get3A_465] {strides = array<i32>} : memref<256xi32, #tpu.memory_space<vmem>>, vector<16xi32>,
    %broadcast_in_dim3A_467 = arith.constant true
    %broadcast_in_dim3A_468 = vector.broadcast %broadcast_in_dim3A_467 : i1 to vector<16xi1>
    %masked_cumsum3A_469 = tpu.scan <sum>, %get3A_466 masked %broadcast_in_dim3A_468 : vector<16xi32>, vector<16xi1> -> vector<16xi32>
    %slice3A_470 = vector.extract_strided_slice %masked_cumsum3A_469 {offsets = [15], sizes = [1], strides = [1]} : vector<16xi32> to vector<1xi32>
    %squeeze3A_471 = vector.extract %slice3A_470[0] : i32 from vector<1xi32>
    %sub3A_472 = vector.broadcast %squeeze3A_471 : i32 to vector<16xi32>
    %sub3A_473 = arith.subi %sub3A_472, %masked_cumsum3A_469 : vector<16xi32>
    %add3A_474 = arith.addi %sub3A_473, %get3A_466 : vector<16xi32>
    %add3A_475 = arith.addi %add3A_474, %add3A_459 : vector<16xi32>
    %add3A_476 = vector.broadcast %squeeze3A_471 : i32 to vector<16xi32>
    %add3A_477 = arith.addi %add3A_459, %add3A_476 : vector<16xi32>
    %gt3A_478 = arith.cmpi sgt, %add3A_475, %sub3A_346 : vector<16xi32>
    %all_reduce_population_count3A_479 = tpu.all_reduce %gt3A_478 {dim = 0 : i64, kind = #tpu.reduction_kind<sum>} : vector<16xi1> -> vector<16xi32>
    %add3A_480 = arith.addi %add3A_462, %all_reduce_population_count3A_479 : vector<16xi32>
    %select_n3A_481 = arith.select %gt3A_478, %broadcast_in_dim3A_10, %get3A_466 : vector<16xi1>, vector<16xi32>
    %add3A_482 = arith.addi %add3A_464, %select_n3A_481 : vector<16xi32>
    %get3A_483 = arith.constant 160 : index
    %get3A_484 = tpu.vector_load %arg12[%get3A_483] {strides = array<i32>} : memref<256xi32, #tpu.memory_space<vmem>>, vector<16xi32>,
    %broadcast_in_dim3A_485 = arith.constant true
    %broadcast_in_dim3A_486 = vector.broadcast %broadcast_in_dim3A_485 : i1 to vector<16xi1>
    %masked_cumsum3A_487 = tpu.scan <sum>, %get3A_484 masked %broadcast_in_dim3A_486 : vector<16xi32>, vector<16xi1> -> vector<16xi32>
    %slice3A_488 = vector.extract_strided_slice %masked_cumsum3A_487 {offsets = [15], sizes = [1], strides = [1]} : vector<16xi32> to vector<1xi32>
    %squeeze3A_489 = vector.extract %slice3A_488[0] : i32 from vector<1xi32>
    %sub3A_490 = vector.broadcast %squeeze3A_489 : i32 to vector<16xi32>
    %sub3A_491 = arith.subi %sub3A_490, %masked_cumsum3A_487 : vector<16xi32>
    %add3A_492 = arith.addi %sub3A_491, %get3A_484 : vector<16xi32>
    %add3A_493 = arith.addi %add3A_492, %add3A_477 : vector<16xi32>
    %add3A_494 = vector.broadcast %squeeze3A_489 : i32 to vector<16xi32>
    %add3A_495 = arith.addi %add3A_477, %add3A_494 : vector<16xi32>
    %gt3A_496 = arith.cmpi sgt, %add3A_493, %sub3A_346 : vector<16xi32>
    %all_reduce_population_count3A_497 = tpu.all_reduce %gt3A_496 {dim = 0 : i64, kind = #tpu.reduction_kind<sum>} : vector<16xi1> -> vector<16xi32>
    %add3A_498 = arith.addi %add3A_480, %all_reduce_population_count3A_497 : vector<16xi32>
    %select_n3A_499 = arith.select %gt3A_496, %broadcast_in_dim3A_10, %get3A_484 : vector<16xi1>, vector<16xi32>
    %add3A_500 = arith.addi %add3A_482, %select_n3A_499 : vector<16xi32>
    %get3A_501 = arith.constant 144 : index
    %get3A_502 = tpu.vector_load %arg12[%get3A_501] {strides = array<i32>} : memref<256xi32, #tpu.memory_space<vmem>>, vector<16xi32>,
    %broadcast_in_dim3A_503 = arith.constant true
    %broadcast_in_dim3A_504 = vector.broadcast %broadcast_in_dim3A_503 : i1 to vector<16xi1>
    %masked_cumsum3A_505 = tpu.scan <sum>, %get3A_502 masked %broadcast_in_dim3A_504 : vector<16xi32>, vector<16xi1> -> vector<16xi32>
    %slice3A_506 = vector.extract_strided_slice %masked_cumsum3A_505 {offsets = [15], sizes = [1], strides = [1]} : vector<16xi32> to vector<1xi32>
    %squeeze3A_507 = vector.extract %slice3A_506[0] : i32 from vector<1xi32>
    %sub3A_508 = vector.broadcast %squeeze3A_507 : i32 to vector<16xi32>
    %sub3A_509 = arith.subi %sub3A_508, %masked_cumsum3A_505 : vector<16xi32>
    %add3A_510 = arith.addi %sub3A_509, %get3A_502 : vector<16xi32>
    %add3A_511 = arith.addi %add3A_510, %add3A_495 : vector<16xi32>
    %add3A_512 = vector.broadcast %squeeze3A_507 : i32 to vector<16xi32>
    %add3A_513 = arith.addi %add3A_495, %add3A_512 : vector<16xi32>
    %gt3A_514 = arith.cmpi sgt, %add3A_511, %sub3A_346 : vector<16xi32>
    %all_reduce_population_count3A_515 = tpu.all_reduce %gt3A_514 {dim = 0 : i64, kind = #tpu.reduction_kind<sum>} : vector<16xi1> -> vector<16xi32>
    %add3A_516 = arith.addi %add3A_498, %all_reduce_population_count3A_515 : vector<16xi32>
    %select_n3A_517 = arith.select %gt3A_514, %broadcast_in_dim3A_10, %get3A_502 : vector<16xi1>, vector<16xi32>
    %add3A_518 = arith.addi %add3A_500, %select_n3A_517 : vector<16xi32>
    %get3A_519 = arith.constant 128 : index
    %get3A_520 = tpu.vector_load %arg12[%get3A_519] {strides = array<i32>} : memref<256xi32, #tpu.memory_space<vmem>>, vector<16xi32>,
    %broadcast_in_dim3A_521 = arith.constant true
    %broadcast_in_dim3A_522 = vector.broadcast %broadcast_in_dim3A_521 : i1 to vector<16xi1>
    %masked_cumsum3A_523 = tpu.scan <sum>, %get3A_520 masked %broadcast_in_dim3A_522 : vector<16xi32>, vector<16xi1> -> vector<16xi32>
    %slice3A_524 = vector.extract_strided_slice %masked_cumsum3A_523 {offsets = [15], sizes = [1], strides = [1]} : vector<16xi32> to vector<1xi32>
    %squeeze3A_525 = vector.extract %slice3A_524[0] : i32 from vector<1xi32>
    %sub3A_526 = vector.broadcast %squeeze3A_525 : i32 to vector<16xi32>
    %sub3A_527 = arith.subi %sub3A_526, %masked_cumsum3A_523 : vector<16xi32>
    %add3A_528 = arith.addi %sub3A_527, %get3A_520 : vector<16xi32>
    %add3A_529 = arith.addi %add3A_528, %add3A_513 : vector<16xi32>
    %add3A_530 = vector.broadcast %squeeze3A_525 : i32 to vector<16xi32>
    %add3A_531 = arith.addi %add3A_513, %add3A_530 : vector<16xi32>
    %gt3A_532 = arith.cmpi sgt, %add3A_529, %sub3A_346 : vector<16xi32>
    %all_reduce_population_count3A_533 = tpu.all_reduce %gt3A_532 {dim = 0 : i64, kind = #tpu.reduction_kind<sum>} : vector<16xi1> -> vector<16xi32>
    %add3A_534 = arith.addi %add3A_516, %all_reduce_population_count3A_533 : vector<16xi32>
    %select_n3A_535 = arith.select %gt3A_532, %broadcast_in_dim3A_10, %get3A_520 : vector<16xi1>, vector<16xi32>
    %add3A_536 = arith.addi %add3A_518, %select_n3A_535 : vector<16xi32>
    %get3A_537 = arith.constant 112 : index
    %get3A_538 = tpu.vector_load %arg12[%get3A_537] {strides = array<i32>} : memref<256xi32, #tpu.memory_space<vmem>>, vector<16xi32>,
    %broadcast_in_dim3A_539 = arith.constant true
    %broadcast_in_dim3A_540 = vector.broadcast %broadcast_in_dim3A_539 : i1 to vector<16xi1>
    %masked_cumsum3A_541 = tpu.scan <sum>, %get3A_538 masked %broadcast_in_dim3A_540 : vector<16xi32>, vector<16xi1> -> vector<16xi32>
    %slice3A_542 = vector.extract_strided_slice %masked_cumsum3A_541 {offsets = [15], sizes = [1], strides = [1]} : vector<16xi32> to vector<1xi32>
    %squeeze3A_543 = vector.extract %slice3A_542[0] : i32 from vector<1xi32>
    %sub3A_544 = vector.broadcast %squeeze3A_543 : i32 to vector<16xi32>
    %sub3A_545 = arith.subi %sub3A_544, %masked_cumsum3A_541 : vector<16xi32>
    %add3A_546 = arith.addi %sub3A_545, %get3A_538 : vector<16xi32>
    %add3A_547 = arith.addi %add3A_546, %add3A_531 : vector<16xi32>
    %add3A_548 = vector.broadcast %squeeze3A_543 : i32 to vector<16xi32>
    %add3A_549 = arith.addi %add3A_531, %add3A_548 : vector<16xi32>
    %gt3A_550 = arith.cmpi sgt, %add3A_547, %sub3A_346 : vector<16xi32>
    %all_reduce_population_count3A_551 = tpu.all_reduce %gt3A_550 {dim = 0 : i64, kind = #tpu.reduction_kind<sum>} : vector<16xi1> -> vector<16xi32>
    %add3A_552 = arith.addi %add3A_534, %all_reduce_population_count3A_551 : vector<16xi32>
    %select_n3A_553 = arith.select %gt3A_550, %broadcast_in_dim3A_10, %get3A_538 : vector<16xi1>, vector<16xi32>
    %add3A_554 = arith.addi %add3A_536, %select_n3A_553 : vector<16xi32>
    %get3A_555 = arith.constant 96 : index
    %get3A_556 = tpu.vector_load %arg12[%get3A_555] {strides = array<i32>} : memref<256xi32, #tpu.memory_space<vmem>>, vector<16xi32>,
    %broadcast_in_dim3A_557 = arith.constant true
    %broadcast_in_dim3A_558 = vector.broadcast %broadcast_in_dim3A_557 : i1 to vector<16xi1>
    %masked_cumsum3A_559 = tpu.scan <sum>, %get3A_556 masked %broadcast_in_dim3A_558 : vector<16xi32>, vector<16xi1> -> vector<16xi32>
    %slice3A_560 = vector.extract_strided_slice %masked_cumsum3A_559 {offsets = [15], sizes = [1], strides = [1]} : vector<16xi32> to vector<1xi32>
    %squeeze3A_561 = vector.extract %slice3A_560[0] : i32 from vector<1xi32>
    %sub3A_562 = vector.broadcast %squeeze3A_561 : i32 to vector<16xi32>
    %sub3A_563 = arith.subi %sub3A_562, %masked_cumsum3A_559 : vector<16xi32>
    %add3A_564 = arith.addi %sub3A_563, %get3A_556 : vector<16xi32>
    %add3A_565 = arith.addi %add3A_564, %add3A_549 : vector<16xi32>
    %add3A_566 = vector.broadcast %squeeze3A_561 : i32 to vector<16xi32>
    %add3A_567 = arith.addi %add3A_549, %add3A_566 : vector<16xi32>
    %gt3A_568 = arith.cmpi sgt, %add3A_565, %sub3A_346 : vector<16xi32>
    %all_reduce_population_count3A_569 = tpu.all_reduce %gt3A_568 {dim = 0 : i64, kind = #tpu.reduction_kind<sum>} : vector<16xi1> -> vector<16xi32>
    %add3A_570 = arith.addi %add3A_552, %all_reduce_population_count3A_569 : vector<16xi32>
    %select_n3A_571 = arith.select %gt3A_568, %broadcast_in_dim3A_10, %get3A_556 : vector<16xi1>, vector<16xi32>
    %add3A_572 = arith.addi %add3A_554, %select_n3A_571 : vector<16xi32>
    %get3A_573 = arith.constant 80 : index
    %get3A_574 = tpu.vector_load %arg12[%get3A_573] {strides = array<i32>} : memref<256xi32, #tpu.memory_space<vmem>>, vector<16xi32>,
    %broadcast_in_dim3A_575 = arith.constant true
    %broadcast_in_dim3A_576 = vector.broadcast %broadcast_in_dim3A_575 : i1 to vector<16xi1>
    %masked_cumsum3A_577 = tpu.scan <sum>, %get3A_574 masked %broadcast_in_dim3A_576 : vector<16xi32>, vector<16xi1> -> vector<16xi32>
    %slice3A_578 = vector.extract_strided_slice %masked_cumsum3A_577 {offsets = [15], sizes = [1], strides = [1]} : vector<16xi32> to vector<1xi32>
    %squeeze3A_579 = vector.extract %slice3A_578[0] : i32 from vector<1xi32>
    %sub3A_580 = vector.broadcast %squeeze3A_579 : i32 to vector<16xi32>
    %sub3A_581 = arith.subi %sub3A_580, %masked_cumsum3A_577 : vector<16xi32>
    %add3A_582 = arith.addi %sub3A_581, %get3A_574 : vector<16xi32>
    %add3A_583 = arith.addi %add3A_582, %add3A_567 : vector<16xi32>
    %add3A_584 = vector.broadcast %squeeze3A_579 : i32 to vector<16xi32>
    %add3A_585 = arith.addi %add3A_567, %add3A_584 : vector<16xi32>
    %gt3A_586 = arith.cmpi sgt, %add3A_583, %sub3A_346 : vector<16xi32>
    %all_reduce_population_count3A_587 = tpu.all_reduce %gt3A_586 {dim = 0 : i64, kind = #tpu.reduction_kind<sum>} : vector<16xi1> -> vector<16xi32>
    %add3A_588 = arith.addi %add3A_570, %all_reduce_population_count3A_587 : vector<16xi32>
    %select_n3A_589 = arith.select %gt3A_586, %broadcast_in_dim3A_10, %get3A_574 : vector<16xi1>, vector<16xi32>
    %add3A_590 = arith.addi %add3A_572, %select_n3A_589 : vector<16xi32>
    %get3A_591 = arith.constant 64 : index
    %get3A_592 = tpu.vector_load %arg12[%get3A_591] {strides = array<i32>} : memref<256xi32, #tpu.memory_space<vmem>>, vector<16xi32>,
    %broadcast_in_dim3A_593 = arith.constant true
    %broadcast_in_dim3A_594 = vector.broadcast %broadcast_in_dim3A_593 : i1 to vector<16xi1>
    %masked_cumsum3A_595 = tpu.scan <sum>, %get3A_592 masked %broadcast_in_dim3A_594 : vector<16xi32>, vector<16xi1> -> vector<16xi32>
    %slice3A_596 = vector.extract_strided_slice %masked_cumsum3A_595 {offsets = [15], sizes = [1], strides = [1]} : vector<16xi32> to vector<1xi32>
    %squeeze3A_597 = vector.extract %slice3A_596[0] : i32 from vector<1xi32>
    %sub3A_598 = vector.broadcast %squeeze3A_597 : i32 to vector<16xi32>
    %sub3A_599 = arith.subi %sub3A_598, %masked_cumsum3A_595 : vector<16xi32>
    %add3A_600 = arith.addi %sub3A_599, %get3A_592 : vector<16xi32>
    %add3A_601 = arith.addi %add3A_600, %add3A_585 : vector<16xi32>
    %add3A_602 = vector.broadcast %squeeze3A_597 : i32 to vector<16xi32>
    %add3A_603 = arith.addi %add3A_585, %add3A_602 : vector<16xi32>
    %gt3A_604 = arith.cmpi sgt, %add3A_601, %sub3A_346 : vector<16xi32>
    %all_reduce_population_count3A_605 = tpu.all_reduce %gt3A_604 {dim = 0 : i64, kind = #tpu.reduction_kind<sum>} : vector<16xi1> -> vector<16xi32>
    %add3A_606 = arith.addi %add3A_588, %all_reduce_population_count3A_605 : vector<16xi32>
    %select_n3A_607 = arith.select %gt3A_604, %broadcast_in_dim3A_10, %get3A_592 : vector<16xi1>, vector<16xi32>
    %add3A_608 = arith.addi %add3A_590, %select_n3A_607 : vector<16xi32>
    %get3A_609 = arith.constant 48 : index
    %get3A_610 = tpu.vector_load %arg12[%get3A_609] {strides = array<i32>} : memref<256xi32, #tpu.memory_space<vmem>>, vector<16xi32>,
    %broadcast_in_dim3A_611 = arith.constant true
    %broadcast_in_dim3A_612 = vector.broadcast %broadcast_in_dim3A_611 : i1 to vector<16xi1>
    %masked_cumsum3A_613 = tpu.scan <sum>, %get3A_610 masked %broadcast_in_dim3A_612 : vector<16xi32>, vector<16xi1> -> vector<16xi32>
    %slice3A_614 = vector.extract_strided_slice %masked_cumsum3A_613 {offsets = [15], sizes = [1], strides = [1]} : vector<16xi32> to vector<1xi32>
    %squeeze3A_615 = vector.extract %slice3A_614[0] : i32 from vector<1xi32>
    %sub3A_616 = vector.broadcast %squeeze3A_615 : i32 to vector<16xi32>
    %sub3A_617 = arith.subi %sub3A_616, %masked_cumsum3A_613 : vector<16xi32>
    %add3A_618 = arith.addi %sub3A_617, %get3A_610 : vector<16xi32>
    %add3A_619 = arith.addi %add3A_618, %add3A_603 : vector<16xi32>
    %add3A_620 = vector.broadcast %squeeze3A_615 : i32 to vector<16xi32>
    %add3A_621 = arith.addi %add3A_603, %add3A_620 : vector<16xi32>
    %gt3A_622 = arith.cmpi sgt, %add3A_619, %sub3A_346 : vector<16xi32>
    %all_reduce_population_count3A_623 = tpu.all_reduce %gt3A_622 {dim = 0 : i64, kind = #tpu.reduction_kind<sum>} : vector<16xi1> -> vector<16xi32>
    %add3A_624 = arith.addi %add3A_606, %all_reduce_population_count3A_623 : vector<16xi32>
    %select_n3A_625 = arith.select %gt3A_622, %broadcast_in_dim3A_10, %get3A_610 : vector<16xi1>, vector<16xi32>
    %add3A_626 = arith.addi %add3A_608, %select_n3A_625 : vector<16xi32>
    %get3A_627 = arith.constant 32 : index
    %get3A_628 = tpu.vector_load %arg12[%get3A_627] {strides = array<i32>} : memref<256xi32, #tpu.memory_space<vmem>>, vector<16xi32>,
    %broadcast_in_dim3A_629 = arith.constant true
    %broadcast_in_dim3A_630 = vector.broadcast %broadcast_in_dim3A_629 : i1 to vector<16xi1>
    %masked_cumsum3A_631 = tpu.scan <sum>, %get3A_628 masked %broadcast_in_dim3A_630 : vector<16xi32>, vector<16xi1> -> vector<16xi32>
    %slice3A_632 = vector.extract_strided_slice %masked_cumsum3A_631 {offsets = [15], sizes = [1], strides = [1]} : vector<16xi32> to vector<1xi32>
    %squeeze3A_633 = vector.extract %slice3A_632[0] : i32 from vector<1xi32>
    %sub3A_634 = vector.broadcast %squeeze3A_633 : i32 to vector<16xi32>
    %sub3A_635 = arith.subi %sub3A_634, %masked_cumsum3A_631 : vector<16xi32>
    %add3A_636 = arith.addi %sub3A_635, %get3A_628 : vector<16xi32>
    %add3A_637 = arith.addi %add3A_636, %add3A_621 : vector<16xi32>
    %add3A_638 = vector.broadcast %squeeze3A_633 : i32 to vector<16xi32>
    %add3A_639 = arith.addi %add3A_621, %add3A_638 : vector<16xi32>
    %gt3A_640 = arith.cmpi sgt, %add3A_637, %sub3A_346 : vector<16xi32>
    %all_reduce_population_count3A_641 = tpu.all_reduce %gt3A_640 {dim = 0 : i64, kind = #tpu.reduction_kind<sum>} : vector<16xi1> -> vector<16xi32>
    %add3A_642 = arith.addi %add3A_624, %all_reduce_population_count3A_641 : vector<16xi32>
    %select_n3A_643 = arith.select %gt3A_640, %broadcast_in_dim3A_10, %get3A_628 : vector<16xi1>, vector<16xi32>
    %add3A_644 = arith.addi %add3A_626, %select_n3A_643 : vector<16xi32>
    %get3A_645 = arith.constant 16 : index
    %get3A_646 = tpu.vector_load %arg12[%get3A_645] {strides = array<i32>} : memref<256xi32, #tpu.memory_space<vmem>>, vector<16xi32>,
    %broadcast_in_dim3A_647 = arith.constant true
    %broadcast_in_dim3A_648 = vector.broadcast %broadcast_in_dim3A_647 : i1 to vector<16xi1>
    %masked_cumsum3A_649 = tpu.scan <sum>, %get3A_646 masked %broadcast_in_dim3A_648 : vector<16xi32>, vector<16xi1> -> vector<16xi32>
    %slice3A_650 = vector.extract_strided_slice %masked_cumsum3A_649 {offsets = [15], sizes = [1], strides = [1]} : vector<16xi32> to vector<1xi32>
    %squeeze3A_651 = vector.extract %slice3A_650[0] : i32 from vector<1xi32>
    %sub3A_652 = vector.broadcast %squeeze3A_651 : i32 to vector<16xi32>
    %sub3A_653 = arith.subi %sub3A_652, %masked_cumsum3A_649 : vector<16xi32>
    %add3A_654 = arith.addi %sub3A_653, %get3A_646 : vector<16xi32>
    %add3A_655 = arith.addi %add3A_654, %add3A_639 : vector<16xi32>
    %add3A_656 = vector.broadcast %squeeze3A_651 : i32 to vector<16xi32>
    %add3A_657 = arith.addi %add3A_639, %add3A_656 : vector<16xi32>
    %gt3A_658 = arith.cmpi sgt, %add3A_655, %sub3A_346 : vector<16xi32>
    %all_reduce_population_count3A_659 = tpu.all_reduce %gt3A_658 {dim = 0 : i64, kind = #tpu.reduction_kind<sum>} : vector<16xi1> -> vector<16xi32>
    %add3A_660 = arith.addi %add3A_642, %all_reduce_population_count3A_659 : vector<16xi32>
    %select_n3A_661 = arith.select %gt3A_658, %broadcast_in_dim3A_10, %get3A_646 : vector<16xi1>, vector<16xi32>
    %add3A_662 = arith.addi %add3A_644, %select_n3A_661 : vector<16xi32>
    %get3A_663 = arith.constant 0 : index
    %get3A_664 = tpu.vector_load %arg12[%get3A_663] {strides = array<i32>} : memref<256xi32, #tpu.memory_space<vmem>>, vector<16xi32>,
    %broadcast_in_dim3A_665 = arith.constant true
    %broadcast_in_dim3A_666 = vector.broadcast %broadcast_in_dim3A_665 : i1 to vector<16xi1>
    %masked_cumsum3A_667 = tpu.scan <sum>, %get3A_664 masked %broadcast_in_dim3A_666 : vector<16xi32>, vector<16xi1> -> vector<16xi32>
    %slice3A_668 = vector.extract_strided_slice %masked_cumsum3A_667 {offsets = [15], sizes = [1], strides = [1]} : vector<16xi32> to vector<1xi32>
    %squeeze3A_669 = vector.extract %slice3A_668[0] : i32 from vector<1xi32>
    %sub3A_670 = vector.broadcast %squeeze3A_669 : i32 to vector<16xi32>
    %sub3A_671 = arith.subi %sub3A_670, %masked_cumsum3A_667 : vector<16xi32>
    %add3A_672 = arith.addi %sub3A_671, %get3A_664 : vector<16xi32>
    %add3A_673 = arith.addi %add3A_672, %add3A_657 : vector<16xi32>
    %add3A_674 = vector.broadcast %squeeze3A_669 : i32 to vector<16xi32>
    %add3A_675 = arith.addi %add3A_657, %add3A_674 : vector<16xi32>
    %gt3A_676 = arith.cmpi sgt, %add3A_673, %sub3A_346 : vector<16xi32>
    %all_reduce_population_count3A_677 = tpu.all_reduce %gt3A_676 {dim = 0 : i64, kind = #tpu.reduction_kind<sum>} : vector<16xi1> -> vector<16xi32>
    %add3A_678 = arith.addi %add3A_660, %all_reduce_population_count3A_677 : vector<16xi32>
    %select_n3A_679 = arith.select %gt3A_676, %broadcast_in_dim3A_10, %get3A_664 : vector<16xi1>, vector<16xi32>
    %add3A_680 = arith.addi %add3A_662, %select_n3A_679 : vector<16xi32>
    %slice3A_681 = vector.extract_strided_slice %add3A_678 {offsets = [0], sizes = [1], strides = [1]} : vector<16xi32> to vector<1xi32>
    %squeeze3A_682 = vector.extract %slice3A_681[0] : i32 from vector<1xi32>
    %sub3A_683 = arith.constant 1 : i32
    %sub3A_684 = arith.subi %squeeze3A_682, %sub3A_683 : i32
    %reduce_sum3A_685 = arith.constant true
    %reduce_sum3A_686 = vector.broadcast %reduce_sum3A_685 : i1 to vector<16xi1>
    %reduce_sum3A_687 = tpu.scan <sum>, %add3A_680 masked %reduce_sum3A_686 : vector<16xi32>, vector<16xi1> -> vector<16xi32>
    %reduce_sum3A_688 = vector.extract %reduce_sum3A_687[15] : i32 from vector<16xi32>
    %sub3A_689 = vector.broadcast %reduce_sum3A_688 : i32 to vector<16xi32>
    %sub3A_690 = arith.subi %sub3A_346, %sub3A_689 : vector<16xi32>
    %mul3A_691 = arith.constant 256 : i32
    %mul3A_692 = arith.muli %add3A_350, %mul3A_691 : i32
    %add3A_693 = arith.addi %mul3A_692, %sub3A_684 : i32
    %broadcast_in_dim3A_694 = arith.constant 8 : i32
    %broadcast_in_dim3A_695 = vector.broadcast %broadcast_in_dim3A_694 : i32 to vector<16xi32>
    %broadcast_in_dim3A_696 = arith.constant 8 : i32
    %broadcast_in_dim3A_697 = vector.broadcast %broadcast_in_dim3A_696 : i32 to vector<16xi32>
    %broadcast_in_dim3A_698 = vector.broadcast %add3A_693 : i32 to vector<16xi32>
    %scan3A_699 = arith.constant 0 : i32
    %scan3A_700 = arith.constant 0 : i32
    %scan3A_701 = arith.constant 64 : i32
    %scan3A_702 = arith.addi %scan3A_700, %scan3A_701 : i32
    %scan3A_703 = arith.constant 1 : i32
    %scan3A_704 = scf.for %scan3A_1435 = %scan3A_700 to %scan3A_702 step %scan3A_703 iter_args(%scan3A_1436 = %scan3A_699) -> (i32)  : i32 {
      %mul3A_1437 = arith.constant 64 : i32
      %mul3A_1438 = arith.muli %scan3A_1435, %mul3A_1437 : i32
      %add3A_1439 = arith.constant 0 : i32
      %add3A_1440 = arith.addi %mul3A_1438, %add3A_1439 : i32
      %swap3A = arith.index_cast %add3A_1440 : i32 to index
      %swap3A_1441 = tpu.vector_load %arg11[%swap3A] {strides = array<i32>} : memref<4096xi32, #tpu.memory_space<vmem>>, vector<16xi32>,
      tpu.vector_store %arg11[%swap3A], %broadcast_in_dim3A_10 {strides = array<i32>} : memref<4096xi32, #tpu.memory_space<vmem>>, vector<16xi32>,
      %mul3A_1442 = arith.constant 64 : i32
      %mul3A_1443 = arith.muli %scan3A_1435, %mul3A_1442 : i32
      %add3A_1444 = arith.constant 16 : i32
      %add3A_1445 = arith.addi %mul3A_1443, %add3A_1444 : i32
      %swap3A_1446 = arith.index_cast %add3A_1445 : i32 to index
      %swap3A_1447 = tpu.vector_load %arg11[%swap3A_1446] {strides = array<i32>} : memref<4096xi32, #tpu.memory_space<vmem>>, vector<16xi32>,
      tpu.vector_store %arg11[%swap3A_1446], %broadcast_in_dim3A_10 {strides = array<i32>} : memref<4096xi32, #tpu.memory_space<vmem>>, vector<16xi32>,
      %mul3A_1448 = arith.constant 64 : i32
      %mul3A_1449 = arith.muli %scan3A_1435, %mul3A_1448 : i32
      %add3A_1450 = arith.constant 32 : i32
      %add3A_1451 = arith.addi %mul3A_1449, %add3A_1450 : i32
      %swap3A_1452 = arith.index_cast %add3A_1451 : i32 to index
      %swap3A_1453 = tpu.vector_load %arg11[%swap3A_1452] {strides = array<i32>} : memref<4096xi32, #tpu.memory_space<vmem>>, vector<16xi32>,
      tpu.vector_store %arg11[%swap3A_1452], %broadcast_in_dim3A_10 {strides = array<i32>} : memref<4096xi32, #tpu.memory_space<vmem>>, vector<16xi32>,
      %mul3A_1454 = arith.constant 64 : i32
      %mul3A_1455 = arith.muli %scan3A_1435, %mul3A_1454 : i32
      %add3A_1456 = arith.constant 48 : i32
      %add3A_1457 = arith.addi %mul3A_1455, %add3A_1456 : i32
      %swap3A_1458 = arith.index_cast %add3A_1457 : i32 to index
      %swap3A_1459 = tpu.vector_load %arg11[%swap3A_1458] {strides = array<i32>} : memref<4096xi32, #tpu.memory_space<vmem>>, vector<16xi32>,
      tpu.vector_store %arg11[%swap3A_1458], %broadcast_in_dim3A_10 {strides = array<i32>} : memref<4096xi32, #tpu.memory_space<vmem>>, vector<16xi32>,
      %scan3A_1460 = arith.constant 0 : i32
      scf.yield %scan3A_1460 : i32
    }
    %scan3A_705 = arith.constant 64 : i32
    %scan3A_706 = arith.constant 0 : i32
    %scan3A_707 = arith.constant 0 : i32
    %scan3A_708 = arith.constant 250 : i32
    %scan3A_709 = arith.addi %scan3A_707, %scan3A_708 : i32
    %scan3A_710 = arith.constant 1 : i32
    %scan3A_711 = scf.for %scan3A_1435 = %scan3A_707 to %scan3A_709 step %scan3A_710 iter_args(%scan3A_1436 = %scan3A_706) -> (i32)  : i32 {
      %mul3A_1437 = arith.constant 80 : i32
      %mul3A_1438 = arith.muli %scan3A_1435, %mul3A_1437 : i32
      %add3A_1439 = arith.constant 0 : i32
      %add3A_1440 = arith.addi %mul3A_1438, %add3A_1439 : i32
      %get3A_1441 = arith.index_cast %add3A_1440 : i32 to index
      %get3A_1442 = tpu.vector_load %arg8[%get3A_1441] {strides = array<i32>} : memref<20000xf32, #tpu.memory_space<vmem>>, vector<16xf32>,
      %bitcast3A_1443 = vector.bitcast %get3A_1442 : vector<16xf32> to vector<16xi32>
      %shift_right_logical3A = arith.shrui %bitcast3A_1443, %broadcast_in_dim3A_695 : vector<16xi32>
      %and3A = arith.constant 255 : i32
      %and3A_1444 = vector.broadcast %and3A : i32 to vector<16xi32>
      %and3A_1445 = arith.andi %shift_right_logical3A, %and3A_1444 : vector<16xi32>
      %add3A_1446 = arith.addi %mul3A_7, %and3A_1445 : vector<16xi32>
      %shift_right_logical3A_1447 = arith.shrui %shift_right_logical3A, %broadcast_in_dim3A_697 : vector<16xi32>
      %eq3A = arith.cmpi eq, %shift_right_logical3A_1447, %broadcast_in_dim3A_698 : vector<16xi32>
      tpu.vector_store_idx %arg11[%add3A_1446], %broadcast_in_dim3A_8 masked %eq3A {add = true} : memref<4096xi32, #tpu.memory_space<vmem>>[vector<16xi32>], vector<16xi32>, vector<16xi1>
      %mul3A_1448 = arith.constant 80 : i32
      %mul3A_1449 = arith.muli %scan3A_1435, %mul3A_1448 : i32
      %add3A_1450 = arith.constant 16 : i32
      %add3A_1451 = arith.addi %mul3A_1449, %add3A_1450 : i32
      %get3A_1452 = arith.index_cast %add3A_1451 : i32 to index
      %get3A_1453 = tpu.vector_load %arg8[%get3A_1452] {strides = array<i32>} : memref<20000xf32, #tpu.memory_space<vmem>>, vector<16xf32>,
      %bitcast3A_1454 = vector.bitcast %get3A_1453 : vector<16xf32> to vector<16xi32>
      %shift_right_logical3A_1455 = arith.shrui %bitcast3A_1454, %broadcast_in_dim3A_695 : vector<16xi32>
      %and3A_1456 = arith.constant 255 : i32
      %and3A_1457 = vector.broadcast %and3A_1456 : i32 to vector<16xi32>
      %and3A_1458 = arith.andi %shift_right_logical3A_1455, %and3A_1457 : vector<16xi32>
      %add3A_1459 = arith.addi %mul3A_7, %and3A_1458 : vector<16xi32>
      %shift_right_logical3A_1460 = arith.shrui %shift_right_logical3A_1455, %broadcast_in_dim3A_697 : vector<16xi32>
      %eq3A_1461 = arith.cmpi eq, %shift_right_logical3A_1460, %broadcast_in_dim3A_698 : vector<16xi32>
      tpu.vector_store_idx %arg11[%add3A_1459], %broadcast_in_dim3A_8 masked %eq3A_1461 {add = true} : memref<4096xi32, #tpu.memory_space<vmem>>[vector<16xi32>], vector<16xi32>, vector<16xi1>
      %mul3A_1462 = arith.constant 80 : i32
      %mul3A_1463 = arith.muli %scan3A_1435, %mul3A_1462 : i32
      %add3A_1464 = arith.constant 32 : i32
      %add3A_1465 = arith.addi %mul3A_1463, %add3A_1464 : i32
      %get3A_1466 = arith.index_cast %add3A_1465 : i32 to index
      %get3A_1467 = tpu.vector_load %arg8[%get3A_1466] {strides = array<i32>} : memref<20000xf32, #tpu.memory_space<vmem>>, vector<16xf32>,
      %bitcast3A_1468 = vector.bitcast %get3A_1467 : vector<16xf32> to vector<16xi32>
      %shift_right_logical3A_1469 = arith.shrui %bitcast3A_1468, %broadcast_in_dim3A_695 : vector<16xi32>
      %and3A_1470 = arith.constant 255 : i32
      %and3A_1471 = vector.broadcast %and3A_1470 : i32 to vector<16xi32>
      %and3A_1472 = arith.andi %shift_right_logical3A_1469, %and3A_1471 : vector<16xi32>
      %add3A_1473 = arith.addi %mul3A_7, %and3A_1472 : vector<16xi32>
      %shift_right_logical3A_1474 = arith.shrui %shift_right_logical3A_1469, %broadcast_in_dim3A_697 : vector<16xi32>
      %eq3A_1475 = arith.cmpi eq, %shift_right_logical3A_1474, %broadcast_in_dim3A_698 : vector<16xi32>
      tpu.vector_store_idx %arg11[%add3A_1473], %broadcast_in_dim3A_8 masked %eq3A_1475 {add = true} : memref<4096xi32, #tpu.memory_space<vmem>>[vector<16xi32>], vector<16xi32>, vector<16xi1>
      %mul3A_1476 = arith.constant 80 : i32
      %mul3A_1477 = arith.muli %scan3A_1435, %mul3A_1476 : i32
      %add3A_1478 = arith.constant 48 : i32
      %add3A_1479 = arith.addi %mul3A_1477, %add3A_1478 : i32
      %get3A_1480 = arith.index_cast %add3A_1479 : i32 to index
      %get3A_1481 = tpu.vector_load %arg8[%get3A_1480] {strides = array<i32>} : memref<20000xf32, #tpu.memory_space<vmem>>, vector<16xf32>,
      %bitcast3A_1482 = vector.bitcast %get3A_1481 : vector<16xf32> to vector<16xi32>
      %shift_right_logical3A_1483 = arith.shrui %bitcast3A_1482, %broadcast_in_dim3A_695 : vector<16xi32>
      %and3A_1484 = arith.constant 255 : i32
      %and3A_1485 = vector.broadcast %and3A_1484 : i32 to vector<16xi32>
      %and3A_1486 = arith.andi %shift_right_logical3A_1483, %and3A_1485 : vector<16xi32>
      %add3A_1487 = arith.addi %mul3A_7, %and3A_1486 : vector<16xi32>
      %shift_right_logical3A_1488 = arith.shrui %shift_right_logical3A_1483, %broadcast_in_dim3A_697 : vector<16xi32>
      %eq3A_1489 = arith.cmpi eq, %shift_right_logical3A_1488, %broadcast_in_dim3A_698 : vector<16xi32>
      tpu.vector_store_idx %arg11[%add3A_1487], %broadcast_in_dim3A_8 masked %eq3A_1489 {add = true} : memref<4096xi32, #tpu.memory_space<vmem>>[vector<16xi32>], vector<16xi32>, vector<16xi1>
      %mul3A_1490 = arith.constant 80 : i32
      %mul3A_1491 = arith.muli %scan3A_1435, %mul3A_1490 : i32
      %add3A_1492 = arith.constant 64 : i32
      %add3A_1493 = arith.addi %mul3A_1491, %add3A_1492 : i32
      %get3A_1494 = arith.index_cast %add3A_1493 : i32 to index
      %get3A_1495 = tpu.vector_load %arg8[%get3A_1494] {strides = array<i32>} : memref<20000xf32, #tpu.memory_space<vmem>>, vector<16xf32>,
      %bitcast3A_1496 = vector.bitcast %get3A_1495 : vector<16xf32> to vector<16xi32>
      %shift_right_logical3A_1497 = arith.shrui %bitcast3A_1496, %broadcast_in_dim3A_695 : vector<16xi32>
      %and3A_1498 = arith.constant 255 : i32
      %and3A_1499 = vector.broadcast %and3A_1498 : i32 to vector<16xi32>
      %and3A_1500 = arith.andi %shift_right_logical3A_1497, %and3A_1499 : vector<16xi32>
      %add3A_1501 = arith.addi %mul3A_7, %and3A_1500 : vector<16xi32>
      %shift_right_logical3A_1502 = arith.shrui %shift_right_logical3A_1497, %broadcast_in_dim3A_697 : vector<16xi32>
      %eq3A_1503 = arith.cmpi eq, %shift_right_logical3A_1502, %broadcast_in_dim3A_698 : vector<16xi32>
      tpu.vector_store_idx %arg11[%add3A_1501], %broadcast_in_dim3A_8 masked %eq3A_1503 {add = true} : memref<4096xi32, #tpu.memory_space<vmem>>[vector<16xi32>], vector<16xi32>, vector<16xi1>
      %scan3A_1504 = arith.constant 0 : i32
      scf.yield %scan3A_1504 : i32
    }
    %scan3A_712 = arith.constant 250 : i32
    %scan3A_713 = arith.constant 0 : i32
    %scan3A_714 = arith.constant 0 : i32
    %scan3A_715 = arith.constant 16 : i32
    %scan3A_716 = arith.addi %scan3A_714, %scan3A_715 : i32
    %scan3A_717 = arith.constant 1 : i32
    %scan3A_718 = scf.for %scan3A_1435 = %scan3A_714 to %scan3A_716 step %scan3A_717 iter_args(%scan3A_1436 = %scan3A_713) -> (i32)  : i32 {
      %mul3A_1437 = arith.constant 16 : i32
      %mul3A_1438 = arith.muli %scan3A_1435, %mul3A_1437 : i32
      %get3A_1439 = arith.index_cast %mul3A_1438 : i32 to index
      %get3A_1440 = tpu.vector_load %arg11[%get3A_1439] {strides = array<i32>} : memref<4096xi32, #tpu.memory_space<vmem>>, vector<16xi32>,
      %mul3A_1441 = arith.constant 16 : i32
      %mul3A_1442 = arith.muli %scan3A_1435, %mul3A_1441 : i32
      %add3A_1443 = arith.constant 256 : i32
      %add3A_1444 = arith.addi %add3A_1443, %mul3A_1442 : i32
      %get3A_1445 = arith.index_cast %add3A_1444 : i32 to index
      %get3A_1446 = tpu.vector_load %arg11[%get3A_1445] {strides = array<i32>} : memref<4096xi32, #tpu.memory_space<vmem>>, vector<16xi32>,
      %add3A_1447 = arith.addi %get3A_1440, %get3A_1446 : vector<16xi32>
      %mul3A_1448 = arith.constant 16 : i32
      %mul3A_1449 = arith.muli %scan3A_1435, %mul3A_1448 : i32
      %add3A_1450 = arith.constant 512 : i32
      %add3A_1451 = arith.addi %add3A_1450, %mul3A_1449 : i32
      %get3A_1452 = arith.index_cast %add3A_1451 : i32 to index
      %get3A_1453 = tpu.vector_load %arg11[%get3A_1452] {strides = array<i32>} : memref<4096xi32, #tpu.memory_space<vmem>>, vector<16xi32>,
      %add3A_1454 = arith.addi %add3A_1447, %get3A_1453 : vector<16xi32>
      %mul3A_1455 = arith.constant 16 : i32
      %mul3A_1456 = arith.muli %scan3A_1435, %mul3A_1455 : i32
      %add3A_1457 = arith.constant 768 : i32
      %add3A_1458 = arith.addi %add3A_1457, %mul3A_1456 : i32
      %get3A_1459 = arith.index_cast %add3A_1458 : i32 to index
      %get3A_1460 = tpu.vector_load %arg11[%get3A_1459] {strides = array<i32>} : memref<4096xi32, #tpu.memory_space<vmem>>, vector<16xi32>,
      %add3A_1461 = arith.addi %add3A_1454, %get3A_1460 : vector<16xi32>
      %mul3A_1462 = arith.constant 16 : i32
      %mul3A_1463 = arith.muli %scan3A_1435, %mul3A_1462 : i32
      %add3A_1464 = arith.constant 1024 : i32
      %add3A_1465 = arith.addi %add3A_1464, %mul3A_1463 : i32
      %get3A_1466 = arith.index_cast %add3A_1465 : i32 to index
      %get3A_1467 = tpu.vector_load %arg11[%get3A_1466] {strides = array<i32>} : memref<4096xi32, #tpu.memory_space<vmem>>, vector<16xi32>,
      %add3A_1468 = arith.addi %add3A_1461, %get3A_1467 : vector<16xi32>
      %mul3A_1469 = arith.constant 16 : i32
      %mul3A_1470 = arith.muli %scan3A_1435, %mul3A_1469 : i32
      %add3A_1471 = arith.constant 1280 : i32
      %add3A_1472 = arith.addi %add3A_1471, %mul3A_1470 : i32
      %get3A_1473 = arith.index_cast %add3A_1472 : i32 to index
      %get3A_1474 = tpu.vector_load %arg11[%get3A_1473] {strides = array<i32>} : memref<4096xi32, #tpu.memory_space<vmem>>, vector<16xi32>,
      %add3A_1475 = arith.addi %add3A_1468, %get3A_1474 : vector<16xi32>
      %mul3A_1476 = arith.constant 16 : i32
      %mul3A_1477 = arith.muli %scan3A_1435, %mul3A_1476 : i32
      %add3A_1478 = arith.constant 1536 : i32
      %add3A_1479 = arith.addi %add3A_1478, %mul3A_1477 : i32
      %get3A_1480 = arith.index_cast %add3A_1479 : i32 to index
      %get3A_1481 = tpu.vector_load %arg11[%get3A_1480] {strides = array<i32>} : memref<4096xi32, #tpu.memory_space<vmem>>, vector<16xi32>,
      %add3A_1482 = arith.addi %add3A_1475, %get3A_1481 : vector<16xi32>
      %mul3A_1483 = arith.constant 16 : i32
      %mul3A_1484 = arith.muli %scan3A_1435, %mul3A_1483 : i32
      %add3A_1485 = arith.constant 1792 : i32
      %add3A_1486 = arith.addi %add3A_1485, %mul3A_1484 : i32
      %get3A_1487 = arith.index_cast %add3A_1486 : i32 to index
      %get3A_1488 = tpu.vector_load %arg11[%get3A_1487] {strides = array<i32>} : memref<4096xi32, #tpu.memory_space<vmem>>, vector<16xi32>,
      %add3A_1489 = arith.addi %add3A_1482, %get3A_1488 : vector<16xi32>
      %mul3A_1490 = arith.constant 16 : i32
      %mul3A_1491 = arith.muli %scan3A_1435, %mul3A_1490 : i32
      %add3A_1492 = arith.constant 2048 : i32
      %add3A_1493 = arith.addi %add3A_1492, %mul3A_1491 : i32
      %get3A_1494 = arith.index_cast %add3A_1493 : i32 to index
      %get3A_1495 = tpu.vector_load %arg11[%get3A_1494] {strides = array<i32>} : memref<4096xi32, #tpu.memory_space<vmem>>, vector<16xi32>,
      %add3A_1496 = arith.addi %add3A_1489, %get3A_1495 : vector<16xi32>
      %mul3A_1497 = arith.constant 16 : i32
      %mul3A_1498 = arith.muli %scan3A_1435, %mul3A_1497 : i32
      %add3A_1499 = arith.constant 2304 : i32
      %add3A_1500 = arith.addi %add3A_1499, %mul3A_1498 : i32
      %get3A_1501 = arith.index_cast %add3A_1500 : i32 to index
      %get3A_1502 = tpu.vector_load %arg11[%get3A_1501] {strides = array<i32>} : memref<4096xi32, #tpu.memory_space<vmem>>, vector<16xi32>,
      %add3A_1503 = arith.addi %add3A_1496, %get3A_1502 : vector<16xi32>
      %mul3A_1504 = arith.constant 16 : i32
      %mul3A_1505 = arith.muli %scan3A_1435, %mul3A_1504 : i32
      %add3A_1506 = arith.constant 2560 : i32
      %add3A_1507 = arith.addi %add3A_1506, %mul3A_1505 : i32
      %get3A_1508 = arith.index_cast %add3A_1507 : i32 to index
      %get3A_1509 = tpu.vector_load %arg11[%get3A_1508] {strides = array<i32>} : memref<4096xi32, #tpu.memory_space<vmem>>, vector<16xi32>,
      %add3A_1510 = arith.addi %add3A_1503, %get3A_1509 : vector<16xi32>
      %mul3A_1511 = arith.constant 16 : i32
      %mul3A_1512 = arith.muli %scan3A_1435, %mul3A_1511 : i32
      %add3A_1513 = arith.constant 2816 : i32
      %add3A_1514 = arith.addi %add3A_1513, %mul3A_1512 : i32
      %get3A_1515 = arith.index_cast %add3A_1514 : i32 to index
      %get3A_1516 = tpu.vector_load %arg11[%get3A_1515] {strides = array<i32>} : memref<4096xi32, #tpu.memory_space<vmem>>, vector<16xi32>,
      %add3A_1517 = arith.addi %add3A_1510, %get3A_1516 : vector<16xi32>
      %mul3A_1518 = arith.constant 16 : i32
      %mul3A_1519 = arith.muli %scan3A_1435, %mul3A_1518 : i32
      %add3A_1520 = arith.constant 3072 : i32
      %add3A_1521 = arith.addi %add3A_1520, %mul3A_1519 : i32
      %get3A_1522 = arith.index_cast %add3A_1521 : i32 to index
      %get3A_1523 = tpu.vector_load %arg11[%get3A_1522] {strides = array<i32>} : memref<4096xi32, #tpu.memory_space<vmem>>, vector<16xi32>,
      %add3A_1524 = arith.addi %add3A_1517, %get3A_1523 : vector<16xi32>
      %mul3A_1525 = arith.constant 16 : i32
      %mul3A_1526 = arith.muli %scan3A_1435, %mul3A_1525 : i32
      %add3A_1527 = arith.constant 3328 : i32
      %add3A_1528 = arith.addi %add3A_1527, %mul3A_1526 : i32
      %get3A_1529 = arith.index_cast %add3A_1528 : i32 to index
      %get3A_1530 = tpu.vector_load %arg11[%get3A_1529] {strides = array<i32>} : memref<4096xi32, #tpu.memory_space<vmem>>, vector<16xi32>,
      %add3A_1531 = arith.addi %add3A_1524, %get3A_1530 : vector<16xi32>
      %mul3A_1532 = arith.constant 16 : i32
      %mul3A_1533 = arith.muli %scan3A_1435, %mul3A_1532 : i32
      %add3A_1534 = arith.constant 3584 : i32
      %add3A_1535 = arith.addi %add3A_1534, %mul3A_1533 : i32
      %get3A_1536 = arith.index_cast %add3A_1535 : i32 to index
      %get3A_1537 = tpu.vector_load %arg11[%get3A_1536] {strides = array<i32>} : memref<4096xi32, #tpu.memory_space<vmem>>, vector<16xi32>,
      %add3A_1538 = arith.addi %add3A_1531, %get3A_1537 : vector<16xi32>
      %mul3A_1539 = arith.constant 16 : i32
      %mul3A_1540 = arith.muli %scan3A_1435, %mul3A_1539 : i32
      %add3A_1541 = arith.constant 3840 : i32
      %add3A_1542 = arith.addi %add3A_1541, %mul3A_1540 : i32
      %get3A_1543 = arith.index_cast %add3A_1542 : i32 to index
      %get3A_1544 = tpu.vector_load %arg11[%get3A_1543] {strides = array<i32>} : memref<4096xi32, #tpu.memory_space<vmem>>, vector<16xi32>,
      %add3A_1545 = arith.addi %add3A_1538, %get3A_1544 : vector<16xi32>
      %mul3A_1546 = arith.constant 16 : i32
      %mul3A_1547 = arith.muli %scan3A_1435, %mul3A_1546 : i32
      %swap3A = arith.index_cast %mul3A_1547 : i32 to index
      %swap3A_1548 = tpu.vector_load %arg12[%swap3A] {strides = array<i32>} : memref<256xi32, #tpu.memory_space<vmem>>, vector<16xi32>,
      tpu.vector_store %arg12[%swap3A], %add3A_1545 {strides = array<i32>} : memref<256xi32, #tpu.memory_space<vmem>>, vector<16xi32>,
      %scan3A_1549 = arith.constant 0 : i32
      scf.yield %scan3A_1549 : i32
    }
    %scan3A_719 = arith.constant 16 : i32
    %run_scoped3A_720 = arith.constant 2 : i32
    "tpu.region"() ({
      %run_scoped3A_1435 = tpu.sem_alloc : memref<!tpu.dma_semaphore, #tpu.memory_space<semaphore_mem>>
      %dma_start3A_1436 = arith.constant 0 : i32
      %dma_start3A_1437 = tpu.memref_slice %arg18[%run_scoped3A_720, %arg1, %dma_start3A_1436] : memref<4x16x256xi32, #tpu.memory_space<vmem_shared>> -> memref<1x1x256xi32, #tpu.memory_space<vmem_shared>>
      %dma_start3A_1438 = tpu.memref_squeeze %dma_start3A_1437 : memref<1x1x256xi32, #tpu.memory_space<vmem_shared>> -> memref<256xi32, #tpu.memory_space<vmem_shared>>
      %dma_start3A_1439 = arith.constant 0 : i32
      %dma_start3A_1440 = tpu.memref_slice %arg18[%run_scoped3A_720, %arg1, %dma_start3A_1439] : memref<4x16x256xi32, #tpu.memory_space<vmem_shared>> -> memref<1x1x256xi32, #tpu.memory_space<vmem_shared>>
      %dma_start3A_1441 = tpu.memref_squeeze %dma_start3A_1440 : memref<1x1x256xi32, #tpu.memory_space<vmem_shared>> -> memref<256xi32, #tpu.memory_space<vmem_shared>>
      tpu.enqueue_dma source(%arg12 : memref<256xi32, #tpu.memory_space<vmem>>) target(%dma_start3A_1441 : memref<256xi32, #tpu.memory_space<vmem_shared>>) target_semaphore(%run_scoped3A_1435 : memref<!tpu.dma_semaphore, #tpu.memory_space<semaphore_mem>>)
      %dma_wait3A_1442 = arith.constant 0 : i32
      %dma_wait3A_1443 = tpu.memref_slice %arg18[%run_scoped3A_720, %arg1, %dma_wait3A_1442] : memref<4x16x256xi32, #tpu.memory_space<vmem_shared>> -> memref<1x1x256xi32, #tpu.memory_space<vmem_shared>>
      %dma_wait3A_1444 = tpu.memref_squeeze %dma_wait3A_1443 : memref<1x1x256xi32, #tpu.memory_space<vmem_shared>> -> memref<256xi32, #tpu.memory_space<vmem_shared>>
      %dma_wait3A_1445 = arith.constant 0 : i32
      %dma_wait3A_1446 = tpu.memref_slice %arg18[%run_scoped3A_720, %arg1, %dma_wait3A_1445] : memref<4x16x256xi32, #tpu.memory_space<vmem_shared>> -> memref<1x1x256xi32, #tpu.memory_space<vmem_shared>>
      %dma_wait3A_1447 = tpu.memref_squeeze %dma_wait3A_1446 : memref<1x1x256xi32, #tpu.memory_space<vmem_shared>> -> memref<256xi32, #tpu.memory_space<vmem_shared>>
      tpu.wait_dma2 semaphore(%run_scoped3A_1435 : memref<!tpu.dma_semaphore, #tpu.memory_space<semaphore_mem>>) src(%arg12 : memref<256xi32, #tpu.memory_space<vmem>>) dst(%dma_wait3A_1447 : memref<256xi32, #tpu.memory_space<vmem_shared>>)
      tpu.yield
    }) : () -> ()
    %barrier3A_721 = arith.constant 0 : index
    tpu.barrier barrier_id(%barrier3A_721)
    %run_scoped3A_722 = arith.constant 2 : i32
    "tpu.region"() ({
      %run_scoped3A_1435 = tpu.sem_alloc : memref<!tpu.dma_semaphore, #tpu.memory_space<semaphore_mem>>
      %dma_start3A_1436 = arith.constant 0 : i32
      %dma_start3A_1437 = arith.constant 0 : i32
      %dma_start3A_1438 = tpu.memref_slice %arg18[%run_scoped3A_722, %dma_start3A_1436, %dma_start3A_1437] : memref<4x16x256xi32, #tpu.memory_space<vmem_shared>> -> memref<1x16x256xi32, #tpu.memory_space<vmem_shared>>
      %dma_start3A_1439 = tpu.memref_squeeze %dma_start3A_1438 : memref<1x16x256xi32, #tpu.memory_space<vmem_shared>> -> memref<16x256xi32, #tpu.memory_space<vmem_shared>>
      %dma_start3A_1440 = arith.constant 0 : i32
      %dma_start3A_1441 = arith.constant 0 : i32
      %dma_start3A_1442 = tpu.memref_slice %arg18[%run_scoped3A_722, %dma_start3A_1440, %dma_start3A_1441] : memref<4x16x256xi32, #tpu.memory_space<vmem_shared>> -> memref<1x16x256xi32, #tpu.memory_space<vmem_shared>>
      %dma_start3A_1443 = tpu.memref_squeeze %dma_start3A_1442 : memref<1x16x256xi32, #tpu.memory_space<vmem_shared>> -> memref<16x256xi32, #tpu.memory_space<vmem_shared>>
      tpu.enqueue_dma source(%dma_start3A_1443 : memref<16x256xi32, #tpu.memory_space<vmem_shared>>) target(%arg13 : memref<16x256xi32, #tpu.memory_space<vmem>>) target_semaphore(%run_scoped3A_1435 : memref<!tpu.dma_semaphore, #tpu.memory_space<semaphore_mem>>)
      %dma_wait3A_1444 = arith.constant 0 : i32
      %dma_wait3A_1445 = arith.constant 0 : i32
      %dma_wait3A_1446 = tpu.memref_slice %arg18[%run_scoped3A_722, %dma_wait3A_1444, %dma_wait3A_1445] : memref<4x16x256xi32, #tpu.memory_space<vmem_shared>> -> memref<1x16x256xi32, #tpu.memory_space<vmem_shared>>
      %dma_wait3A_1447 = tpu.memref_squeeze %dma_wait3A_1446 : memref<1x16x256xi32, #tpu.memory_space<vmem_shared>> -> memref<16x256xi32, #tpu.memory_space<vmem_shared>>
      %dma_wait3A_1448 = arith.constant 0 : i32
      %dma_wait3A_1449 = arith.constant 0 : i32
      %dma_wait3A_1450 = tpu.memref_slice %arg18[%run_scoped3A_722, %dma_wait3A_1448, %dma_wait3A_1449] : memref<4x16x256xi32, #tpu.memory_space<vmem_shared>> -> memref<1x16x256xi32, #tpu.memory_space<vmem_shared>>
      %dma_wait3A_1451 = tpu.memref_squeeze %dma_wait3A_1450 : memref<1x16x256xi32, #tpu.memory_space<vmem_shared>> -> memref<16x256xi32, #tpu.memory_space<vmem_shared>>
      tpu.wait_dma2 semaphore(%run_scoped3A_1435 : memref<!tpu.dma_semaphore, #tpu.memory_space<semaphore_mem>>) src(%dma_wait3A_1451 : memref<16x256xi32, #tpu.memory_space<vmem_shared>>) dst(%arg13 : memref<16x256xi32, #tpu.memory_space<vmem>>)
      tpu.yield
    }) : () -> ()
    %scan3A_723 = arith.constant 0 : i32
    %scan3A_724 = arith.constant 0 : i32
    %scan3A_725 = arith.constant 16 : i32
    %scan3A_726 = arith.addi %scan3A_724, %scan3A_725 : i32
    %scan3A_727 = arith.constant 1 : i32
    %scan3A_728 = scf.for %scan3A_1435 = %scan3A_724 to %scan3A_726 step %scan3A_727 iter_args(%scan3A_1436 = %scan3A_723) -> (i32)  : i32 {
      %mul3A_1437 = arith.constant 16 : i32
      %mul3A_1438 = arith.muli %scan3A_1435, %mul3A_1437 : i32
      %get3A_1439 = arith.constant 0 : i32
      %get3A_1440 = arith.index_cast %get3A_1439 : i32 to index
      %get3A_1441 = arith.index_cast %mul3A_1438 : i32 to index
      %get3A_1442 = tpu.vector_load %arg13[%get3A_1440, %get3A_1441] {strides = array<i32>} : memref<16x256xi32, #tpu.memory_space<vmem>>, vector<16xi32>,
      %mul3A_1443 = arith.constant 16 : i32
      %mul3A_1444 = arith.muli %scan3A_1435, %mul3A_1443 : i32
      %get3A_1445 = arith.constant 1 : i32
      %get3A_1446 = arith.index_cast %get3A_1445 : i32 to index
      %get3A_1447 = arith.index_cast %mul3A_1444 : i32 to index
      %get3A_1448 = tpu.vector_load %arg13[%get3A_1446, %get3A_1447] {strides = array<i32>} : memref<16x256xi32, #tpu.memory_space<vmem>>, vector<16xi32>,
      %add3A_1449 = arith.addi %get3A_1442, %get3A_1448 : vector<16xi32>
      %mul3A_1450 = arith.constant 16 : i32
      %mul3A_1451 = arith.muli %scan3A_1435, %mul3A_1450 : i32
      %get3A_1452 = arith.constant 2 : i32
      %get3A_1453 = arith.index_cast %get3A_1452 : i32 to index
      %get3A_1454 = arith.index_cast %mul3A_1451 : i32 to index
      %get3A_1455 = tpu.vector_load %arg13[%get3A_1453, %get3A_1454] {strides = array<i32>} : memref<16x256xi32, #tpu.memory_space<vmem>>, vector<16xi32>,
      %add3A_1456 = arith.addi %add3A_1449, %get3A_1455 : vector<16xi32>
      %mul3A_1457 = arith.constant 16 : i32
      %mul3A_1458 = arith.muli %scan3A_1435, %mul3A_1457 : i32
      %get3A_1459 = arith.constant 3 : i32
      %get3A_1460 = arith.index_cast %get3A_1459 : i32 to index
      %get3A_1461 = arith.index_cast %mul3A_1458 : i32 to index
      %get3A_1462 = tpu.vector_load %arg13[%get3A_1460, %get3A_1461] {strides = array<i32>} : memref<16x256xi32, #tpu.memory_space<vmem>>, vector<16xi32>,
      %add3A_1463 = arith.addi %add3A_1456, %get3A_1462 : vector<16xi32>
      %mul3A_1464 = arith.constant 16 : i32
      %mul3A_1465 = arith.muli %scan3A_1435, %mul3A_1464 : i32
      %get3A_1466 = arith.constant 4 : i32
      %get3A_1467 = arith.index_cast %get3A_1466 : i32 to index
      %get3A_1468 = arith.index_cast %mul3A_1465 : i32 to index
      %get3A_1469 = tpu.vector_load %arg13[%get3A_1467, %get3A_1468] {strides = array<i32>} : memref<16x256xi32, #tpu.memory_space<vmem>>, vector<16xi32>,
      %add3A_1470 = arith.addi %add3A_1463, %get3A_1469 : vector<16xi32>
      %mul3A_1471 = arith.constant 16 : i32
      %mul3A_1472 = arith.muli %scan3A_1435, %mul3A_1471 : i32
      %get3A_1473 = arith.constant 5 : i32
      %get3A_1474 = arith.index_cast %get3A_1473 : i32 to index
      %get3A_1475 = arith.index_cast %mul3A_1472 : i32 to index
      %get3A_1476 = tpu.vector_load %arg13[%get3A_1474, %get3A_1475] {strides = array<i32>} : memref<16x256xi32, #tpu.memory_space<vmem>>, vector<16xi32>,
      %add3A_1477 = arith.addi %add3A_1470, %get3A_1476 : vector<16xi32>
      %mul3A_1478 = arith.constant 16 : i32
      %mul3A_1479 = arith.muli %scan3A_1435, %mul3A_1478 : i32
      %get3A_1480 = arith.constant 6 : i32
      %get3A_1481 = arith.index_cast %get3A_1480 : i32 to index
      %get3A_1482 = arith.index_cast %mul3A_1479 : i32 to index
      %get3A_1483 = tpu.vector_load %arg13[%get3A_1481, %get3A_1482] {strides = array<i32>} : memref<16x256xi32, #tpu.memory_space<vmem>>, vector<16xi32>,
      %add3A_1484 = arith.addi %add3A_1477, %get3A_1483 : vector<16xi32>
      %mul3A_1485 = arith.constant 16 : i32
      %mul3A_1486 = arith.muli %scan3A_1435, %mul3A_1485 : i32
      %get3A_1487 = arith.constant 7 : i32
      %get3A_1488 = arith.index_cast %get3A_1487 : i32 to index
      %get3A_1489 = arith.index_cast %mul3A_1486 : i32 to index
      %get3A_1490 = tpu.vector_load %arg13[%get3A_1488, %get3A_1489] {strides = array<i32>} : memref<16x256xi32, #tpu.memory_space<vmem>>, vector<16xi32>,
      %add3A_1491 = arith.addi %add3A_1484, %get3A_1490 : vector<16xi32>
      %mul3A_1492 = arith.constant 16 : i32
      %mul3A_1493 = arith.muli %scan3A_1435, %mul3A_1492 : i32
      %get3A_1494 = arith.constant 8 : i32
      %get3A_1495 = arith.index_cast %get3A_1494 : i32 to index
      %get3A_1496 = arith.index_cast %mul3A_1493 : i32 to index
      %get3A_1497 = tpu.vector_load %arg13[%get3A_1495, %get3A_1496] {strides = array<i32>} : memref<16x256xi32, #tpu.memory_space<vmem>>, vector<16xi32>,
      %add3A_1498 = arith.addi %add3A_1491, %get3A_1497 : vector<16xi32>
      %mul3A_1499 = arith.constant 16 : i32
      %mul3A_1500 = arith.muli %scan3A_1435, %mul3A_1499 : i32
      %get3A_1501 = arith.constant 9 : i32
      %get3A_1502 = arith.index_cast %get3A_1501 : i32 to index
      %get3A_1503 = arith.index_cast %mul3A_1500 : i32 to index
      %get3A_1504 = tpu.vector_load %arg13[%get3A_1502, %get3A_1503] {strides = array<i32>} : memref<16x256xi32, #tpu.memory_space<vmem>>, vector<16xi32>,
      %add3A_1505 = arith.addi %add3A_1498, %get3A_1504 : vector<16xi32>
      %mul3A_1506 = arith.constant 16 : i32
      %mul3A_1507 = arith.muli %scan3A_1435, %mul3A_1506 : i32
      %get3A_1508 = arith.constant 10 : i32
      %get3A_1509 = arith.index_cast %get3A_1508 : i32 to index
      %get3A_1510 = arith.index_cast %mul3A_1507 : i32 to index
      %get3A_1511 = tpu.vector_load %arg13[%get3A_1509, %get3A_1510] {strides = array<i32>} : memref<16x256xi32, #tpu.memory_space<vmem>>, vector<16xi32>,
      %add3A_1512 = arith.addi %add3A_1505, %get3A_1511 : vector<16xi32>
      %mul3A_1513 = arith.constant 16 : i32
      %mul3A_1514 = arith.muli %scan3A_1435, %mul3A_1513 : i32
      %get3A_1515 = arith.constant 11 : i32
      %get3A_1516 = arith.index_cast %get3A_1515 : i32 to index
      %get3A_1517 = arith.index_cast %mul3A_1514 : i32 to index
      %get3A_1518 = tpu.vector_load %arg13[%get3A_1516, %get3A_1517] {strides = array<i32>} : memref<16x256xi32, #tpu.memory_space<vmem>>, vector<16xi32>,
      %add3A_1519 = arith.addi %add3A_1512, %get3A_1518 : vector<16xi32>
      %mul3A_1520 = arith.constant 16 : i32
      %mul3A_1521 = arith.muli %scan3A_1435, %mul3A_1520 : i32
      %get3A_1522 = arith.constant 12 : i32
      %get3A_1523 = arith.index_cast %get3A_1522 : i32 to index
      %get3A_1524 = arith.index_cast %mul3A_1521 : i32 to index
      %get3A_1525 = tpu.vector_load %arg13[%get3A_1523, %get3A_1524] {strides = array<i32>} : memref<16x256xi32, #tpu.memory_space<vmem>>, vector<16xi32>,
      %add3A_1526 = arith.addi %add3A_1519, %get3A_1525 : vector<16xi32>
      %mul3A_1527 = arith.constant 16 : i32
      %mul3A_1528 = arith.muli %scan3A_1435, %mul3A_1527 : i32
      %get3A_1529 = arith.constant 13 : i32
      %get3A_1530 = arith.index_cast %get3A_1529 : i32 to index
      %get3A_1531 = arith.index_cast %mul3A_1528 : i32 to index
      %get3A_1532 = tpu.vector_load %arg13[%get3A_1530, %get3A_1531] {strides = array<i32>} : memref<16x256xi32, #tpu.memory_space<vmem>>, vector<16xi32>,
      %add3A_1533 = arith.addi %add3A_1526, %get3A_1532 : vector<16xi32>
      %mul3A_1534 = arith.constant 16 : i32
      %mul3A_1535 = arith.muli %scan3A_1435, %mul3A_1534 : i32
      %get3A_1536 = arith.constant 14 : i32
      %get3A_1537 = arith.index_cast %get3A_1536 : i32 to index
      %get3A_1538 = arith.index_cast %mul3A_1535 : i32 to index
      %get3A_1539 = tpu.vector_load %arg13[%get3A_1537, %get3A_1538] {strides = array<i32>} : memref<16x256xi32, #tpu.memory_space<vmem>>, vector<16xi32>,
      %add3A_1540 = arith.addi %add3A_1533, %get3A_1539 : vector<16xi32>
      %mul3A_1541 = arith.constant 16 : i32
      %mul3A_1542 = arith.muli %scan3A_1435, %mul3A_1541 : i32
      %get3A_1543 = arith.constant 15 : i32
      %get3A_1544 = arith.index_cast %get3A_1543 : i32 to index
      %get3A_1545 = arith.index_cast %mul3A_1542 : i32 to index
      %get3A_1546 = tpu.vector_load %arg13[%get3A_1544, %get3A_1545] {strides = array<i32>} : memref<16x256xi32, #tpu.memory_space<vmem>>, vector<16xi32>,
      %add3A_1547 = arith.addi %add3A_1540, %get3A_1546 : vector<16xi32>
      %mul3A_1548 = arith.constant 16 : i32
      %mul3A_1549 = arith.muli %scan3A_1435, %mul3A_1548 : i32
      %swap3A = arith.index_cast %mul3A_1549 : i32 to index
      %swap3A_1550 = tpu.vector_load %arg12[%swap3A] {strides = array<i32>} : memref<256xi32, #tpu.memory_space<vmem>>, vector<16xi32>,
      tpu.vector_store %arg12[%swap3A], %add3A_1547 {strides = array<i32>} : memref<256xi32, #tpu.memory_space<vmem>>, vector<16xi32>,
      %scan3A_1551 = arith.constant 0 : i32
      scf.yield %scan3A_1551 : i32
    }
    %scan3A_729 = arith.constant 16 : i32
    %broadcast_in_dim3A_730 = arith.constant 0 : i32
    %broadcast_in_dim3A_731 = vector.broadcast %broadcast_in_dim3A_730 : i32 to vector<16xi32>
    %broadcast_in_dim3A_732 = arith.constant 0 : i32
    %broadcast_in_dim3A_733 = vector.broadcast %broadcast_in_dim3A_732 : i32 to vector<16xi32>
    %broadcast_in_dim3A_734 = arith.constant 0 : i32
    %broadcast_in_dim3A_735 = vector.broadcast %broadcast_in_dim3A_734 : i32 to vector<16xi32>
    %get3A_736 = arith.constant 240 : index
    %get3A_737 = tpu.vector_load %arg12[%get3A_736] {strides = array<i32>} : memref<256xi32, #tpu.memory_space<vmem>>, vector<16xi32>,
    %broadcast_in_dim3A_738 = arith.constant true
    %broadcast_in_dim3A_739 = vector.broadcast %broadcast_in_dim3A_738 : i1 to vector<16xi1>
    %masked_cumsum3A_740 = tpu.scan <sum>, %get3A_737 masked %broadcast_in_dim3A_739 : vector<16xi32>, vector<16xi1> -> vector<16xi32>
    %slice3A_741 = vector.extract_strided_slice %masked_cumsum3A_740 {offsets = [15], sizes = [1], strides = [1]} : vector<16xi32> to vector<1xi32>
    %squeeze3A_742 = vector.extract %slice3A_741[0] : i32 from vector<1xi32>
    %sub3A_743 = vector.broadcast %squeeze3A_742 : i32 to vector<16xi32>
    %sub3A_744 = arith.subi %sub3A_743, %masked_cumsum3A_740 : vector<16xi32>
    %add3A_745 = arith.addi %sub3A_744, %get3A_737 : vector<16xi32>
    %add3A_746 = arith.addi %add3A_745, %broadcast_in_dim3A_731 : vector<16xi32>
    %add3A_747 = vector.broadcast %squeeze3A_742 : i32 to vector<16xi32>
    %add3A_748 = arith.addi %broadcast_in_dim3A_731, %add3A_747 : vector<16xi32>
    %gt3A_749 = arith.cmpi sgt, %add3A_746, %sub3A_690 : vector<16xi32>
    %all_reduce_population_count3A_750 = tpu.all_reduce %gt3A_749 {dim = 0 : i64, kind = #tpu.reduction_kind<sum>} : vector<16xi1> -> vector<16xi32>
    %add3A_751 = arith.addi %broadcast_in_dim3A_733, %all_reduce_population_count3A_750 : vector<16xi32>
    %select_n3A_752 = arith.select %gt3A_749, %broadcast_in_dim3A_10, %get3A_737 : vector<16xi1>, vector<16xi32>
    %add3A_753 = arith.addi %broadcast_in_dim3A_735, %select_n3A_752 : vector<16xi32>
    %get3A_754 = arith.constant 224 : index
    %get3A_755 = tpu.vector_load %arg12[%get3A_754] {strides = array<i32>} : memref<256xi32, #tpu.memory_space<vmem>>, vector<16xi32>,
    %broadcast_in_dim3A_756 = arith.constant true
    %broadcast_in_dim3A_757 = vector.broadcast %broadcast_in_dim3A_756 : i1 to vector<16xi1>
    %masked_cumsum3A_758 = tpu.scan <sum>, %get3A_755 masked %broadcast_in_dim3A_757 : vector<16xi32>, vector<16xi1> -> vector<16xi32>
    %slice3A_759 = vector.extract_strided_slice %masked_cumsum3A_758 {offsets = [15], sizes = [1], strides = [1]} : vector<16xi32> to vector<1xi32>
    %squeeze3A_760 = vector.extract %slice3A_759[0] : i32 from vector<1xi32>
    %sub3A_761 = vector.broadcast %squeeze3A_760 : i32 to vector<16xi32>
    %sub3A_762 = arith.subi %sub3A_761, %masked_cumsum3A_758 : vector<16xi32>
    %add3A_763 = arith.addi %sub3A_762, %get3A_755 : vector<16xi32>
    %add3A_764 = arith.addi %add3A_763, %add3A_748 : vector<16xi32>
    %add3A_765 = vector.broadcast %squeeze3A_760 : i32 to vector<16xi32>
    %add3A_766 = arith.addi %add3A_748, %add3A_765 : vector<16xi32>
    %gt3A_767 = arith.cmpi sgt, %add3A_764, %sub3A_690 : vector<16xi32>
    %all_reduce_population_count3A_768 = tpu.all_reduce %gt3A_767 {dim = 0 : i64, kind = #tpu.reduction_kind<sum>} : vector<16xi1> -> vector<16xi32>
    %add3A_769 = arith.addi %add3A_751, %all_reduce_population_count3A_768 : vector<16xi32>
    %select_n3A_770 = arith.select %gt3A_767, %broadcast_in_dim3A_10, %get3A_755 : vector<16xi1>, vector<16xi32>
    %add3A_771 = arith.addi %add3A_753, %select_n3A_770 : vector<16xi32>
    %get3A_772 = arith.constant 208 : index
    %get3A_773 = tpu.vector_load %arg12[%get3A_772] {strides = array<i32>} : memref<256xi32, #tpu.memory_space<vmem>>, vector<16xi32>,
    %broadcast_in_dim3A_774 = arith.constant true
    %broadcast_in_dim3A_775 = vector.broadcast %broadcast_in_dim3A_774 : i1 to vector<16xi1>
    %masked_cumsum3A_776 = tpu.scan <sum>, %get3A_773 masked %broadcast_in_dim3A_775 : vector<16xi32>, vector<16xi1> -> vector<16xi32>
    %slice3A_777 = vector.extract_strided_slice %masked_cumsum3A_776 {offsets = [15], sizes = [1], strides = [1]} : vector<16xi32> to vector<1xi32>
    %squeeze3A_778 = vector.extract %slice3A_777[0] : i32 from vector<1xi32>
    %sub3A_779 = vector.broadcast %squeeze3A_778 : i32 to vector<16xi32>
    %sub3A_780 = arith.subi %sub3A_779, %masked_cumsum3A_776 : vector<16xi32>
    %add3A_781 = arith.addi %sub3A_780, %get3A_773 : vector<16xi32>
    %add3A_782 = arith.addi %add3A_781, %add3A_766 : vector<16xi32>
    %add3A_783 = vector.broadcast %squeeze3A_778 : i32 to vector<16xi32>
    %add3A_784 = arith.addi %add3A_766, %add3A_783 : vector<16xi32>
    %gt3A_785 = arith.cmpi sgt, %add3A_782, %sub3A_690 : vector<16xi32>
    %all_reduce_population_count3A_786 = tpu.all_reduce %gt3A_785 {dim = 0 : i64, kind = #tpu.reduction_kind<sum>} : vector<16xi1> -> vector<16xi32>
    %add3A_787 = arith.addi %add3A_769, %all_reduce_population_count3A_786 : vector<16xi32>
    %select_n3A_788 = arith.select %gt3A_785, %broadcast_in_dim3A_10, %get3A_773 : vector<16xi1>, vector<16xi32>
    %add3A_789 = arith.addi %add3A_771, %select_n3A_788 : vector<16xi32>
    %get3A_790 = arith.constant 192 : index
    %get3A_791 = tpu.vector_load %arg12[%get3A_790] {strides = array<i32>} : memref<256xi32, #tpu.memory_space<vmem>>, vector<16xi32>,
    %broadcast_in_dim3A_792 = arith.constant true
    %broadcast_in_dim3A_793 = vector.broadcast %broadcast_in_dim3A_792 : i1 to vector<16xi1>
    %masked_cumsum3A_794 = tpu.scan <sum>, %get3A_791 masked %broadcast_in_dim3A_793 : vector<16xi32>, vector<16xi1> -> vector<16xi32>
    %slice3A_795 = vector.extract_strided_slice %masked_cumsum3A_794 {offsets = [15], sizes = [1], strides = [1]} : vector<16xi32> to vector<1xi32>
    %squeeze3A_796 = vector.extract %slice3A_795[0] : i32 from vector<1xi32>
    %sub3A_797 = vector.broadcast %squeeze3A_796 : i32 to vector<16xi32>
    %sub3A_798 = arith.subi %sub3A_797, %masked_cumsum3A_794 : vector<16xi32>
    %add3A_799 = arith.addi %sub3A_798, %get3A_791 : vector<16xi32>
    %add3A_800 = arith.addi %add3A_799, %add3A_784 : vector<16xi32>
    %add3A_801 = vector.broadcast %squeeze3A_796 : i32 to vector<16xi32>
    %add3A_802 = arith.addi %add3A_784, %add3A_801 : vector<16xi32>
    %gt3A_803 = arith.cmpi sgt, %add3A_800, %sub3A_690 : vector<16xi32>
    %all_reduce_population_count3A_804 = tpu.all_reduce %gt3A_803 {dim = 0 : i64, kind = #tpu.reduction_kind<sum>} : vector<16xi1> -> vector<16xi32>
    %add3A_805 = arith.addi %add3A_787, %all_reduce_population_count3A_804 : vector<16xi32>
    %select_n3A_806 = arith.select %gt3A_803, %broadcast_in_dim3A_10, %get3A_791 : vector<16xi1>, vector<16xi32>
    %add3A_807 = arith.addi %add3A_789, %select_n3A_806 : vector<16xi32>
    %get3A_808 = arith.constant 176 : index
    %get3A_809 = tpu.vector_load %arg12[%get3A_808] {strides = array<i32>} : memref<256xi32, #tpu.memory_space<vmem>>, vector<16xi32>,
    %broadcast_in_dim3A_810 = arith.constant true
    %broadcast_in_dim3A_811 = vector.broadcast %broadcast_in_dim3A_810 : i1 to vector<16xi1>
    %masked_cumsum3A_812 = tpu.scan <sum>, %get3A_809 masked %broadcast_in_dim3A_811 : vector<16xi32>, vector<16xi1> -> vector<16xi32>
    %slice3A_813 = vector.extract_strided_slice %masked_cumsum3A_812 {offsets = [15], sizes = [1], strides = [1]} : vector<16xi32> to vector<1xi32>
    %squeeze3A_814 = vector.extract %slice3A_813[0] : i32 from vector<1xi32>
    %sub3A_815 = vector.broadcast %squeeze3A_814 : i32 to vector<16xi32>
    %sub3A_816 = arith.subi %sub3A_815, %masked_cumsum3A_812 : vector<16xi32>
    %add3A_817 = arith.addi %sub3A_816, %get3A_809 : vector<16xi32>
    %add3A_818 = arith.addi %add3A_817, %add3A_802 : vector<16xi32>
    %add3A_819 = vector.broadcast %squeeze3A_814 : i32 to vector<16xi32>
    %add3A_820 = arith.addi %add3A_802, %add3A_819 : vector<16xi32>
    %gt3A_821 = arith.cmpi sgt, %add3A_818, %sub3A_690 : vector<16xi32>
    %all_reduce_population_count3A_822 = tpu.all_reduce %gt3A_821 {dim = 0 : i64, kind = #tpu.reduction_kind<sum>} : vector<16xi1> -> vector<16xi32>
    %add3A_823 = arith.addi %add3A_805, %all_reduce_population_count3A_822 : vector<16xi32>
    %select_n3A_824 = arith.select %gt3A_821, %broadcast_in_dim3A_10, %get3A_809 : vector<16xi1>, vector<16xi32>
    %add3A_825 = arith.addi %add3A_807, %select_n3A_824 : vector<16xi32>
    %get3A_826 = arith.constant 160 : index
    %get3A_827 = tpu.vector_load %arg12[%get3A_826] {strides = array<i32>} : memref<256xi32, #tpu.memory_space<vmem>>, vector<16xi32>,
    %broadcast_in_dim3A_828 = arith.constant true
    %broadcast_in_dim3A_829 = vector.broadcast %broadcast_in_dim3A_828 : i1 to vector<16xi1>
    %masked_cumsum3A_830 = tpu.scan <sum>, %get3A_827 masked %broadcast_in_dim3A_829 : vector<16xi32>, vector<16xi1> -> vector<16xi32>
    %slice3A_831 = vector.extract_strided_slice %masked_cumsum3A_830 {offsets = [15], sizes = [1], strides = [1]} : vector<16xi32> to vector<1xi32>
    %squeeze3A_832 = vector.extract %slice3A_831[0] : i32 from vector<1xi32>
    %sub3A_833 = vector.broadcast %squeeze3A_832 : i32 to vector<16xi32>
    %sub3A_834 = arith.subi %sub3A_833, %masked_cumsum3A_830 : vector<16xi32>
    %add3A_835 = arith.addi %sub3A_834, %get3A_827 : vector<16xi32>
    %add3A_836 = arith.addi %add3A_835, %add3A_820 : vector<16xi32>
    %add3A_837 = vector.broadcast %squeeze3A_832 : i32 to vector<16xi32>
    %add3A_838 = arith.addi %add3A_820, %add3A_837 : vector<16xi32>
    %gt3A_839 = arith.cmpi sgt, %add3A_836, %sub3A_690 : vector<16xi32>
    %all_reduce_population_count3A_840 = tpu.all_reduce %gt3A_839 {dim = 0 : i64, kind = #tpu.reduction_kind<sum>} : vector<16xi1> -> vector<16xi32>
    %add3A_841 = arith.addi %add3A_823, %all_reduce_population_count3A_840 : vector<16xi32>
    %select_n3A_842 = arith.select %gt3A_839, %broadcast_in_dim3A_10, %get3A_827 : vector<16xi1>, vector<16xi32>
    %add3A_843 = arith.addi %add3A_825, %select_n3A_842 : vector<16xi32>
    %get3A_844 = arith.constant 144 : index
    %get3A_845 = tpu.vector_load %arg12[%get3A_844] {strides = array<i32>} : memref<256xi32, #tpu.memory_space<vmem>>, vector<16xi32>,
    %broadcast_in_dim3A_846 = arith.constant true
    %broadcast_in_dim3A_847 = vector.broadcast %broadcast_in_dim3A_846 : i1 to vector<16xi1>
    %masked_cumsum3A_848 = tpu.scan <sum>, %get3A_845 masked %broadcast_in_dim3A_847 : vector<16xi32>, vector<16xi1> -> vector<16xi32>
    %slice3A_849 = vector.extract_strided_slice %masked_cumsum3A_848 {offsets = [15], sizes = [1], strides = [1]} : vector<16xi32> to vector<1xi32>
    %squeeze3A_850 = vector.extract %slice3A_849[0] : i32 from vector<1xi32>
    %sub3A_851 = vector.broadcast %squeeze3A_850 : i32 to vector<16xi32>
    %sub3A_852 = arith.subi %sub3A_851, %masked_cumsum3A_848 : vector<16xi32>
    %add3A_853 = arith.addi %sub3A_852, %get3A_845 : vector<16xi32>
    %add3A_854 = arith.addi %add3A_853, %add3A_838 : vector<16xi32>
    %add3A_855 = vector.broadcast %squeeze3A_850 : i32 to vector<16xi32>
    %add3A_856 = arith.addi %add3A_838, %add3A_855 : vector<16xi32>
    %gt3A_857 = arith.cmpi sgt, %add3A_854, %sub3A_690 : vector<16xi32>
    %all_reduce_population_count3A_858 = tpu.all_reduce %gt3A_857 {dim = 0 : i64, kind = #tpu.reduction_kind<sum>} : vector<16xi1> -> vector<16xi32>
    %add3A_859 = arith.addi %add3A_841, %all_reduce_population_count3A_858 : vector<16xi32>
    %select_n3A_860 = arith.select %gt3A_857, %broadcast_in_dim3A_10, %get3A_845 : vector<16xi1>, vector<16xi32>
    %add3A_861 = arith.addi %add3A_843, %select_n3A_860 : vector<16xi32>
    %get3A_862 = arith.constant 128 : index
    %get3A_863 = tpu.vector_load %arg12[%get3A_862] {strides = array<i32>} : memref<256xi32, #tpu.memory_space<vmem>>, vector<16xi32>,
    %broadcast_in_dim3A_864 = arith.constant true
    %broadcast_in_dim3A_865 = vector.broadcast %broadcast_in_dim3A_864 : i1 to vector<16xi1>
    %masked_cumsum3A_866 = tpu.scan <sum>, %get3A_863 masked %broadcast_in_dim3A_865 : vector<16xi32>, vector<16xi1> -> vector<16xi32>
    %slice3A_867 = vector.extract_strided_slice %masked_cumsum3A_866 {offsets = [15], sizes = [1], strides = [1]} : vector<16xi32> to vector<1xi32>
    %squeeze3A_868 = vector.extract %slice3A_867[0] : i32 from vector<1xi32>
    %sub3A_869 = vector.broadcast %squeeze3A_868 : i32 to vector<16xi32>
    %sub3A_870 = arith.subi %sub3A_869, %masked_cumsum3A_866 : vector<16xi32>
    %add3A_871 = arith.addi %sub3A_870, %get3A_863 : vector<16xi32>
    %add3A_872 = arith.addi %add3A_871, %add3A_856 : vector<16xi32>
    %add3A_873 = vector.broadcast %squeeze3A_868 : i32 to vector<16xi32>
    %add3A_874 = arith.addi %add3A_856, %add3A_873 : vector<16xi32>
    %gt3A_875 = arith.cmpi sgt, %add3A_872, %sub3A_690 : vector<16xi32>
    %all_reduce_population_count3A_876 = tpu.all_reduce %gt3A_875 {dim = 0 : i64, kind = #tpu.reduction_kind<sum>} : vector<16xi1> -> vector<16xi32>
    %add3A_877 = arith.addi %add3A_859, %all_reduce_population_count3A_876 : vector<16xi32>
    %select_n3A_878 = arith.select %gt3A_875, %broadcast_in_dim3A_10, %get3A_863 : vector<16xi1>, vector<16xi32>
    %add3A_879 = arith.addi %add3A_861, %select_n3A_878 : vector<16xi32>
    %get3A_880 = arith.constant 112 : index
    %get3A_881 = tpu.vector_load %arg12[%get3A_880] {strides = array<i32>} : memref<256xi32, #tpu.memory_space<vmem>>, vector<16xi32>,
    %broadcast_in_dim3A_882 = arith.constant true
    %broadcast_in_dim3A_883 = vector.broadcast %broadcast_in_dim3A_882 : i1 to vector<16xi1>
    %masked_cumsum3A_884 = tpu.scan <sum>, %get3A_881 masked %broadcast_in_dim3A_883 : vector<16xi32>, vector<16xi1> -> vector<16xi32>
    %slice3A_885 = vector.extract_strided_slice %masked_cumsum3A_884 {offsets = [15], sizes = [1], strides = [1]} : vector<16xi32> to vector<1xi32>
    %squeeze3A_886 = vector.extract %slice3A_885[0] : i32 from vector<1xi32>
    %sub3A_887 = vector.broadcast %squeeze3A_886 : i32 to vector<16xi32>
    %sub3A_888 = arith.subi %sub3A_887, %masked_cumsum3A_884 : vector<16xi32>
    %add3A_889 = arith.addi %sub3A_888, %get3A_881 : vector<16xi32>
    %add3A_890 = arith.addi %add3A_889, %add3A_874 : vector<16xi32>
    %add3A_891 = vector.broadcast %squeeze3A_886 : i32 to vector<16xi32>
    %add3A_892 = arith.addi %add3A_874, %add3A_891 : vector<16xi32>
    %gt3A_893 = arith.cmpi sgt, %add3A_890, %sub3A_690 : vector<16xi32>
    %all_reduce_population_count3A_894 = tpu.all_reduce %gt3A_893 {dim = 0 : i64, kind = #tpu.reduction_kind<sum>} : vector<16xi1> -> vector<16xi32>
    %add3A_895 = arith.addi %add3A_877, %all_reduce_population_count3A_894 : vector<16xi32>
    %select_n3A_896 = arith.select %gt3A_893, %broadcast_in_dim3A_10, %get3A_881 : vector<16xi1>, vector<16xi32>
    %add3A_897 = arith.addi %add3A_879, %select_n3A_896 : vector<16xi32>
    %get3A_898 = arith.constant 96 : index
    %get3A_899 = tpu.vector_load %arg12[%get3A_898] {strides = array<i32>} : memref<256xi32, #tpu.memory_space<vmem>>, vector<16xi32>,
    %broadcast_in_dim3A_900 = arith.constant true
    %broadcast_in_dim3A_901 = vector.broadcast %broadcast_in_dim3A_900 : i1 to vector<16xi1>
    %masked_cumsum3A_902 = tpu.scan <sum>, %get3A_899 masked %broadcast_in_dim3A_901 : vector<16xi32>, vector<16xi1> -> vector<16xi32>
    %slice3A_903 = vector.extract_strided_slice %masked_cumsum3A_902 {offsets = [15], sizes = [1], strides = [1]} : vector<16xi32> to vector<1xi32>
    %squeeze3A_904 = vector.extract %slice3A_903[0] : i32 from vector<1xi32>
    %sub3A_905 = vector.broadcast %squeeze3A_904 : i32 to vector<16xi32>
    %sub3A_906 = arith.subi %sub3A_905, %masked_cumsum3A_902 : vector<16xi32>
    %add3A_907 = arith.addi %sub3A_906, %get3A_899 : vector<16xi32>
    %add3A_908 = arith.addi %add3A_907, %add3A_892 : vector<16xi32>
    %add3A_909 = vector.broadcast %squeeze3A_904 : i32 to vector<16xi32>
    %add3A_910 = arith.addi %add3A_892, %add3A_909 : vector<16xi32>
    %gt3A_911 = arith.cmpi sgt, %add3A_908, %sub3A_690 : vector<16xi32>
    %all_reduce_population_count3A_912 = tpu.all_reduce %gt3A_911 {dim = 0 : i64, kind = #tpu.reduction_kind<sum>} : vector<16xi1> -> vector<16xi32>
    %add3A_913 = arith.addi %add3A_895, %all_reduce_population_count3A_912 : vector<16xi32>
    %select_n3A_914 = arith.select %gt3A_911, %broadcast_in_dim3A_10, %get3A_899 : vector<16xi1>, vector<16xi32>
    %add3A_915 = arith.addi %add3A_897, %select_n3A_914 : vector<16xi32>
    %get3A_916 = arith.constant 80 : index
    %get3A_917 = tpu.vector_load %arg12[%get3A_916] {strides = array<i32>} : memref<256xi32, #tpu.memory_space<vmem>>, vector<16xi32>,
    %broadcast_in_dim3A_918 = arith.constant true
    %broadcast_in_dim3A_919 = vector.broadcast %broadcast_in_dim3A_918 : i1 to vector<16xi1>
    %masked_cumsum3A_920 = tpu.scan <sum>, %get3A_917 masked %broadcast_in_dim3A_919 : vector<16xi32>, vector<16xi1> -> vector<16xi32>
    %slice3A_921 = vector.extract_strided_slice %masked_cumsum3A_920 {offsets = [15], sizes = [1], strides = [1]} : vector<16xi32> to vector<1xi32>
    %squeeze3A_922 = vector.extract %slice3A_921[0] : i32 from vector<1xi32>
    %sub3A_923 = vector.broadcast %squeeze3A_922 : i32 to vector<16xi32>
    %sub3A_924 = arith.subi %sub3A_923, %masked_cumsum3A_920 : vector<16xi32>
    %add3A_925 = arith.addi %sub3A_924, %get3A_917 : vector<16xi32>
    %add3A_926 = arith.addi %add3A_925, %add3A_910 : vector<16xi32>
    %add3A_927 = vector.broadcast %squeeze3A_922 : i32 to vector<16xi32>
    %add3A_928 = arith.addi %add3A_910, %add3A_927 : vector<16xi32>
    %gt3A_929 = arith.cmpi sgt, %add3A_926, %sub3A_690 : vector<16xi32>
    %all_reduce_population_count3A_930 = tpu.all_reduce %gt3A_929 {dim = 0 : i64, kind = #tpu.reduction_kind<sum>} : vector<16xi1> -> vector<16xi32>
    %add3A_931 = arith.addi %add3A_913, %all_reduce_population_count3A_930 : vector<16xi32>
    %select_n3A_932 = arith.select %gt3A_929, %broadcast_in_dim3A_10, %get3A_917 : vector<16xi1>, vector<16xi32>
    %add3A_933 = arith.addi %add3A_915, %select_n3A_932 : vector<16xi32>
    %get3A_934 = arith.constant 64 : index
    %get3A_935 = tpu.vector_load %arg12[%get3A_934] {strides = array<i32>} : memref<256xi32, #tpu.memory_space<vmem>>, vector<16xi32>,
    %broadcast_in_dim3A_936 = arith.constant true
    %broadcast_in_dim3A_937 = vector.broadcast %broadcast_in_dim3A_936 : i1 to vector<16xi1>
    %masked_cumsum3A_938 = tpu.scan <sum>, %get3A_935 masked %broadcast_in_dim3A_937 : vector<16xi32>, vector<16xi1> -> vector<16xi32>
    %slice3A_939 = vector.extract_strided_slice %masked_cumsum3A_938 {offsets = [15], sizes = [1], strides = [1]} : vector<16xi32> to vector<1xi32>
    %squeeze3A_940 = vector.extract %slice3A_939[0] : i32 from vector<1xi32>
    %sub3A_941 = vector.broadcast %squeeze3A_940 : i32 to vector<16xi32>
    %sub3A_942 = arith.subi %sub3A_941, %masked_cumsum3A_938 : vector<16xi32>
    %add3A_943 = arith.addi %sub3A_942, %get3A_935 : vector<16xi32>
    %add3A_944 = arith.addi %add3A_943, %add3A_928 : vector<16xi32>
    %add3A_945 = vector.broadcast %squeeze3A_940 : i32 to vector<16xi32>
    %add3A_946 = arith.addi %add3A_928, %add3A_945 : vector<16xi32>
    %gt3A_947 = arith.cmpi sgt, %add3A_944, %sub3A_690 : vector<16xi32>
    %all_reduce_population_count3A_948 = tpu.all_reduce %gt3A_947 {dim = 0 : i64, kind = #tpu.reduction_kind<sum>} : vector<16xi1> -> vector<16xi32>
    %add3A_949 = arith.addi %add3A_931, %all_reduce_population_count3A_948 : vector<16xi32>
    %select_n3A_950 = arith.select %gt3A_947, %broadcast_in_dim3A_10, %get3A_935 : vector<16xi1>, vector<16xi32>
    %add3A_951 = arith.addi %add3A_933, %select_n3A_950 : vector<16xi32>
    %get3A_952 = arith.constant 48 : index
    %get3A_953 = tpu.vector_load %arg12[%get3A_952] {strides = array<i32>} : memref<256xi32, #tpu.memory_space<vmem>>, vector<16xi32>,
    %broadcast_in_dim3A_954 = arith.constant true
    %broadcast_in_dim3A_955 = vector.broadcast %broadcast_in_dim3A_954 : i1 to vector<16xi1>
    %masked_cumsum3A_956 = tpu.scan <sum>, %get3A_953 masked %broadcast_in_dim3A_955 : vector<16xi32>, vector<16xi1> -> vector<16xi32>
    %slice3A_957 = vector.extract_strided_slice %masked_cumsum3A_956 {offsets = [15], sizes = [1], strides = [1]} : vector<16xi32> to vector<1xi32>
    %squeeze3A_958 = vector.extract %slice3A_957[0] : i32 from vector<1xi32>
    %sub3A_959 = vector.broadcast %squeeze3A_958 : i32 to vector<16xi32>
    %sub3A_960 = arith.subi %sub3A_959, %masked_cumsum3A_956 : vector<16xi32>
    %add3A_961 = arith.addi %sub3A_960, %get3A_953 : vector<16xi32>
    %add3A_962 = arith.addi %add3A_961, %add3A_946 : vector<16xi32>
    %add3A_963 = vector.broadcast %squeeze3A_958 : i32 to vector<16xi32>
    %add3A_964 = arith.addi %add3A_946, %add3A_963 : vector<16xi32>
    %gt3A_965 = arith.cmpi sgt, %add3A_962, %sub3A_690 : vector<16xi32>
    %all_reduce_population_count3A_966 = tpu.all_reduce %gt3A_965 {dim = 0 : i64, kind = #tpu.reduction_kind<sum>} : vector<16xi1> -> vector<16xi32>
    %add3A_967 = arith.addi %add3A_949, %all_reduce_population_count3A_966 : vector<16xi32>
    %select_n3A_968 = arith.select %gt3A_965, %broadcast_in_dim3A_10, %get3A_953 : vector<16xi1>, vector<16xi32>
    %add3A_969 = arith.addi %add3A_951, %select_n3A_968 : vector<16xi32>
    %get3A_970 = arith.constant 32 : index
    %get3A_971 = tpu.vector_load %arg12[%get3A_970] {strides = array<i32>} : memref<256xi32, #tpu.memory_space<vmem>>, vector<16xi32>,
    %broadcast_in_dim3A_972 = arith.constant true
    %broadcast_in_dim3A_973 = vector.broadcast %broadcast_in_dim3A_972 : i1 to vector<16xi1>
    %masked_cumsum3A_974 = tpu.scan <sum>, %get3A_971 masked %broadcast_in_dim3A_973 : vector<16xi32>, vector<16xi1> -> vector<16xi32>
    %slice3A_975 = vector.extract_strided_slice %masked_cumsum3A_974 {offsets = [15], sizes = [1], strides = [1]} : vector<16xi32> to vector<1xi32>
    %squeeze3A_976 = vector.extract %slice3A_975[0] : i32 from vector<1xi32>
    %sub3A_977 = vector.broadcast %squeeze3A_976 : i32 to vector<16xi32>
    %sub3A_978 = arith.subi %sub3A_977, %masked_cumsum3A_974 : vector<16xi32>
    %add3A_979 = arith.addi %sub3A_978, %get3A_971 : vector<16xi32>
    %add3A_980 = arith.addi %add3A_979, %add3A_964 : vector<16xi32>
    %add3A_981 = vector.broadcast %squeeze3A_976 : i32 to vector<16xi32>
    %add3A_982 = arith.addi %add3A_964, %add3A_981 : vector<16xi32>
    %gt3A_983 = arith.cmpi sgt, %add3A_980, %sub3A_690 : vector<16xi32>
    %all_reduce_population_count3A_984 = tpu.all_reduce %gt3A_983 {dim = 0 : i64, kind = #tpu.reduction_kind<sum>} : vector<16xi1> -> vector<16xi32>
    %add3A_985 = arith.addi %add3A_967, %all_reduce_population_count3A_984 : vector<16xi32>
    %select_n3A_986 = arith.select %gt3A_983, %broadcast_in_dim3A_10, %get3A_971 : vector<16xi1>, vector<16xi32>
    %add3A_987 = arith.addi %add3A_969, %select_n3A_986 : vector<16xi32>
    %get3A_988 = arith.constant 16 : index
    %get3A_989 = tpu.vector_load %arg12[%get3A_988] {strides = array<i32>} : memref<256xi32, #tpu.memory_space<vmem>>, vector<16xi32>,
    %broadcast_in_dim3A_990 = arith.constant true
    %broadcast_in_dim3A_991 = vector.broadcast %broadcast_in_dim3A_990 : i1 to vector<16xi1>
    %masked_cumsum3A_992 = tpu.scan <sum>, %get3A_989 masked %broadcast_in_dim3A_991 : vector<16xi32>, vector<16xi1> -> vector<16xi32>
    %slice3A_993 = vector.extract_strided_slice %masked_cumsum3A_992 {offsets = [15], sizes = [1], strides = [1]} : vector<16xi32> to vector<1xi32>
    %squeeze3A_994 = vector.extract %slice3A_993[0] : i32 from vector<1xi32>
    %sub3A_995 = vector.broadcast %squeeze3A_994 : i32 to vector<16xi32>
    %sub3A_996 = arith.subi %sub3A_995, %masked_cumsum3A_992 : vector<16xi32>
    %add3A_997 = arith.addi %sub3A_996, %get3A_989 : vector<16xi32>
    %add3A_998 = arith.addi %add3A_997, %add3A_982 : vector<16xi32>
    %add3A_999 = vector.broadcast %squeeze3A_994 : i32 to vector<16xi32>
    %add3A_1000 = arith.addi %add3A_982, %add3A_999 : vector<16xi32>
    %gt3A_1001 = arith.cmpi sgt, %add3A_998, %sub3A_690 : vector<16xi32>
    %all_reduce_population_count3A_1002 = tpu.all_reduce %gt3A_1001 {dim = 0 : i64, kind = #tpu.reduction_kind<sum>} : vector<16xi1> -> vector<16xi32>
    %add3A_1003 = arith.addi %add3A_985, %all_reduce_population_count3A_1002 : vector<16xi32>
    %select_n3A_1004 = arith.select %gt3A_1001, %broadcast_in_dim3A_10, %get3A_989 : vector<16xi1>, vector<16xi32>
    %add3A_1005 = arith.addi %add3A_987, %select_n3A_1004 : vector<16xi32>
    %get3A_1006 = arith.constant 0 : index
    %get3A_1007 = tpu.vector_load %arg12[%get3A_1006] {strides = array<i32>} : memref<256xi32, #tpu.memory_space<vmem>>, vector<16xi32>,
    %broadcast_in_dim3A_1008 = arith.constant true
    %broadcast_in_dim3A_1009 = vector.broadcast %broadcast_in_dim3A_1008 : i1 to vector<16xi1>
    %masked_cumsum3A_1010 = tpu.scan <sum>, %get3A_1007 masked %broadcast_in_dim3A_1009 : vector<16xi32>, vector<16xi1> -> vector<16xi32>
    %slice3A_1011 = vector.extract_strided_slice %masked_cumsum3A_1010 {offsets = [15], sizes = [1], strides = [1]} : vector<16xi32> to vector<1xi32>
    %squeeze3A_1012 = vector.extract %slice3A_1011[0] : i32 from vector<1xi32>
    %sub3A_1013 = vector.broadcast %squeeze3A_1012 : i32 to vector<16xi32>
    %sub3A_1014 = arith.subi %sub3A_1013, %masked_cumsum3A_1010 : vector<16xi32>
    %add3A_1015 = arith.addi %sub3A_1014, %get3A_1007 : vector<16xi32>
    %add3A_1016 = arith.addi %add3A_1015, %add3A_1000 : vector<16xi32>
    %add3A_1017 = vector.broadcast %squeeze3A_1012 : i32 to vector<16xi32>
    %add3A_1018 = arith.addi %add3A_1000, %add3A_1017 : vector<16xi32>
    %gt3A_1019 = arith.cmpi sgt, %add3A_1016, %sub3A_690 : vector<16xi32>
    %all_reduce_population_count3A_1020 = tpu.all_reduce %gt3A_1019 {dim = 0 : i64, kind = #tpu.reduction_kind<sum>} : vector<16xi1> -> vector<16xi32>
    %add3A_1021 = arith.addi %add3A_1003, %all_reduce_population_count3A_1020 : vector<16xi32>
    %select_n3A_1022 = arith.select %gt3A_1019, %broadcast_in_dim3A_10, %get3A_1007 : vector<16xi1>, vector<16xi32>
    %add3A_1023 = arith.addi %add3A_1005, %select_n3A_1022 : vector<16xi32>
    %slice3A_1024 = vector.extract_strided_slice %add3A_1021 {offsets = [0], sizes = [1], strides = [1]} : vector<16xi32> to vector<1xi32>
    %squeeze3A_1025 = vector.extract %slice3A_1024[0] : i32 from vector<1xi32>
    %sub3A_1026 = arith.constant 1 : i32
    %sub3A_1027 = arith.subi %squeeze3A_1025, %sub3A_1026 : i32
    %reduce_sum3A_1028 = arith.constant true
    %reduce_sum3A_1029 = vector.broadcast %reduce_sum3A_1028 : i1 to vector<16xi1>
    %reduce_sum3A_1030 = tpu.scan <sum>, %add3A_1023 masked %reduce_sum3A_1029 : vector<16xi32>, vector<16xi1> -> vector<16xi32>
    %reduce_sum3A_1031 = vector.extract %reduce_sum3A_1030[15] : i32 from vector<16xi32>
    %sub3A_1032 = vector.broadcast %reduce_sum3A_1031 : i32 to vector<16xi32>
    %sub3A_1033 = arith.subi %sub3A_690, %sub3A_1032 : vector<16xi32>
    %mul3A_1034 = arith.constant 256 : i32
    %mul3A_1035 = arith.muli %add3A_693, %mul3A_1034 : i32
    %add3A_1036 = arith.addi %mul3A_1035, %sub3A_1027 : i32
    %broadcast_in_dim3A_1037 = arith.constant 0 : i32
    %broadcast_in_dim3A_1038 = vector.broadcast %broadcast_in_dim3A_1037 : i32 to vector<16xi32>
    %broadcast_in_dim3A_1039 = arith.constant 8 : i32
    %broadcast_in_dim3A_1040 = vector.broadcast %broadcast_in_dim3A_1039 : i32 to vector<16xi32>
    %broadcast_in_dim3A_1041 = vector.broadcast %add3A_1036 : i32 to vector<16xi32>
    %scan3A_1042 = arith.constant 0 : i32
    %scan3A_1043 = arith.constant 0 : i32
    %scan3A_1044 = arith.constant 64 : i32
    %scan3A_1045 = arith.addi %scan3A_1043, %scan3A_1044 : i32
    %scan3A_1046 = arith.constant 1 : i32
    %scan3A_1047 = scf.for %scan3A_1435 = %scan3A_1043 to %scan3A_1045 step %scan3A_1046 iter_args(%scan3A_1436 = %scan3A_1042) -> (i32)  : i32 {
      %mul3A_1437 = arith.constant 64 : i32
      %mul3A_1438 = arith.muli %scan3A_1435, %mul3A_1437 : i32
      %add3A_1439 = arith.constant 0 : i32
      %add3A_1440 = arith.addi %mul3A_1438, %add3A_1439 : i32
      %swap3A = arith.index_cast %add3A_1440 : i32 to index
      %swap3A_1441 = tpu.vector_load %arg11[%swap3A] {strides = array<i32>} : memref<4096xi32, #tpu.memory_space<vmem>>, vector<16xi32>,
      tpu.vector_store %arg11[%swap3A], %broadcast_in_dim3A_10 {strides = array<i32>} : memref<4096xi32, #tpu.memory_space<vmem>>, vector<16xi32>,
      %mul3A_1442 = arith.constant 64 : i32
      %mul3A_1443 = arith.muli %scan3A_1435, %mul3A_1442 : i32
      %add3A_1444 = arith.constant 16 : i32
      %add3A_1445 = arith.addi %mul3A_1443, %add3A_1444 : i32
      %swap3A_1446 = arith.index_cast %add3A_1445 : i32 to index
      %swap3A_1447 = tpu.vector_load %arg11[%swap3A_1446] {strides = array<i32>} : memref<4096xi32, #tpu.memory_space<vmem>>, vector<16xi32>,
      tpu.vector_store %arg11[%swap3A_1446], %broadcast_in_dim3A_10 {strides = array<i32>} : memref<4096xi32, #tpu.memory_space<vmem>>, vector<16xi32>,
      %mul3A_1448 = arith.constant 64 : i32
      %mul3A_1449 = arith.muli %scan3A_1435, %mul3A_1448 : i32
      %add3A_1450 = arith.constant 32 : i32
      %add3A_1451 = arith.addi %mul3A_1449, %add3A_1450 : i32
      %swap3A_1452 = arith.index_cast %add3A_1451 : i32 to index
      %swap3A_1453 = tpu.vector_load %arg11[%swap3A_1452] {strides = array<i32>} : memref<4096xi32, #tpu.memory_space<vmem>>, vector<16xi32>,
      tpu.vector_store %arg11[%swap3A_1452], %broadcast_in_dim3A_10 {strides = array<i32>} : memref<4096xi32, #tpu.memory_space<vmem>>, vector<16xi32>,
      %mul3A_1454 = arith.constant 64 : i32
      %mul3A_1455 = arith.muli %scan3A_1435, %mul3A_1454 : i32
      %add3A_1456 = arith.constant 48 : i32
      %add3A_1457 = arith.addi %mul3A_1455, %add3A_1456 : i32
      %swap3A_1458 = arith.index_cast %add3A_1457 : i32 to index
      %swap3A_1459 = tpu.vector_load %arg11[%swap3A_1458] {strides = array<i32>} : memref<4096xi32, #tpu.memory_space<vmem>>, vector<16xi32>,
      tpu.vector_store %arg11[%swap3A_1458], %broadcast_in_dim3A_10 {strides = array<i32>} : memref<4096xi32, #tpu.memory_space<vmem>>, vector<16xi32>,
      %scan3A_1460 = arith.constant 0 : i32
      scf.yield %scan3A_1460 : i32
    }
    %scan3A_1048 = arith.constant 64 : i32
    %scan3A_1049 = arith.constant 0 : i32
    %scan3A_1050 = arith.constant 0 : i32
    %scan3A_1051 = arith.constant 250 : i32
    %scan3A_1052 = arith.addi %scan3A_1050, %scan3A_1051 : i32
    %scan3A_1053 = arith.constant 1 : i32
    %scan3A_1054 = scf.for %scan3A_1435 = %scan3A_1050 to %scan3A_1052 step %scan3A_1053 iter_args(%scan3A_1436 = %scan3A_1049) -> (i32)  : i32 {
      %mul3A_1437 = arith.constant 80 : i32
      %mul3A_1438 = arith.muli %scan3A_1435, %mul3A_1437 : i32
      %add3A_1439 = arith.constant 0 : i32
      %add3A_1440 = arith.addi %mul3A_1438, %add3A_1439 : i32
      %get3A_1441 = arith.index_cast %add3A_1440 : i32 to index
      %get3A_1442 = tpu.vector_load %arg8[%get3A_1441] {strides = array<i32>} : memref<20000xf32, #tpu.memory_space<vmem>>, vector<16xf32>,
      %bitcast3A_1443 = vector.bitcast %get3A_1442 : vector<16xf32> to vector<16xi32>
      %shift_right_logical3A = arith.shrui %bitcast3A_1443, %broadcast_in_dim3A_1038 : vector<16xi32>
      %and3A = arith.constant 255 : i32
      %and3A_1444 = vector.broadcast %and3A : i32 to vector<16xi32>
      %and3A_1445 = arith.andi %shift_right_logical3A, %and3A_1444 : vector<16xi32>
      %add3A_1446 = arith.addi %mul3A_7, %and3A_1445 : vector<16xi32>
      %shift_right_logical3A_1447 = arith.shrui %shift_right_logical3A, %broadcast_in_dim3A_1040 : vector<16xi32>
      %eq3A = arith.cmpi eq, %shift_right_logical3A_1447, %broadcast_in_dim3A_1041 : vector<16xi32>
      tpu.vector_store_idx %arg11[%add3A_1446], %broadcast_in_dim3A_8 masked %eq3A {add = true} : memref<4096xi32, #tpu.memory_space<vmem>>[vector<16xi32>], vector<16xi32>, vector<16xi1>
      %mul3A_1448 = arith.constant 80 : i32
      %mul3A_1449 = arith.muli %scan3A_1435, %mul3A_1448 : i32
      %add3A_1450 = arith.constant 16 : i32
      %add3A_1451 = arith.addi %mul3A_1449, %add3A_1450 : i32
      %get3A_1452 = arith.index_cast %add3A_1451 : i32 to index
      %get3A_1453 = tpu.vector_load %arg8[%get3A_1452] {strides = array<i32>} : memref<20000xf32, #tpu.memory_space<vmem>>, vector<16xf32>,
      %bitcast3A_1454 = vector.bitcast %get3A_1453 : vector<16xf32> to vector<16xi32>
      %shift_right_logical3A_1455 = arith.shrui %bitcast3A_1454, %broadcast_in_dim3A_1038 : vector<16xi32>
      %and3A_1456 = arith.constant 255 : i32
      %and3A_1457 = vector.broadcast %and3A_1456 : i32 to vector<16xi32>
      %and3A_1458 = arith.andi %shift_right_logical3A_1455, %and3A_1457 : vector<16xi32>
      %add3A_1459 = arith.addi %mul3A_7, %and3A_1458 : vector<16xi32>
      %shift_right_logical3A_1460 = arith.shrui %shift_right_logical3A_1455, %broadcast_in_dim3A_1040 : vector<16xi32>
      %eq3A_1461 = arith.cmpi eq, %shift_right_logical3A_1460, %broadcast_in_dim3A_1041 : vector<16xi32>
      tpu.vector_store_idx %arg11[%add3A_1459], %broadcast_in_dim3A_8 masked %eq3A_1461 {add = true} : memref<4096xi32, #tpu.memory_space<vmem>>[vector<16xi32>], vector<16xi32>, vector<16xi1>
      %mul3A_1462 = arith.constant 80 : i32
      %mul3A_1463 = arith.muli %scan3A_1435, %mul3A_1462 : i32
      %add3A_1464 = arith.constant 32 : i32
      %add3A_1465 = arith.addi %mul3A_1463, %add3A_1464 : i32
      %get3A_1466 = arith.index_cast %add3A_1465 : i32 to index
      %get3A_1467 = tpu.vector_load %arg8[%get3A_1466] {strides = array<i32>} : memref<20000xf32, #tpu.memory_space<vmem>>, vector<16xf32>,
      %bitcast3A_1468 = vector.bitcast %get3A_1467 : vector<16xf32> to vector<16xi32>
      %shift_right_logical3A_1469 = arith.shrui %bitcast3A_1468, %broadcast_in_dim3A_1038 : vector<16xi32>
      %and3A_1470 = arith.constant 255 : i32
      %and3A_1471 = vector.broadcast %and3A_1470 : i32 to vector<16xi32>
      %and3A_1472 = arith.andi %shift_right_logical3A_1469, %and3A_1471 : vector<16xi32>
      %add3A_1473 = arith.addi %mul3A_7, %and3A_1472 : vector<16xi32>
      %shift_right_logical3A_1474 = arith.shrui %shift_right_logical3A_1469, %broadcast_in_dim3A_1040 : vector<16xi32>
      %eq3A_1475 = arith.cmpi eq, %shift_right_logical3A_1474, %broadcast_in_dim3A_1041 : vector<16xi32>
      tpu.vector_store_idx %arg11[%add3A_1473], %broadcast_in_dim3A_8 masked %eq3A_1475 {add = true} : memref<4096xi32, #tpu.memory_space<vmem>>[vector<16xi32>], vector<16xi32>, vector<16xi1>
      %mul3A_1476 = arith.constant 80 : i32
      %mul3A_1477 = arith.muli %scan3A_1435, %mul3A_1476 : i32
      %add3A_1478 = arith.constant 48 : i32
      %add3A_1479 = arith.addi %mul3A_1477, %add3A_1478 : i32
      %get3A_1480 = arith.index_cast %add3A_1479 : i32 to index
      %get3A_1481 = tpu.vector_load %arg8[%get3A_1480] {strides = array<i32>} : memref<20000xf32, #tpu.memory_space<vmem>>, vector<16xf32>,
      %bitcast3A_1482 = vector.bitcast %get3A_1481 : vector<16xf32> to vector<16xi32>
      %shift_right_logical3A_1483 = arith.shrui %bitcast3A_1482, %broadcast_in_dim3A_1038 : vector<16xi32>
      %and3A_1484 = arith.constant 255 : i32
      %and3A_1485 = vector.broadcast %and3A_1484 : i32 to vector<16xi32>
      %and3A_1486 = arith.andi %shift_right_logical3A_1483, %and3A_1485 : vector<16xi32>
      %add3A_1487 = arith.addi %mul3A_7, %and3A_1486 : vector<16xi32>
      %shift_right_logical3A_1488 = arith.shrui %shift_right_logical3A_1483, %broadcast_in_dim3A_1040 : vector<16xi32>
      %eq3A_1489 = arith.cmpi eq, %shift_right_logical3A_1488, %broadcast_in_dim3A_1041 : vector<16xi32>
      tpu.vector_store_idx %arg11[%add3A_1487], %broadcast_in_dim3A_8 masked %eq3A_1489 {add = true} : memref<4096xi32, #tpu.memory_space<vmem>>[vector<16xi32>], vector<16xi32>, vector<16xi1>
      %mul3A_1490 = arith.constant 80 : i32
      %mul3A_1491 = arith.muli %scan3A_1435, %mul3A_1490 : i32
      %add3A_1492 = arith.constant 64 : i32
      %add3A_1493 = arith.addi %mul3A_1491, %add3A_1492 : i32
      %get3A_1494 = arith.index_cast %add3A_1493 : i32 to index
      %get3A_1495 = tpu.vector_load %arg8[%get3A_1494] {strides = array<i32>} : memref<20000xf32, #tpu.memory_space<vmem>>, vector<16xf32>,
      %bitcast3A_1496 = vector.bitcast %get3A_1495 : vector<16xf32> to vector<16xi32>
      %shift_right_logical3A_1497 = arith.shrui %bitcast3A_1496, %broadcast_in_dim3A_1038 : vector<16xi32>
      %and3A_1498 = arith.constant 255 : i32
      %and3A_1499 = vector.broadcast %and3A_1498 : i32 to vector<16xi32>
      %and3A_1500 = arith.andi %shift_right_logical3A_1497, %and3A_1499 : vector<16xi32>
      %add3A_1501 = arith.addi %mul3A_7, %and3A_1500 : vector<16xi32>
      %shift_right_logical3A_1502 = arith.shrui %shift_right_logical3A_1497, %broadcast_in_dim3A_1040 : vector<16xi32>
      %eq3A_1503 = arith.cmpi eq, %shift_right_logical3A_1502, %broadcast_in_dim3A_1041 : vector<16xi32>
      tpu.vector_store_idx %arg11[%add3A_1501], %broadcast_in_dim3A_8 masked %eq3A_1503 {add = true} : memref<4096xi32, #tpu.memory_space<vmem>>[vector<16xi32>], vector<16xi32>, vector<16xi1>
      %scan3A_1504 = arith.constant 0 : i32
      scf.yield %scan3A_1504 : i32
    }
    %scan3A_1055 = arith.constant 250 : i32
    %scan3A_1056 = arith.constant 0 : i32
    %scan3A_1057 = arith.constant 0 : i32
    %scan3A_1058 = arith.constant 16 : i32
    %scan3A_1059 = arith.addi %scan3A_1057, %scan3A_1058 : i32
    %scan3A_1060 = arith.constant 1 : i32
    %scan3A_1061 = scf.for %scan3A_1435 = %scan3A_1057 to %scan3A_1059 step %scan3A_1060 iter_args(%scan3A_1436 = %scan3A_1056) -> (i32)  : i32 {
      %mul3A_1437 = arith.constant 16 : i32
      %mul3A_1438 = arith.muli %scan3A_1435, %mul3A_1437 : i32
      %get3A_1439 = arith.index_cast %mul3A_1438 : i32 to index
      %get3A_1440 = tpu.vector_load %arg11[%get3A_1439] {strides = array<i32>} : memref<4096xi32, #tpu.memory_space<vmem>>, vector<16xi32>,
      %mul3A_1441 = arith.constant 16 : i32
      %mul3A_1442 = arith.muli %scan3A_1435, %mul3A_1441 : i32
      %add3A_1443 = arith.constant 256 : i32
      %add3A_1444 = arith.addi %add3A_1443, %mul3A_1442 : i32
      %get3A_1445 = arith.index_cast %add3A_1444 : i32 to index
      %get3A_1446 = tpu.vector_load %arg11[%get3A_1445] {strides = array<i32>} : memref<4096xi32, #tpu.memory_space<vmem>>, vector<16xi32>,
      %add3A_1447 = arith.addi %get3A_1440, %get3A_1446 : vector<16xi32>
      %mul3A_1448 = arith.constant 16 : i32
      %mul3A_1449 = arith.muli %scan3A_1435, %mul3A_1448 : i32
      %add3A_1450 = arith.constant 512 : i32
      %add3A_1451 = arith.addi %add3A_1450, %mul3A_1449 : i32
      %get3A_1452 = arith.index_cast %add3A_1451 : i32 to index
      %get3A_1453 = tpu.vector_load %arg11[%get3A_1452] {strides = array<i32>} : memref<4096xi32, #tpu.memory_space<vmem>>, vector<16xi32>,
      %add3A_1454 = arith.addi %add3A_1447, %get3A_1453 : vector<16xi32>
      %mul3A_1455 = arith.constant 16 : i32
      %mul3A_1456 = arith.muli %scan3A_1435, %mul3A_1455 : i32
      %add3A_1457 = arith.constant 768 : i32
      %add3A_1458 = arith.addi %add3A_1457, %mul3A_1456 : i32
      %get3A_1459 = arith.index_cast %add3A_1458 : i32 to index
      %get3A_1460 = tpu.vector_load %arg11[%get3A_1459] {strides = array<i32>} : memref<4096xi32, #tpu.memory_space<vmem>>, vector<16xi32>,
      %add3A_1461 = arith.addi %add3A_1454, %get3A_1460 : vector<16xi32>
      %mul3A_1462 = arith.constant 16 : i32
      %mul3A_1463 = arith.muli %scan3A_1435, %mul3A_1462 : i32
      %add3A_1464 = arith.constant 1024 : i32
      %add3A_1465 = arith.addi %add3A_1464, %mul3A_1463 : i32
      %get3A_1466 = arith.index_cast %add3A_1465 : i32 to index
      %get3A_1467 = tpu.vector_load %arg11[%get3A_1466] {strides = array<i32>} : memref<4096xi32, #tpu.memory_space<vmem>>, vector<16xi32>,
      %add3A_1468 = arith.addi %add3A_1461, %get3A_1467 : vector<16xi32>
      %mul3A_1469 = arith.constant 16 : i32
      %mul3A_1470 = arith.muli %scan3A_1435, %mul3A_1469 : i32
      %add3A_1471 = arith.constant 1280 : i32
      %add3A_1472 = arith.addi %add3A_1471, %mul3A_1470 : i32
      %get3A_1473 = arith.index_cast %add3A_1472 : i32 to index
      %get3A_1474 = tpu.vector_load %arg11[%get3A_1473] {strides = array<i32>} : memref<4096xi32, #tpu.memory_space<vmem>>, vector<16xi32>,
      %add3A_1475 = arith.addi %add3A_1468, %get3A_1474 : vector<16xi32>
      %mul3A_1476 = arith.constant 16 : i32
      %mul3A_1477 = arith.muli %scan3A_1435, %mul3A_1476 : i32
      %add3A_1478 = arith.constant 1536 : i32
      %add3A_1479 = arith.addi %add3A_1478, %mul3A_1477 : i32
      %get3A_1480 = arith.index_cast %add3A_1479 : i32 to index
      %get3A_1481 = tpu.vector_load %arg11[%get3A_1480] {strides = array<i32>} : memref<4096xi32, #tpu.memory_space<vmem>>, vector<16xi32>,
      %add3A_1482 = arith.addi %add3A_1475, %get3A_1481 : vector<16xi32>
      %mul3A_1483 = arith.constant 16 : i32
      %mul3A_1484 = arith.muli %scan3A_1435, %mul3A_1483 : i32
      %add3A_1485 = arith.constant 1792 : i32
      %add3A_1486 = arith.addi %add3A_1485, %mul3A_1484 : i32
      %get3A_1487 = arith.index_cast %add3A_1486 : i32 to index
      %get3A_1488 = tpu.vector_load %arg11[%get3A_1487] {strides = array<i32>} : memref<4096xi32, #tpu.memory_space<vmem>>, vector<16xi32>,
      %add3A_1489 = arith.addi %add3A_1482, %get3A_1488 : vector<16xi32>
      %mul3A_1490 = arith.constant 16 : i32
      %mul3A_1491 = arith.muli %scan3A_1435, %mul3A_1490 : i32
      %add3A_1492 = arith.constant 2048 : i32
      %add3A_1493 = arith.addi %add3A_1492, %mul3A_1491 : i32
      %get3A_1494 = arith.index_cast %add3A_1493 : i32 to index
      %get3A_1495 = tpu.vector_load %arg11[%get3A_1494] {strides = array<i32>} : memref<4096xi32, #tpu.memory_space<vmem>>, vector<16xi32>,
      %add3A_1496 = arith.addi %add3A_1489, %get3A_1495 : vector<16xi32>
      %mul3A_1497 = arith.constant 16 : i32
      %mul3A_1498 = arith.muli %scan3A_1435, %mul3A_1497 : i32
      %add3A_1499 = arith.constant 2304 : i32
      %add3A_1500 = arith.addi %add3A_1499, %mul3A_1498 : i32
      %get3A_1501 = arith.index_cast %add3A_1500 : i32 to index
      %get3A_1502 = tpu.vector_load %arg11[%get3A_1501] {strides = array<i32>} : memref<4096xi32, #tpu.memory_space<vmem>>, vector<16xi32>,
      %add3A_1503 = arith.addi %add3A_1496, %get3A_1502 : vector<16xi32>
      %mul3A_1504 = arith.constant 16 : i32
      %mul3A_1505 = arith.muli %scan3A_1435, %mul3A_1504 : i32
      %add3A_1506 = arith.constant 2560 : i32
      %add3A_1507 = arith.addi %add3A_1506, %mul3A_1505 : i32
      %get3A_1508 = arith.index_cast %add3A_1507 : i32 to index
      %get3A_1509 = tpu.vector_load %arg11[%get3A_1508] {strides = array<i32>} : memref<4096xi32, #tpu.memory_space<vmem>>, vector<16xi32>,
      %add3A_1510 = arith.addi %add3A_1503, %get3A_1509 : vector<16xi32>
      %mul3A_1511 = arith.constant 16 : i32
      %mul3A_1512 = arith.muli %scan3A_1435, %mul3A_1511 : i32
      %add3A_1513 = arith.constant 2816 : i32
      %add3A_1514 = arith.addi %add3A_1513, %mul3A_1512 : i32
      %get3A_1515 = arith.index_cast %add3A_1514 : i32 to index
      %get3A_1516 = tpu.vector_load %arg11[%get3A_1515] {strides = array<i32>} : memref<4096xi32, #tpu.memory_space<vmem>>, vector<16xi32>,
      %add3A_1517 = arith.addi %add3A_1510, %get3A_1516 : vector<16xi32>
      %mul3A_1518 = arith.constant 16 : i32
      %mul3A_1519 = arith.muli %scan3A_1435, %mul3A_1518 : i32
      %add3A_1520 = arith.constant 3072 : i32
      %add3A_1521 = arith.addi %add3A_1520, %mul3A_1519 : i32
      %get3A_1522 = arith.index_cast %add3A_1521 : i32 to index
      %get3A_1523 = tpu.vector_load %arg11[%get3A_1522] {strides = array<i32>} : memref<4096xi32, #tpu.memory_space<vmem>>, vector<16xi32>,
      %add3A_1524 = arith.addi %add3A_1517, %get3A_1523 : vector<16xi32>
      %mul3A_1525 = arith.constant 16 : i32
      %mul3A_1526 = arith.muli %scan3A_1435, %mul3A_1525 : i32
      %add3A_1527 = arith.constant 3328 : i32
      %add3A_1528 = arith.addi %add3A_1527, %mul3A_1526 : i32
      %get3A_1529 = arith.index_cast %add3A_1528 : i32 to index
      %get3A_1530 = tpu.vector_load %arg11[%get3A_1529] {strides = array<i32>} : memref<4096xi32, #tpu.memory_space<vmem>>, vector<16xi32>,
      %add3A_1531 = arith.addi %add3A_1524, %get3A_1530 : vector<16xi32>
      %mul3A_1532 = arith.constant 16 : i32
      %mul3A_1533 = arith.muli %scan3A_1435, %mul3A_1532 : i32
      %add3A_1534 = arith.constant 3584 : i32
      %add3A_1535 = arith.addi %add3A_1534, %mul3A_1533 : i32
      %get3A_1536 = arith.index_cast %add3A_1535 : i32 to index
      %get3A_1537 = tpu.vector_load %arg11[%get3A_1536] {strides = array<i32>} : memref<4096xi32, #tpu.memory_space<vmem>>, vector<16xi32>,
      %add3A_1538 = arith.addi %add3A_1531, %get3A_1537 : vector<16xi32>
      %mul3A_1539 = arith.constant 16 : i32
      %mul3A_1540 = arith.muli %scan3A_1435, %mul3A_1539 : i32
      %add3A_1541 = arith.constant 3840 : i32
      %add3A_1542 = arith.addi %add3A_1541, %mul3A_1540 : i32
      %get3A_1543 = arith.index_cast %add3A_1542 : i32 to index
      %get3A_1544 = tpu.vector_load %arg11[%get3A_1543] {strides = array<i32>} : memref<4096xi32, #tpu.memory_space<vmem>>, vector<16xi32>,
      %add3A_1545 = arith.addi %add3A_1538, %get3A_1544 : vector<16xi32>
      %mul3A_1546 = arith.constant 16 : i32
      %mul3A_1547 = arith.muli %scan3A_1435, %mul3A_1546 : i32
      %swap3A = arith.index_cast %mul3A_1547 : i32 to index
      %swap3A_1548 = tpu.vector_load %arg12[%swap3A] {strides = array<i32>} : memref<256xi32, #tpu.memory_space<vmem>>, vector<16xi32>,
      tpu.vector_store %arg12[%swap3A], %add3A_1545 {strides = array<i32>} : memref<256xi32, #tpu.memory_space<vmem>>, vector<16xi32>,
      %scan3A_1549 = arith.constant 0 : i32
      scf.yield %scan3A_1549 : i32
    }
    %scan3A_1062 = arith.constant 16 : i32
    %run_scoped3A_1063 = arith.constant 3 : i32
    "tpu.region"() ({
      %run_scoped3A_1435 = tpu.sem_alloc : memref<!tpu.dma_semaphore, #tpu.memory_space<semaphore_mem>>
      %dma_start3A_1436 = arith.constant 0 : i32
      %dma_start3A_1437 = tpu.memref_slice %arg18[%run_scoped3A_1063, %arg1, %dma_start3A_1436] : memref<4x16x256xi32, #tpu.memory_space<vmem_shared>> -> memref<1x1x256xi32, #tpu.memory_space<vmem_shared>>
      %dma_start3A_1438 = tpu.memref_squeeze %dma_start3A_1437 : memref<1x1x256xi32, #tpu.memory_space<vmem_shared>> -> memref<256xi32, #tpu.memory_space<vmem_shared>>
      %dma_start3A_1439 = arith.constant 0 : i32
      %dma_start3A_1440 = tpu.memref_slice %arg18[%run_scoped3A_1063, %arg1, %dma_start3A_1439] : memref<4x16x256xi32, #tpu.memory_space<vmem_shared>> -> memref<1x1x256xi32, #tpu.memory_space<vmem_shared>>
      %dma_start3A_1441 = tpu.memref_squeeze %dma_start3A_1440 : memref<1x1x256xi32, #tpu.memory_space<vmem_shared>> -> memref<256xi32, #tpu.memory_space<vmem_shared>>
      tpu.enqueue_dma source(%arg12 : memref<256xi32, #tpu.memory_space<vmem>>) target(%dma_start3A_1441 : memref<256xi32, #tpu.memory_space<vmem_shared>>) target_semaphore(%run_scoped3A_1435 : memref<!tpu.dma_semaphore, #tpu.memory_space<semaphore_mem>>)
      %dma_wait3A_1442 = arith.constant 0 : i32
      %dma_wait3A_1443 = tpu.memref_slice %arg18[%run_scoped3A_1063, %arg1, %dma_wait3A_1442] : memref<4x16x256xi32, #tpu.memory_space<vmem_shared>> -> memref<1x1x256xi32, #tpu.memory_space<vmem_shared>>
      %dma_wait3A_1444 = tpu.memref_squeeze %dma_wait3A_1443 : memref<1x1x256xi32, #tpu.memory_space<vmem_shared>> -> memref<256xi32, #tpu.memory_space<vmem_shared>>
      %dma_wait3A_1445 = arith.constant 0 : i32
      %dma_wait3A_1446 = tpu.memref_slice %arg18[%run_scoped3A_1063, %arg1, %dma_wait3A_1445] : memref<4x16x256xi32, #tpu.memory_space<vmem_shared>> -> memref<1x1x256xi32, #tpu.memory_space<vmem_shared>>
      %dma_wait3A_1447 = tpu.memref_squeeze %dma_wait3A_1446 : memref<1x1x256xi32, #tpu.memory_space<vmem_shared>> -> memref<256xi32, #tpu.memory_space<vmem_shared>>
      tpu.wait_dma2 semaphore(%run_scoped3A_1435 : memref<!tpu.dma_semaphore, #tpu.memory_space<semaphore_mem>>) src(%arg12 : memref<256xi32, #tpu.memory_space<vmem>>) dst(%dma_wait3A_1447 : memref<256xi32, #tpu.memory_space<vmem_shared>>)
      tpu.yield
    }) : () -> ()
    %barrier3A_1064 = arith.constant 0 : index
    tpu.barrier barrier_id(%barrier3A_1064)
    %run_scoped3A_1065 = arith.constant 3 : i32
    "tpu.region"() ({
      %run_scoped3A_1435 = tpu.sem_alloc : memref<!tpu.dma_semaphore, #tpu.memory_space<semaphore_mem>>
      %dma_start3A_1436 = arith.constant 0 : i32
      %dma_start3A_1437 = arith.constant 0 : i32
      %dma_start3A_1438 = tpu.memref_slice %arg18[%run_scoped3A_1065, %dma_start3A_1436, %dma_start3A_1437] : memref<4x16x256xi32, #tpu.memory_space<vmem_shared>> -> memref<1x16x256xi32, #tpu.memory_space<vmem_shared>>
      %dma_start3A_1439 = tpu.memref_squeeze %dma_start3A_1438 : memref<1x16x256xi32, #tpu.memory_space<vmem_shared>> -> memref<16x256xi32, #tpu.memory_space<vmem_shared>>
      %dma_start3A_1440 = arith.constant 0 : i32
      %dma_start3A_1441 = arith.constant 0 : i32
      %dma_start3A_1442 = tpu.memref_slice %arg18[%run_scoped3A_1065, %dma_start3A_1440, %dma_start3A_1441] : memref<4x16x256xi32, #tpu.memory_space<vmem_shared>> -> memref<1x16x256xi32, #tpu.memory_space<vmem_shared>>
      %dma_start3A_1443 = tpu.memref_squeeze %dma_start3A_1442 : memref<1x16x256xi32, #tpu.memory_space<vmem_shared>> -> memref<16x256xi32, #tpu.memory_space<vmem_shared>>
      tpu.enqueue_dma source(%dma_start3A_1443 : memref<16x256xi32, #tpu.memory_space<vmem_shared>>) target(%arg13 : memref<16x256xi32, #tpu.memory_space<vmem>>) target_semaphore(%run_scoped3A_1435 : memref<!tpu.dma_semaphore, #tpu.memory_space<semaphore_mem>>)
      %dma_wait3A_1444 = arith.constant 0 : i32
      %dma_wait3A_1445 = arith.constant 0 : i32
      %dma_wait3A_1446 = tpu.memref_slice %arg18[%run_scoped3A_1065, %dma_wait3A_1444, %dma_wait3A_1445] : memref<4x16x256xi32, #tpu.memory_space<vmem_shared>> -> memref<1x16x256xi32, #tpu.memory_space<vmem_shared>>
      %dma_wait3A_1447 = tpu.memref_squeeze %dma_wait3A_1446 : memref<1x16x256xi32, #tpu.memory_space<vmem_shared>> -> memref<16x256xi32, #tpu.memory_space<vmem_shared>>
      %dma_wait3A_1448 = arith.constant 0 : i32
      %dma_wait3A_1449 = arith.constant 0 : i32
      %dma_wait3A_1450 = tpu.memref_slice %arg18[%run_scoped3A_1065, %dma_wait3A_1448, %dma_wait3A_1449] : memref<4x16x256xi32, #tpu.memory_space<vmem_shared>> -> memref<1x16x256xi32, #tpu.memory_space<vmem_shared>>
      %dma_wait3A_1451 = tpu.memref_squeeze %dma_wait3A_1450 : memref<1x16x256xi32, #tpu.memory_space<vmem_shared>> -> memref<16x256xi32, #tpu.memory_space<vmem_shared>>
      tpu.wait_dma2 semaphore(%run_scoped3A_1435 : memref<!tpu.dma_semaphore, #tpu.memory_space<semaphore_mem>>) src(%dma_wait3A_1451 : memref<16x256xi32, #tpu.memory_space<vmem_shared>>) dst(%arg13 : memref<16x256xi32, #tpu.memory_space<vmem>>)
      tpu.yield
    }) : () -> ()
    %scan3A_1066 = arith.constant 0 : i32
    %scan3A_1067 = arith.constant 0 : i32
    %scan3A_1068 = arith.constant 16 : i32
    %scan3A_1069 = arith.addi %scan3A_1067, %scan3A_1068 : i32
    %scan3A_1070 = arith.constant 1 : i32
    %scan3A_1071 = scf.for %scan3A_1435 = %scan3A_1067 to %scan3A_1069 step %scan3A_1070 iter_args(%scan3A_1436 = %scan3A_1066) -> (i32)  : i32 {
      %mul3A_1437 = arith.constant 16 : i32
      %mul3A_1438 = arith.muli %scan3A_1435, %mul3A_1437 : i32
      %get3A_1439 = arith.constant 0 : i32
      %get3A_1440 = arith.index_cast %get3A_1439 : i32 to index
      %get3A_1441 = arith.index_cast %mul3A_1438 : i32 to index
      %get3A_1442 = tpu.vector_load %arg13[%get3A_1440, %get3A_1441] {strides = array<i32>} : memref<16x256xi32, #tpu.memory_space<vmem>>, vector<16xi32>,
      %mul3A_1443 = arith.constant 16 : i32
      %mul3A_1444 = arith.muli %scan3A_1435, %mul3A_1443 : i32
      %get3A_1445 = arith.constant 1 : i32
      %get3A_1446 = arith.index_cast %get3A_1445 : i32 to index
      %get3A_1447 = arith.index_cast %mul3A_1444 : i32 to index
      %get3A_1448 = tpu.vector_load %arg13[%get3A_1446, %get3A_1447] {strides = array<i32>} : memref<16x256xi32, #tpu.memory_space<vmem>>, vector<16xi32>,
      %add3A_1449 = arith.addi %get3A_1442, %get3A_1448 : vector<16xi32>
      %mul3A_1450 = arith.constant 16 : i32
      %mul3A_1451 = arith.muli %scan3A_1435, %mul3A_1450 : i32
      %get3A_1452 = arith.constant 2 : i32
      %get3A_1453 = arith.index_cast %get3A_1452 : i32 to index
      %get3A_1454 = arith.index_cast %mul3A_1451 : i32 to index
      %get3A_1455 = tpu.vector_load %arg13[%get3A_1453, %get3A_1454] {strides = array<i32>} : memref<16x256xi32, #tpu.memory_space<vmem>>, vector<16xi32>,
      %add3A_1456 = arith.addi %add3A_1449, %get3A_1455 : vector<16xi32>
      %mul3A_1457 = arith.constant 16 : i32
      %mul3A_1458 = arith.muli %scan3A_1435, %mul3A_1457 : i32
      %get3A_1459 = arith.constant 3 : i32
      %get3A_1460 = arith.index_cast %get3A_1459 : i32 to index
      %get3A_1461 = arith.index_cast %mul3A_1458 : i32 to index
      %get3A_1462 = tpu.vector_load %arg13[%get3A_1460, %get3A_1461] {strides = array<i32>} : memref<16x256xi32, #tpu.memory_space<vmem>>, vector<16xi32>,
      %add3A_1463 = arith.addi %add3A_1456, %get3A_1462 : vector<16xi32>
      %mul3A_1464 = arith.constant 16 : i32
      %mul3A_1465 = arith.muli %scan3A_1435, %mul3A_1464 : i32
      %get3A_1466 = arith.constant 4 : i32
      %get3A_1467 = arith.index_cast %get3A_1466 : i32 to index
      %get3A_1468 = arith.index_cast %mul3A_1465 : i32 to index
      %get3A_1469 = tpu.vector_load %arg13[%get3A_1467, %get3A_1468] {strides = array<i32>} : memref<16x256xi32, #tpu.memory_space<vmem>>, vector<16xi32>,
      %add3A_1470 = arith.addi %add3A_1463, %get3A_1469 : vector<16xi32>
      %mul3A_1471 = arith.constant 16 : i32
      %mul3A_1472 = arith.muli %scan3A_1435, %mul3A_1471 : i32
      %get3A_1473 = arith.constant 5 : i32
      %get3A_1474 = arith.index_cast %get3A_1473 : i32 to index
      %get3A_1475 = arith.index_cast %mul3A_1472 : i32 to index
      %get3A_1476 = tpu.vector_load %arg13[%get3A_1474, %get3A_1475] {strides = array<i32>} : memref<16x256xi32, #tpu.memory_space<vmem>>, vector<16xi32>,
      %add3A_1477 = arith.addi %add3A_1470, %get3A_1476 : vector<16xi32>
      %mul3A_1478 = arith.constant 16 : i32
      %mul3A_1479 = arith.muli %scan3A_1435, %mul3A_1478 : i32
      %get3A_1480 = arith.constant 6 : i32
      %get3A_1481 = arith.index_cast %get3A_1480 : i32 to index
      %get3A_1482 = arith.index_cast %mul3A_1479 : i32 to index
      %get3A_1483 = tpu.vector_load %arg13[%get3A_1481, %get3A_1482] {strides = array<i32>} : memref<16x256xi32, #tpu.memory_space<vmem>>, vector<16xi32>,
      %add3A_1484 = arith.addi %add3A_1477, %get3A_1483 : vector<16xi32>
      %mul3A_1485 = arith.constant 16 : i32
      %mul3A_1486 = arith.muli %scan3A_1435, %mul3A_1485 : i32
      %get3A_1487 = arith.constant 7 : i32
      %get3A_1488 = arith.index_cast %get3A_1487 : i32 to index
      %get3A_1489 = arith.index_cast %mul3A_1486 : i32 to index
      %get3A_1490 = tpu.vector_load %arg13[%get3A_1488, %get3A_1489] {strides = array<i32>} : memref<16x256xi32, #tpu.memory_space<vmem>>, vector<16xi32>,
      %add3A_1491 = arith.addi %add3A_1484, %get3A_1490 : vector<16xi32>
      %mul3A_1492 = arith.constant 16 : i32
      %mul3A_1493 = arith.muli %scan3A_1435, %mul3A_1492 : i32
      %get3A_1494 = arith.constant 8 : i32
      %get3A_1495 = arith.index_cast %get3A_1494 : i32 to index
      %get3A_1496 = arith.index_cast %mul3A_1493 : i32 to index
      %get3A_1497 = tpu.vector_load %arg13[%get3A_1495, %get3A_1496] {strides = array<i32>} : memref<16x256xi32, #tpu.memory_space<vmem>>, vector<16xi32>,
      %add3A_1498 = arith.addi %add3A_1491, %get3A_1497 : vector<16xi32>
      %mul3A_1499 = arith.constant 16 : i32
      %mul3A_1500 = arith.muli %scan3A_1435, %mul3A_1499 : i32
      %get3A_1501 = arith.constant 9 : i32
      %get3A_1502 = arith.index_cast %get3A_1501 : i32 to index
      %get3A_1503 = arith.index_cast %mul3A_1500 : i32 to index
      %get3A_1504 = tpu.vector_load %arg13[%get3A_1502, %get3A_1503] {strides = array<i32>} : memref<16x256xi32, #tpu.memory_space<vmem>>, vector<16xi32>,
      %add3A_1505 = arith.addi %add3A_1498, %get3A_1504 : vector<16xi32>
      %mul3A_1506 = arith.constant 16 : i32
      %mul3A_1507 = arith.muli %scan3A_1435, %mul3A_1506 : i32
      %get3A_1508 = arith.constant 10 : i32
      %get3A_1509 = arith.index_cast %get3A_1508 : i32 to index
      %get3A_1510 = arith.index_cast %mul3A_1507 : i32 to index
      %get3A_1511 = tpu.vector_load %arg13[%get3A_1509, %get3A_1510] {strides = array<i32>} : memref<16x256xi32, #tpu.memory_space<vmem>>, vector<16xi32>,
      %add3A_1512 = arith.addi %add3A_1505, %get3A_1511 : vector<16xi32>
      %mul3A_1513 = arith.constant 16 : i32
      %mul3A_1514 = arith.muli %scan3A_1435, %mul3A_1513 : i32
      %get3A_1515 = arith.constant 11 : i32
      %get3A_1516 = arith.index_cast %get3A_1515 : i32 to index
      %get3A_1517 = arith.index_cast %mul3A_1514 : i32 to index
      %get3A_1518 = tpu.vector_load %arg13[%get3A_1516, %get3A_1517] {strides = array<i32>} : memref<16x256xi32, #tpu.memory_space<vmem>>, vector<16xi32>,
      %add3A_1519 = arith.addi %add3A_1512, %get3A_1518 : vector<16xi32>
      %mul3A_1520 = arith.constant 16 : i32
      %mul3A_1521 = arith.muli %scan3A_1435, %mul3A_1520 : i32
      %get3A_1522 = arith.constant 12 : i32
      %get3A_1523 = arith.index_cast %get3A_1522 : i32 to index
      %get3A_1524 = arith.index_cast %mul3A_1521 : i32 to index
      %get3A_1525 = tpu.vector_load %arg13[%get3A_1523, %get3A_1524] {strides = array<i32>} : memref<16x256xi32, #tpu.memory_space<vmem>>, vector<16xi32>,
      %add3A_1526 = arith.addi %add3A_1519, %get3A_1525 : vector<16xi32>
      %mul3A_1527 = arith.constant 16 : i32
      %mul3A_1528 = arith.muli %scan3A_1435, %mul3A_1527 : i32
      %get3A_1529 = arith.constant 13 : i32
      %get3A_1530 = arith.index_cast %get3A_1529 : i32 to index
      %get3A_1531 = arith.index_cast %mul3A_1528 : i32 to index
      %get3A_1532 = tpu.vector_load %arg13[%get3A_1530, %get3A_1531] {strides = array<i32>} : memref<16x256xi32, #tpu.memory_space<vmem>>, vector<16xi32>,
      %add3A_1533 = arith.addi %add3A_1526, %get3A_1532 : vector<16xi32>
      %mul3A_1534 = arith.constant 16 : i32
      %mul3A_1535 = arith.muli %scan3A_1435, %mul3A_1534 : i32
      %get3A_1536 = arith.constant 14 : i32
      %get3A_1537 = arith.index_cast %get3A_1536 : i32 to index
      %get3A_1538 = arith.index_cast %mul3A_1535 : i32 to index
      %get3A_1539 = tpu.vector_load %arg13[%get3A_1537, %get3A_1538] {strides = array<i32>} : memref<16x256xi32, #tpu.memory_space<vmem>>, vector<16xi32>,
      %add3A_1540 = arith.addi %add3A_1533, %get3A_1539 : vector<16xi32>
      %mul3A_1541 = arith.constant 16 : i32
      %mul3A_1542 = arith.muli %scan3A_1435, %mul3A_1541 : i32
      %get3A_1543 = arith.constant 15 : i32
      %get3A_1544 = arith.index_cast %get3A_1543 : i32 to index
      %get3A_1545 = arith.index_cast %mul3A_1542 : i32 to index
      %get3A_1546 = tpu.vector_load %arg13[%get3A_1544, %get3A_1545] {strides = array<i32>} : memref<16x256xi32, #tpu.memory_space<vmem>>, vector<16xi32>,
      %add3A_1547 = arith.addi %add3A_1540, %get3A_1546 : vector<16xi32>
      %mul3A_1548 = arith.constant 16 : i32
      %mul3A_1549 = arith.muli %scan3A_1435, %mul3A_1548 : i32
      %swap3A = arith.index_cast %mul3A_1549 : i32 to index
      %swap3A_1550 = tpu.vector_load %arg12[%swap3A] {strides = array<i32>} : memref<256xi32, #tpu.memory_space<vmem>>, vector<16xi32>,
      tpu.vector_store %arg12[%swap3A], %add3A_1547 {strides = array<i32>} : memref<256xi32, #tpu.memory_space<vmem>>, vector<16xi32>,
      %scan3A_1551 = arith.constant 0 : i32
      scf.yield %scan3A_1551 : i32
    }
    %scan3A_1072 = arith.constant 16 : i32
    %broadcast_in_dim3A_1073 = arith.constant 0 : i32
    %broadcast_in_dim3A_1074 = vector.broadcast %broadcast_in_dim3A_1073 : i32 to vector<16xi32>
    %broadcast_in_dim3A_1075 = arith.constant 0 : i32
    %broadcast_in_dim3A_1076 = vector.broadcast %broadcast_in_dim3A_1075 : i32 to vector<16xi32>
    %broadcast_in_dim3A_1077 = arith.constant 0 : i32
    %broadcast_in_dim3A_1078 = vector.broadcast %broadcast_in_dim3A_1077 : i32 to vector<16xi32>
    %get3A_1079 = arith.constant 240 : index
    %get3A_1080 = tpu.vector_load %arg12[%get3A_1079] {strides = array<i32>} : memref<256xi32, #tpu.memory_space<vmem>>, vector<16xi32>,
    %broadcast_in_dim3A_1081 = arith.constant true
    %broadcast_in_dim3A_1082 = vector.broadcast %broadcast_in_dim3A_1081 : i1 to vector<16xi1>
    %masked_cumsum3A_1083 = tpu.scan <sum>, %get3A_1080 masked %broadcast_in_dim3A_1082 : vector<16xi32>, vector<16xi1> -> vector<16xi32>
    %slice3A_1084 = vector.extract_strided_slice %masked_cumsum3A_1083 {offsets = [15], sizes = [1], strides = [1]} : vector<16xi32> to vector<1xi32>
    %squeeze3A_1085 = vector.extract %slice3A_1084[0] : i32 from vector<1xi32>
    %sub3A_1086 = vector.broadcast %squeeze3A_1085 : i32 to vector<16xi32>
    %sub3A_1087 = arith.subi %sub3A_1086, %masked_cumsum3A_1083 : vector<16xi32>
    %add3A_1088 = arith.addi %sub3A_1087, %get3A_1080 : vector<16xi32>
    %add3A_1089 = arith.addi %add3A_1088, %broadcast_in_dim3A_1074 : vector<16xi32>
    %add3A_1090 = vector.broadcast %squeeze3A_1085 : i32 to vector<16xi32>
    %add3A_1091 = arith.addi %broadcast_in_dim3A_1074, %add3A_1090 : vector<16xi32>
    %gt3A_1092 = arith.cmpi sgt, %add3A_1089, %sub3A_1033 : vector<16xi32>
    %all_reduce_population_count3A_1093 = tpu.all_reduce %gt3A_1092 {dim = 0 : i64, kind = #tpu.reduction_kind<sum>} : vector<16xi1> -> vector<16xi32>
    %add3A_1094 = arith.addi %broadcast_in_dim3A_1076, %all_reduce_population_count3A_1093 : vector<16xi32>
    %select_n3A_1095 = arith.select %gt3A_1092, %broadcast_in_dim3A_10, %get3A_1080 : vector<16xi1>, vector<16xi32>
    %add3A_1096 = arith.addi %broadcast_in_dim3A_1078, %select_n3A_1095 : vector<16xi32>
    %get3A_1097 = arith.constant 224 : index
    %get3A_1098 = tpu.vector_load %arg12[%get3A_1097] {strides = array<i32>} : memref<256xi32, #tpu.memory_space<vmem>>, vector<16xi32>,
    %broadcast_in_dim3A_1099 = arith.constant true
    %broadcast_in_dim3A_1100 = vector.broadcast %broadcast_in_dim3A_1099 : i1 to vector<16xi1>
    %masked_cumsum3A_1101 = tpu.scan <sum>, %get3A_1098 masked %broadcast_in_dim3A_1100 : vector<16xi32>, vector<16xi1> -> vector<16xi32>
    %slice3A_1102 = vector.extract_strided_slice %masked_cumsum3A_1101 {offsets = [15], sizes = [1], strides = [1]} : vector<16xi32> to vector<1xi32>
    %squeeze3A_1103 = vector.extract %slice3A_1102[0] : i32 from vector<1xi32>
    %sub3A_1104 = vector.broadcast %squeeze3A_1103 : i32 to vector<16xi32>
    %sub3A_1105 = arith.subi %sub3A_1104, %masked_cumsum3A_1101 : vector<16xi32>
    %add3A_1106 = arith.addi %sub3A_1105, %get3A_1098 : vector<16xi32>
    %add3A_1107 = arith.addi %add3A_1106, %add3A_1091 : vector<16xi32>
    %add3A_1108 = vector.broadcast %squeeze3A_1103 : i32 to vector<16xi32>
    %add3A_1109 = arith.addi %add3A_1091, %add3A_1108 : vector<16xi32>
    %gt3A_1110 = arith.cmpi sgt, %add3A_1107, %sub3A_1033 : vector<16xi32>
    %all_reduce_population_count3A_1111 = tpu.all_reduce %gt3A_1110 {dim = 0 : i64, kind = #tpu.reduction_kind<sum>} : vector<16xi1> -> vector<16xi32>
    %add3A_1112 = arith.addi %add3A_1094, %all_reduce_population_count3A_1111 : vector<16xi32>
    %select_n3A_1113 = arith.select %gt3A_1110, %broadcast_in_dim3A_10, %get3A_1098 : vector<16xi1>, vector<16xi32>
    %add3A_1114 = arith.addi %add3A_1096, %select_n3A_1113 : vector<16xi32>
    %get3A_1115 = arith.constant 208 : index
    %get3A_1116 = tpu.vector_load %arg12[%get3A_1115] {strides = array<i32>} : memref<256xi32, #tpu.memory_space<vmem>>, vector<16xi32>,
    %broadcast_in_dim3A_1117 = arith.constant true
    %broadcast_in_dim3A_1118 = vector.broadcast %broadcast_in_dim3A_1117 : i1 to vector<16xi1>
    %masked_cumsum3A_1119 = tpu.scan <sum>, %get3A_1116 masked %broadcast_in_dim3A_1118 : vector<16xi32>, vector<16xi1> -> vector<16xi32>
    %slice3A_1120 = vector.extract_strided_slice %masked_cumsum3A_1119 {offsets = [15], sizes = [1], strides = [1]} : vector<16xi32> to vector<1xi32>
    %squeeze3A_1121 = vector.extract %slice3A_1120[0] : i32 from vector<1xi32>
    %sub3A_1122 = vector.broadcast %squeeze3A_1121 : i32 to vector<16xi32>
    %sub3A_1123 = arith.subi %sub3A_1122, %masked_cumsum3A_1119 : vector<16xi32>
    %add3A_1124 = arith.addi %sub3A_1123, %get3A_1116 : vector<16xi32>
    %add3A_1125 = arith.addi %add3A_1124, %add3A_1109 : vector<16xi32>
    %add3A_1126 = vector.broadcast %squeeze3A_1121 : i32 to vector<16xi32>
    %add3A_1127 = arith.addi %add3A_1109, %add3A_1126 : vector<16xi32>
    %gt3A_1128 = arith.cmpi sgt, %add3A_1125, %sub3A_1033 : vector<16xi32>
    %all_reduce_population_count3A_1129 = tpu.all_reduce %gt3A_1128 {dim = 0 : i64, kind = #tpu.reduction_kind<sum>} : vector<16xi1> -> vector<16xi32>
    %add3A_1130 = arith.addi %add3A_1112, %all_reduce_population_count3A_1129 : vector<16xi32>
    %select_n3A_1131 = arith.select %gt3A_1128, %broadcast_in_dim3A_10, %get3A_1116 : vector<16xi1>, vector<16xi32>
    %add3A_1132 = arith.addi %add3A_1114, %select_n3A_1131 : vector<16xi32>
    %get3A_1133 = arith.constant 192 : index
    %get3A_1134 = tpu.vector_load %arg12[%get3A_1133] {strides = array<i32>} : memref<256xi32, #tpu.memory_space<vmem>>, vector<16xi32>,
    %broadcast_in_dim3A_1135 = arith.constant true
    %broadcast_in_dim3A_1136 = vector.broadcast %broadcast_in_dim3A_1135 : i1 to vector<16xi1>
    %masked_cumsum3A_1137 = tpu.scan <sum>, %get3A_1134 masked %broadcast_in_dim3A_1136 : vector<16xi32>, vector<16xi1> -> vector<16xi32>
    %slice3A_1138 = vector.extract_strided_slice %masked_cumsum3A_1137 {offsets = [15], sizes = [1], strides = [1]} : vector<16xi32> to vector<1xi32>
    %squeeze3A_1139 = vector.extract %slice3A_1138[0] : i32 from vector<1xi32>
    %sub3A_1140 = vector.broadcast %squeeze3A_1139 : i32 to vector<16xi32>
    %sub3A_1141 = arith.subi %sub3A_1140, %masked_cumsum3A_1137 : vector<16xi32>
    %add3A_1142 = arith.addi %sub3A_1141, %get3A_1134 : vector<16xi32>
    %add3A_1143 = arith.addi %add3A_1142, %add3A_1127 : vector<16xi32>
    %add3A_1144 = vector.broadcast %squeeze3A_1139 : i32 to vector<16xi32>
    %add3A_1145 = arith.addi %add3A_1127, %add3A_1144 : vector<16xi32>
    %gt3A_1146 = arith.cmpi sgt, %add3A_1143, %sub3A_1033 : vector<16xi32>
    %all_reduce_population_count3A_1147 = tpu.all_reduce %gt3A_1146 {dim = 0 : i64, kind = #tpu.reduction_kind<sum>} : vector<16xi1> -> vector<16xi32>
    %add3A_1148 = arith.addi %add3A_1130, %all_reduce_population_count3A_1147 : vector<16xi32>
    %select_n3A_1149 = arith.select %gt3A_1146, %broadcast_in_dim3A_10, %get3A_1134 : vector<16xi1>, vector<16xi32>
    %add3A_1150 = arith.addi %add3A_1132, %select_n3A_1149 : vector<16xi32>
    %get3A_1151 = arith.constant 176 : index
    %get3A_1152 = tpu.vector_load %arg12[%get3A_1151] {strides = array<i32>} : memref<256xi32, #tpu.memory_space<vmem>>, vector<16xi32>,
    %broadcast_in_dim3A_1153 = arith.constant true
    %broadcast_in_dim3A_1154 = vector.broadcast %broadcast_in_dim3A_1153 : i1 to vector<16xi1>
    %masked_cumsum3A_1155 = tpu.scan <sum>, %get3A_1152 masked %broadcast_in_dim3A_1154 : vector<16xi32>, vector<16xi1> -> vector<16xi32>
    %slice3A_1156 = vector.extract_strided_slice %masked_cumsum3A_1155 {offsets = [15], sizes = [1], strides = [1]} : vector<16xi32> to vector<1xi32>
    %squeeze3A_1157 = vector.extract %slice3A_1156[0] : i32 from vector<1xi32>
    %sub3A_1158 = vector.broadcast %squeeze3A_1157 : i32 to vector<16xi32>
    %sub3A_1159 = arith.subi %sub3A_1158, %masked_cumsum3A_1155 : vector<16xi32>
    %add3A_1160 = arith.addi %sub3A_1159, %get3A_1152 : vector<16xi32>
    %add3A_1161 = arith.addi %add3A_1160, %add3A_1145 : vector<16xi32>
    %add3A_1162 = vector.broadcast %squeeze3A_1157 : i32 to vector<16xi32>
    %add3A_1163 = arith.addi %add3A_1145, %add3A_1162 : vector<16xi32>
    %gt3A_1164 = arith.cmpi sgt, %add3A_1161, %sub3A_1033 : vector<16xi32>
    %all_reduce_population_count3A_1165 = tpu.all_reduce %gt3A_1164 {dim = 0 : i64, kind = #tpu.reduction_kind<sum>} : vector<16xi1> -> vector<16xi32>
    %add3A_1166 = arith.addi %add3A_1148, %all_reduce_population_count3A_1165 : vector<16xi32>
    %select_n3A_1167 = arith.select %gt3A_1164, %broadcast_in_dim3A_10, %get3A_1152 : vector<16xi1>, vector<16xi32>
    %add3A_1168 = arith.addi %add3A_1150, %select_n3A_1167 : vector<16xi32>
    %get3A_1169 = arith.constant 160 : index
    %get3A_1170 = tpu.vector_load %arg12[%get3A_1169] {strides = array<i32>} : memref<256xi32, #tpu.memory_space<vmem>>, vector<16xi32>,
    %broadcast_in_dim3A_1171 = arith.constant true
    %broadcast_in_dim3A_1172 = vector.broadcast %broadcast_in_dim3A_1171 : i1 to vector<16xi1>
    %masked_cumsum3A_1173 = tpu.scan <sum>, %get3A_1170 masked %broadcast_in_dim3A_1172 : vector<16xi32>, vector<16xi1> -> vector<16xi32>
    %slice3A_1174 = vector.extract_strided_slice %masked_cumsum3A_1173 {offsets = [15], sizes = [1], strides = [1]} : vector<16xi32> to vector<1xi32>
    %squeeze3A_1175 = vector.extract %slice3A_1174[0] : i32 from vector<1xi32>
    %sub3A_1176 = vector.broadcast %squeeze3A_1175 : i32 to vector<16xi32>
    %sub3A_1177 = arith.subi %sub3A_1176, %masked_cumsum3A_1173 : vector<16xi32>
    %add3A_1178 = arith.addi %sub3A_1177, %get3A_1170 : vector<16xi32>
    %add3A_1179 = arith.addi %add3A_1178, %add3A_1163 : vector<16xi32>
    %add3A_1180 = vector.broadcast %squeeze3A_1175 : i32 to vector<16xi32>
    %add3A_1181 = arith.addi %add3A_1163, %add3A_1180 : vector<16xi32>
    %gt3A_1182 = arith.cmpi sgt, %add3A_1179, %sub3A_1033 : vector<16xi32>
    %all_reduce_population_count3A_1183 = tpu.all_reduce %gt3A_1182 {dim = 0 : i64, kind = #tpu.reduction_kind<sum>} : vector<16xi1> -> vector<16xi32>
    %add3A_1184 = arith.addi %add3A_1166, %all_reduce_population_count3A_1183 : vector<16xi32>
    %select_n3A_1185 = arith.select %gt3A_1182, %broadcast_in_dim3A_10, %get3A_1170 : vector<16xi1>, vector<16xi32>
    %add3A_1186 = arith.addi %add3A_1168, %select_n3A_1185 : vector<16xi32>
    %get3A_1187 = arith.constant 144 : index
    %get3A_1188 = tpu.vector_load %arg12[%get3A_1187] {strides = array<i32>} : memref<256xi32, #tpu.memory_space<vmem>>, vector<16xi32>,
    %broadcast_in_dim3A_1189 = arith.constant true
    %broadcast_in_dim3A_1190 = vector.broadcast %broadcast_in_dim3A_1189 : i1 to vector<16xi1>
    %masked_cumsum3A_1191 = tpu.scan <sum>, %get3A_1188 masked %broadcast_in_dim3A_1190 : vector<16xi32>, vector<16xi1> -> vector<16xi32>
    %slice3A_1192 = vector.extract_strided_slice %masked_cumsum3A_1191 {offsets = [15], sizes = [1], strides = [1]} : vector<16xi32> to vector<1xi32>
    %squeeze3A_1193 = vector.extract %slice3A_1192[0] : i32 from vector<1xi32>
    %sub3A_1194 = vector.broadcast %squeeze3A_1193 : i32 to vector<16xi32>
    %sub3A_1195 = arith.subi %sub3A_1194, %masked_cumsum3A_1191 : vector<16xi32>
    %add3A_1196 = arith.addi %sub3A_1195, %get3A_1188 : vector<16xi32>
    %add3A_1197 = arith.addi %add3A_1196, %add3A_1181 : vector<16xi32>
    %add3A_1198 = vector.broadcast %squeeze3A_1193 : i32 to vector<16xi32>
    %add3A_1199 = arith.addi %add3A_1181, %add3A_1198 : vector<16xi32>
    %gt3A_1200 = arith.cmpi sgt, %add3A_1197, %sub3A_1033 : vector<16xi32>
    %all_reduce_population_count3A_1201 = tpu.all_reduce %gt3A_1200 {dim = 0 : i64, kind = #tpu.reduction_kind<sum>} : vector<16xi1> -> vector<16xi32>
    %add3A_1202 = arith.addi %add3A_1184, %all_reduce_population_count3A_1201 : vector<16xi32>
    %select_n3A_1203 = arith.select %gt3A_1200, %broadcast_in_dim3A_10, %get3A_1188 : vector<16xi1>, vector<16xi32>
    %add3A_1204 = arith.addi %add3A_1186, %select_n3A_1203 : vector<16xi32>
    %get3A_1205 = arith.constant 128 : index
    %get3A_1206 = tpu.vector_load %arg12[%get3A_1205] {strides = array<i32>} : memref<256xi32, #tpu.memory_space<vmem>>, vector<16xi32>,
    %broadcast_in_dim3A_1207 = arith.constant true
    %broadcast_in_dim3A_1208 = vector.broadcast %broadcast_in_dim3A_1207 : i1 to vector<16xi1>
    %masked_cumsum3A_1209 = tpu.scan <sum>, %get3A_1206 masked %broadcast_in_dim3A_1208 : vector<16xi32>, vector<16xi1> -> vector<16xi32>
    %slice3A_1210 = vector.extract_strided_slice %masked_cumsum3A_1209 {offsets = [15], sizes = [1], strides = [1]} : vector<16xi32> to vector<1xi32>
    %squeeze3A_1211 = vector.extract %slice3A_1210[0] : i32 from vector<1xi32>
    %sub3A_1212 = vector.broadcast %squeeze3A_1211 : i32 to vector<16xi32>
    %sub3A_1213 = arith.subi %sub3A_1212, %masked_cumsum3A_1209 : vector<16xi32>
    %add3A_1214 = arith.addi %sub3A_1213, %get3A_1206 : vector<16xi32>
    %add3A_1215 = arith.addi %add3A_1214, %add3A_1199 : vector<16xi32>
    %add3A_1216 = vector.broadcast %squeeze3A_1211 : i32 to vector<16xi32>
    %add3A_1217 = arith.addi %add3A_1199, %add3A_1216 : vector<16xi32>
    %gt3A_1218 = arith.cmpi sgt, %add3A_1215, %sub3A_1033 : vector<16xi32>
    %all_reduce_population_count3A_1219 = tpu.all_reduce %gt3A_1218 {dim = 0 : i64, kind = #tpu.reduction_kind<sum>} : vector<16xi1> -> vector<16xi32>
    %add3A_1220 = arith.addi %add3A_1202, %all_reduce_population_count3A_1219 : vector<16xi32>
    %select_n3A_1221 = arith.select %gt3A_1218, %broadcast_in_dim3A_10, %get3A_1206 : vector<16xi1>, vector<16xi32>
    %add3A_1222 = arith.addi %add3A_1204, %select_n3A_1221 : vector<16xi32>
    %get3A_1223 = arith.constant 112 : index
    %get3A_1224 = tpu.vector_load %arg12[%get3A_1223] {strides = array<i32>} : memref<256xi32, #tpu.memory_space<vmem>>, vector<16xi32>,
    %broadcast_in_dim3A_1225 = arith.constant true
    %broadcast_in_dim3A_1226 = vector.broadcast %broadcast_in_dim3A_1225 : i1 to vector<16xi1>
    %masked_cumsum3A_1227 = tpu.scan <sum>, %get3A_1224 masked %broadcast_in_dim3A_1226 : vector<16xi32>, vector<16xi1> -> vector<16xi32>
    %slice3A_1228 = vector.extract_strided_slice %masked_cumsum3A_1227 {offsets = [15], sizes = [1], strides = [1]} : vector<16xi32> to vector<1xi32>
    %squeeze3A_1229 = vector.extract %slice3A_1228[0] : i32 from vector<1xi32>
    %sub3A_1230 = vector.broadcast %squeeze3A_1229 : i32 to vector<16xi32>
    %sub3A_1231 = arith.subi %sub3A_1230, %masked_cumsum3A_1227 : vector<16xi32>
    %add3A_1232 = arith.addi %sub3A_1231, %get3A_1224 : vector<16xi32>
    %add3A_1233 = arith.addi %add3A_1232, %add3A_1217 : vector<16xi32>
    %add3A_1234 = vector.broadcast %squeeze3A_1229 : i32 to vector<16xi32>
    %add3A_1235 = arith.addi %add3A_1217, %add3A_1234 : vector<16xi32>
    %gt3A_1236 = arith.cmpi sgt, %add3A_1233, %sub3A_1033 : vector<16xi32>
    %all_reduce_population_count3A_1237 = tpu.all_reduce %gt3A_1236 {dim = 0 : i64, kind = #tpu.reduction_kind<sum>} : vector<16xi1> -> vector<16xi32>
    %add3A_1238 = arith.addi %add3A_1220, %all_reduce_population_count3A_1237 : vector<16xi32>
    %select_n3A_1239 = arith.select %gt3A_1236, %broadcast_in_dim3A_10, %get3A_1224 : vector<16xi1>, vector<16xi32>
    %add3A_1240 = arith.addi %add3A_1222, %select_n3A_1239 : vector<16xi32>
    %get3A_1241 = arith.constant 96 : index
    %get3A_1242 = tpu.vector_load %arg12[%get3A_1241] {strides = array<i32>} : memref<256xi32, #tpu.memory_space<vmem>>, vector<16xi32>,
    %broadcast_in_dim3A_1243 = arith.constant true
    %broadcast_in_dim3A_1244 = vector.broadcast %broadcast_in_dim3A_1243 : i1 to vector<16xi1>
    %masked_cumsum3A_1245 = tpu.scan <sum>, %get3A_1242 masked %broadcast_in_dim3A_1244 : vector<16xi32>, vector<16xi1> -> vector<16xi32>
    %slice3A_1246 = vector.extract_strided_slice %masked_cumsum3A_1245 {offsets = [15], sizes = [1], strides = [1]} : vector<16xi32> to vector<1xi32>
    %squeeze3A_1247 = vector.extract %slice3A_1246[0] : i32 from vector<1xi32>
    %sub3A_1248 = vector.broadcast %squeeze3A_1247 : i32 to vector<16xi32>
    %sub3A_1249 = arith.subi %sub3A_1248, %masked_cumsum3A_1245 : vector<16xi32>
    %add3A_1250 = arith.addi %sub3A_1249, %get3A_1242 : vector<16xi32>
    %add3A_1251 = arith.addi %add3A_1250, %add3A_1235 : vector<16xi32>
    %add3A_1252 = vector.broadcast %squeeze3A_1247 : i32 to vector<16xi32>
    %add3A_1253 = arith.addi %add3A_1235, %add3A_1252 : vector<16xi32>
    %gt3A_1254 = arith.cmpi sgt, %add3A_1251, %sub3A_1033 : vector<16xi32>
    %all_reduce_population_count3A_1255 = tpu.all_reduce %gt3A_1254 {dim = 0 : i64, kind = #tpu.reduction_kind<sum>} : vector<16xi1> -> vector<16xi32>
    %add3A_1256 = arith.addi %add3A_1238, %all_reduce_population_count3A_1255 : vector<16xi32>
    %select_n3A_1257 = arith.select %gt3A_1254, %broadcast_in_dim3A_10, %get3A_1242 : vector<16xi1>, vector<16xi32>
    %add3A_1258 = arith.addi %add3A_1240, %select_n3A_1257 : vector<16xi32>
    %get3A_1259 = arith.constant 80 : index
    %get3A_1260 = tpu.vector_load %arg12[%get3A_1259] {strides = array<i32>} : memref<256xi32, #tpu.memory_space<vmem>>, vector<16xi32>,
    %broadcast_in_dim3A_1261 = arith.constant true
    %broadcast_in_dim3A_1262 = vector.broadcast %broadcast_in_dim3A_1261 : i1 to vector<16xi1>
    %masked_cumsum3A_1263 = tpu.scan <sum>, %get3A_1260 masked %broadcast_in_dim3A_1262 : vector<16xi32>, vector<16xi1> -> vector<16xi32>
    %slice3A_1264 = vector.extract_strided_slice %masked_cumsum3A_1263 {offsets = [15], sizes = [1], strides = [1]} : vector<16xi32> to vector<1xi32>
    %squeeze3A_1265 = vector.extract %slice3A_1264[0] : i32 from vector<1xi32>
    %sub3A_1266 = vector.broadcast %squeeze3A_1265 : i32 to vector<16xi32>
    %sub3A_1267 = arith.subi %sub3A_1266, %masked_cumsum3A_1263 : vector<16xi32>
    %add3A_1268 = arith.addi %sub3A_1267, %get3A_1260 : vector<16xi32>
    %add3A_1269 = arith.addi %add3A_1268, %add3A_1253 : vector<16xi32>
    %add3A_1270 = vector.broadcast %squeeze3A_1265 : i32 to vector<16xi32>
    %add3A_1271 = arith.addi %add3A_1253, %add3A_1270 : vector<16xi32>
    %gt3A_1272 = arith.cmpi sgt, %add3A_1269, %sub3A_1033 : vector<16xi32>
    %all_reduce_population_count3A_1273 = tpu.all_reduce %gt3A_1272 {dim = 0 : i64, kind = #tpu.reduction_kind<sum>} : vector<16xi1> -> vector<16xi32>
    %add3A_1274 = arith.addi %add3A_1256, %all_reduce_population_count3A_1273 : vector<16xi32>
    %select_n3A_1275 = arith.select %gt3A_1272, %broadcast_in_dim3A_10, %get3A_1260 : vector<16xi1>, vector<16xi32>
    %add3A_1276 = arith.addi %add3A_1258, %select_n3A_1275 : vector<16xi32>
    %get3A_1277 = arith.constant 64 : index
    %get3A_1278 = tpu.vector_load %arg12[%get3A_1277] {strides = array<i32>} : memref<256xi32, #tpu.memory_space<vmem>>, vector<16xi32>,
    %broadcast_in_dim3A_1279 = arith.constant true
    %broadcast_in_dim3A_1280 = vector.broadcast %broadcast_in_dim3A_1279 : i1 to vector<16xi1>
    %masked_cumsum3A_1281 = tpu.scan <sum>, %get3A_1278 masked %broadcast_in_dim3A_1280 : vector<16xi32>, vector<16xi1> -> vector<16xi32>
    %slice3A_1282 = vector.extract_strided_slice %masked_cumsum3A_1281 {offsets = [15], sizes = [1], strides = [1]} : vector<16xi32> to vector<1xi32>
    %squeeze3A_1283 = vector.extract %slice3A_1282[0] : i32 from vector<1xi32>
    %sub3A_1284 = vector.broadcast %squeeze3A_1283 : i32 to vector<16xi32>
    %sub3A_1285 = arith.subi %sub3A_1284, %masked_cumsum3A_1281 : vector<16xi32>
    %add3A_1286 = arith.addi %sub3A_1285, %get3A_1278 : vector<16xi32>
    %add3A_1287 = arith.addi %add3A_1286, %add3A_1271 : vector<16xi32>
    %add3A_1288 = vector.broadcast %squeeze3A_1283 : i32 to vector<16xi32>
    %add3A_1289 = arith.addi %add3A_1271, %add3A_1288 : vector<16xi32>
    %gt3A_1290 = arith.cmpi sgt, %add3A_1287, %sub3A_1033 : vector<16xi32>
    %all_reduce_population_count3A_1291 = tpu.all_reduce %gt3A_1290 {dim = 0 : i64, kind = #tpu.reduction_kind<sum>} : vector<16xi1> -> vector<16xi32>
    %add3A_1292 = arith.addi %add3A_1274, %all_reduce_population_count3A_1291 : vector<16xi32>
    %select_n3A_1293 = arith.select %gt3A_1290, %broadcast_in_dim3A_10, %get3A_1278 : vector<16xi1>, vector<16xi32>
    %add3A_1294 = arith.addi %add3A_1276, %select_n3A_1293 : vector<16xi32>
    %get3A_1295 = arith.constant 48 : index
    %get3A_1296 = tpu.vector_load %arg12[%get3A_1295] {strides = array<i32>} : memref<256xi32, #tpu.memory_space<vmem>>, vector<16xi32>,
    %broadcast_in_dim3A_1297 = arith.constant true
    %broadcast_in_dim3A_1298 = vector.broadcast %broadcast_in_dim3A_1297 : i1 to vector<16xi1>
    %masked_cumsum3A_1299 = tpu.scan <sum>, %get3A_1296 masked %broadcast_in_dim3A_1298 : vector<16xi32>, vector<16xi1> -> vector<16xi32>
    %slice3A_1300 = vector.extract_strided_slice %masked_cumsum3A_1299 {offsets = [15], sizes = [1], strides = [1]} : vector<16xi32> to vector<1xi32>
    %squeeze3A_1301 = vector.extract %slice3A_1300[0] : i32 from vector<1xi32>
    %sub3A_1302 = vector.broadcast %squeeze3A_1301 : i32 to vector<16xi32>
    %sub3A_1303 = arith.subi %sub3A_1302, %masked_cumsum3A_1299 : vector<16xi32>
    %add3A_1304 = arith.addi %sub3A_1303, %get3A_1296 : vector<16xi32>
    %add3A_1305 = arith.addi %add3A_1304, %add3A_1289 : vector<16xi32>
    %add3A_1306 = vector.broadcast %squeeze3A_1301 : i32 to vector<16xi32>
    %add3A_1307 = arith.addi %add3A_1289, %add3A_1306 : vector<16xi32>
    %gt3A_1308 = arith.cmpi sgt, %add3A_1305, %sub3A_1033 : vector<16xi32>
    %all_reduce_population_count3A_1309 = tpu.all_reduce %gt3A_1308 {dim = 0 : i64, kind = #tpu.reduction_kind<sum>} : vector<16xi1> -> vector<16xi32>
    %add3A_1310 = arith.addi %add3A_1292, %all_reduce_population_count3A_1309 : vector<16xi32>
    %select_n3A_1311 = arith.select %gt3A_1308, %broadcast_in_dim3A_10, %get3A_1296 : vector<16xi1>, vector<16xi32>
    %add3A_1312 = arith.addi %add3A_1294, %select_n3A_1311 : vector<16xi32>
    %get3A_1313 = arith.constant 32 : index
    %get3A_1314 = tpu.vector_load %arg12[%get3A_1313] {strides = array<i32>} : memref<256xi32, #tpu.memory_space<vmem>>, vector<16xi32>,
    %broadcast_in_dim3A_1315 = arith.constant true
    %broadcast_in_dim3A_1316 = vector.broadcast %broadcast_in_dim3A_1315 : i1 to vector<16xi1>
    %masked_cumsum3A_1317 = tpu.scan <sum>, %get3A_1314 masked %broadcast_in_dim3A_1316 : vector<16xi32>, vector<16xi1> -> vector<16xi32>
    %slice3A_1318 = vector.extract_strided_slice %masked_cumsum3A_1317 {offsets = [15], sizes = [1], strides = [1]} : vector<16xi32> to vector<1xi32>
    %squeeze3A_1319 = vector.extract %slice3A_1318[0] : i32 from vector<1xi32>
    %sub3A_1320 = vector.broadcast %squeeze3A_1319 : i32 to vector<16xi32>
    %sub3A_1321 = arith.subi %sub3A_1320, %masked_cumsum3A_1317 : vector<16xi32>
    %add3A_1322 = arith.addi %sub3A_1321, %get3A_1314 : vector<16xi32>
    %add3A_1323 = arith.addi %add3A_1322, %add3A_1307 : vector<16xi32>
    %add3A_1324 = vector.broadcast %squeeze3A_1319 : i32 to vector<16xi32>
    %add3A_1325 = arith.addi %add3A_1307, %add3A_1324 : vector<16xi32>
    %gt3A_1326 = arith.cmpi sgt, %add3A_1323, %sub3A_1033 : vector<16xi32>
    %all_reduce_population_count3A_1327 = tpu.all_reduce %gt3A_1326 {dim = 0 : i64, kind = #tpu.reduction_kind<sum>} : vector<16xi1> -> vector<16xi32>
    %add3A_1328 = arith.addi %add3A_1310, %all_reduce_population_count3A_1327 : vector<16xi32>
    %select_n3A_1329 = arith.select %gt3A_1326, %broadcast_in_dim3A_10, %get3A_1314 : vector<16xi1>, vector<16xi32>
    %add3A_1330 = arith.addi %add3A_1312, %select_n3A_1329 : vector<16xi32>
    %get3A_1331 = arith.constant 16 : index
    %get3A_1332 = tpu.vector_load %arg12[%get3A_1331] {strides = array<i32>} : memref<256xi32, #tpu.memory_space<vmem>>, vector<16xi32>,
    %broadcast_in_dim3A_1333 = arith.constant true
    %broadcast_in_dim3A_1334 = vector.broadcast %broadcast_in_dim3A_1333 : i1 to vector<16xi1>
    %masked_cumsum3A_1335 = tpu.scan <sum>, %get3A_1332 masked %broadcast_in_dim3A_1334 : vector<16xi32>, vector<16xi1> -> vector<16xi32>
    %slice3A_1336 = vector.extract_strided_slice %masked_cumsum3A_1335 {offsets = [15], sizes = [1], strides = [1]} : vector<16xi32> to vector<1xi32>
    %squeeze3A_1337 = vector.extract %slice3A_1336[0] : i32 from vector<1xi32>
    %sub3A_1338 = vector.broadcast %squeeze3A_1337 : i32 to vector<16xi32>
    %sub3A_1339 = arith.subi %sub3A_1338, %masked_cumsum3A_1335 : vector<16xi32>
    %add3A_1340 = arith.addi %sub3A_1339, %get3A_1332 : vector<16xi32>
    %add3A_1341 = arith.addi %add3A_1340, %add3A_1325 : vector<16xi32>
    %add3A_1342 = vector.broadcast %squeeze3A_1337 : i32 to vector<16xi32>
    %add3A_1343 = arith.addi %add3A_1325, %add3A_1342 : vector<16xi32>
    %gt3A_1344 = arith.cmpi sgt, %add3A_1341, %sub3A_1033 : vector<16xi32>
    %all_reduce_population_count3A_1345 = tpu.all_reduce %gt3A_1344 {dim = 0 : i64, kind = #tpu.reduction_kind<sum>} : vector<16xi1> -> vector<16xi32>
    %add3A_1346 = arith.addi %add3A_1328, %all_reduce_population_count3A_1345 : vector<16xi32>
    %select_n3A_1347 = arith.select %gt3A_1344, %broadcast_in_dim3A_10, %get3A_1332 : vector<16xi1>, vector<16xi32>
    %add3A_1348 = arith.addi %add3A_1330, %select_n3A_1347 : vector<16xi32>
    %get3A_1349 = arith.constant 0 : index
    %get3A_1350 = tpu.vector_load %arg12[%get3A_1349] {strides = array<i32>} : memref<256xi32, #tpu.memory_space<vmem>>, vector<16xi32>,
    %broadcast_in_dim3A_1351 = arith.constant true
    %broadcast_in_dim3A_1352 = vector.broadcast %broadcast_in_dim3A_1351 : i1 to vector<16xi1>
    %masked_cumsum3A_1353 = tpu.scan <sum>, %get3A_1350 masked %broadcast_in_dim3A_1352 : vector<16xi32>, vector<16xi1> -> vector<16xi32>
    %slice3A_1354 = vector.extract_strided_slice %masked_cumsum3A_1353 {offsets = [15], sizes = [1], strides = [1]} : vector<16xi32> to vector<1xi32>
    %squeeze3A_1355 = vector.extract %slice3A_1354[0] : i32 from vector<1xi32>
    %sub3A_1356 = vector.broadcast %squeeze3A_1355 : i32 to vector<16xi32>
    %sub3A_1357 = arith.subi %sub3A_1356, %masked_cumsum3A_1353 : vector<16xi32>
    %add3A_1358 = arith.addi %sub3A_1357, %get3A_1350 : vector<16xi32>
    %add3A_1359 = arith.addi %add3A_1358, %add3A_1343 : vector<16xi32>
    %add3A_1360 = vector.broadcast %squeeze3A_1355 : i32 to vector<16xi32>
    %add3A_1361 = arith.addi %add3A_1343, %add3A_1360 : vector<16xi32>
    %gt3A_1362 = arith.cmpi sgt, %add3A_1359, %sub3A_1033 : vector<16xi32>
    %all_reduce_population_count3A_1363 = tpu.all_reduce %gt3A_1362 {dim = 0 : i64, kind = #tpu.reduction_kind<sum>} : vector<16xi1> -> vector<16xi32>
    %add3A_1364 = arith.addi %add3A_1346, %all_reduce_population_count3A_1363 : vector<16xi32>
    %select_n3A_1365 = arith.select %gt3A_1362, %broadcast_in_dim3A_10, %get3A_1350 : vector<16xi1>, vector<16xi32>
    %add3A_1366 = arith.addi %add3A_1348, %select_n3A_1365 : vector<16xi32>
    %slice3A_1367 = vector.extract_strided_slice %add3A_1364 {offsets = [0], sizes = [1], strides = [1]} : vector<16xi32> to vector<1xi32>
    %squeeze3A_1368 = vector.extract %slice3A_1367[0] : i32 from vector<1xi32>
    %sub3A_1369 = arith.constant 1 : i32
    %sub3A_1370 = arith.subi %squeeze3A_1368, %sub3A_1369 : i32
    %reduce_sum3A_1371 = arith.constant true
    %reduce_sum3A_1372 = vector.broadcast %reduce_sum3A_1371 : i1 to vector<16xi1>
    %reduce_sum3A_1373 = tpu.scan <sum>, %add3A_1366 masked %reduce_sum3A_1372 : vector<16xi32>, vector<16xi1> -> vector<16xi32>
    %reduce_sum3A_1374 = vector.extract %reduce_sum3A_1373[15] : i32 from vector<16xi32>
    %sub3A_1375 = vector.broadcast %reduce_sum3A_1374 : i32 to vector<16xi32>
    %sub3A_1376 = arith.subi %sub3A_1033, %sub3A_1375 : vector<16xi32>
    %mul3A_1377 = arith.constant 256 : i32
    %mul3A_1378 = arith.muli %add3A_1036, %mul3A_1377 : i32
    %add3A_1379 = arith.addi %mul3A_1378, %sub3A_1370 : i32
    %broadcast_in_dim3A_1380 = vector.broadcast %add3A_1379 : i32 to vector<16xi32>
    %bitcast3A = vector.bitcast %broadcast_in_dim3A_1380 : vector<16xi32> to vector<16xf32>
    %broadcast_in_dim3A_1381 = arith.constant 0.000000e+00 : f32
    %broadcast_in_dim3A_1382 = vector.broadcast %broadcast_in_dim3A_1381 : f32 to vector<16xf32>
    %dma_wait3A = tpu.memref_slice %arg3[%mul3A_0] : memref<320000xi32, #tpu.memory_space<hbm>> -> memref<20000xi32, #tpu.memory_space<hbm>>
    %dma_wait3A_1383 = tpu.memref_slice %arg3[%mul3A_0] : memref<320000xi32, #tpu.memory_space<hbm>> -> memref<20000xi32, #tpu.memory_space<hbm>>
    tpu.wait_dma2 semaphore(%arg20 : memref<!tpu.dma_semaphore, #tpu.memory_space<semaphore_mem>>) src(%dma_wait3A_1383 : memref<20000xi32, #tpu.memory_space<hbm>>) dst(%arg9 : memref<20000xi32, #tpu.memory_space<vmem>>)
    %dma_wait3A_1384 = tpu.memref_slice %arg4[%mul3A_0] : memref<320000xi32, #tpu.memory_space<hbm>> -> memref<20000xi32, #tpu.memory_space<hbm>>
    %dma_wait3A_1385 = tpu.memref_slice %arg4[%mul3A_0] : memref<320000xi32, #tpu.memory_space<hbm>> -> memref<20000xi32, #tpu.memory_space<hbm>>
    tpu.wait_dma2 semaphore(%arg21 : memref<!tpu.dma_semaphore, #tpu.memory_space<semaphore_mem>>) src(%dma_wait3A_1385 : memref<20000xi32, #tpu.memory_space<hbm>>) dst(%arg10 : memref<20000xi32, #tpu.memory_space<vmem>>)
    %scan3A_1386 = arith.constant 0 : i32
    %scan3A_1387 = arith.constant 0 : i32
    %scan3A_1388 = arith.constant 250 : i32
    %scan3A_1389 = arith.addi %scan3A_1387, %scan3A_1388 : i32
    %scan3A_1390 = arith.constant 1 : i32
    %scan3A_1391 = scf.for %scan3A_1435 = %scan3A_1387 to %scan3A_1389 step %scan3A_1390 iter_args(%scan3A_1436 = %scan3A_1386) -> (i32)  : i32 {
      %mul3A_1437 = arith.constant 80 : i32
      %mul3A_1438 = arith.muli %scan3A_1435, %mul3A_1437 : i32
      %add3A_1439 = arith.constant 0 : i32
      %add3A_1440 = arith.addi %mul3A_1438, %add3A_1439 : i32
      %get3A_1441 = arith.index_cast %add3A_1440 : i32 to index
      %get3A_1442 = tpu.vector_load %arg8[%get3A_1441] {strides = array<i32>} : memref<20000xf32, #tpu.memory_space<vmem>>, vector<16xf32>,
      %gt3A_1443 = arith.cmpf ogt, %get3A_1442, %bitcast3A : vector<16xf32>
      %select_n3A_1444 = arith.select %gt3A_1443, %get3A_1442, %broadcast_in_dim3A_1382 : vector<16xi1>, vector<16xf32>
      %swap3A = arith.index_cast %add3A_1440 : i32 to index
      %swap3A_1445 = tpu.vector_load %arg8[%swap3A] {strides = array<i32>} : memref<20000xf32, #tpu.memory_space<vmem>>, vector<16xf32>,
      tpu.vector_store %arg8[%swap3A], %select_n3A_1444 {strides = array<i32>} : memref<20000xf32, #tpu.memory_space<vmem>>, vector<16xf32>,
      %get3A_1446 = arith.index_cast %add3A_1440 : i32 to index
      %get3A_1447 = tpu.vector_load %arg9[%get3A_1446] {strides = array<i32>} : memref<20000xi32, #tpu.memory_space<vmem>>, vector<16xi32>,
      tpu.vector_store_idx %arg14[%get3A_1447], %broadcast_in_dim3A_8 masked %gt3A_1443 : memref<10240xi32, #tpu.memory_space<vmem>>[vector<16xi32>], vector<16xi32>, vector<16xi1>
      %get3A_1448 = arith.index_cast %add3A_1440 : i32 to index
      %get3A_1449 = tpu.vector_load %arg10[%get3A_1448] {strides = array<i32>} : memref<20000xi32, #tpu.memory_space<vmem>>, vector<16xi32>,
      tpu.vector_store_idx %arg14[%get3A_1449], %broadcast_in_dim3A_8 masked %gt3A_1443 : memref<10240xi32, #tpu.memory_space<vmem>>[vector<16xi32>], vector<16xi32>, vector<16xi1>
      %mul3A_1450 = arith.constant 80 : i32
      %mul3A_1451 = arith.muli %scan3A_1435, %mul3A_1450 : i32
      %add3A_1452 = arith.constant 16 : i32
      %add3A_1453 = arith.addi %mul3A_1451, %add3A_1452 : i32
      %get3A_1454 = arith.index_cast %add3A_1453 : i32 to index
      %get3A_1455 = tpu.vector_load %arg8[%get3A_1454] {strides = array<i32>} : memref<20000xf32, #tpu.memory_space<vmem>>, vector<16xf32>,
      %gt3A_1456 = arith.cmpf ogt, %get3A_1455, %bitcast3A : vector<16xf32>
      %select_n3A_1457 = arith.select %gt3A_1456, %get3A_1455, %broadcast_in_dim3A_1382 : vector<16xi1>, vector<16xf32>
      %swap3A_1458 = arith.index_cast %add3A_1453 : i32 to index
      %swap3A_1459 = tpu.vector_load %arg8[%swap3A_1458] {strides = array<i32>} : memref<20000xf32, #tpu.memory_space<vmem>>, vector<16xf32>,
      tpu.vector_store %arg8[%swap3A_1458], %select_n3A_1457 {strides = array<i32>} : memref<20000xf32, #tpu.memory_space<vmem>>, vector<16xf32>,
      %get3A_1460 = arith.index_cast %add3A_1453 : i32 to index
      %get3A_1461 = tpu.vector_load %arg9[%get3A_1460] {strides = array<i32>} : memref<20000xi32, #tpu.memory_space<vmem>>, vector<16xi32>,
      tpu.vector_store_idx %arg14[%get3A_1461], %broadcast_in_dim3A_8 masked %gt3A_1456 : memref<10240xi32, #tpu.memory_space<vmem>>[vector<16xi32>], vector<16xi32>, vector<16xi1>
      %get3A_1462 = arith.index_cast %add3A_1453 : i32 to index
      %get3A_1463 = tpu.vector_load %arg10[%get3A_1462] {strides = array<i32>} : memref<20000xi32, #tpu.memory_space<vmem>>, vector<16xi32>,
      tpu.vector_store_idx %arg14[%get3A_1463], %broadcast_in_dim3A_8 masked %gt3A_1456 : memref<10240xi32, #tpu.memory_space<vmem>>[vector<16xi32>], vector<16xi32>, vector<16xi1>
      %mul3A_1464 = arith.constant 80 : i32
      %mul3A_1465 = arith.muli %scan3A_1435, %mul3A_1464 : i32
      %add3A_1466 = arith.constant 32 : i32
      %add3A_1467 = arith.addi %mul3A_1465, %add3A_1466 : i32
      %get3A_1468 = arith.index_cast %add3A_1467 : i32 to index
      %get3A_1469 = tpu.vector_load %arg8[%get3A_1468] {strides = array<i32>} : memref<20000xf32, #tpu.memory_space<vmem>>, vector<16xf32>,
      %gt3A_1470 = arith.cmpf ogt, %get3A_1469, %bitcast3A : vector<16xf32>
      %select_n3A_1471 = arith.select %gt3A_1470, %get3A_1469, %broadcast_in_dim3A_1382 : vector<16xi1>, vector<16xf32>
      %swap3A_1472 = arith.index_cast %add3A_1467 : i32 to index
      %swap3A_1473 = tpu.vector_load %arg8[%swap3A_1472] {strides = array<i32>} : memref<20000xf32, #tpu.memory_space<vmem>>, vector<16xf32>,
      tpu.vector_store %arg8[%swap3A_1472], %select_n3A_1471 {strides = array<i32>} : memref<20000xf32, #tpu.memory_space<vmem>>, vector<16xf32>,
      %get3A_1474 = arith.index_cast %add3A_1467 : i32 to index
      %get3A_1475 = tpu.vector_load %arg9[%get3A_1474] {strides = array<i32>} : memref<20000xi32, #tpu.memory_space<vmem>>, vector<16xi32>,
      tpu.vector_store_idx %arg14[%get3A_1475], %broadcast_in_dim3A_8 masked %gt3A_1470 : memref<10240xi32, #tpu.memory_space<vmem>>[vector<16xi32>], vector<16xi32>, vector<16xi1>
      %get3A_1476 = arith.index_cast %add3A_1467 : i32 to index
      %get3A_1477 = tpu.vector_load %arg10[%get3A_1476] {strides = array<i32>} : memref<20000xi32, #tpu.memory_space<vmem>>, vector<16xi32>,
      tpu.vector_store_idx %arg14[%get3A_1477], %broadcast_in_dim3A_8 masked %gt3A_1470 : memref<10240xi32, #tpu.memory_space<vmem>>[vector<16xi32>], vector<16xi32>, vector<16xi1>
      %mul3A_1478 = arith.constant 80 : i32
      %mul3A_1479 = arith.muli %scan3A_1435, %mul3A_1478 : i32
      %add3A_1480 = arith.constant 48 : i32
      %add3A_1481 = arith.addi %mul3A_1479, %add3A_1480 : i32
      %get3A_1482 = arith.index_cast %add3A_1481 : i32 to index
      %get3A_1483 = tpu.vector_load %arg8[%get3A_1482] {strides = array<i32>} : memref<20000xf32, #tpu.memory_space<vmem>>, vector<16xf32>,
      %gt3A_1484 = arith.cmpf ogt, %get3A_1483, %bitcast3A : vector<16xf32>
      %select_n3A_1485 = arith.select %gt3A_1484, %get3A_1483, %broadcast_in_dim3A_1382 : vector<16xi1>, vector<16xf32>
      %swap3A_1486 = arith.index_cast %add3A_1481 : i32 to index
      %swap3A_1487 = tpu.vector_load %arg8[%swap3A_1486] {strides = array<i32>} : memref<20000xf32, #tpu.memory_space<vmem>>, vector<16xf32>,
      tpu.vector_store %arg8[%swap3A_1486], %select_n3A_1485 {strides = array<i32>} : memref<20000xf32, #tpu.memory_space<vmem>>, vector<16xf32>,
      %get3A_1488 = arith.index_cast %add3A_1481 : i32 to index
      %get3A_1489 = tpu.vector_load %arg9[%get3A_1488] {strides = array<i32>} : memref<20000xi32, #tpu.memory_space<vmem>>, vector<16xi32>,
      tpu.vector_store_idx %arg14[%get3A_1489], %broadcast_in_dim3A_8 masked %gt3A_1484 : memref<10240xi32, #tpu.memory_space<vmem>>[vector<16xi32>], vector<16xi32>, vector<16xi1>
      %get3A_1490 = arith.index_cast %add3A_1481 : i32 to index
      %get3A_1491 = tpu.vector_load %arg10[%get3A_1490] {strides = array<i32>} : memref<20000xi32, #tpu.memory_space<vmem>>, vector<16xi32>,
      tpu.vector_store_idx %arg14[%get3A_1491], %broadcast_in_dim3A_8 masked %gt3A_1484 : memref<10240xi32, #tpu.memory_space<vmem>>[vector<16xi32>], vector<16xi32>, vector<16xi1>
      %mul3A_1492 = arith.constant 80 : i32
      %mul3A_1493 = arith.muli %scan3A_1435, %mul3A_1492 : i32
      %add3A_1494 = arith.constant 64 : i32
      %add3A_1495 = arith.addi %mul3A_1493, %add3A_1494 : i32
      %get3A_1496 = arith.index_cast %add3A_1495 : i32 to index
      %get3A_1497 = tpu.vector_load %arg8[%get3A_1496] {strides = array<i32>} : memref<20000xf32, #tpu.memory_space<vmem>>, vector<16xf32>,
      %gt3A_1498 = arith.cmpf ogt, %get3A_1497, %bitcast3A : vector<16xf32>
      %select_n3A_1499 = arith.select %gt3A_1498, %get3A_1497, %broadcast_in_dim3A_1382 : vector<16xi1>, vector<16xf32>
      %swap3A_1500 = arith.index_cast %add3A_1495 : i32 to index
      %swap3A_1501 = tpu.vector_load %arg8[%swap3A_1500] {strides = array<i32>} : memref<20000xf32, #tpu.memory_space<vmem>>, vector<16xf32>,
      tpu.vector_store %arg8[%swap3A_1500], %select_n3A_1499 {strides = array<i32>} : memref<20000xf32, #tpu.memory_space<vmem>>, vector<16xf32>,
      %get3A_1502 = arith.index_cast %add3A_1495 : i32 to index
      %get3A_1503 = tpu.vector_load %arg9[%get3A_1502] {strides = array<i32>} : memref<20000xi32, #tpu.memory_space<vmem>>, vector<16xi32>,
      tpu.vector_store_idx %arg14[%get3A_1503], %broadcast_in_dim3A_8 masked %gt3A_1498 : memref<10240xi32, #tpu.memory_space<vmem>>[vector<16xi32>], vector<16xi32>, vector<16xi1>
      %get3A_1504 = arith.index_cast %add3A_1495 : i32 to index
      %get3A_1505 = tpu.vector_load %arg10[%get3A_1504] {strides = array<i32>} : memref<20000xi32, #tpu.memory_space<vmem>>, vector<16xi32>,
      tpu.vector_store_idx %arg14[%get3A_1505], %broadcast_in_dim3A_8 masked %gt3A_1498 : memref<10240xi32, #tpu.memory_space<vmem>>[vector<16xi32>], vector<16xi32>, vector<16xi1>
      %scan3A_1506 = arith.constant 0 : i32
      scf.yield %scan3A_1506 : i32
    }
    %scan3A_1392 = arith.constant 250 : i32
    "tpu.region"() ({
      %run_scoped3A_1435 = tpu.sem_alloc : memref<!tpu.dma_semaphore, #tpu.memory_space<semaphore_mem>>
      %dma_start3A_1436 = tpu.memref_slice %arg6[%mul3A_0] : memref<320000xf32, #tpu.memory_space<hbm>> -> memref<20000xf32, #tpu.memory_space<hbm>>
      %dma_start3A_1437 = tpu.memref_slice %arg6[%mul3A_0] : memref<320000xf32, #tpu.memory_space<hbm>> -> memref<20000xf32, #tpu.memory_space<hbm>>
      tpu.enqueue_dma source(%arg8 : memref<20000xf32, #tpu.memory_space<vmem>>) target(%dma_start3A_1437 : memref<20000xf32, #tpu.memory_space<hbm>>) target_semaphore(%run_scoped3A_1435 : memref<!tpu.dma_semaphore, #tpu.memory_space<semaphore_mem>>)
      %dma_wait3A_1438 = tpu.memref_slice %arg6[%mul3A_0] : memref<320000xf32, #tpu.memory_space<hbm>> -> memref<20000xf32, #tpu.memory_space<hbm>>
      %dma_wait3A_1439 = tpu.memref_slice %arg6[%mul3A_0] : memref<320000xf32, #tpu.memory_space<hbm>> -> memref<20000xf32, #tpu.memory_space<hbm>>
      tpu.wait_dma2 semaphore(%run_scoped3A_1435 : memref<!tpu.dma_semaphore, #tpu.memory_space<semaphore_mem>>) src(%arg8 : memref<20000xf32, #tpu.memory_space<vmem>>) dst(%dma_wait3A_1439 : memref<20000xf32, #tpu.memory_space<hbm>>)
      tpu.yield
    }) : () -> ()
    "tpu.region"() ({
      %run_scoped3A_1435 = tpu.sem_alloc : memref<!tpu.dma_semaphore, #tpu.memory_space<semaphore_mem>>
      %dma_start3A_1436 = arith.constant 0 : i32
      %dma_start3A_1437 = tpu.memref_slice %arg19[%arg1, %dma_start3A_1436] : memref<16x10240xi32, #tpu.memory_space<vmem_shared>> -> memref<1x10240xi32, #tpu.memory_space<vmem_shared>>
      %dma_start3A_1438 = tpu.memref_squeeze %dma_start3A_1437 : memref<1x10240xi32, #tpu.memory_space<vmem_shared>> -> memref<10240xi32, #tpu.memory_space<vmem_shared>>
      %dma_start3A_1439 = arith.constant 0 : i32
      %dma_start3A_1440 = tpu.memref_slice %arg19[%arg1, %dma_start3A_1439] : memref<16x10240xi32, #tpu.memory_space<vmem_shared>> -> memref<1x10240xi32, #tpu.memory_space<vmem_shared>>
      %dma_start3A_1441 = tpu.memref_squeeze %dma_start3A_1440 : memref<1x10240xi32, #tpu.memory_space<vmem_shared>> -> memref<10240xi32, #tpu.memory_space<vmem_shared>>
      tpu.enqueue_dma source(%arg14 : memref<10240xi32, #tpu.memory_space<vmem>>) target(%dma_start3A_1441 : memref<10240xi32, #tpu.memory_space<vmem_shared>>) target_semaphore(%run_scoped3A_1435 : memref<!tpu.dma_semaphore, #tpu.memory_space<semaphore_mem>>)
      %dma_wait3A_1442 = arith.constant 0 : i32
      %dma_wait3A_1443 = tpu.memref_slice %arg19[%arg1, %dma_wait3A_1442] : memref<16x10240xi32, #tpu.memory_space<vmem_shared>> -> memref<1x10240xi32, #tpu.memory_space<vmem_shared>>
      %dma_wait3A_1444 = tpu.memref_squeeze %dma_wait3A_1443 : memref<1x10240xi32, #tpu.memory_space<vmem_shared>> -> memref<10240xi32, #tpu.memory_space<vmem_shared>>
      %dma_wait3A_1445 = arith.constant 0 : i32
      %dma_wait3A_1446 = tpu.memref_slice %arg19[%arg1, %dma_wait3A_1445] : memref<16x10240xi32, #tpu.memory_space<vmem_shared>> -> memref<1x10240xi32, #tpu.memory_space<vmem_shared>>
      %dma_wait3A_1447 = tpu.memref_squeeze %dma_wait3A_1446 : memref<1x10240xi32, #tpu.memory_space<vmem_shared>> -> memref<10240xi32, #tpu.memory_space<vmem_shared>>
      tpu.wait_dma2 semaphore(%run_scoped3A_1435 : memref<!tpu.dma_semaphore, #tpu.memory_space<semaphore_mem>>) src(%arg14 : memref<10240xi32, #tpu.memory_space<vmem>>) dst(%dma_wait3A_1447 : memref<10240xi32, #tpu.memory_space<vmem_shared>>)
      tpu.yield
    }) : () -> ()
    %barrier3A_1393 = arith.constant 0 : index
    tpu.barrier barrier_id(%barrier3A_1393)
    %mul3A_1394 = arith.constant 640 : i32
    %mul3A_1395 = arith.muli %arg1, %mul3A_1394 : i32
    %run_scoped3A_1396 = arith.constant 0 : i32
    %run_scoped3A_1397 = arith.constant 0 : i32
    "tpu.region"() ({
      %run_scoped3A_1435 = tpu.sem_alloc : memref<!tpu.dma_semaphore, #tpu.memory_space<semaphore_mem>>
      %dma_start3A_1436 = arith.constant 0 : i32
      %dma_start3A_1437 = tpu.memref_slice %arg15[%run_scoped3A_1397, %dma_start3A_1436] : memref<16x640xi32, #tpu.memory_space<vmem>> -> memref<1x640xi32, #tpu.memory_space<vmem>>
      %dma_start3A_1438 = tpu.memref_squeeze %dma_start3A_1437 : memref<1x640xi32, #tpu.memory_space<vmem>> -> memref<640xi32, #tpu.memory_space<vmem>>
      %dma_start3A_1439 = tpu.memref_slice %arg19[%run_scoped3A_1396, %mul3A_1395] : memref<16x10240xi32, #tpu.memory_space<vmem_shared>> -> memref<1x640xi32, #tpu.memory_space<vmem_shared>>
      %dma_start3A_1440 = tpu.memref_squeeze %dma_start3A_1439 : memref<1x640xi32, #tpu.memory_space<vmem_shared>> -> memref<640xi32, #tpu.memory_space<vmem_shared>>
      %dma_start3A_1441 = arith.constant 0 : i32
      %dma_start3A_1442 = tpu.memref_slice %arg15[%run_scoped3A_1397, %dma_start3A_1441] : memref<16x640xi32, #tpu.memory_space<vmem>> -> memref<1x640xi32, #tpu.memory_space<vmem>>
      %dma_start3A_1443 = tpu.memref_squeeze %dma_start3A_1442 : memref<1x640xi32, #tpu.memory_space<vmem>> -> memref<640xi32, #tpu.memory_space<vmem>>
      %dma_start3A_1444 = tpu.memref_slice %arg19[%run_scoped3A_1396, %mul3A_1395] : memref<16x10240xi32, #tpu.memory_space<vmem_shared>> -> memref<1x640xi32, #tpu.memory_space<vmem_shared>>
      %dma_start3A_1445 = tpu.memref_squeeze %dma_start3A_1444 : memref<1x640xi32, #tpu.memory_space<vmem_shared>> -> memref<640xi32, #tpu.memory_space<vmem_shared>>
      tpu.enqueue_dma source(%dma_start3A_1445 : memref<640xi32, #tpu.memory_space<vmem_shared>>) target(%dma_start3A_1443 : memref<640xi32, #tpu.memory_space<vmem>>) target_semaphore(%run_scoped3A_1435 : memref<!tpu.dma_semaphore, #tpu.memory_space<semaphore_mem>>)
      %dma_wait3A_1446 = arith.constant 0 : i32
      %dma_wait3A_1447 = tpu.memref_slice %arg15[%run_scoped3A_1397, %dma_wait3A_1446] : memref<16x640xi32, #tpu.memory_space<vmem>> -> memref<1x640xi32, #tpu.memory_space<vmem>>
      %dma_wait3A_1448 = tpu.memref_squeeze %dma_wait3A_1447 : memref<1x640xi32, #tpu.memory_space<vmem>> -> memref<640xi32, #tpu.memory_space<vmem>>
      %dma_wait3A_1449 = tpu.memref_slice %arg19[%run_scoped3A_1396, %mul3A_1395] : memref<16x10240xi32, #tpu.memory_space<vmem_shared>> -> memref<1x640xi32, #tpu.memory_space<vmem_shared>>
      %dma_wait3A_1450 = tpu.memref_squeeze %dma_wait3A_1449 : memref<1x640xi32, #tpu.memory_space<vmem_shared>> -> memref<640xi32, #tpu.memory_space<vmem_shared>>
      %dma_wait3A_1451 = arith.constant 0 : i32
      %dma_wait3A_1452 = tpu.memref_slice %arg15[%run_scoped3A_1397, %dma_wait3A_1451] : memref<16x640xi32, #tpu.memory_space<vmem>> -> memref<1x640xi32, #tpu.memory_space<vmem>>
      %dma_wait3A_1453 = tpu.memref_squeeze %dma_wait3A_1452 : memref<1x640xi32, #tpu.memory_space<vmem>> -> memref<640xi32, #tpu.memory_space<vmem>>
      %dma_wait3A_1454 = tpu.memref_slice %arg19[%run_scoped3A_1396, %mul3A_1395] : memref<16x10240xi32, #tpu.memory_space<vmem_shared>> -> memref<1x640xi32, #tpu.memory_space<vmem_shared>>
      %dma_wait3A_1455 = tpu.memref_squeeze %dma_wait3A_1454 : memref<1x640xi32, #tpu.memory_space<vmem_shared>> -> memref<640xi32, #tpu.memory_space<vmem_shared>>
      tpu.wait_dma2 semaphore(%run_scoped3A_1435 : memref<!tpu.dma_semaphore, #tpu.memory_space<semaphore_mem>>) src(%dma_wait3A_1455 : memref<640xi32, #tpu.memory_space<vmem_shared>>) dst(%dma_wait3A_1453 : memref<640xi32, #tpu.memory_space<vmem>>)
      tpu.yield
    }) : () -> ()
    %run_scoped3A_1398 = arith.constant 1 : i32
    %run_scoped3A_1399 = arith.constant 1 : i32
    "tpu.region"() ({
      %run_scoped3A_1435 = tpu.sem_alloc : memref<!tpu.dma_semaphore, #tpu.memory_space<semaphore_mem>>
      %dma_start3A_1436 = arith.constant 0 : i32
      %dma_start3A_1437 = tpu.memref_slice %arg15[%run_scoped3A_1399, %dma_start3A_1436] : memref<16x640xi32, #tpu.memory_space<vmem>> -> memref<1x640xi32, #tpu.memory_space<vmem>>
      %dma_start3A_1438 = tpu.memref_squeeze %dma_start3A_1437 : memref<1x640xi32, #tpu.memory_space<vmem>> -> memref<640xi32, #tpu.memory_space<vmem>>
      %dma_start3A_1439 = tpu.memref_slice %arg19[%run_scoped3A_1398, %mul3A_1395] : memref<16x10240xi32, #tpu.memory_space<vmem_shared>> -> memref<1x640xi32, #tpu.memory_space<vmem_shared>>
      %dma_start3A_1440 = tpu.memref_squeeze %dma_start3A_1439 : memref<1x640xi32, #tpu.memory_space<vmem_shared>> -> memref<640xi32, #tpu.memory_space<vmem_shared>>
      %dma_start3A_1441 = arith.constant 0 : i32
      %dma_start3A_1442 = tpu.memref_slice %arg15[%run_scoped3A_1399, %dma_start3A_1441] : memref<16x640xi32, #tpu.memory_space<vmem>> -> memref<1x640xi32, #tpu.memory_space<vmem>>
      %dma_start3A_1443 = tpu.memref_squeeze %dma_start3A_1442 : memref<1x640xi32, #tpu.memory_space<vmem>> -> memref<640xi32, #tpu.memory_space<vmem>>
      %dma_start3A_1444 = tpu.memref_slice %arg19[%run_scoped3A_1398, %mul3A_1395] : memref<16x10240xi32, #tpu.memory_space<vmem_shared>> -> memref<1x640xi32, #tpu.memory_space<vmem_shared>>
      %dma_start3A_1445 = tpu.memref_squeeze %dma_start3A_1444 : memref<1x640xi32, #tpu.memory_space<vmem_shared>> -> memref<640xi32, #tpu.memory_space<vmem_shared>>
      tpu.enqueue_dma source(%dma_start3A_1445 : memref<640xi32, #tpu.memory_space<vmem_shared>>) target(%dma_start3A_1443 : memref<640xi32, #tpu.memory_space<vmem>>) target_semaphore(%run_scoped3A_1435 : memref<!tpu.dma_semaphore, #tpu.memory_space<semaphore_mem>>)
      %dma_wait3A_1446 = arith.constant 0 : i32
      %dma_wait3A_1447 = tpu.memref_slice %arg15[%run_scoped3A_1399, %dma_wait3A_1446] : memref<16x640xi32, #tpu.memory_space<vmem>> -> memref<1x640xi32, #tpu.memory_space<vmem>>
      %dma_wait3A_1448 = tpu.memref_squeeze %dma_wait3A_1447 : memref<1x640xi32, #tpu.memory_space<vmem>> -> memref<640xi32, #tpu.memory_space<vmem>>
      %dma_wait3A_1449 = tpu.memref_slice %arg19[%run_scoped3A_1398, %mul3A_1395] : memref<16x10240xi32, #tpu.memory_space<vmem_shared>> -> memref<1x640xi32, #tpu.memory_space<vmem_shared>>
      %dma_wait3A_1450 = tpu.memref_squeeze %dma_wait3A_1449 : memref<1x640xi32, #tpu.memory_space<vmem_shared>> -> memref<640xi32, #tpu.memory_space<vmem_shared>>
      %dma_wait3A_1451 = arith.constant 0 : i32
      %dma_wait3A_1452 = tpu.memref_slice %arg15[%run_scoped3A_1399, %dma_wait3A_1451] : memref<16x640xi32, #tpu.memory_space<vmem>> -> memref<1x640xi32, #tpu.memory_space<vmem>>
      %dma_wait3A_1453 = tpu.memref_squeeze %dma_wait3A_1452 : memref<1x640xi32, #tpu.memory_space<vmem>> -> memref<640xi32, #tpu.memory_space<vmem>>
      %dma_wait3A_1454 = tpu.memref_slice %arg19[%run_scoped3A_1398, %mul3A_1395] : memref<16x10240xi32, #tpu.memory_space<vmem_shared>> -> memref<1x640xi32, #tpu.memory_space<vmem_shared>>
      %dma_wait3A_1455 = tpu.memref_squeeze %dma_wait3A_1454 : memref<1x640xi32, #tpu.memory_space<vmem_shared>> -> memref<640xi32, #tpu.memory_space<vmem_shared>>
      tpu.wait_dma2 semaphore(%run_scoped3A_1435 : memref<!tpu.dma_semaphore, #tpu.memory_space<semaphore_mem>>) src(%dma_wait3A_1455 : memref<640xi32, #tpu.memory_space<vmem_shared>>) dst(%dma_wait3A_1453 : memref<640xi32, #tpu.memory_space<vmem>>)
      tpu.yield
    }) : () -> ()
    %run_scoped3A_1400 = arith.constant 2 : i32
    %run_scoped3A_1401 = arith.constant 2 : i32
    "tpu.region"() ({
      %run_scoped3A_1435 = tpu.sem_alloc : memref<!tpu.dma_semaphore, #tpu.memory_space<semaphore_mem>>
      %dma_start3A_1436 = arith.constant 0 : i32
      %dma_start3A_1437 = tpu.memref_slice %arg15[%run_scoped3A_1401, %dma_start3A_1436] : memref<16x640xi32, #tpu.memory_space<vmem>> -> memref<1x640xi32, #tpu.memory_space<vmem>>
      %dma_start3A_1438 = tpu.memref_squeeze %dma_start3A_1437 : memref<1x640xi32, #tpu.memory_space<vmem>> -> memref<640xi32, #tpu.memory_space<vmem>>
      %dma_start3A_1439 = tpu.memref_slice %arg19[%run_scoped3A_1400, %mul3A_1395] : memref<16x10240xi32, #tpu.memory_space<vmem_shared>> -> memref<1x640xi32, #tpu.memory_space<vmem_shared>>
      %dma_start3A_1440 = tpu.memref_squeeze %dma_start3A_1439 : memref<1x640xi32, #tpu.memory_space<vmem_shared>> -> memref<640xi32, #tpu.memory_space<vmem_shared>>
      %dma_start3A_1441 = arith.constant 0 : i32
      %dma_start3A_1442 = tpu.memref_slice %arg15[%run_scoped3A_1401, %dma_start3A_1441] : memref<16x640xi32, #tpu.memory_space<vmem>> -> memref<1x640xi32, #tpu.memory_space<vmem>>
      %dma_start3A_1443 = tpu.memref_squeeze %dma_start3A_1442 : memref<1x640xi32, #tpu.memory_space<vmem>> -> memref<640xi32, #tpu.memory_space<vmem>>
      %dma_start3A_1444 = tpu.memref_slice %arg19[%run_scoped3A_1400, %mul3A_1395] : memref<16x10240xi32, #tpu.memory_space<vmem_shared>> -> memref<1x640xi32, #tpu.memory_space<vmem_shared>>
      %dma_start3A_1445 = tpu.memref_squeeze %dma_start3A_1444 : memref<1x640xi32, #tpu.memory_space<vmem_shared>> -> memref<640xi32, #tpu.memory_space<vmem_shared>>
      tpu.enqueue_dma source(%dma_start3A_1445 : memref<640xi32, #tpu.memory_space<vmem_shared>>) target(%dma_start3A_1443 : memref<640xi32, #tpu.memory_space<vmem>>) target_semaphore(%run_scoped3A_1435 : memref<!tpu.dma_semaphore, #tpu.memory_space<semaphore_mem>>)
      %dma_wait3A_1446 = arith.constant 0 : i32
      %dma_wait3A_1447 = tpu.memref_slice %arg15[%run_scoped3A_1401, %dma_wait3A_1446] : memref<16x640xi32, #tpu.memory_space<vmem>> -> memref<1x640xi32, #tpu.memory_space<vmem>>
      %dma_wait3A_1448 = tpu.memref_squeeze %dma_wait3A_1447 : memref<1x640xi32, #tpu.memory_space<vmem>> -> memref<640xi32, #tpu.memory_space<vmem>>
      %dma_wait3A_1449 = tpu.memref_slice %arg19[%run_scoped3A_1400, %mul3A_1395] : memref<16x10240xi32, #tpu.memory_space<vmem_shared>> -> memref<1x640xi32, #tpu.memory_space<vmem_shared>>
      %dma_wait3A_1450 = tpu.memref_squeeze %dma_wait3A_1449 : memref<1x640xi32, #tpu.memory_space<vmem_shared>> -> memref<640xi32, #tpu.memory_space<vmem_shared>>
      %dma_wait3A_1451 = arith.constant 0 : i32
      %dma_wait3A_1452 = tpu.memref_slice %arg15[%run_scoped3A_1401, %dma_wait3A_1451] : memref<16x640xi32, #tpu.memory_space<vmem>> -> memref<1x640xi32, #tpu.memory_space<vmem>>
      %dma_wait3A_1453 = tpu.memref_squeeze %dma_wait3A_1452 : memref<1x640xi32, #tpu.memory_space<vmem>> -> memref<640xi32, #tpu.memory_space<vmem>>
      %dma_wait3A_1454 = tpu.memref_slice %arg19[%run_scoped3A_1400, %mul3A_1395] : memref<16x10240xi32, #tpu.memory_space<vmem_shared>> -> memref<1x640xi32, #tpu.memory_space<vmem_shared>>
      %dma_wait3A_1455 = tpu.memref_squeeze %dma_wait3A_1454 : memref<1x640xi32, #tpu.memory_space<vmem_shared>> -> memref<640xi32, #tpu.memory_space<vmem_shared>>
      tpu.wait_dma2 semaphore(%run_scoped3A_1435 : memref<!tpu.dma_semaphore, #tpu.memory_space<semaphore_mem>>) src(%dma_wait3A_1455 : memref<640xi32, #tpu.memory_space<vmem_shared>>) dst(%dma_wait3A_1453 : memref<640xi32, #tpu.memory_space<vmem>>)
      tpu.yield
    }) : () -> ()
    %run_scoped3A_1402 = arith.constant 3 : i32
    %run_scoped3A_1403 = arith.constant 3 : i32
    "tpu.region"() ({
      %run_scoped3A_1435 = tpu.sem_alloc : memref<!tpu.dma_semaphore, #tpu.memory_space<semaphore_mem>>
      %dma_start3A_1436 = arith.constant 0 : i32
      %dma_start3A_1437 = tpu.memref_slice %arg15[%run_scoped3A_1403, %dma_start3A_1436] : memref<16x640xi32, #tpu.memory_space<vmem>> -> memref<1x640xi32, #tpu.memory_space<vmem>>
      %dma_start3A_1438 = tpu.memref_squeeze %dma_start3A_1437 : memref<1x640xi32, #tpu.memory_space<vmem>> -> memref<640xi32, #tpu.memory_space<vmem>>
      %dma_start3A_1439 = tpu.memref_slice %arg19[%run_scoped3A_1402, %mul3A_1395] : memref<16x10240xi32, #tpu.memory_space<vmem_shared>> -> memref<1x640xi32, #tpu.memory_space<vmem_shared>>
      %dma_start3A_1440 = tpu.memref_squeeze %dma_start3A_1439 : memref<1x640xi32, #tpu.memory_space<vmem_shared>> -> memref<640xi32, #tpu.memory_space<vmem_shared>>
      %dma_start3A_1441 = arith.constant 0 : i32
      %dma_start3A_1442 = tpu.memref_slice %arg15[%run_scoped3A_1403, %dma_start3A_1441] : memref<16x640xi32, #tpu.memory_space<vmem>> -> memref<1x640xi32, #tpu.memory_space<vmem>>
      %dma_start3A_1443 = tpu.memref_squeeze %dma_start3A_1442 : memref<1x640xi32, #tpu.memory_space<vmem>> -> memref<640xi32, #tpu.memory_space<vmem>>
      %dma_start3A_1444 = tpu.memref_slice %arg19[%run_scoped3A_1402, %mul3A_1395] : memref<16x10240xi32, #tpu.memory_space<vmem_shared>> -> memref<1x640xi32, #tpu.memory_space<vmem_shared>>
      %dma_start3A_1445 = tpu.memref_squeeze %dma_start3A_1444 : memref<1x640xi32, #tpu.memory_space<vmem_shared>> -> memref<640xi32, #tpu.memory_space<vmem_shared>>
      tpu.enqueue_dma source(%dma_start3A_1445 : memref<640xi32, #tpu.memory_space<vmem_shared>>) target(%dma_start3A_1443 : memref<640xi32, #tpu.memory_space<vmem>>) target_semaphore(%run_scoped3A_1435 : memref<!tpu.dma_semaphore, #tpu.memory_space<semaphore_mem>>)
      %dma_wait3A_1446 = arith.constant 0 : i32
      %dma_wait3A_1447 = tpu.memref_slice %arg15[%run_scoped3A_1403, %dma_wait3A_1446] : memref<16x640xi32, #tpu.memory_space<vmem>> -> memref<1x640xi32, #tpu.memory_space<vmem>>
      %dma_wait3A_1448 = tpu.memref_squeeze %dma_wait3A_1447 : memref<1x640xi32, #tpu.memory_space<vmem>> -> memref<640xi32, #tpu.memory_space<vmem>>
      %dma_wait3A_1449 = tpu.memref_slice %arg19[%run_scoped3A_1402, %mul3A_1395] : memref<16x10240xi32, #tpu.memory_space<vmem_shared>> -> memref<1x640xi32, #tpu.memory_space<vmem_shared>>
      %dma_wait3A_1450 = tpu.memref_squeeze %dma_wait3A_1449 : memref<1x640xi32, #tpu.memory_space<vmem_shared>> -> memref<640xi32, #tpu.memory_space<vmem_shared>>
      %dma_wait3A_1451 = arith.constant 0 : i32
      %dma_wait3A_1452 = tpu.memref_slice %arg15[%run_scoped3A_1403, %dma_wait3A_1451] : memref<16x640xi32, #tpu.memory_space<vmem>> -> memref<1x640xi32, #tpu.memory_space<vmem>>
      %dma_wait3A_1453 = tpu.memref_squeeze %dma_wait3A_1452 : memref<1x640xi32, #tpu.memory_space<vmem>> -> memref<640xi32, #tpu.memory_space<vmem>>
      %dma_wait3A_1454 = tpu.memref_slice %arg19[%run_scoped3A_1402, %mul3A_1395] : memref<16x10240xi32, #tpu.memory_space<vmem_shared>> -> memref<1x640xi32, #tpu.memory_space<vmem_shared>>
      %dma_wait3A_1455 = tpu.memref_squeeze %dma_wait3A_1454 : memref<1x640xi32, #tpu.memory_space<vmem_shared>> -> memref<640xi32, #tpu.memory_space<vmem_shared>>
      tpu.wait_dma2 semaphore(%run_scoped3A_1435 : memref<!tpu.dma_semaphore, #tpu.memory_space<semaphore_mem>>) src(%dma_wait3A_1455 : memref<640xi32, #tpu.memory_space<vmem_shared>>) dst(%dma_wait3A_1453 : memref<640xi32, #tpu.memory_space<vmem>>)
      tpu.yield
    }) : () -> ()
    %run_scoped3A_1404 = arith.constant 4 : i32
    %run_scoped3A_1405 = arith.constant 4 : i32
    "tpu.region"() ({
      %run_scoped3A_1435 = tpu.sem_alloc : memref<!tpu.dma_semaphore, #tpu.memory_space<semaphore_mem>>
      %dma_start3A_1436 = arith.constant 0 : i32
      %dma_start3A_1437 = tpu.memref_slice %arg15[%run_scoped3A_1405, %dma_start3A_1436] : memref<16x640xi32, #tpu.memory_space<vmem>> -> memref<1x640xi32, #tpu.memory_space<vmem>>
      %dma_start3A_1438 = tpu.memref_squeeze %dma_start3A_1437 : memref<1x640xi32, #tpu.memory_space<vmem>> -> memref<640xi32, #tpu.memory_space<vmem>>
      %dma_start3A_1439 = tpu.memref_slice %arg19[%run_scoped3A_1404, %mul3A_1395] : memref<16x10240xi32, #tpu.memory_space<vmem_shared>> -> memref<1x640xi32, #tpu.memory_space<vmem_shared>>
      %dma_start3A_1440 = tpu.memref_squeeze %dma_start3A_1439 : memref<1x640xi32, #tpu.memory_space<vmem_shared>> -> memref<640xi32, #tpu.memory_space<vmem_shared>>
      %dma_start3A_1441 = arith.constant 0 : i32
      %dma_start3A_1442 = tpu.memref_slice %arg15[%run_scoped3A_1405, %dma_start3A_1441] : memref<16x640xi32, #tpu.memory_space<vmem>> -> memref<1x640xi32, #tpu.memory_space<vmem>>
      %dma_start3A_1443 = tpu.memref_squeeze %dma_start3A_1442 : memref<1x640xi32, #tpu.memory_space<vmem>> -> memref<640xi32, #tpu.memory_space<vmem>>
      %dma_start3A_1444 = tpu.memref_slice %arg19[%run_scoped3A_1404, %mul3A_1395] : memref<16x10240xi32, #tpu.memory_space<vmem_shared>> -> memref<1x640xi32, #tpu.memory_space<vmem_shared>>
      %dma_start3A_1445 = tpu.memref_squeeze %dma_start3A_1444 : memref<1x640xi32, #tpu.memory_space<vmem_shared>> -> memref<640xi32, #tpu.memory_space<vmem_shared>>
      tpu.enqueue_dma source(%dma_start3A_1445 : memref<640xi32, #tpu.memory_space<vmem_shared>>) target(%dma_start3A_1443 : memref<640xi32, #tpu.memory_space<vmem>>) target_semaphore(%run_scoped3A_1435 : memref<!tpu.dma_semaphore, #tpu.memory_space<semaphore_mem>>)
      %dma_wait3A_1446 = arith.constant 0 : i32
      %dma_wait3A_1447 = tpu.memref_slice %arg15[%run_scoped3A_1405, %dma_wait3A_1446] : memref<16x640xi32, #tpu.memory_space<vmem>> -> memref<1x640xi32, #tpu.memory_space<vmem>>
      %dma_wait3A_1448 = tpu.memref_squeeze %dma_wait3A_1447 : memref<1x640xi32, #tpu.memory_space<vmem>> -> memref<640xi32, #tpu.memory_space<vmem>>
      %dma_wait3A_1449 = tpu.memref_slice %arg19[%run_scoped3A_1404, %mul3A_1395] : memref<16x10240xi32, #tpu.memory_space<vmem_shared>> -> memref<1x640xi32, #tpu.memory_space<vmem_shared>>
      %dma_wait3A_1450 = tpu.memref_squeeze %dma_wait3A_1449 : memref<1x640xi32, #tpu.memory_space<vmem_shared>> -> memref<640xi32, #tpu.memory_space<vmem_shared>>
      %dma_wait3A_1451 = arith.constant 0 : i32
      %dma_wait3A_1452 = tpu.memref_slice %arg15[%run_scoped3A_1405, %dma_wait3A_1451] : memref<16x640xi32, #tpu.memory_space<vmem>> -> memref<1x640xi32, #tpu.memory_space<vmem>>
      %dma_wait3A_1453 = tpu.memref_squeeze %dma_wait3A_1452 : memref<1x640xi32, #tpu.memory_space<vmem>> -> memref<640xi32, #tpu.memory_space<vmem>>
      %dma_wait3A_1454 = tpu.memref_slice %arg19[%run_scoped3A_1404, %mul3A_1395] : memref<16x10240xi32, #tpu.memory_space<vmem_shared>> -> memref<1x640xi32, #tpu.memory_space<vmem_shared>>
      %dma_wait3A_1455 = tpu.memref_squeeze %dma_wait3A_1454 : memref<1x640xi32, #tpu.memory_space<vmem_shared>> -> memref<640xi32, #tpu.memory_space<vmem_shared>>
      tpu.wait_dma2 semaphore(%run_scoped3A_1435 : memref<!tpu.dma_semaphore, #tpu.memory_space<semaphore_mem>>) src(%dma_wait3A_1455 : memref<640xi32, #tpu.memory_space<vmem_shared>>) dst(%dma_wait3A_1453 : memref<640xi32, #tpu.memory_space<vmem>>)
      tpu.yield
    }) : () -> ()
    %run_scoped3A_1406 = arith.constant 5 : i32
    %run_scoped3A_1407 = arith.constant 5 : i32
    "tpu.region"() ({
      %run_scoped3A_1435 = tpu.sem_alloc : memref<!tpu.dma_semaphore, #tpu.memory_space<semaphore_mem>>
      %dma_start3A_1436 = arith.constant 0 : i32
      %dma_start3A_1437 = tpu.memref_slice %arg15[%run_scoped3A_1407, %dma_start3A_1436] : memref<16x640xi32, #tpu.memory_space<vmem>> -> memref<1x640xi32, #tpu.memory_space<vmem>>
      %dma_start3A_1438 = tpu.memref_squeeze %dma_start3A_1437 : memref<1x640xi32, #tpu.memory_space<vmem>> -> memref<640xi32, #tpu.memory_space<vmem>>
      %dma_start3A_1439 = tpu.memref_slice %arg19[%run_scoped3A_1406, %mul3A_1395] : memref<16x10240xi32, #tpu.memory_space<vmem_shared>> -> memref<1x640xi32, #tpu.memory_space<vmem_shared>>
      %dma_start3A_1440 = tpu.memref_squeeze %dma_start3A_1439 : memref<1x640xi32, #tpu.memory_space<vmem_shared>> -> memref<640xi32, #tpu.memory_space<vmem_shared>>
      %dma_start3A_1441 = arith.constant 0 : i32
      %dma_start3A_1442 = tpu.memref_slice %arg15[%run_scoped3A_1407, %dma_start3A_1441] : memref<16x640xi32, #tpu.memory_space<vmem>> -> memref<1x640xi32, #tpu.memory_space<vmem>>
      %dma_start3A_1443 = tpu.memref_squeeze %dma_start3A_1442 : memref<1x640xi32, #tpu.memory_space<vmem>> -> memref<640xi32, #tpu.memory_space<vmem>>
      %dma_start3A_1444 = tpu.memref_slice %arg19[%run_scoped3A_1406, %mul3A_1395] : memref<16x10240xi32, #tpu.memory_space<vmem_shared>> -> memref<1x640xi32, #tpu.memory_space<vmem_shared>>
      %dma_start3A_1445 = tpu.memref_squeeze %dma_start3A_1444 : memref<1x640xi32, #tpu.memory_space<vmem_shared>> -> memref<640xi32, #tpu.memory_space<vmem_shared>>
      tpu.enqueue_dma source(%dma_start3A_1445 : memref<640xi32, #tpu.memory_space<vmem_shared>>) target(%dma_start3A_1443 : memref<640xi32, #tpu.memory_space<vmem>>) target_semaphore(%run_scoped3A_1435 : memref<!tpu.dma_semaphore, #tpu.memory_space<semaphore_mem>>)
      %dma_wait3A_1446 = arith.constant 0 : i32
      %dma_wait3A_1447 = tpu.memref_slice %arg15[%run_scoped3A_1407, %dma_wait3A_1446] : memref<16x640xi32, #tpu.memory_space<vmem>> -> memref<1x640xi32, #tpu.memory_space<vmem>>
      %dma_wait3A_1448 = tpu.memref_squeeze %dma_wait3A_1447 : memref<1x640xi32, #tpu.memory_space<vmem>> -> memref<640xi32, #tpu.memory_space<vmem>>
      %dma_wait3A_1449 = tpu.memref_slice %arg19[%run_scoped3A_1406, %mul3A_1395] : memref<16x10240xi32, #tpu.memory_space<vmem_shared>> -> memref<1x640xi32, #tpu.memory_space<vmem_shared>>
      %dma_wait3A_1450 = tpu.memref_squeeze %dma_wait3A_1449 : memref<1x640xi32, #tpu.memory_space<vmem_shared>> -> memref<640xi32, #tpu.memory_space<vmem_shared>>
      %dma_wait3A_1451 = arith.constant 0 : i32
      %dma_wait3A_1452 = tpu.memref_slice %arg15[%run_scoped3A_1407, %dma_wait3A_1451] : memref<16x640xi32, #tpu.memory_space<vmem>> -> memref<1x640xi32, #tpu.memory_space<vmem>>
      %dma_wait3A_1453 = tpu.memref_squeeze %dma_wait3A_1452 : memref<1x640xi32, #tpu.memory_space<vmem>> -> memref<640xi32, #tpu.memory_space<vmem>>
      %dma_wait3A_1454 = tpu.memref_slice %arg19[%run_scoped3A_1406, %mul3A_1395] : memref<16x10240xi32, #tpu.memory_space<vmem_shared>> -> memref<1x640xi32, #tpu.memory_space<vmem_shared>>
      %dma_wait3A_1455 = tpu.memref_squeeze %dma_wait3A_1454 : memref<1x640xi32, #tpu.memory_space<vmem_shared>> -> memref<640xi32, #tpu.memory_space<vmem_shared>>
      tpu.wait_dma2 semaphore(%run_scoped3A_1435 : memref<!tpu.dma_semaphore, #tpu.memory_space<semaphore_mem>>) src(%dma_wait3A_1455 : memref<640xi32, #tpu.memory_space<vmem_shared>>) dst(%dma_wait3A_1453 : memref<640xi32, #tpu.memory_space<vmem>>)
      tpu.yield
    }) : () -> ()
    %run_scoped3A_1408 = arith.constant 6 : i32
    %run_scoped3A_1409 = arith.constant 6 : i32
    "tpu.region"() ({
      %run_scoped3A_1435 = tpu.sem_alloc : memref<!tpu.dma_semaphore, #tpu.memory_space<semaphore_mem>>
      %dma_start3A_1436 = arith.constant 0 : i32
      %dma_start3A_1437 = tpu.memref_slice %arg15[%run_scoped3A_1409, %dma_start3A_1436] : memref<16x640xi32, #tpu.memory_space<vmem>> -> memref<1x640xi32, #tpu.memory_space<vmem>>
      %dma_start3A_1438 = tpu.memref_squeeze %dma_start3A_1437 : memref<1x640xi32, #tpu.memory_space<vmem>> -> memref<640xi32, #tpu.memory_space<vmem>>
      %dma_start3A_1439 = tpu.memref_slice %arg19[%run_scoped3A_1408, %mul3A_1395] : memref<16x10240xi32, #tpu.memory_space<vmem_shared>> -> memref<1x640xi32, #tpu.memory_space<vmem_shared>>
      %dma_start3A_1440 = tpu.memref_squeeze %dma_start3A_1439 : memref<1x640xi32, #tpu.memory_space<vmem_shared>> -> memref<640xi32, #tpu.memory_space<vmem_shared>>
      %dma_start3A_1441 = arith.constant 0 : i32
      %dma_start3A_1442 = tpu.memref_slice %arg15[%run_scoped3A_1409, %dma_start3A_1441] : memref<16x640xi32, #tpu.memory_space<vmem>> -> memref<1x640xi32, #tpu.memory_space<vmem>>
      %dma_start3A_1443 = tpu.memref_squeeze %dma_start3A_1442 : memref<1x640xi32, #tpu.memory_space<vmem>> -> memref<640xi32, #tpu.memory_space<vmem>>
      %dma_start3A_1444 = tpu.memref_slice %arg19[%run_scoped3A_1408, %mul3A_1395] : memref<16x10240xi32, #tpu.memory_space<vmem_shared>> -> memref<1x640xi32, #tpu.memory_space<vmem_shared>>
      %dma_start3A_1445 = tpu.memref_squeeze %dma_start3A_1444 : memref<1x640xi32, #tpu.memory_space<vmem_shared>> -> memref<640xi32, #tpu.memory_space<vmem_shared>>
      tpu.enqueue_dma source(%dma_start3A_1445 : memref<640xi32, #tpu.memory_space<vmem_shared>>) target(%dma_start3A_1443 : memref<640xi32, #tpu.memory_space<vmem>>) target_semaphore(%run_scoped3A_1435 : memref<!tpu.dma_semaphore, #tpu.memory_space<semaphore_mem>>)
      %dma_wait3A_1446 = arith.constant 0 : i32
      %dma_wait3A_1447 = tpu.memref_slice %arg15[%run_scoped3A_1409, %dma_wait3A_1446] : memref<16x640xi32, #tpu.memory_space<vmem>> -> memref<1x640xi32, #tpu.memory_space<vmem>>
      %dma_wait3A_1448 = tpu.memref_squeeze %dma_wait3A_1447 : memref<1x640xi32, #tpu.memory_space<vmem>> -> memref<640xi32, #tpu.memory_space<vmem>>
      %dma_wait3A_1449 = tpu.memref_slice %arg19[%run_scoped3A_1408, %mul3A_1395] : memref<16x10240xi32, #tpu.memory_space<vmem_shared>> -> memref<1x640xi32, #tpu.memory_space<vmem_shared>>
      %dma_wait3A_1450 = tpu.memref_squeeze %dma_wait3A_1449 : memref<1x640xi32, #tpu.memory_space<vmem_shared>> -> memref<640xi32, #tpu.memory_space<vmem_shared>>
      %dma_wait3A_1451 = arith.constant 0 : i32
      %dma_wait3A_1452 = tpu.memref_slice %arg15[%run_scoped3A_1409, %dma_wait3A_1451] : memref<16x640xi32, #tpu.memory_space<vmem>> -> memref<1x640xi32, #tpu.memory_space<vmem>>
      %dma_wait3A_1453 = tpu.memref_squeeze %dma_wait3A_1452 : memref<1x640xi32, #tpu.memory_space<vmem>> -> memref<640xi32, #tpu.memory_space<vmem>>
      %dma_wait3A_1454 = tpu.memref_slice %arg19[%run_scoped3A_1408, %mul3A_1395] : memref<16x10240xi32, #tpu.memory_space<vmem_shared>> -> memref<1x640xi32, #tpu.memory_space<vmem_shared>>
      %dma_wait3A_1455 = tpu.memref_squeeze %dma_wait3A_1454 : memref<1x640xi32, #tpu.memory_space<vmem_shared>> -> memref<640xi32, #tpu.memory_space<vmem_shared>>
      tpu.wait_dma2 semaphore(%run_scoped3A_1435 : memref<!tpu.dma_semaphore, #tpu.memory_space<semaphore_mem>>) src(%dma_wait3A_1455 : memref<640xi32, #tpu.memory_space<vmem_shared>>) dst(%dma_wait3A_1453 : memref<640xi32, #tpu.memory_space<vmem>>)
      tpu.yield
    }) : () -> ()
    %run_scoped3A_1410 = arith.constant 7 : i32
    %run_scoped3A_1411 = arith.constant 7 : i32
    "tpu.region"() ({
      %run_scoped3A_1435 = tpu.sem_alloc : memref<!tpu.dma_semaphore, #tpu.memory_space<semaphore_mem>>
      %dma_start3A_1436 = arith.constant 0 : i32
      %dma_start3A_1437 = tpu.memref_slice %arg15[%run_scoped3A_1411, %dma_start3A_1436] : memref<16x640xi32, #tpu.memory_space<vmem>> -> memref<1x640xi32, #tpu.memory_space<vmem>>
      %dma_start3A_1438 = tpu.memref_squeeze %dma_start3A_1437 : memref<1x640xi32, #tpu.memory_space<vmem>> -> memref<640xi32, #tpu.memory_space<vmem>>
      %dma_start3A_1439 = tpu.memref_slice %arg19[%run_scoped3A_1410, %mul3A_1395] : memref<16x10240xi32, #tpu.memory_space<vmem_shared>> -> memref<1x640xi32, #tpu.memory_space<vmem_shared>>
      %dma_start3A_1440 = tpu.memref_squeeze %dma_start3A_1439 : memref<1x640xi32, #tpu.memory_space<vmem_shared>> -> memref<640xi32, #tpu.memory_space<vmem_shared>>
      %dma_start3A_1441 = arith.constant 0 : i32
      %dma_start3A_1442 = tpu.memref_slice %arg15[%run_scoped3A_1411, %dma_start3A_1441] : memref<16x640xi32, #tpu.memory_space<vmem>> -> memref<1x640xi32, #tpu.memory_space<vmem>>
      %dma_start3A_1443 = tpu.memref_squeeze %dma_start3A_1442 : memref<1x640xi32, #tpu.memory_space<vmem>> -> memref<640xi32, #tpu.memory_space<vmem>>
      %dma_start3A_1444 = tpu.memref_slice %arg19[%run_scoped3A_1410, %mul3A_1395] : memref<16x10240xi32, #tpu.memory_space<vmem_shared>> -> memref<1x640xi32, #tpu.memory_space<vmem_shared>>
      %dma_start3A_1445 = tpu.memref_squeeze %dma_start3A_1444 : memref<1x640xi32, #tpu.memory_space<vmem_shared>> -> memref<640xi32, #tpu.memory_space<vmem_shared>>
      tpu.enqueue_dma source(%dma_start3A_1445 : memref<640xi32, #tpu.memory_space<vmem_shared>>) target(%dma_start3A_1443 : memref<640xi32, #tpu.memory_space<vmem>>) target_semaphore(%run_scoped3A_1435 : memref<!tpu.dma_semaphore, #tpu.memory_space<semaphore_mem>>)
      %dma_wait3A_1446 = arith.constant 0 : i32
      %dma_wait3A_1447 = tpu.memref_slice %arg15[%run_scoped3A_1411, %dma_wait3A_1446] : memref<16x640xi32, #tpu.memory_space<vmem>> -> memref<1x640xi32, #tpu.memory_space<vmem>>
      %dma_wait3A_1448 = tpu.memref_squeeze %dma_wait3A_1447 : memref<1x640xi32, #tpu.memory_space<vmem>> -> memref<640xi32, #tpu.memory_space<vmem>>
      %dma_wait3A_1449 = tpu.memref_slice %arg19[%run_scoped3A_1410, %mul3A_1395] : memref<16x10240xi32, #tpu.memory_space<vmem_shared>> -> memref<1x640xi32, #tpu.memory_space<vmem_shared>>
      %dma_wait3A_1450 = tpu.memref_squeeze %dma_wait3A_1449 : memref<1x640xi32, #tpu.memory_space<vmem_shared>> -> memref<640xi32, #tpu.memory_space<vmem_shared>>
      %dma_wait3A_1451 = arith.constant 0 : i32
      %dma_wait3A_1452 = tpu.memref_slice %arg15[%run_scoped3A_1411, %dma_wait3A_1451] : memref<16x640xi32, #tpu.memory_space<vmem>> -> memref<1x640xi32, #tpu.memory_space<vmem>>
      %dma_wait3A_1453 = tpu.memref_squeeze %dma_wait3A_1452 : memref<1x640xi32, #tpu.memory_space<vmem>> -> memref<640xi32, #tpu.memory_space<vmem>>
      %dma_wait3A_1454 = tpu.memref_slice %arg19[%run_scoped3A_1410, %mul3A_1395] : memref<16x10240xi32, #tpu.memory_space<vmem_shared>> -> memref<1x640xi32, #tpu.memory_space<vmem_shared>>
      %dma_wait3A_1455 = tpu.memref_squeeze %dma_wait3A_1454 : memref<1x640xi32, #tpu.memory_space<vmem_shared>> -> memref<640xi32, #tpu.memory_space<vmem_shared>>
      tpu.wait_dma2 semaphore(%run_scoped3A_1435 : memref<!tpu.dma_semaphore, #tpu.memory_space<semaphore_mem>>) src(%dma_wait3A_1455 : memref<640xi32, #tpu.memory_space<vmem_shared>>) dst(%dma_wait3A_1453 : memref<640xi32, #tpu.memory_space<vmem>>)
      tpu.yield
    }) : () -> ()
    %run_scoped3A_1412 = arith.constant 8 : i32
    %run_scoped3A_1413 = arith.constant 8 : i32
    "tpu.region"() ({
      %run_scoped3A_1435 = tpu.sem_alloc : memref<!tpu.dma_semaphore, #tpu.memory_space<semaphore_mem>>
      %dma_start3A_1436 = arith.constant 0 : i32
      %dma_start3A_1437 = tpu.memref_slice %arg15[%run_scoped3A_1413, %dma_start3A_1436] : memref<16x640xi32, #tpu.memory_space<vmem>> -> memref<1x640xi32, #tpu.memory_space<vmem>>
      %dma_start3A_1438 = tpu.memref_squeeze %dma_start3A_1437 : memref<1x640xi32, #tpu.memory_space<vmem>> -> memref<640xi32, #tpu.memory_space<vmem>>
      %dma_start3A_1439 = tpu.memref_slice %arg19[%run_scoped3A_1412, %mul3A_1395] : memref<16x10240xi32, #tpu.memory_space<vmem_shared>> -> memref<1x640xi32, #tpu.memory_space<vmem_shared>>
      %dma_start3A_1440 = tpu.memref_squeeze %dma_start3A_1439 : memref<1x640xi32, #tpu.memory_space<vmem_shared>> -> memref<640xi32, #tpu.memory_space<vmem_shared>>
      %dma_start3A_1441 = arith.constant 0 : i32
      %dma_start3A_1442 = tpu.memref_slice %arg15[%run_scoped3A_1413, %dma_start3A_1441] : memref<16x640xi32, #tpu.memory_space<vmem>> -> memref<1x640xi32, #tpu.memory_space<vmem>>
      %dma_start3A_1443 = tpu.memref_squeeze %dma_start3A_1442 : memref<1x640xi32, #tpu.memory_space<vmem>> -> memref<640xi32, #tpu.memory_space<vmem>>
      %dma_start3A_1444 = tpu.memref_slice %arg19[%run_scoped3A_1412, %mul3A_1395] : memref<16x10240xi32, #tpu.memory_space<vmem_shared>> -> memref<1x640xi32, #tpu.memory_space<vmem_shared>>
      %dma_start3A_1445 = tpu.memref_squeeze %dma_start3A_1444 : memref<1x640xi32, #tpu.memory_space<vmem_shared>> -> memref<640xi32, #tpu.memory_space<vmem_shared>>
      tpu.enqueue_dma source(%dma_start3A_1445 : memref<640xi32, #tpu.memory_space<vmem_shared>>) target(%dma_start3A_1443 : memref<640xi32, #tpu.memory_space<vmem>>) target_semaphore(%run_scoped3A_1435 : memref<!tpu.dma_semaphore, #tpu.memory_space<semaphore_mem>>)
      %dma_wait3A_1446 = arith.constant 0 : i32
      %dma_wait3A_1447 = tpu.memref_slice %arg15[%run_scoped3A_1413, %dma_wait3A_1446] : memref<16x640xi32, #tpu.memory_space<vmem>> -> memref<1x640xi32, #tpu.memory_space<vmem>>
      %dma_wait3A_1448 = tpu.memref_squeeze %dma_wait3A_1447 : memref<1x640xi32, #tpu.memory_space<vmem>> -> memref<640xi32, #tpu.memory_space<vmem>>
      %dma_wait3A_1449 = tpu.memref_slice %arg19[%run_scoped3A_1412, %mul3A_1395] : memref<16x10240xi32, #tpu.memory_space<vmem_shared>> -> memref<1x640xi32, #tpu.memory_space<vmem_shared>>
      %dma_wait3A_1450 = tpu.memref_squeeze %dma_wait3A_1449 : memref<1x640xi32, #tpu.memory_space<vmem_shared>> -> memref<640xi32, #tpu.memory_space<vmem_shared>>
      %dma_wait3A_1451 = arith.constant 0 : i32
      %dma_wait3A_1452 = tpu.memref_slice %arg15[%run_scoped3A_1413, %dma_wait3A_1451] : memref<16x640xi32, #tpu.memory_space<vmem>> -> memref<1x640xi32, #tpu.memory_space<vmem>>
      %dma_wait3A_1453 = tpu.memref_squeeze %dma_wait3A_1452 : memref<1x640xi32, #tpu.memory_space<vmem>> -> memref<640xi32, #tpu.memory_space<vmem>>
      %dma_wait3A_1454 = tpu.memref_slice %arg19[%run_scoped3A_1412, %mul3A_1395] : memref<16x10240xi32, #tpu.memory_space<vmem_shared>> -> memref<1x640xi32, #tpu.memory_space<vmem_shared>>
      %dma_wait3A_1455 = tpu.memref_squeeze %dma_wait3A_1454 : memref<1x640xi32, #tpu.memory_space<vmem_shared>> -> memref<640xi32, #tpu.memory_space<vmem_shared>>
      tpu.wait_dma2 semaphore(%run_scoped3A_1435 : memref<!tpu.dma_semaphore, #tpu.memory_space<semaphore_mem>>) src(%dma_wait3A_1455 : memref<640xi32, #tpu.memory_space<vmem_shared>>) dst(%dma_wait3A_1453 : memref<640xi32, #tpu.memory_space<vmem>>)
      tpu.yield
    }) : () -> ()
    %run_scoped3A_1414 = arith.constant 9 : i32
    %run_scoped3A_1415 = arith.constant 9 : i32
    "tpu.region"() ({
      %run_scoped3A_1435 = tpu.sem_alloc : memref<!tpu.dma_semaphore, #tpu.memory_space<semaphore_mem>>
      %dma_start3A_1436 = arith.constant 0 : i32
      %dma_start3A_1437 = tpu.memref_slice %arg15[%run_scoped3A_1415, %dma_start3A_1436] : memref<16x640xi32, #tpu.memory_space<vmem>> -> memref<1x640xi32, #tpu.memory_space<vmem>>
      %dma_start3A_1438 = tpu.memref_squeeze %dma_start3A_1437 : memref<1x640xi32, #tpu.memory_space<vmem>> -> memref<640xi32, #tpu.memory_space<vmem>>
      %dma_start3A_1439 = tpu.memref_slice %arg19[%run_scoped3A_1414, %mul3A_1395] : memref<16x10240xi32, #tpu.memory_space<vmem_shared>> -> memref<1x640xi32, #tpu.memory_space<vmem_shared>>
      %dma_start3A_1440 = tpu.memref_squeeze %dma_start3A_1439 : memref<1x640xi32, #tpu.memory_space<vmem_shared>> -> memref<640xi32, #tpu.memory_space<vmem_shared>>
      %dma_start3A_1441 = arith.constant 0 : i32
      %dma_start3A_1442 = tpu.memref_slice %arg15[%run_scoped3A_1415, %dma_start3A_1441] : memref<16x640xi32, #tpu.memory_space<vmem>> -> memref<1x640xi32, #tpu.memory_space<vmem>>
      %dma_start3A_1443 = tpu.memref_squeeze %dma_start3A_1442 : memref<1x640xi32, #tpu.memory_space<vmem>> -> memref<640xi32, #tpu.memory_space<vmem>>
      %dma_start3A_1444 = tpu.memref_slice %arg19[%run_scoped3A_1414, %mul3A_1395] : memref<16x10240xi32, #tpu.memory_space<vmem_shared>> -> memref<1x640xi32, #tpu.memory_space<vmem_shared>>
      %dma_start3A_1445 = tpu.memref_squeeze %dma_start3A_1444 : memref<1x640xi32, #tpu.memory_space<vmem_shared>> -> memref<640xi32, #tpu.memory_space<vmem_shared>>
      tpu.enqueue_dma source(%dma_start3A_1445 : memref<640xi32, #tpu.memory_space<vmem_shared>>) target(%dma_start3A_1443 : memref<640xi32, #tpu.memory_space<vmem>>) target_semaphore(%run_scoped3A_1435 : memref<!tpu.dma_semaphore, #tpu.memory_space<semaphore_mem>>)
      %dma_wait3A_1446 = arith.constant 0 : i32
      %dma_wait3A_1447 = tpu.memref_slice %arg15[%run_scoped3A_1415, %dma_wait3A_1446] : memref<16x640xi32, #tpu.memory_space<vmem>> -> memref<1x640xi32, #tpu.memory_space<vmem>>
      %dma_wait3A_1448 = tpu.memref_squeeze %dma_wait3A_1447 : memref<1x640xi32, #tpu.memory_space<vmem>> -> memref<640xi32, #tpu.memory_space<vmem>>
      %dma_wait3A_1449 = tpu.memref_slice %arg19[%run_scoped3A_1414, %mul3A_1395] : memref<16x10240xi32, #tpu.memory_space<vmem_shared>> -> memref<1x640xi32, #tpu.memory_space<vmem_shared>>
      %dma_wait3A_1450 = tpu.memref_squeeze %dma_wait3A_1449 : memref<1x640xi32, #tpu.memory_space<vmem_shared>> -> memref<640xi32, #tpu.memory_space<vmem_shared>>
      %dma_wait3A_1451 = arith.constant 0 : i32
      %dma_wait3A_1452 = tpu.memref_slice %arg15[%run_scoped3A_1415, %dma_wait3A_1451] : memref<16x640xi32, #tpu.memory_space<vmem>> -> memref<1x640xi32, #tpu.memory_space<vmem>>
      %dma_wait3A_1453 = tpu.memref_squeeze %dma_wait3A_1452 : memref<1x640xi32, #tpu.memory_space<vmem>> -> memref<640xi32, #tpu.memory_space<vmem>>
      %dma_wait3A_1454 = tpu.memref_slice %arg19[%run_scoped3A_1414, %mul3A_1395] : memref<16x10240xi32, #tpu.memory_space<vmem_shared>> -> memref<1x640xi32, #tpu.memory_space<vmem_shared>>
      %dma_wait3A_1455 = tpu.memref_squeeze %dma_wait3A_1454 : memref<1x640xi32, #tpu.memory_space<vmem_shared>> -> memref<640xi32, #tpu.memory_space<vmem_shared>>
      tpu.wait_dma2 semaphore(%run_scoped3A_1435 : memref<!tpu.dma_semaphore, #tpu.memory_space<semaphore_mem>>) src(%dma_wait3A_1455 : memref<640xi32, #tpu.memory_space<vmem_shared>>) dst(%dma_wait3A_1453 : memref<640xi32, #tpu.memory_space<vmem>>)
      tpu.yield
    }) : () -> ()
    %run_scoped3A_1416 = arith.constant 10 : i32
    %run_scoped3A_1417 = arith.constant 10 : i32
    "tpu.region"() ({
      %run_scoped3A_1435 = tpu.sem_alloc : memref<!tpu.dma_semaphore, #tpu.memory_space<semaphore_mem>>
      %dma_start3A_1436 = arith.constant 0 : i32
      %dma_start3A_1437 = tpu.memref_slice %arg15[%run_scoped3A_1417, %dma_start3A_1436] : memref<16x640xi32, #tpu.memory_space<vmem>> -> memref<1x640xi32, #tpu.memory_space<vmem>>
      %dma_start3A_1438 = tpu.memref_squeeze %dma_start3A_1437 : memref<1x640xi32, #tpu.memory_space<vmem>> -> memref<640xi32, #tpu.memory_space<vmem>>
      %dma_start3A_1439 = tpu.memref_slice %arg19[%run_scoped3A_1416, %mul3A_1395] : memref<16x10240xi32, #tpu.memory_space<vmem_shared>> -> memref<1x640xi32, #tpu.memory_space<vmem_shared>>
      %dma_start3A_1440 = tpu.memref_squeeze %dma_start3A_1439 : memref<1x640xi32, #tpu.memory_space<vmem_shared>> -> memref<640xi32, #tpu.memory_space<vmem_shared>>
      %dma_start3A_1441 = arith.constant 0 : i32
      %dma_start3A_1442 = tpu.memref_slice %arg15[%run_scoped3A_1417, %dma_start3A_1441] : memref<16x640xi32, #tpu.memory_space<vmem>> -> memref<1x640xi32, #tpu.memory_space<vmem>>
      %dma_start3A_1443 = tpu.memref_squeeze %dma_start3A_1442 : memref<1x640xi32, #tpu.memory_space<vmem>> -> memref<640xi32, #tpu.memory_space<vmem>>
      %dma_start3A_1444 = tpu.memref_slice %arg19[%run_scoped3A_1416, %mul3A_1395] : memref<16x10240xi32, #tpu.memory_space<vmem_shared>> -> memref<1x640xi32, #tpu.memory_space<vmem_shared>>
      %dma_start3A_1445 = tpu.memref_squeeze %dma_start3A_1444 : memref<1x640xi32, #tpu.memory_space<vmem_shared>> -> memref<640xi32, #tpu.memory_space<vmem_shared>>
      tpu.enqueue_dma source(%dma_start3A_1445 : memref<640xi32, #tpu.memory_space<vmem_shared>>) target(%dma_start3A_1443 : memref<640xi32, #tpu.memory_space<vmem>>) target_semaphore(%run_scoped3A_1435 : memref<!tpu.dma_semaphore, #tpu.memory_space<semaphore_mem>>)
      %dma_wait3A_1446 = arith.constant 0 : i32
      %dma_wait3A_1447 = tpu.memref_slice %arg15[%run_scoped3A_1417, %dma_wait3A_1446] : memref<16x640xi32, #tpu.memory_space<vmem>> -> memref<1x640xi32, #tpu.memory_space<vmem>>
      %dma_wait3A_1448 = tpu.memref_squeeze %dma_wait3A_1447 : memref<1x640xi32, #tpu.memory_space<vmem>> -> memref<640xi32, #tpu.memory_space<vmem>>
      %dma_wait3A_1449 = tpu.memref_slice %arg19[%run_scoped3A_1416, %mul3A_1395] : memref<16x10240xi32, #tpu.memory_space<vmem_shared>> -> memref<1x640xi32, #tpu.memory_space<vmem_shared>>
      %dma_wait3A_1450 = tpu.memref_squeeze %dma_wait3A_1449 : memref<1x640xi32, #tpu.memory_space<vmem_shared>> -> memref<640xi32, #tpu.memory_space<vmem_shared>>
      %dma_wait3A_1451 = arith.constant 0 : i32
      %dma_wait3A_1452 = tpu.memref_slice %arg15[%run_scoped3A_1417, %dma_wait3A_1451] : memref<16x640xi32, #tpu.memory_space<vmem>> -> memref<1x640xi32, #tpu.memory_space<vmem>>
      %dma_wait3A_1453 = tpu.memref_squeeze %dma_wait3A_1452 : memref<1x640xi32, #tpu.memory_space<vmem>> -> memref<640xi32, #tpu.memory_space<vmem>>
      %dma_wait3A_1454 = tpu.memref_slice %arg19[%run_scoped3A_1416, %mul3A_1395] : memref<16x10240xi32, #tpu.memory_space<vmem_shared>> -> memref<1x640xi32, #tpu.memory_space<vmem_shared>>
      %dma_wait3A_1455 = tpu.memref_squeeze %dma_wait3A_1454 : memref<1x640xi32, #tpu.memory_space<vmem_shared>> -> memref<640xi32, #tpu.memory_space<vmem_shared>>
      tpu.wait_dma2 semaphore(%run_scoped3A_1435 : memref<!tpu.dma_semaphore, #tpu.memory_space<semaphore_mem>>) src(%dma_wait3A_1455 : memref<640xi32, #tpu.memory_space<vmem_shared>>) dst(%dma_wait3A_1453 : memref<640xi32, #tpu.memory_space<vmem>>)
      tpu.yield
    }) : () -> ()
    %run_scoped3A_1418 = arith.constant 11 : i32
    %run_scoped3A_1419 = arith.constant 11 : i32
    "tpu.region"() ({
      %run_scoped3A_1435 = tpu.sem_alloc : memref<!tpu.dma_semaphore, #tpu.memory_space<semaphore_mem>>
      %dma_start3A_1436 = arith.constant 0 : i32
      %dma_start3A_1437 = tpu.memref_slice %arg15[%run_scoped3A_1419, %dma_start3A_1436] : memref<16x640xi32, #tpu.memory_space<vmem>> -> memref<1x640xi32, #tpu.memory_space<vmem>>
      %dma_start3A_1438 = tpu.memref_squeeze %dma_start3A_1437 : memref<1x640xi32, #tpu.memory_space<vmem>> -> memref<640xi32, #tpu.memory_space<vmem>>
      %dma_start3A_1439 = tpu.memref_slice %arg19[%run_scoped3A_1418, %mul3A_1395] : memref<16x10240xi32, #tpu.memory_space<vmem_shared>> -> memref<1x640xi32, #tpu.memory_space<vmem_shared>>
      %dma_start3A_1440 = tpu.memref_squeeze %dma_start3A_1439 : memref<1x640xi32, #tpu.memory_space<vmem_shared>> -> memref<640xi32, #tpu.memory_space<vmem_shared>>
      %dma_start3A_1441 = arith.constant 0 : i32
      %dma_start3A_1442 = tpu.memref_slice %arg15[%run_scoped3A_1419, %dma_start3A_1441] : memref<16x640xi32, #tpu.memory_space<vmem>> -> memref<1x640xi32, #tpu.memory_space<vmem>>
      %dma_start3A_1443 = tpu.memref_squeeze %dma_start3A_1442 : memref<1x640xi32, #tpu.memory_space<vmem>> -> memref<640xi32, #tpu.memory_space<vmem>>
      %dma_start3A_1444 = tpu.memref_slice %arg19[%run_scoped3A_1418, %mul3A_1395] : memref<16x10240xi32, #tpu.memory_space<vmem_shared>> -> memref<1x640xi32, #tpu.memory_space<vmem_shared>>
      %dma_start3A_1445 = tpu.memref_squeeze %dma_start3A_1444 : memref<1x640xi32, #tpu.memory_space<vmem_shared>> -> memref<640xi32, #tpu.memory_space<vmem_shared>>
      tpu.enqueue_dma source(%dma_start3A_1445 : memref<640xi32, #tpu.memory_space<vmem_shared>>) target(%dma_start3A_1443 : memref<640xi32, #tpu.memory_space<vmem>>) target_semaphore(%run_scoped3A_1435 : memref<!tpu.dma_semaphore, #tpu.memory_space<semaphore_mem>>)
      %dma_wait3A_1446 = arith.constant 0 : i32
      %dma_wait3A_1447 = tpu.memref_slice %arg15[%run_scoped3A_1419, %dma_wait3A_1446] : memref<16x640xi32, #tpu.memory_space<vmem>> -> memref<1x640xi32, #tpu.memory_space<vmem>>
      %dma_wait3A_1448 = tpu.memref_squeeze %dma_wait3A_1447 : memref<1x640xi32, #tpu.memory_space<vmem>> -> memref<640xi32, #tpu.memory_space<vmem>>
      %dma_wait3A_1449 = tpu.memref_slice %arg19[%run_scoped3A_1418, %mul3A_1395] : memref<16x10240xi32, #tpu.memory_space<vmem_shared>> -> memref<1x640xi32, #tpu.memory_space<vmem_shared>>
      %dma_wait3A_1450 = tpu.memref_squeeze %dma_wait3A_1449 : memref<1x640xi32, #tpu.memory_space<vmem_shared>> -> memref<640xi32, #tpu.memory_space<vmem_shared>>
      %dma_wait3A_1451 = arith.constant 0 : i32
      %dma_wait3A_1452 = tpu.memref_slice %arg15[%run_scoped3A_1419, %dma_wait3A_1451] : memref<16x640xi32, #tpu.memory_space<vmem>> -> memref<1x640xi32, #tpu.memory_space<vmem>>
      %dma_wait3A_1453 = tpu.memref_squeeze %dma_wait3A_1452 : memref<1x640xi32, #tpu.memory_space<vmem>> -> memref<640xi32, #tpu.memory_space<vmem>>
      %dma_wait3A_1454 = tpu.memref_slice %arg19[%run_scoped3A_1418, %mul3A_1395] : memref<16x10240xi32, #tpu.memory_space<vmem_shared>> -> memref<1x640xi32, #tpu.memory_space<vmem_shared>>
      %dma_wait3A_1455 = tpu.memref_squeeze %dma_wait3A_1454 : memref<1x640xi32, #tpu.memory_space<vmem_shared>> -> memref<640xi32, #tpu.memory_space<vmem_shared>>
      tpu.wait_dma2 semaphore(%run_scoped3A_1435 : memref<!tpu.dma_semaphore, #tpu.memory_space<semaphore_mem>>) src(%dma_wait3A_1455 : memref<640xi32, #tpu.memory_space<vmem_shared>>) dst(%dma_wait3A_1453 : memref<640xi32, #tpu.memory_space<vmem>>)
      tpu.yield
    }) : () -> ()
    %run_scoped3A_1420 = arith.constant 12 : i32
    %run_scoped3A_1421 = arith.constant 12 : i32
    "tpu.region"() ({
      %run_scoped3A_1435 = tpu.sem_alloc : memref<!tpu.dma_semaphore, #tpu.memory_space<semaphore_mem>>
      %dma_start3A_1436 = arith.constant 0 : i32
      %dma_start3A_1437 = tpu.memref_slice %arg15[%run_scoped3A_1421, %dma_start3A_1436] : memref<16x640xi32, #tpu.memory_space<vmem>> -> memref<1x640xi32, #tpu.memory_space<vmem>>
      %dma_start3A_1438 = tpu.memref_squeeze %dma_start3A_1437 : memref<1x640xi32, #tpu.memory_space<vmem>> -> memref<640xi32, #tpu.memory_space<vmem>>
      %dma_start3A_1439 = tpu.memref_slice %arg19[%run_scoped3A_1420, %mul3A_1395] : memref<16x10240xi32, #tpu.memory_space<vmem_shared>> -> memref<1x640xi32, #tpu.memory_space<vmem_shared>>
      %dma_start3A_1440 = tpu.memref_squeeze %dma_start3A_1439 : memref<1x640xi32, #tpu.memory_space<vmem_shared>> -> memref<640xi32, #tpu.memory_space<vmem_shared>>
      %dma_start3A_1441 = arith.constant 0 : i32
      %dma_start3A_1442 = tpu.memref_slice %arg15[%run_scoped3A_1421, %dma_start3A_1441] : memref<16x640xi32, #tpu.memory_space<vmem>> -> memref<1x640xi32, #tpu.memory_space<vmem>>
      %dma_start3A_1443 = tpu.memref_squeeze %dma_start3A_1442 : memref<1x640xi32, #tpu.memory_space<vmem>> -> memref<640xi32, #tpu.memory_space<vmem>>
      %dma_start3A_1444 = tpu.memref_slice %arg19[%run_scoped3A_1420, %mul3A_1395] : memref<16x10240xi32, #tpu.memory_space<vmem_shared>> -> memref<1x640xi32, #tpu.memory_space<vmem_shared>>
      %dma_start3A_1445 = tpu.memref_squeeze %dma_start3A_1444 : memref<1x640xi32, #tpu.memory_space<vmem_shared>> -> memref<640xi32, #tpu.memory_space<vmem_shared>>
      tpu.enqueue_dma source(%dma_start3A_1445 : memref<640xi32, #tpu.memory_space<vmem_shared>>) target(%dma_start3A_1443 : memref<640xi32, #tpu.memory_space<vmem>>) target_semaphore(%run_scoped3A_1435 : memref<!tpu.dma_semaphore, #tpu.memory_space<semaphore_mem>>)
      %dma_wait3A_1446 = arith.constant 0 : i32
      %dma_wait3A_1447 = tpu.memref_slice %arg15[%run_scoped3A_1421, %dma_wait3A_1446] : memref<16x640xi32, #tpu.memory_space<vmem>> -> memref<1x640xi32, #tpu.memory_space<vmem>>
      %dma_wait3A_1448 = tpu.memref_squeeze %dma_wait3A_1447 : memref<1x640xi32, #tpu.memory_space<vmem>> -> memref<640xi32, #tpu.memory_space<vmem>>
      %dma_wait3A_1449 = tpu.memref_slice %arg19[%run_scoped3A_1420, %mul3A_1395] : memref<16x10240xi32, #tpu.memory_space<vmem_shared>> -> memref<1x640xi32, #tpu.memory_space<vmem_shared>>
      %dma_wait3A_1450 = tpu.memref_squeeze %dma_wait3A_1449 : memref<1x640xi32, #tpu.memory_space<vmem_shared>> -> memref<640xi32, #tpu.memory_space<vmem_shared>>
      %dma_wait3A_1451 = arith.constant 0 : i32
      %dma_wait3A_1452 = tpu.memref_slice %arg15[%run_scoped3A_1421, %dma_wait3A_1451] : memref<16x640xi32, #tpu.memory_space<vmem>> -> memref<1x640xi32, #tpu.memory_space<vmem>>
      %dma_wait3A_1453 = tpu.memref_squeeze %dma_wait3A_1452 : memref<1x640xi32, #tpu.memory_space<vmem>> -> memref<640xi32, #tpu.memory_space<vmem>>
      %dma_wait3A_1454 = tpu.memref_slice %arg19[%run_scoped3A_1420, %mul3A_1395] : memref<16x10240xi32, #tpu.memory_space<vmem_shared>> -> memref<1x640xi32, #tpu.memory_space<vmem_shared>>
      %dma_wait3A_1455 = tpu.memref_squeeze %dma_wait3A_1454 : memref<1x640xi32, #tpu.memory_space<vmem_shared>> -> memref<640xi32, #tpu.memory_space<vmem_shared>>
      tpu.wait_dma2 semaphore(%run_scoped3A_1435 : memref<!tpu.dma_semaphore, #tpu.memory_space<semaphore_mem>>) src(%dma_wait3A_1455 : memref<640xi32, #tpu.memory_space<vmem_shared>>) dst(%dma_wait3A_1453 : memref<640xi32, #tpu.memory_space<vmem>>)
      tpu.yield
    }) : () -> ()
    %run_scoped3A_1422 = arith.constant 13 : i32
    %run_scoped3A_1423 = arith.constant 13 : i32
    "tpu.region"() ({
      %run_scoped3A_1435 = tpu.sem_alloc : memref<!tpu.dma_semaphore, #tpu.memory_space<semaphore_mem>>
      %dma_start3A_1436 = arith.constant 0 : i32
      %dma_start3A_1437 = tpu.memref_slice %arg15[%run_scoped3A_1423, %dma_start3A_1436] : memref<16x640xi32, #tpu.memory_space<vmem>> -> memref<1x640xi32, #tpu.memory_space<vmem>>
      %dma_start3A_1438 = tpu.memref_squeeze %dma_start3A_1437 : memref<1x640xi32, #tpu.memory_space<vmem>> -> memref<640xi32, #tpu.memory_space<vmem>>
      %dma_start3A_1439 = tpu.memref_slice %arg19[%run_scoped3A_1422, %mul3A_1395] : memref<16x10240xi32, #tpu.memory_space<vmem_shared>> -> memref<1x640xi32, #tpu.memory_space<vmem_shared>>
      %dma_start3A_1440 = tpu.memref_squeeze %dma_start3A_1439 : memref<1x640xi32, #tpu.memory_space<vmem_shared>> -> memref<640xi32, #tpu.memory_space<vmem_shared>>
      %dma_start3A_1441 = arith.constant 0 : i32
      %dma_start3A_1442 = tpu.memref_slice %arg15[%run_scoped3A_1423, %dma_start3A_1441] : memref<16x640xi32, #tpu.memory_space<vmem>> -> memref<1x640xi32, #tpu.memory_space<vmem>>
      %dma_start3A_1443 = tpu.memref_squeeze %dma_start3A_1442 : memref<1x640xi32, #tpu.memory_space<vmem>> -> memref<640xi32, #tpu.memory_space<vmem>>
      %dma_start3A_1444 = tpu.memref_slice %arg19[%run_scoped3A_1422, %mul3A_1395] : memref<16x10240xi32, #tpu.memory_space<vmem_shared>> -> memref<1x640xi32, #tpu.memory_space<vmem_shared>>
      %dma_start3A_1445 = tpu.memref_squeeze %dma_start3A_1444 : memref<1x640xi32, #tpu.memory_space<vmem_shared>> -> memref<640xi32, #tpu.memory_space<vmem_shared>>
      tpu.enqueue_dma source(%dma_start3A_1445 : memref<640xi32, #tpu.memory_space<vmem_shared>>) target(%dma_start3A_1443 : memref<640xi32, #tpu.memory_space<vmem>>) target_semaphore(%run_scoped3A_1435 : memref<!tpu.dma_semaphore, #tpu.memory_space<semaphore_mem>>)
      %dma_wait3A_1446 = arith.constant 0 : i32
      %dma_wait3A_1447 = tpu.memref_slice %arg15[%run_scoped3A_1423, %dma_wait3A_1446] : memref<16x640xi32, #tpu.memory_space<vmem>> -> memref<1x640xi32, #tpu.memory_space<vmem>>
      %dma_wait3A_1448 = tpu.memref_squeeze %dma_wait3A_1447 : memref<1x640xi32, #tpu.memory_space<vmem>> -> memref<640xi32, #tpu.memory_space<vmem>>
      %dma_wait3A_1449 = tpu.memref_slice %arg19[%run_scoped3A_1422, %mul3A_1395] : memref<16x10240xi32, #tpu.memory_space<vmem_shared>> -> memref<1x640xi32, #tpu.memory_space<vmem_shared>>
      %dma_wait3A_1450 = tpu.memref_squeeze %dma_wait3A_1449 : memref<1x640xi32, #tpu.memory_space<vmem_shared>> -> memref<640xi32, #tpu.memory_space<vmem_shared>>
      %dma_wait3A_1451 = arith.constant 0 : i32
      %dma_wait3A_1452 = tpu.memref_slice %arg15[%run_scoped3A_1423, %dma_wait3A_1451] : memref<16x640xi32, #tpu.memory_space<vmem>> -> memref<1x640xi32, #tpu.memory_space<vmem>>
      %dma_wait3A_1453 = tpu.memref_squeeze %dma_wait3A_1452 : memref<1x640xi32, #tpu.memory_space<vmem>> -> memref<640xi32, #tpu.memory_space<vmem>>
      %dma_wait3A_1454 = tpu.memref_slice %arg19[%run_scoped3A_1422, %mul3A_1395] : memref<16x10240xi32, #tpu.memory_space<vmem_shared>> -> memref<1x640xi32, #tpu.memory_space<vmem_shared>>
      %dma_wait3A_1455 = tpu.memref_squeeze %dma_wait3A_1454 : memref<1x640xi32, #tpu.memory_space<vmem_shared>> -> memref<640xi32, #tpu.memory_space<vmem_shared>>
      tpu.wait_dma2 semaphore(%run_scoped3A_1435 : memref<!tpu.dma_semaphore, #tpu.memory_space<semaphore_mem>>) src(%dma_wait3A_1455 : memref<640xi32, #tpu.memory_space<vmem_shared>>) dst(%dma_wait3A_1453 : memref<640xi32, #tpu.memory_space<vmem>>)
      tpu.yield
    }) : () -> ()
    %run_scoped3A_1424 = arith.constant 14 : i32
    %run_scoped3A_1425 = arith.constant 14 : i32
    "tpu.region"() ({
      %run_scoped3A_1435 = tpu.sem_alloc : memref<!tpu.dma_semaphore, #tpu.memory_space<semaphore_mem>>
      %dma_start3A_1436 = arith.constant 0 : i32
      %dma_start3A_1437 = tpu.memref_slice %arg15[%run_scoped3A_1425, %dma_start3A_1436] : memref<16x640xi32, #tpu.memory_space<vmem>> -> memref<1x640xi32, #tpu.memory_space<vmem>>
      %dma_start3A_1438 = tpu.memref_squeeze %dma_start3A_1437 : memref<1x640xi32, #tpu.memory_space<vmem>> -> memref<640xi32, #tpu.memory_space<vmem>>
      %dma_start3A_1439 = tpu.memref_slice %arg19[%run_scoped3A_1424, %mul3A_1395] : memref<16x10240xi32, #tpu.memory_space<vmem_shared>> -> memref<1x640xi32, #tpu.memory_space<vmem_shared>>
      %dma_start3A_1440 = tpu.memref_squeeze %dma_start3A_1439 : memref<1x640xi32, #tpu.memory_space<vmem_shared>> -> memref<640xi32, #tpu.memory_space<vmem_shared>>
      %dma_start3A_1441 = arith.constant 0 : i32
      %dma_start3A_1442 = tpu.memref_slice %arg15[%run_scoped3A_1425, %dma_start3A_1441] : memref<16x640xi32, #tpu.memory_space<vmem>> -> memref<1x640xi32, #tpu.memory_space<vmem>>
      %dma_start3A_1443 = tpu.memref_squeeze %dma_start3A_1442 : memref<1x640xi32, #tpu.memory_space<vmem>> -> memref<640xi32, #tpu.memory_space<vmem>>
      %dma_start3A_1444 = tpu.memref_slice %arg19[%run_scoped3A_1424, %mul3A_1395] : memref<16x10240xi32, #tpu.memory_space<vmem_shared>> -> memref<1x640xi32, #tpu.memory_space<vmem_shared>>
      %dma_start3A_1445 = tpu.memref_squeeze %dma_start3A_1444 : memref<1x640xi32, #tpu.memory_space<vmem_shared>> -> memref<640xi32, #tpu.memory_space<vmem_shared>>
      tpu.enqueue_dma source(%dma_start3A_1445 : memref<640xi32, #tpu.memory_space<vmem_shared>>) target(%dma_start3A_1443 : memref<640xi32, #tpu.memory_space<vmem>>) target_semaphore(%run_scoped3A_1435 : memref<!tpu.dma_semaphore, #tpu.memory_space<semaphore_mem>>)
      %dma_wait3A_1446 = arith.constant 0 : i32
      %dma_wait3A_1447 = tpu.memref_slice %arg15[%run_scoped3A_1425, %dma_wait3A_1446] : memref<16x640xi32, #tpu.memory_space<vmem>> -> memref<1x640xi32, #tpu.memory_space<vmem>>
      %dma_wait3A_1448 = tpu.memref_squeeze %dma_wait3A_1447 : memref<1x640xi32, #tpu.memory_space<vmem>> -> memref<640xi32, #tpu.memory_space<vmem>>
      %dma_wait3A_1449 = tpu.memref_slice %arg19[%run_scoped3A_1424, %mul3A_1395] : memref<16x10240xi32, #tpu.memory_space<vmem_shared>> -> memref<1x640xi32, #tpu.memory_space<vmem_shared>>
      %dma_wait3A_1450 = tpu.memref_squeeze %dma_wait3A_1449 : memref<1x640xi32, #tpu.memory_space<vmem_shared>> -> memref<640xi32, #tpu.memory_space<vmem_shared>>
      %dma_wait3A_1451 = arith.constant 0 : i32
      %dma_wait3A_1452 = tpu.memref_slice %arg15[%run_scoped3A_1425, %dma_wait3A_1451] : memref<16x640xi32, #tpu.memory_space<vmem>> -> memref<1x640xi32, #tpu.memory_space<vmem>>
      %dma_wait3A_1453 = tpu.memref_squeeze %dma_wait3A_1452 : memref<1x640xi32, #tpu.memory_space<vmem>> -> memref<640xi32, #tpu.memory_space<vmem>>
      %dma_wait3A_1454 = tpu.memref_slice %arg19[%run_scoped3A_1424, %mul3A_1395] : memref<16x10240xi32, #tpu.memory_space<vmem_shared>> -> memref<1x640xi32, #tpu.memory_space<vmem_shared>>
      %dma_wait3A_1455 = tpu.memref_squeeze %dma_wait3A_1454 : memref<1x640xi32, #tpu.memory_space<vmem_shared>> -> memref<640xi32, #tpu.memory_space<vmem_shared>>
      tpu.wait_dma2 semaphore(%run_scoped3A_1435 : memref<!tpu.dma_semaphore, #tpu.memory_space<semaphore_mem>>) src(%dma_wait3A_1455 : memref<640xi32, #tpu.memory_space<vmem_shared>>) dst(%dma_wait3A_1453 : memref<640xi32, #tpu.memory_space<vmem>>)
      tpu.yield
    }) : () -> ()
    %run_scoped3A_1426 = arith.constant 15 : i32
    %run_scoped3A_1427 = arith.constant 15 : i32
    "tpu.region"() ({
      %run_scoped3A_1435 = tpu.sem_alloc : memref<!tpu.dma_semaphore, #tpu.memory_space<semaphore_mem>>
      %dma_start3A_1436 = arith.constant 0 : i32
      %dma_start3A_1437 = tpu.memref_slice %arg15[%run_scoped3A_1427, %dma_start3A_1436] : memref<16x640xi32, #tpu.memory_space<vmem>> -> memref<1x640xi32, #tpu.memory_space<vmem>>
      %dma_start3A_1438 = tpu.memref_squeeze %dma_start3A_1437 : memref<1x640xi32, #tpu.memory_space<vmem>> -> memref<640xi32, #tpu.memory_space<vmem>>
      %dma_start3A_1439 = tpu.memref_slice %arg19[%run_scoped3A_1426, %mul3A_1395] : memref<16x10240xi32, #tpu.memory_space<vmem_shared>> -> memref<1x640xi32, #tpu.memory_space<vmem_shared>>
      %dma_start3A_1440 = tpu.memref_squeeze %dma_start3A_1439 : memref<1x640xi32, #tpu.memory_space<vmem_shared>> -> memref<640xi32, #tpu.memory_space<vmem_shared>>
      %dma_start3A_1441 = arith.constant 0 : i32
      %dma_start3A_1442 = tpu.memref_slice %arg15[%run_scoped3A_1427, %dma_start3A_1441] : memref<16x640xi32, #tpu.memory_space<vmem>> -> memref<1x640xi32, #tpu.memory_space<vmem>>
      %dma_start3A_1443 = tpu.memref_squeeze %dma_start3A_1442 : memref<1x640xi32, #tpu.memory_space<vmem>> -> memref<640xi32, #tpu.memory_space<vmem>>
      %dma_start3A_1444 = tpu.memref_slice %arg19[%run_scoped3A_1426, %mul3A_1395] : memref<16x10240xi32, #tpu.memory_space<vmem_shared>> -> memref<1x640xi32, #tpu.memory_space<vmem_shared>>
      %dma_start3A_1445 = tpu.memref_squeeze %dma_start3A_1444 : memref<1x640xi32, #tpu.memory_space<vmem_shared>> -> memref<640xi32, #tpu.memory_space<vmem_shared>>
      tpu.enqueue_dma source(%dma_start3A_1445 : memref<640xi32, #tpu.memory_space<vmem_shared>>) target(%dma_start3A_1443 : memref<640xi32, #tpu.memory_space<vmem>>) target_semaphore(%run_scoped3A_1435 : memref<!tpu.dma_semaphore, #tpu.memory_space<semaphore_mem>>)
      %dma_wait3A_1446 = arith.constant 0 : i32
      %dma_wait3A_1447 = tpu.memref_slice %arg15[%run_scoped3A_1427, %dma_wait3A_1446] : memref<16x640xi32, #tpu.memory_space<vmem>> -> memref<1x640xi32, #tpu.memory_space<vmem>>
      %dma_wait3A_1448 = tpu.memref_squeeze %dma_wait3A_1447 : memref<1x640xi32, #tpu.memory_space<vmem>> -> memref<640xi32, #tpu.memory_space<vmem>>
      %dma_wait3A_1449 = tpu.memref_slice %arg19[%run_scoped3A_1426, %mul3A_1395] : memref<16x10240xi32, #tpu.memory_space<vmem_shared>> -> memref<1x640xi32, #tpu.memory_space<vmem_shared>>
      %dma_wait3A_1450 = tpu.memref_squeeze %dma_wait3A_1449 : memref<1x640xi32, #tpu.memory_space<vmem_shared>> -> memref<640xi32, #tpu.memory_space<vmem_shared>>
      %dma_wait3A_1451 = arith.constant 0 : i32
      %dma_wait3A_1452 = tpu.memref_slice %arg15[%run_scoped3A_1427, %dma_wait3A_1451] : memref<16x640xi32, #tpu.memory_space<vmem>> -> memref<1x640xi32, #tpu.memory_space<vmem>>
      %dma_wait3A_1453 = tpu.memref_squeeze %dma_wait3A_1452 : memref<1x640xi32, #tpu.memory_space<vmem>> -> memref<640xi32, #tpu.memory_space<vmem>>
      %dma_wait3A_1454 = tpu.memref_slice %arg19[%run_scoped3A_1426, %mul3A_1395] : memref<16x10240xi32, #tpu.memory_space<vmem_shared>> -> memref<1x640xi32, #tpu.memory_space<vmem_shared>>
      %dma_wait3A_1455 = tpu.memref_squeeze %dma_wait3A_1454 : memref<1x640xi32, #tpu.memory_space<vmem_shared>> -> memref<640xi32, #tpu.memory_space<vmem_shared>>
      tpu.wait_dma2 semaphore(%run_scoped3A_1435 : memref<!tpu.dma_semaphore, #tpu.memory_space<semaphore_mem>>) src(%dma_wait3A_1455 : memref<640xi32, #tpu.memory_space<vmem_shared>>) dst(%dma_wait3A_1453 : memref<640xi32, #tpu.memory_space<vmem>>)
      tpu.yield
    }) : () -> ()
    %scan3A_1428 = arith.constant 0 : i32
    %scan3A_1429 = arith.constant 0 : i32
    %scan3A_1430 = arith.constant 40 : i32
    %scan3A_1431 = arith.addi %scan3A_1429, %scan3A_1430 : i32
    %scan3A_1432 = arith.constant 1 : i32
    %scan3A_1433 = scf.for %scan3A_1435 = %scan3A_1429 to %scan3A_1431 step %scan3A_1432 iter_args(%scan3A_1436 = %scan3A_1428) -> (i32)  : i32 {
      %mul3A_1437 = arith.constant 16 : i32
      %mul3A_1438 = arith.muli %scan3A_1435, %mul3A_1437 : i32
      %get3A_1439 = arith.constant 0 : i32
      %get3A_1440 = arith.index_cast %get3A_1439 : i32 to index
      %get3A_1441 = arith.index_cast %mul3A_1438 : i32 to index
      %get3A_1442 = tpu.vector_load %arg15[%get3A_1440, %get3A_1441] {strides = array<i32>} : memref<16x640xi32, #tpu.memory_space<vmem>>, vector<16xi32>,
      %mul3A_1443 = arith.constant 16 : i32
      %mul3A_1444 = arith.muli %scan3A_1435, %mul3A_1443 : i32
      %get3A_1445 = arith.constant 1 : i32
      %get3A_1446 = arith.index_cast %get3A_1445 : i32 to index
      %get3A_1447 = arith.index_cast %mul3A_1444 : i32 to index
      %get3A_1448 = tpu.vector_load %arg15[%get3A_1446, %get3A_1447] {strides = array<i32>} : memref<16x640xi32, #tpu.memory_space<vmem>>, vector<16xi32>,
      %or3A = arith.ori %get3A_1442, %get3A_1448 : vector<16xi32>
      %mul3A_1449 = arith.constant 16 : i32
      %mul3A_1450 = arith.muli %scan3A_1435, %mul3A_1449 : i32
      %get3A_1451 = arith.constant 2 : i32
      %get3A_1452 = arith.index_cast %get3A_1451 : i32 to index
      %get3A_1453 = arith.index_cast %mul3A_1450 : i32 to index
      %get3A_1454 = tpu.vector_load %arg15[%get3A_1452, %get3A_1453] {strides = array<i32>} : memref<16x640xi32, #tpu.memory_space<vmem>>, vector<16xi32>,
      %or3A_1455 = arith.ori %or3A, %get3A_1454 : vector<16xi32>
      %mul3A_1456 = arith.constant 16 : i32
      %mul3A_1457 = arith.muli %scan3A_1435, %mul3A_1456 : i32
      %get3A_1458 = arith.constant 3 : i32
      %get3A_1459 = arith.index_cast %get3A_1458 : i32 to index
      %get3A_1460 = arith.index_cast %mul3A_1457 : i32 to index
      %get3A_1461 = tpu.vector_load %arg15[%get3A_1459, %get3A_1460] {strides = array<i32>} : memref<16x640xi32, #tpu.memory_space<vmem>>, vector<16xi32>,
      %or3A_1462 = arith.ori %or3A_1455, %get3A_1461 : vector<16xi32>
      %mul3A_1463 = arith.constant 16 : i32
      %mul3A_1464 = arith.muli %scan3A_1435, %mul3A_1463 : i32
      %get3A_1465 = arith.constant 4 : i32
      %get3A_1466 = arith.index_cast %get3A_1465 : i32 to index
      %get3A_1467 = arith.index_cast %mul3A_1464 : i32 to index
      %get3A_1468 = tpu.vector_load %arg15[%get3A_1466, %get3A_1467] {strides = array<i32>} : memref<16x640xi32, #tpu.memory_space<vmem>>, vector<16xi32>,
      %or3A_1469 = arith.ori %or3A_1462, %get3A_1468 : vector<16xi32>
      %mul3A_1470 = arith.constant 16 : i32
      %mul3A_1471 = arith.muli %scan3A_1435, %mul3A_1470 : i32
      %get3A_1472 = arith.constant 5 : i32
      %get3A_1473 = arith.index_cast %get3A_1472 : i32 to index
      %get3A_1474 = arith.index_cast %mul3A_1471 : i32 to index
      %get3A_1475 = tpu.vector_load %arg15[%get3A_1473, %get3A_1474] {strides = array<i32>} : memref<16x640xi32, #tpu.memory_space<vmem>>, vector<16xi32>,
      %or3A_1476 = arith.ori %or3A_1469, %get3A_1475 : vector<16xi32>
      %mul3A_1477 = arith.constant 16 : i32
      %mul3A_1478 = arith.muli %scan3A_1435, %mul3A_1477 : i32
      %get3A_1479 = arith.constant 6 : i32
      %get3A_1480 = arith.index_cast %get3A_1479 : i32 to index
      %get3A_1481 = arith.index_cast %mul3A_1478 : i32 to index
      %get3A_1482 = tpu.vector_load %arg15[%get3A_1480, %get3A_1481] {strides = array<i32>} : memref<16x640xi32, #tpu.memory_space<vmem>>, vector<16xi32>,
      %or3A_1483 = arith.ori %or3A_1476, %get3A_1482 : vector<16xi32>
      %mul3A_1484 = arith.constant 16 : i32
      %mul3A_1485 = arith.muli %scan3A_1435, %mul3A_1484 : i32
      %get3A_1486 = arith.constant 7 : i32
      %get3A_1487 = arith.index_cast %get3A_1486 : i32 to index
      %get3A_1488 = arith.index_cast %mul3A_1485 : i32 to index
      %get3A_1489 = tpu.vector_load %arg15[%get3A_1487, %get3A_1488] {strides = array<i32>} : memref<16x640xi32, #tpu.memory_space<vmem>>, vector<16xi32>,
      %or3A_1490 = arith.ori %or3A_1483, %get3A_1489 : vector<16xi32>
      %mul3A_1491 = arith.constant 16 : i32
      %mul3A_1492 = arith.muli %scan3A_1435, %mul3A_1491 : i32
      %get3A_1493 = arith.constant 8 : i32
      %get3A_1494 = arith.index_cast %get3A_1493 : i32 to index
      %get3A_1495 = arith.index_cast %mul3A_1492 : i32 to index
      %get3A_1496 = tpu.vector_load %arg15[%get3A_1494, %get3A_1495] {strides = array<i32>} : memref<16x640xi32, #tpu.memory_space<vmem>>, vector<16xi32>,
      %or3A_1497 = arith.ori %or3A_1490, %get3A_1496 : vector<16xi32>
      %mul3A_1498 = arith.constant 16 : i32
      %mul3A_1499 = arith.muli %scan3A_1435, %mul3A_1498 : i32
      %get3A_1500 = arith.constant 9 : i32
      %get3A_1501 = arith.index_cast %get3A_1500 : i32 to index
      %get3A_1502 = arith.index_cast %mul3A_1499 : i32 to index
      %get3A_1503 = tpu.vector_load %arg15[%get3A_1501, %get3A_1502] {strides = array<i32>} : memref<16x640xi32, #tpu.memory_space<vmem>>, vector<16xi32>,
      %or3A_1504 = arith.ori %or3A_1497, %get3A_1503 : vector<16xi32>
      %mul3A_1505 = arith.constant 16 : i32
      %mul3A_1506 = arith.muli %scan3A_1435, %mul3A_1505 : i32
      %get3A_1507 = arith.constant 10 : i32
      %get3A_1508 = arith.index_cast %get3A_1507 : i32 to index
      %get3A_1509 = arith.index_cast %mul3A_1506 : i32 to index
      %get3A_1510 = tpu.vector_load %arg15[%get3A_1508, %get3A_1509] {strides = array<i32>} : memref<16x640xi32, #tpu.memory_space<vmem>>, vector<16xi32>,
      %or3A_1511 = arith.ori %or3A_1504, %get3A_1510 : vector<16xi32>
      %mul3A_1512 = arith.constant 16 : i32
      %mul3A_1513 = arith.muli %scan3A_1435, %mul3A_1512 : i32
      %get3A_1514 = arith.constant 11 : i32
      %get3A_1515 = arith.index_cast %get3A_1514 : i32 to index
      %get3A_1516 = arith.index_cast %mul3A_1513 : i32 to index
      %get3A_1517 = tpu.vector_load %arg15[%get3A_1515, %get3A_1516] {strides = array<i32>} : memref<16x640xi32, #tpu.memory_space<vmem>>, vector<16xi32>,
      %or3A_1518 = arith.ori %or3A_1511, %get3A_1517 : vector<16xi32>
      %mul3A_1519 = arith.constant 16 : i32
      %mul3A_1520 = arith.muli %scan3A_1435, %mul3A_1519 : i32
      %get3A_1521 = arith.constant 12 : i32
      %get3A_1522 = arith.index_cast %get3A_1521 : i32 to index
      %get3A_1523 = arith.index_cast %mul3A_1520 : i32 to index
      %get3A_1524 = tpu.vector_load %arg15[%get3A_1522, %get3A_1523] {strides = array<i32>} : memref<16x640xi32, #tpu.memory_space<vmem>>, vector<16xi32>,
      %or3A_1525 = arith.ori %or3A_1518, %get3A_1524 : vector<16xi32>
      %mul3A_1526 = arith.constant 16 : i32
      %mul3A_1527 = arith.muli %scan3A_1435, %mul3A_1526 : i32
      %get3A_1528 = arith.constant 13 : i32
      %get3A_1529 = arith.index_cast %get3A_1528 : i32 to index
      %get3A_1530 = arith.index_cast %mul3A_1527 : i32 to index
      %get3A_1531 = tpu.vector_load %arg15[%get3A_1529, %get3A_1530] {strides = array<i32>} : memref<16x640xi32, #tpu.memory_space<vmem>>, vector<16xi32>,
      %or3A_1532 = arith.ori %or3A_1525, %get3A_1531 : vector<16xi32>
      %mul3A_1533 = arith.constant 16 : i32
      %mul3A_1534 = arith.muli %scan3A_1435, %mul3A_1533 : i32
      %get3A_1535 = arith.constant 14 : i32
      %get3A_1536 = arith.index_cast %get3A_1535 : i32 to index
      %get3A_1537 = arith.index_cast %mul3A_1534 : i32 to index
      %get3A_1538 = tpu.vector_load %arg15[%get3A_1536, %get3A_1537] {strides = array<i32>} : memref<16x640xi32, #tpu.memory_space<vmem>>, vector<16xi32>,
      %or3A_1539 = arith.ori %or3A_1532, %get3A_1538 : vector<16xi32>
      %mul3A_1540 = arith.constant 16 : i32
      %mul3A_1541 = arith.muli %scan3A_1435, %mul3A_1540 : i32
      %get3A_1542 = arith.constant 15 : i32
      %get3A_1543 = arith.index_cast %get3A_1542 : i32 to index
      %get3A_1544 = arith.index_cast %mul3A_1541 : i32 to index
      %get3A_1545 = tpu.vector_load %arg15[%get3A_1543, %get3A_1544] {strides = array<i32>} : memref<16x640xi32, #tpu.memory_space<vmem>>, vector<16xi32>,
      %or3A_1546 = arith.ori %or3A_1539, %get3A_1545 : vector<16xi32>
      %mul3A_1547 = arith.constant 16 : i32
      %mul3A_1548 = arith.muli %scan3A_1435, %mul3A_1547 : i32
      %swap3A = arith.index_cast %mul3A_1548 : i32 to index
      %swap3A_1549 = tpu.vector_load %arg16[%swap3A] {strides = array<i32>} : memref<640xi32, #tpu.memory_space<vmem>>, vector<16xi32>,
      tpu.vector_store %arg16[%swap3A], %or3A_1546 {strides = array<i32>} : memref<640xi32, #tpu.memory_space<vmem>>, vector<16xi32>,
      %scan3A_1550 = arith.constant 0 : i32
      scf.yield %scan3A_1550 : i32
    }
    %scan3A_1434 = arith.constant 40 : i32
    "tpu.region"() ({
      %run_scoped3A_1435 = tpu.sem_alloc : memref<!tpu.dma_semaphore, #tpu.memory_space<semaphore_mem>>
      %dma_start3A_1436 = tpu.memref_slice %arg7[%mul3A_1395] : memref<10240xi32, #tpu.memory_space<hbm>> -> memref<640xi32, #tpu.memory_space<hbm>>
      %dma_start3A_1437 = tpu.memref_slice %arg7[%mul3A_1395] : memref<10240xi32, #tpu.memory_space<hbm>> -> memref<640xi32, #tpu.memory_space<hbm>>
      tpu.enqueue_dma source(%arg16 : memref<640xi32, #tpu.memory_space<vmem>>) target(%dma_start3A_1437 : memref<640xi32, #tpu.memory_space<hbm>>) target_semaphore(%run_scoped3A_1435 : memref<!tpu.dma_semaphore, #tpu.memory_space<semaphore_mem>>)
      %dma_wait3A_1438 = tpu.memref_slice %arg7[%mul3A_1395] : memref<10240xi32, #tpu.memory_space<hbm>> -> memref<640xi32, #tpu.memory_space<hbm>>
      %dma_wait3A_1439 = tpu.memref_slice %arg7[%mul3A_1395] : memref<10240xi32, #tpu.memory_space<hbm>> -> memref<640xi32, #tpu.memory_space<hbm>>
      tpu.wait_dma2 semaphore(%run_scoped3A_1435 : memref<!tpu.dma_semaphore, #tpu.memory_space<semaphore_mem>>) src(%arg16 : memref<640xi32, #tpu.memory_space<vmem>>) dst(%dma_wait3A_1439 : memref<640xi32, #tpu.memory_space<hbm>>)
      tpu.yield
    }) : () -> ()
    return
  }
}

module attributes {stable_mosaic.version = 14 : i64} {
  func.func @_mlp_body(%arg0: i32, %arg1: memref<8000x256xf32, #tpu.memory_space<vmem>>, %arg2: memref<256x64xf32, #tpu.memory_space<vmem>>, %arg3: memref<1x64xf32, #tpu.memory_space<vmem>>, %arg4: memref<64x1xf32, #tpu.memory_space<vmem>>, %arg5: memref<1x1xf32, #tpu.memory_space<vmem>>, %arg6: memref<1x1x8000xf32, #tpu.memory_space<vmem>>) attributes {dimension_semantics = [#tpu.dimension_semantics<arbitrary>], iteration_bounds = array<i64: 40>, scalar_prefetch = 0 : i64, scratch_operands = 0 : i64, tpu.core_type = #tpu.core_type<tc>, window_params = [{transform_indices = @transform_0, window_bounds = array<i64: 8000, 256>}, {pipeline_mode = #tpu.pipeline_mode<synchronous>, transform_indices = @transform_1, window_bounds = array<i64: 256, 64>}, {pipeline_mode = #tpu.pipeline_mode<synchronous>, transform_indices = @transform_2, window_bounds = array<i64: 1, 64>}, {pipeline_mode = #tpu.pipeline_mode<synchronous>, transform_indices = @transform_3, window_bounds = array<i64: 64, 1>}, {pipeline_mode = #tpu.pipeline_mode<synchronous>, transform_indices = @transform_4, window_bounds = array<i64: 1, 1>}, {transform_indices = @transform_5, window_bounds = array<i64: 1, 1, 8000>}]} {
    %get3A = arith.constant 0 : index
    %get3A_0 = arith.constant 0 : index
    %get3A_1 = vector.load %arg1[%get3A, %get3A_0] : memref<8000x256xf32, #tpu.memory_space<vmem>>, vector<8000x256xf32>
    %get3A_2 = arith.constant 0 : index
    %get3A_3 = arith.constant 0 : index
    %get3A_4 = vector.load %arg2[%get3A_2, %get3A_3] : memref<256x64xf32, #tpu.memory_space<vmem>>, vector<256x64xf32>
    %dot_general3A = arith.constant dense<0.000000e+00> : vector<8000x64xf32>
    %dot_general3A_5 = tpu.matmul %get3A_1, %get3A_4, %dot_general3A {dimension_numbers = #tpu.dot_dimension_numbers<[1], [0], [0], [1], [0, 0, 1, 1], [], []>, transpose_lhs_hint = false} : vector<8000x256xf32>, vector<256x64xf32>, vector<8000x64xf32> -> vector<8000x64xf32>
    %get3A_6 = arith.constant 0 : index
    %get3A_7 = arith.constant 0 : index
    %get3A_8 = vector.load %arg3[%get3A_6, %get3A_7] : memref<1x64xf32, #tpu.memory_space<vmem>>, vector<1x64xf32>
    %add3A = vector.broadcast %get3A_8 : vector<1x64xf32> to vector<8000x64xf32>
    %add3A_9 = arith.addf %dot_general3A_5, %add3A : vector<8000x64xf32>
    %max3A = arith.constant 0.000000e+00 : f32
    %max3A_10 = vector.broadcast %max3A : f32 to vector<8000x64xf32>
    %max3A_11 = arith.maximumf %add3A_9, %max3A_10 : vector<8000x64xf32>
    %get3A_12 = arith.constant 0 : index
    %get3A_13 = arith.constant 0 : index
    %get3A_14 = vector.load %arg4[%get3A_12, %get3A_13] : memref<64x1xf32, #tpu.memory_space<vmem>>, vector<64x1xf32>
    %dot_general3A_15 = arith.constant dense<0.000000e+00> : vector<1x8000xf32>
    %dot_general3A_16 = tpu.matmul %get3A_14, %max3A_11, %dot_general3A_15 {dimension_numbers = #tpu.dot_dimension_numbers<[0], [1], [1], [0], [0, 1, 1, 0], [], []>, transpose_lhs_hint = false} : vector<64x1xf32>, vector<8000x64xf32>, vector<1x8000xf32> -> vector<1x8000xf32>
    %get3A_17 = arith.constant 0 : index
    %get3A_18 = arith.constant 0 : index
    %get3A_19 = vector.load %arg5[%get3A_17, %get3A_18] : memref<1x1xf32, #tpu.memory_space<vmem>>, vector<1x1xf32>
    %add3A_20 = vector.broadcast %get3A_19 : vector<1x1xf32> to vector<1x8000xf32>
    %add3A_21 = arith.addf %dot_general3A_16, %add3A_20 : vector<1x8000xf32>
    %neg3A = arith.constant 0.000000e+00 : f32
    %neg3A_22 = vector.broadcast %neg3A : f32 to vector<1x8000xf32>
    %neg3A_23 = arith.subf %neg3A_22, %add3A_21 : vector<1x8000xf32>
    %exp3A = math.exp %neg3A_23 : vector<1x8000xf32>
    %add3A_24 = arith.constant 1.000000e+00 : f32
    %add3A_25 = vector.broadcast %add3A_24 : f32 to vector<1x8000xf32>
    %add3A_26 = arith.addf %add3A_25, %exp3A : vector<1x8000xf32>
    %div3A = arith.constant 1.000000e+00 : f32
    %div3A_27 = vector.broadcast %div3A : f32 to vector<1x8000xf32>
    %div3A_28 = arith.divf %div3A_27, %add3A_26 : vector<1x8000xf32>
    %reshape3A = vector.shape_cast %div3A_28 : vector<1x8000xf32> to vector<1x1x8000xf32>
    %swap3A = arith.constant 0 : index
    %swap3A_29 = arith.constant 0 : index
    %swap3A_30 = arith.constant 0 : index
    %swap3A_31 = vector.load %arg6[%swap3A, %swap3A_29, %swap3A_30] : memref<1x1x8000xf32, #tpu.memory_space<vmem>>, vector<1x1x8000xf32>
    tpu.vector_store %arg6[%swap3A, %swap3A_29, %swap3A_30], %reshape3A {strides = array<i32>} : memref<1x1x8000xf32, #tpu.memory_space<vmem>>, vector<1x1x8000xf32>,
    return
  }
  func.func @transform_0(%arg0: i32) -> (i32, i32) {
    %c0_i32 = arith.constant 0 : i32
    %c0_i32_0 = arith.constant 0 : i32
    return %arg0, %c0_i32 : i32, i32
  }
  func.func @transform_1(%arg0: i32) -> (i32, i32) {
    %c0_i32 = arith.constant 0 : i32
    %c0_i32_0 = arith.constant 0 : i32
    %c0_i32_1 = arith.constant 0 : i32
    return %c0_i32, %c0_i32_0 : i32, i32
  }
  func.func @transform_2(%arg0: i32) -> (i32, i32) {
    %c0_i32 = arith.constant 0 : i32
    %c0_i32_0 = arith.constant 0 : i32
    %c0_i32_1 = arith.constant 0 : i32
    return %c0_i32, %c0_i32_0 : i32, i32
  }
  func.func @transform_3(%arg0: i32) -> (i32, i32) {
    %c0_i32 = arith.constant 0 : i32
    %c0_i32_0 = arith.constant 0 : i32
    %c0_i32_1 = arith.constant 0 : i32
    return %c0_i32, %c0_i32_0 : i32, i32
  }
  func.func @transform_4(%arg0: i32) -> (i32, i32) {
    %c0_i32 = arith.constant 0 : i32
    %c0_i32_0 = arith.constant 0 : i32
    %c0_i32_1 = arith.constant 0 : i32
    return %c0_i32, %c0_i32_0 : i32, i32
  }
  func.func @transform_5(%arg0: i32) -> (i32, i32, i32) {
    %c0_i32 = arith.constant 0 : i32
    %c0_i32_0 = arith.constant 0 : i32
    %c0_i32_1 = arith.constant 0 : i32
    return %arg0, %c0_i32, %c0_i32_0 : i32, i32, i32
  }
}

</mosaic_0001>

<sc_bundles>
// kernel: kernel.4.cloned.1.call-start
scs
__scs_entry_jumppad:
0x0: {  	(pc) =	sbr.rel $0x88, $3  }
0x1: {  	(tag) =	ssettag $0x0;
	lr =	simm.s32 $0x1  }
0x2: {  	[smem:$0x3F9A] =	sst lr;
	_ =	strace $0xD0000000  }
0x3: {  	_ = 	snop  }
0x4: {  	_ = 	snop  }
0x5: {  	_ = 	snop  }
0x6: {  	_ = 	snop  }
0x7: {  	_ = 	snop  }
__scs_overlays_trampoline_lowered:
0x8: {  	[smem:$0x3FA9] =	sst s0  }
0x9: {  	[smem:$0x3FAA] =	sst s1  }
0xa: {  	[smem:$0x3FAB] =	sst s2  }
0xb: {  	[smem:$0x3FAC] =	sst s3  }
0xc: {  	[smem:$0x3FAD] =	sst s4  }
0xd: {  	[smem:$0x3FAE] =	sst s5  }
0xe: {  	[smem:$0x3FAF] =	sst s6  }
0xf: {  	[smem:$0x3FB0] =	sst s7  }
0x10: {  	[smem:$0x3FB1] =	sst s8  }
0x11: {  	[smem:$0x3FB2] =	sst s9;
	s0 =	simm.s32 @!p0 $0x0  }
0x12: {  	s1 =	sld [smem:$0x3F98];
	s0 =	simm.s32 @p0 $0x1  }
0x13: {  	[smem:$0x3FB3] =	sst s0;
	s0 =	simm.s32 @!p1 $0x0  }
0x14: {  	s2 =	sld [smem:$0x3F97];
	s0 =	simm.s32 @p1 $0x1  }
0x15: {  	[smem:$0x3FB4] =	sst s0;
	s0 =	simm.s32 @!p2 $0x0  }
0x16: {  	s3 =	sld [smem:$0x3FDB];
	s0 =	simm.s32 @p2 $0x1  }
0x17: {  	s4 =	simm.s32 $0x1BF5;
	[smem:$0x3FB6] =	sst s0  }
0x18: {  	s0 =	sld [smem:$0x3F99];
	_ =	swait.ge [sflag:s4], $0x0  }
0x19: {  	s7 =	sld [smem:$0x3F9A]  }
0x1a: {  	s8 =	sadd.s32 $0xFFFFE003, lr  }
0x1b: {  	s9 =	sadd.s32 $0xFFFFFEF7, lr;
	s5 =	simm.s32 $0xFFFFFFFF;
	p2 =	slt.u32 s8, $0xFFFFF086  }
0x1c: {  	p1 =	slt.u32 s9, $0xF7A;
	s5 =	simm.s32 @!p2 $0x0  }
0x1d: {  	s5 =	simm.s32 @p1 $0x1;
	p0 =	seq.s32 s7, s2  }
0x1e: {  	s7 =	smul.u32 @!p0 $0xF7A, s2;
	p2 =	seq.s32 @!p0 s5, $0x0  }
0x1f: {  	s9 =	smul.u32 $0xF7A, s1;
	s8 =	simm.s32 @!p0 $0x1BF5;
	p2 =	por !p2, p0  }
0x20: {  	[sflag:s8] =	ssyncset.s32 @!p0 $0xFFFFF086;
	s6 =	sadd.s32 @!p0 s3, s7;
	s7 =	simm.s32 @!p0 $0x108  }
0x21: {  	s3 =	sadd.s32 s3, s9;
	s6 =	sadd.s32 @!p0 $0x88, s6;
	s7 =	simm.s32 @p2 $0x1082  }
0x22: {  	[simem:s7], [sflag:s8] =	dma.local @!p0 [hbm:s6], $0xF7A  }
0x23: {  	s9 =	sor.u32 $0xD0000000, s2;
	s6 =	simm.s32 $0x108;
	_ =	swait.ge @!p0 [sflag:s8], $0x0  }
0x24: {  	s3 =	sadd.s32 $0x88, s3;
	s6 =	simm.s32 @!p1 $0x1082;
	[sflag:s4] =	ssyncset.s32 $0xFFFFF086  }
0x25: {  	[simem:s6], [sflag:s4] =	dma.local [hbm:s3], $0xF7A  }
0x26: {  	[smem:$0x3F9A] =	sst s1;
	(tag) =	ssettag s2;
	_ =	strace s9  }
0x27: {  	s1 =	sld [smem:$0x3FAA]  }
0x28: {  	s2 =	sld [smem:$0x3FAB]  }
0x29: {  	s4 =	sld [smem:$0x3FAD]  }
0x2a: {  	p0 =	seq.s32 s5, $0x0;
	s5 =	sld [smem:$0x3FAE]  }
0x2b: {  	s6 =	sld [smem:$0x3FAF]  }
0x2c: {  	s7 =	sld [smem:$0x3FB0]  }
0x2d: {  	s3 =	simm.s32 $0x108;
	s8 =	sld [smem:$0x3FB1]  }
0x2e: {  	s3 =	simm.s32 @!p0 $0x1082;
	s9 =	sld [smem:$0x3FB2]  }
0x2f: {  	lr =	sadd.s32 s0, s3;
	s0 =	sld [smem:$0x3FA9]  }
0x30: {  	s3 =	sld [smem:$0x3FAC]  }
0x31: {  	[smem:$0x3FB5] =	sst s10  }
0x32: {  	s10 =	sld [smem:$0x3FB3];
	_ =	sdelay $0x3  }
0x33: {  	p0 =	seq.s32 s10, $0x1;
	s10 =	sld [smem:$0x3FB5];
	_ =	sdelay $0x3  }
0x34: {  	[smem:$0x3FB5] =	sst s10  }
0x35: {  	s10 =	sld [smem:$0x3FB4];
	_ =	sdelay $0x3  }
0x36: {  	p1 =	seq.s32 s10, $0x1;
	s10 =	sld [smem:$0x3FB5];
	_ =	sdelay $0x3  }
0x37: {  	[smem:$0x3FB5] =	sst s10  }
0x38: {  	s10 =	sld [smem:$0x3FB6]  }
0x39: {  	_ = 	snop;
	(pc) =	sbr.ind lr, $3  }
0x3a: {  	_ = 	snop  }
0x3b: {  	_ = 	snop  }
0x3c: {  	p2 =	seq.s32 s10, $0x1;
	s10 =	sld [smem:$0x3FB5]  }
0x3d: {  	_ =	shalt  }
0x3e: {  	_ =	shalt  }
0x3f: {  	_ =	shalt  }
0x40: {  	_ =	shalt  }
0x41: {  	_ =	shalt  }
0x42: {  	_ =	shalt  }
0x43: {  	_ =	shalt  }
0x44: {  	_ =	shalt  }
0x45: {  	_ =	shalt  }
0x46: {  	_ =	shalt  }
0x47: {  	_ =	shalt  }
0x48: {  	_ =	shalt  }
0x49: {  	_ =	shalt  }
0x4a: {  	_ =	shalt  }
0x4b: {  	_ =	shalt  }
0x4c: {  	_ =	shalt  }
0x4d: {  	_ =	shalt  }
0x4e: {  	_ =	shalt  }
0x4f: {  	_ =	shalt  }
0x50: {  	_ =	shalt  }
0x51: {  	_ =	shalt  }
0x52: {  	_ =	shalt  }
0x53: {  	_ =	shalt  }
0x54: {  	_ =	shalt  }
0x55: {  	_ =	shalt  }
0x56: {  	_ =	shalt  }
0x57: {  	_ =	shalt  }
0x58: {  	_ =	shalt  }
0x59: {  	_ =	shalt  }
0x5a: {  	_ =	shalt  }
0x5b: {  	_ =	shalt  }
0x5c: {  	_ =	shalt  }
0x5d: {  	_ =	shalt  }
0x5e: {  	_ =	shalt  }
0x5f: {  	_ =	shalt  }
0x60: {  	_ =	shalt  }
0x61: {  	_ =	shalt  }
0x62: {  	_ =	shalt  }
0x63: {  	_ =	shalt  }
0x64: {  	_ =	shalt  }
0x65: {  	_ =	shalt  }
0x66: {  	_ =	shalt  }
0x67: {  	_ =	shalt  }
0x68: {  	_ =	shalt  }
0x69: {  	_ =	shalt  }
0x6a: {  	_ =	shalt  }
0x6b: {  	_ =	shalt  }
0x6c: {  	_ =	shalt  }
0x6d: {  	_ =	shalt  }
0x6e: {  	_ =	shalt  }
0x6f: {  	_ =	shalt  }
0x70: {  	_ =	shalt  }
0x71: {  	_ =	shalt  }
0x72: {  	_ =	shalt  }
0x73: {  	_ =	shalt  }
0x74: {  	_ =	shalt  }
0x75: {  	_ =	shalt  }
0x76: {  	_ =	shalt  }
0x77: {  	_ =	shalt  }
0x78: {  	_ =	shalt  }
0x79: {  	_ =	shalt  }
0x7a: {  	_ =	shalt  }
0x7b: {  	_ =	shalt  }
0x7c: {  	_ =	shalt  }
0x7d: {  	_ =	shalt  }
0x7e: {  	_ =	shalt  }
0x7f: {  	_ =	shalt  }
0x80: {  	_ =	shalt  }
0x81: {  	_ =	shalt  }
0x82: {  	_ =	shalt  }
0x83: {  	_ =	shalt  }
0x84: {  	_ =	shalt  }
0x85: {  	_ =	shalt  }
0x86: {  	_ =	shalt  }
0x87: {  	_ =	shalt  }
.Lfunc_end0:
.L_simem_size_0:
called_computation_lowered:
.L_overlay_start_0:
0x88: {  	s0 =	sld [smem:$0x3FD9]  }
0x89: {  	s1 =	sld [smem:$0x3FFE];
	_ =	sdelay $0x3  }
0x8a: {  	s0 =	sadd.s32 s1, s0  }
0x8b: {  	[smem:$0x3FC1] =	sst s0  }
0x8c: {  	_ = 	snop  }
0x8d: {  	s0 =	sld [smem:$0x3FD0];
	_ =	sdelay $0x2  }
0x8e: {  	s13 =	simm.s32 $0xA;
	s2 =	simm.s32 $0x10  }
0x8f: {  	[smem:s2], [sflag:s13] =	dma.local [hbm:s0], $0x1  }
0x90: {  	_ =	swait.eq [sflag:s13], $0x1  }
0x91: {  	[sflag:s13] =	ssyncset.done $0x0  }
0x92: {  	s14 =	sld [smem:$0x10];
	[sflag:s13] =	ssyncadd.s32 $0xFFFFFFFF  }
0x93: {  	s15 =	sld [smem:$0x11];
	(tm) =	ssettm $0x1  }
0x94: {  	s16 =	sld [smem:$0x3FFB];
	_ =	sdelay $0x3  }
0x95: {  	_ =	strace s16  }
0x96: {  	s2 =	sld [smem:$0x3FFC];
	_ =	sdelay $0x3  }
0x97: {  	_ =	strace s2  }
0x98: {  	s2 =	sld [smem:$0x3FFD];
	_ =	sdelay $0x3  }
0x99: {  	_ =	strace s2  }
0x9a: {  	_ =	strace $0x8FFFFFFF  }
0x9b: {  	s17 =	sld [smem:$0x3FDB];
	_ =	sdelay $0x1  }
0x9c: {  	s3 =	simm.s32 $_scs_section_size  }
0x9d: {  	s4 =	simm.s32 $_size__tile_overlayer_lowered;
	s5 =	simm.s32 $_tile_overlayer_lowered  }
0x9e: {  	s20 =	simm.s32 $0x1BFF;
	s19 =	sshll.u32 s5, $0x1;
	s2 =	sadd.s32 s3, s17  }
0x9f: {  	s6 =	simm.s32 $0x0;
	s18 =	sshll.u32 s4, $0x1;
	s4 =	sadd.s32 s19, s2  }
0xa0: {  	[timem:s6], [sflag:s20] =	dma.local [hbm:s4], s18  }
0xa1: {  	_ =	swait.ge [sflag:s20], s18  }
0xa2: {  	s3 =	ssub.s32 $0x0, s18;
	[sflag:s20] =	ssyncset.done $0x0  }
0xa3: {  	[sflag:s20] =	ssyncadd.s32 s3;
	_ =	sdelay $0x1  }
0xa4: {  	s21 =	simm.s32 $0x1B8B  }
0xa5: {  	_ =	swait.ge [sflag:s21], $0x1  }
0xa6: {  	[sflag:s21] =	ssyncset.done $0x0  }
0xa7: {  	s23 =	simm.s32 $0x1B8E;
	s22 =	sld [smem:$0x3FFE];
	[sflag:s21] =	ssyncadd.s32 $0xFFFFFFFF  }
0xa8: {  	s24 =	simm.s32 $execute0_lowered;
	[smem:$0x3FD2] =	sst s23  }
0xa9: {  	s4 =	sshll.u32 s24, $0x1;
	_ =	strace $0x80000046;
	[dreg:$0x1] =	wrdreg $0xFFFFFFFF  }
0xaa: {  	s25 =	simm.s32 $_size_execute0_lowered;
	s2 =	sadd.s32 s2, s4;
	[dreg:$0x0] =	wrdreg $0x0  }
0xab: {  	s4 =	sshll.u32 s25, $0x1;
	[dreg:$0x2] =	wrdreg s2  }
0xac: {  	[dreg:$0x3] =	wrdreg s4  }
0xad: {  	[dreg:$0x4] =	wrdreg $0xC0  }
0xae: {  	_ =	task [dreg:s6], $0x5FFFF  }
0xaf: {  	[dreg:$0x1] =	wrdreg $0xFFFFFFFF  }
0xb0: {  	[dreg:$0x0] =	wrdreg $0x60  }
0xb1: {  	[dreg:$0x2] =	wrdreg s22  }
0xb2: {  	[dreg:$0x3] =	wrdreg s15  }
0xb3: {  	[dreg:$0x4] =	wrdreg s14  }
0xb4: {  	[dreg:$0x5] =	wrdreg $0x15F800  }
0xb5: {  	[dreg:$0x6] =	wrdreg $0x163800  }
0xb6: {  	[dreg:$0x7] =	wrdreg $0x9  }
0xb7: {  	_ =	task.clear_ibuf [dreg:s6], $0x8FFFF;
	_ =	strace $0x90000046  }
0xb8: {  	s26 =	simm.s32 $0x9;
	_ =	strace $0x80000048  }
0xb9: {  	_ =	swait.ge [sflag:s26], $0x1  }
0xba: {  	[sflag:s26] =	ssyncadd.s32 $0xFFFFFFFF  }
0xbb: {  	_ =	strace $0x90000048  }
0xbc: {  	_ =	sfence  }
0xbd: {  	s28 =	sld [smem:$0x0];
	_ =	sdelay $0x1  }
0xbe: {  	s29 =	srdreg.scid  }
0xbf: {  	s30 =	sshll.u32 s29, $0xD;
	s31 =	sshrl.u32 s29, $0x2  }
0xc0: {  	s1 =	sand.u32 $0x1, s29;
	s2 =	sand.u32 $0x4000, s30;
	s0 =	sadd.s32 s31, s28  }
0xc1: {  	s1 =	sor.u32 s2, s1;
	s0 =	sshll.u32 s0, $0x11  }
0xc2: {  	s0 =	sor.u32 s0, s1  }
0xc3: {  	s0 =	sadd.s32 $0x8F2B, s0  }
0xc4: {  	[sflag:s0] =	ssyncadd.remote.s32 $0x1  }
0xc5: {  	_ =	sfence.sel $0xFFFF  }
0xc6: {  	[dreg:$0x0] =	wrdreg $0xFFFFFFFF;
	(pc) =	sbr.abs _section_cstart, $3  }
0xc7: {  	[dreg:$0x1] =	wrdreg $0xFFFFFFFF  }
0xc8: {  	_ =	task.clear_ibuf [dreg:s6], $0x2FFFF;
	_ =	strace $0x9FFFFFFF  }
0xc9: {  	(tm) =	ssettm $0x7FFFFFFF  }
tec
execute0_lowered:
.L_overlay_start_1:
0x0: {  	(tag) =	ssettag $0x1  }
0x1: {  	s2 =	rddreg [dreg:$0x0]  }
0x2: {  	s7 =	rddreg [dreg:$0x1]  }
0x3: {  	s4 =	rddreg [dreg:$0x2]  }
0x4: {  	s8 =	rddreg [dreg:$0x3];
	s0 =	stileid.u32  }
0x5: {  	s3 =	rddreg [dreg:$0x4];
	s5 =	smul.u32 $0x9C4, s0  }
0x6: {  	s1 =	rddreg [dreg:$0x5];
	s6 =	simm.s32 $0x0  }
0x7: {  	[smem:$0x7FF] =	sst s6;
	s9 =	sadd.s32 s2, s5  }
0x8: {  	s11 =	simm.s32 $0x4E80;
	_ =	strace $0x80000047;
	s10 =	sadd.s32 $0x13C00, s9  }
0x9: {  	[tilespmem:s11], [sflag:$0x1] =	stream.linear.gather [hbm4b:s10+s6], $0x4E20, $0x38;
	[tilespmem:$0x18B80] =	vst v63  }
0xa: {  	s29 =	simm.s32 $0x9D00;
	s28 =	sadd.s32 $0x9E00, s9  }
0xb: {  	[tilespmem:s29], [sflag:$0x2] =	stream.linear.gather [hbm4b:s28+s6], $0x4E20, $0x38;
	[tilespmem:$0x18B80] =	vst v63  }
0xc: {  	s30 =	simm.s32 $0x3  }
0xd: {  	[tilespmem:s6], [sflag:$0x3] =	stream.linear.gather [hbm4b:s9+s6], $0x4E20, $0x38;
	[tilespmem:$0x18B80] =	vst v63  }
0xe: {  	_ =	swait.ge [sflag:s30], $0x4E20  }
0xf: {  	[sflag:s30] =	ssyncset.done $0x0  }
0x10: {  	s31 =	simm.s32 $0x15F00;
	[sflag:s30] =	ssyncadd.s32 $0xFFFFB1E0  }
0x11: {  	[tilespmem:s31], [sflag:$0x3] =	stream.linear.gather [hbm4b:s7+s6], $0x80, $0x38;
	[tilespmem:$0x18B80] =	vst v63  }
0x12: {  	_ =	swait.ge [sflag:s30], $0x80  }
0x13: {  	[sflag:s30] =	ssyncset.done $0x0  }
0x14: {  	[sflag:s30] =	ssyncadd.s32 $0xFFFFFF80  }
0x15: {  	v1 =	vimm.s32 $0x0;
	s2 =	sadd.s32 $0x1DA00, s2;
	v0 =	vld [tilespmem:$0x15F00]  }
.LBB2_1:
0x16: {  	p0 =	sne.s32 s6, $0x9FC0  }
.Ltmp0:
0x17: {  	_ = 	snop;
	(pc) =	sbr.rel @p0 .LBB2_1-.Ltmp0, $3  }
0x18: {  	_ =	sdelay $0x1  }
0x19: {  	s7 =	sshra.s32 s6, $0x2  }
0x1a: {  	s6 =	sadd.s32 $0x40, s6;
	[tilespmem:s7+$0x10C80] =	vst v1  }
0x1b: {  	v1 =	vimm.s32 $0x0;
	s7 =	simm.s32 $0x100;
	s6 =	simm.s32 $0x0  }
.LBB2_3:
0x1c: {  	p0 =	sne.s32 s7, $0x3F00;
	[tilespmem:s6+$0xEBB0] =	vst v1;
	s9 =	smov.u32 s7;
	s7 =	sadd.s32 $0x100, s7  }
.Ltmp1:
0x1d: {  	[tilespmem:s6+$0xEBA0] =	vst v1;
	(pc) =	sbr.rel @p0 .LBB2_3-.Ltmp1, $3  }
0x1e: {  	[tilespmem:s6+$0xEB80] =	vst v1  }
0x1f: {  	[tilespmem:s6+$0xEB90] =	vst v1;
	_ =	sdelay $0x1  }
0x20: {  	s6 =	sshra.s32 s9, $0x2  }
0x21: {  	[tilespmem:s6+$0xEBB0] =	vst v1  }
0x22: {  	[tilespmem:s6+$0xEBA0] =	vst v1  }
0x23: {  	[tilespmem:s6+$0xEB80] =	vst v1;
	v2 =	vlaneseq.u32  }
0x24: {  	[tilespmem:s6+$0xEB90] =	vst v1;
	s6 =	simm.s32 $0x0;
	s7 =	simm.s32 $0x0;
	s9 =	simm.s32 $0xEB80;
	v1 =	vmul.u32 $0x100, v2;
	v2 =	vimm.s32 $0x1  }
.LBB2_5:
0x25: {  	s10 =	sshra.s32 s7, $0x2  }
0x26: {  	v3 =	vld [tilespmem:s10+$0x0];
	_ =	sdelay $0x4  }
0x27: {  	v3 =	vshrl.u32 v3, $0x18  }
0x28: {  	v4 =	vand.u32 $0x80, v3  }
0x29: {  	v3 =	vand.u32 $0x7F, v3;
	v4 =	vor.u32 v1, v4  }
0x2a: {  	v3 =	vor.u32 v3, v4;
	_ =	sdelay $0x4  }
0x2b: {  	[tilespmem:v3+s9+$0x0] =	vst.idx.add.s32.msk $0xffff, v2  }
0x2c: {  	v3 =	vld [tilespmem:s10+$0x10];
	_ =	sdelay $0x4  }
0x2d: {  	v3 =	vshrl.u32 v3, $0x18  }
0x2e: {  	v60 =	vand.u32 $0x80, v3  }
0x2f: {  	v3 =	vand.u32 $0x7F, v3;
	v4 =	vor.u32 v1, v60  }
0x30: {  	v3 =	vor.u32 v3, v4;
	_ =	sdelay $0x4  }
0x31: {  	[tilespmem:v3+s9+$0x0] =	vst.idx.add.s32.msk $0xffff, v2  }
0x32: {  	v3 =	vld [tilespmem:s10+$0x20];
	_ =	sdelay $0x4  }
0x33: {  	v3 =	vshrl.u32 v3, $0x18  }
0x34: {  	v61 =	vand.u32 $0x80, v3  }
0x35: {  	v3 =	vand.u32 $0x7F, v3;
	v4 =	vor.u32 v1, v61  }
0x36: {  	v3 =	vor.u32 v3, v4;
	_ =	sdelay $0x4  }
0x37: {  	[tilespmem:v3+s9+$0x0] =	vst.idx.add.s32.msk $0xffff, v2  }
0x38: {  	v3 =	vld [tilespmem:s10+$0x30];
	_ =	sdelay $0x4  }
0x39: {  	v3 =	vshrl.u32 v3, $0x18  }
0x3a: {  	v62 =	vand.u32 $0x80, v3  }
0x3b: {  	v3 =	vand.u32 $0x7F, v3;
	v4 =	vor.u32 v1, v62  }
0x3c: {  	v3 =	vor.u32 v3, v4;
	_ =	sdelay $0x4  }
0x3d: {  	[tilespmem:v3+s9+$0x0] =	vst.idx.add.s32.msk $0xffff, v2  }
0x3e: {  	v3 =	vld [tilespmem:s10+$0x40];
	_ =	sdelay $0x4  }
0x3f: {  	v3 =	vshrl.u32 v3, $0x18  }
0x40: {  	v63 =	vand.u32 $0x80, v3  }
0x41: {  	v3 =	vand.u32 $0x7F, v3;
	v4 =	vor.u32 v1, v63  }
0x42: {  	p0 =	sne.s32 s7, $0x13740;
	v3 =	vor.u32 v3, v4  }
.Ltmp2:
0x43: {  	_ = 	snop;
	(pc) =	sbr.rel @p0 .LBB2_5-.Ltmp2, $2  }
0x44: {  	_ =	sdelay $0x2  }
0x45: {  	s7 =	sadd.s32 $0x140, s7;
	[tilespmem:v3+s9+$0x0] =	vst.idx.add.s32.msk $0xffff, v2  }
0x46: {  	s6 =	sand.u32 $0xF0, s6;
	v2 =	vld [tilespmem:s9+$0x0]  }
0x47: {  	v1 =	vld [tilespmem:s6+$0xEC80]  }
0x48: {  	v3 =	vld [tilespmem:s6+$0xED80]  }
0x49: {  	v4 =	vld [tilespmem:s6+$0xEE80]  }
0x4a: {  	v5 =	vld [tilespmem:s6+$0xEF80]  }
0x4b: {  	v6 =	vld [tilespmem:s6+$0xF080]  }
0x4c: {  	v1 =	vadd.s32 v2, v1;
	v2 =	vld [tilespmem:s6+$0xF180]  }
0x4d: {  	v1 =	vadd.s32 v3, v1;
	v3 =	vld [tilespmem:s6+$0xF280]  }
0x4e: {  	v58 =	vld [tilespmem:s6+$0xF380];
	v1 =	vadd.s32 v4, v1  }
0x4f: {  	v59 =	vld [tilespmem:s6+$0xF480];
	v1 =	vadd.s32 v5, v1  }
0x50: {  	v60 =	vld [tilespmem:s6+$0xF580];
	v1 =	vadd.s32 v6, v1  }
0x51: {  	v1 =	vadd.s32 v2, v1;
	v2 =	vld [tilespmem:s6+$0xF680]  }
0x52: {  	v1 =	vadd.s32 v3, v1;
	v3 =	vld [tilespmem:s6+$0xF780]  }
0x53: {  	v61 =	vld [tilespmem:s6+$0xF880];
	v1 =	vadd.s32 v58, v1  }
0x54: {  	v62 =	vld [tilespmem:s6+$0xF980];
	v1 =	vadd.s32 v59, v1  }
0x55: {  	v63 =	vld [tilespmem:s6+$0xFA80];
	v1 =	vadd.s32 v60, v1  }
0x56: {  	v1 =	vadd.s32 v2, v1  }
0x57: {  	v1 =	vadd.s32 v3, v1  }
0x58: {  	v1 =	vadd.s32 v61, v1  }
0x59: {  	v1 =	vadd.s32 v62, v1  }
0x5a: {  	s9 =	simm.s32 $0xFB80;
	s31 =	simm.s32 $0x10;
	v1 =	vadd.s32 v63, v1  }
0x5b: {  	s6 =	sand.u32 $0xF0, s31;
	[tilespmem:s9+$0x0] =	vst v1  }
0x5c: {  	s10 =	simm.s32 $0x20;
	s7 =	simm.s32 $0xEB90;
	v1 =	vld [tilespmem:s6+$0xEC80]  }
.LBB2_7:
0x5d: {  	p0 =	sne.s32 s10, $0xF0;
	v2 =	vld [tilespmem:s7+$0x0]  }
0x5e: {  	v3 =	vld [tilespmem:s6+$0xED80]  }
0x5f: {  	v4 =	vld [tilespmem:s6+$0xEE80]  }
0x60: {  	v5 =	vld [tilespmem:s6+$0xEF80]  }
0x61: {  	v6 =	vld [tilespmem:s6+$0xF080]  }
0x62: {  	v1 =	vadd.s32 v2, v1;
	v2 =	vld [tilespmem:s6+$0xF180]  }
0x63: {  	v1 =	vadd.s32 v3, v1;
	v3 =	vld [tilespmem:s6+$0xF280]  }
0x64: {  	v1 =	vadd.s32 v4, v1;
	v4 =	vld [tilespmem:s6+$0xF380]  }
0x65: {  	v1 =	vadd.s32 v5, v1;
	v5 =	vld [tilespmem:s6+$0xF480]  }
0x66: {  	v1 =	vadd.s32 v6, v1;
	v6 =	vld [tilespmem:s6+$0xF580]  }
0x67: {  	v1 =	vadd.s32 v2, v1;
	v2 =	vld [tilespmem:s6+$0xF680]  }
0x68: {  	v1 =	vadd.s32 v3, v1;
	v3 =	vld [tilespmem:s6+$0xF780]  }
0x69: {  	v1 =	vadd.s32 v4, v1;
	v4 =	vld [tilespmem:s6+$0xF880]  }
0x6a: {  	v1 =	vadd.s32 v5, v1;
	v5 =	vld [tilespmem:s6+$0xF980]  }
0x6b: {  	v1 =	vadd.s32 v6, v1;
	v6 =	vld [tilespmem:s6+$0xFA80]  }
0x6c: {  	v1 =	vadd.s32 v2, v1  }
0x6d: {  	v1 =	vadd.s32 v3, v1  }
.Ltmp3:
0x6e: {  	v1 =	vadd.s32 v4, v1;
	(pc) =	sbr.rel @p0 .LBB2_7-.Ltmp3, $4  }
0x6f: {  	v1 =	vadd.s32 v5, v1  }
0x70: {  	s9 =	sadd.s32 $0x10, s9;
	v1 =	vadd.s32 v6, v1  }
0x71: {  	s6 =	sand.u32 $0xF0, s10;
	[tilespmem:s9+$0x0] =	vst v1  }
0x72: {  	s7 =	sadd.s32 $0x10, s7;
	s10 =	sadd.s32 $0x10, s10;
	v1 =	vld [tilespmem:s6+$0xEC80]  }
0x73: {  	v2 =	vld [tilespmem:s7+$0x0]  }
0x74: {  	v3 =	vld [tilespmem:s6+$0xED80]  }
0x75: {  	v4 =	vld [tilespmem:s6+$0xEE80]  }
0x76: {  	v5 =	vld [tilespmem:s6+$0xEF80]  }
0x77: {  	v6 =	vld [tilespmem:s6+$0xF080]  }
0x78: {  	v1 =	vadd.s32 v2, v1;
	v2 =	vld [tilespmem:s6+$0xF180]  }
0x79: {  	v1 =	vadd.s32 v3, v1;
	v3 =	vld [tilespmem:s6+$0xF280]  }
0x7a: {  	v49 =	vld [tilespmem:s6+$0xF380];
	v1 =	vadd.s32 v4, v1  }
0x7b: {  	v50 =	vld [tilespmem:s6+$0xF480];
	v1 =	vadd.s32 v5, v1  }
0x7c: {  	v51 =	vld [tilespmem:s6+$0xF580];
	v1 =	vadd.s32 v6, v1  }
0x7d: {  	v1 =	vadd.s32 v2, v1;
	v2 =	vld [tilespmem:s6+$0xF680]  }
0x7e: {  	v1 =	vadd.s32 v3, v1;
	v3 =	vld [tilespmem:s6+$0xF780]  }
0x7f: {  	v52 =	vld [tilespmem:s6+$0xF880];
	v1 =	vadd.s32 v49, v1  }
0x80: {  	v53 =	vld [tilespmem:s6+$0xF980];
	v1 =	vadd.s32 v50, v1  }
0x81: {  	v54 =	vld [tilespmem:s6+$0xFA80];
	v1 =	vadd.s32 v51, v1  }
0x82: {  	v1 =	vadd.s32 v2, v1  }
0x83: {  	v1 =	vadd.s32 v3, v1  }
0x84: {  	s7 =	sshrl.u32 s0, $0x3;
	s23 =	sshll.u32 s0, $0x7;
	v1 =	vadd.s32 v52, v1  }
0x85: {  	s11 =	sadd.s32 $0x10, s9;
	s24 =	simm.s32 $0x80;
	s10 =	sshll.u32 s7, $0xB;
	v1 =	vadd.s32 v53, v1  }
0x86: {  	s12 =	simm.s32 $0x400;
	s10 =	sadd.s32 s10, s8;
	s6 =	sand.u32 $0x380, s23;
	v1 =	vadd.s32 v54, v1  }
0x87: {  	s25 =	simm.s32 $0x3;
	s9 =	sadd.s32 s6, s10;
	s10 =	simm.s32 $0xFB80;
	[tilespmem:s11+$0x0] =	vst v1  }
0x88: {  	[spmem:s9] =	stream.strided.scatter [tilespmem:s10], [sflag:$0x3], $0x100, s12, s24, $0x38;
	[tilespmem:$0x18B80] =	vst v63  }
0x89: {  	_ =	swait.ge [sflag:s25], $0x100  }
0x8a: {  	[sflag:s25] =	ssyncset.done $0x0  }
0x8b: {  	[sflag:s25] =	ssyncadd.s32 $0xFFFFFF00  }
0x8c: {  	s26 =	simm.s32 $0xFC80;
	[bflag:$0x0] =	sbarrier.arrive $0xFFFF  }
0x8d: {  	[tilespmem:s26], [sflag:$0x3] =	stream.linear.gather [spmem:s8], $0x1000, $0x38;
	[tilespmem:$0x18B80] =	vst v63  }
0x8e: {  	s28 =	simm.s32 $0x0;
	_ =	swait.ge [sflag:s25], $0x1000  }
0x8f: {  	s13 =	sand.u32 $0x70, s28;
	s12 =	sand.u32 $0x400, s28;
	[sflag:s25] =	ssyncset.done $0x0  }
0x90: {  	s29 =	sor.u32 s13, s12;
	[sflag:s25] =	ssyncadd.s32 $0xFFFFF000  }
0x91: {  	v1 =	vld [tilespmem:s29+$0xFD00]  }
0x92: {  	v2 =	vld [tilespmem:s29+$0xFC80]  }
0x93: {  	v3 =	vld [tilespmem:s29+$0xFD80]  }
0x94: {  	v55 =	vld [tilespmem:s29+$0xFE00]  }
0x95: {  	v56 =	vld [tilespmem:s29+$0xFE80]  }
0x96: {  	v57 =	vld [tilespmem:s29+$0xFF00]  }
0x97: {  	s12 =	sadd.s32 $0xFC80, s29;
	v1 =	vadd.s32 v2, v1;
	v2 =	vld [tilespmem:s29+$0xFF80]  }
0x98: {  	v1 =	vadd.s32 v3, v1;
	v3 =	vld [tilespmem:s12+$0x380]  }
0x99: {  	v58 =	vld [tilespmem:s29+$0x10480];
	v1 =	vadd.s32 v55, v1  }
0x9a: {  	v59 =	vld [tilespmem:s29+$0x10500];
	v1 =	vadd.s32 v56, v1  }
0x9b: {  	v60 =	vld [tilespmem:s29+$0x10580];
	v1 =	vadd.s32 v57, v1  }
0x9c: {  	v1 =	vadd.s32 v2, v1;
	v2 =	vld [tilespmem:s29+$0x10600]  }
0x9d: {  	v1 =	vadd.s32 v3, v1;
	v3 =	vld [tilespmem:s29+$0x10680]  }
0x9e: {  	v61 =	vld [tilespmem:s29+$0x10700];
	v1 =	vadd.s32 v58, v1  }
0x9f: {  	v62 =	vld [tilespmem:s29+$0x10780];
	v1 =	vadd.s32 v59, v1  }
0xa0: {  	v63 =	vld [tilespmem:s29+$0x10800];
	v1 =	vadd.s32 v60, v1  }
0xa1: {  	v1 =	vadd.s32 v2, v1  }
0xa2: {  	v1 =	vadd.s32 v3, v1  }
0xa3: {  	v1 =	vadd.s32 v61, v1  }
0xa4: {  	s30 =	simm.s32 $0x10;
	s12 =	simm.s32 $0x80;
	v1 =	vadd.s32 v62, v1  }
0xa5: {  	s11 =	sand.u32 $0x70, s30;
	s31 =	sand.u32 $0x400, s12;
	v1 =	vadd.s32 v63, v1  }
0xa6: {  	s13 =	simm.s32 $0x20;
	s11 =	sor.u32 s11, s31;
	[tilespmem:s10+$0x0] =	vst v1  }
.LBB2_9:
0xa7: {  	p0 =	sne.s32 s13, $0xF0;
	v1 =	vld [tilespmem:s11+$0xFD00]  }
0xa8: {  	v2 =	vld [tilespmem:s11+$0xFC80]  }
0xa9: {  	v3 =	vld [tilespmem:s11+$0xFD80]  }
0xaa: {  	v4 =	vld [tilespmem:s11+$0xFE00]  }
0xab: {  	v5 =	vld [tilespmem:s11+$0xFE80]  }
0xac: {  	v6 =	vld [tilespmem:s11+$0xFF00]  }
0xad: {  	s14 =	sadd.s32 $0xFC80, s11;
	v1 =	vadd.s32 v2, v1;
	v2 =	vld [tilespmem:s11+$0xFF80]  }
0xae: {  	v1 =	vadd.s32 v3, v1;
	v3 =	vld [tilespmem:s14+$0x380]  }
0xaf: {  	v1 =	vadd.s32 v4, v1;
	v4 =	vld [tilespmem:s11+$0x10480]  }
0xb0: {  	v1 =	vadd.s32 v5, v1;
	v5 =	vld [tilespmem:s11+$0x10500]  }
0xb1: {  	v1 =	vadd.s32 v6, v1;
	v6 =	vld [tilespmem:s11+$0x10580]  }
0xb2: {  	v1 =	vadd.s32 v2, v1;
	v2 =	vld [tilespmem:s11+$0x10600]  }
0xb3: {  	v1 =	vadd.s32 v3, v1;
	v3 =	vld [tilespmem:s11+$0x10680]  }
0xb4: {  	v1 =	vadd.s32 v4, v1;
	v4 =	vld [tilespmem:s11+$0x10700]  }
0xb5: {  	v1 =	vadd.s32 v5, v1;
	v5 =	vld [tilespmem:s11+$0x10780]  }
0xb6: {  	v1 =	vadd.s32 v6, v1;
	v6 =	vld [tilespmem:s11+$0x10800]  }
0xb7: {  	v1 =	vadd.s32 v2, v1  }
.Ltmp4:
0xb8: {  	v1 =	vadd.s32 v3, v1;
	(pc) =	sbr.rel @p0 .LBB2_9-.Ltmp4, $4  }
0xb9: {  	v1 =	vadd.s32 v4, v1  }
0xba: {  	s12 =	sadd.s32 $0x80, s12;
	v1 =	vadd.s32 v5, v1  }
0xbb: {  	s10 =	sadd.s32 $0x10, s10;
	s14 =	sand.u32 $0x400, s12;
	s11 =	sand.u32 $0x70, s13;
	v1 =	vadd.s32 v6, v1  }
0xbc: {  	s13 =	sadd.s32 $0x10, s13;
	s11 =	sor.u32 s11, s14;
	[tilespmem:s10+$0x0] =	vst v1  }
0xbd: {  	v1 =	vld [tilespmem:s11+$0xFD00]  }
0xbe: {  	v2 =	vld [tilespmem:s11+$0xFC80]  }
0xbf: {  	v3 =	vld [tilespmem:s11+$0xFD80]  }
0xc0: {  	v4 =	vld [tilespmem:s11+$0xFE00]  }
0xc1: {  	v5 =	vld [tilespmem:s11+$0xFE80]  }
0xc2: {  	v6 =	vld [tilespmem:s11+$0xFF00]  }
0xc3: {  	s12 =	sadd.s32 $0xFC80, s11;
	v1 =	vadd.s32 v2, v1;
	v2 =	vld [tilespmem:s11+$0xFF80]  }
0xc4: {  	v1 =	vadd.s32 v3, v1;
	v3 =	vld [tilespmem:s12+$0x380]  }
0xc5: {  	v1 =	vadd.s32 v4, v1;
	v4 =	vld [tilespmem:s11+$0x10480]  }
0xc6: {  	v1 =	vadd.s32 v5, v1;
	v5 =	vld [tilespmem:s11+$0x10500]  }
0xc7: {  	v1 =	vadd.s32 v6, v1;
	v6 =	vld [tilespmem:s11+$0x10580]  }
0xc8: {  	v1 =	vadd.s32 v2, v1;
	v2 =	vld [tilespmem:s11+$0x10600]  }
0xc9: {  	v1 =	vadd.s32 v3, v1;
	v3 =	vld [tilespmem:s11+$0x10680]  }
0xca: {  	v1 =	vadd.s32 v4, v1;
	v4 =	vld [tilespmem:s11+$0x10700]  }
0xcb: {  	v1 =	vadd.s32 v5, v1;
	v5 =	vld [tilespmem:s11+$0x10780]  }
0xcc: {  	v1 =	vadd.s32 v6, v1;
	v6 =	vld [tilespmem:s11+$0x10800]  }
0xcd: {  	v1 =	vadd.s32 v2, v1  }
0xce: {  	v1 =	vadd.s32 v3, v1  }
0xcf: {  	v1 =	vadd.s32 v4, v1  }
0xd0: {  	v1 =	vadd.s32 v5, v1  }
0xd1: {  	s10 =	sadd.s32 $0x10, s10;
	v1 =	vadd.s32 v6, v1  }
0xd2: {  	[tilespmem:s10+$0x0] =	vst v1  }
0xd3: {  	v7 =	vld [tilespmem:$0xFC70];
	_ =	sdelay $0x2  }
0xd4: {  	v8 =	vld [tilespmem:$0xFC60];
	_ =	sdelay $0x1  }
0xd5: {  	(xrf0) =	vadd.scan.msk.s32 $0xffff, v7  }
0xd6: {  	v5 =	vld [tilespmem:$0xFC50];
	_ =	sdelay $0x1  }
0xd7: {  	(xrf0) =	vadd.scan.msk.s32 $0xffff, v8;
	_ =	sdelay $0x1  }
0xd8: {  	v3 =	vld [tilespmem:$0xFC40]  }
0xd9: {  	(xrf0) =	vadd.scan.msk.s32 $0xffff, v5;
	v4, _, _ =	vpop (xrf0)  }
0xda: {  	v1 =	vld [tilespmem:$0xFC30];
	v9 =	vbroadcast v4, $0xF;
	_ =	sdelay $0x1  }
0xdb: {  	v6, _, _ =	vpop (xrf0);
	v12 =	vadd.s32 v8, v9  }
0xdc: {  	(xrf0) =	vadd.scan.msk.s32 $0xffff, v3;
	v10 =	vsub.s32 v7, v4;
	v11 =	vbroadcast v6, $0xF  }
0xdd: {  	v2 =	vld [tilespmem:$0xFC20];
	v10 =	vadd.s32 v9, v10  }
0xde: {  	(xrf0) =	vadd.scan.msk.s32 $0xffff, v1;
	v6 =	vsub.s32 v12, v6;
	vm0 =	vgt.s32 v10, v0;
	v9 =	vadd.s32 v9, v11;
	v12, _, _ =	vpop (xrf0)  }
0xdf: {  	v4 =	vld [tilespmem:$0xFC10];
	v10 =	vadd.s32 v11, v6;
	v11 =	vbroadcast v12, $0xF;
	v12 =	vsub.s32 v5, v12;
	_ =	sdelay $0x1  }
0xe0: {  	v13 =	vimm.s32 $0x0;
	vm1 =	vgt.s32 v10, v0;
	v10 =	vadd.s32 v9, v12  }
0xe1: {  	(xrf0) =	vadd.scan.msk.s32 $0xffff, v2;
	v13 =	vsel vm0, $0xFFFFFFFF, v13;
	v12, _, _ =	vpop (xrf0)  }
0xe2: {  	v6 =	vld [tilespmem:$0xFC00];
	[tilespmem:$0x1FFF0] =	vst v13;
	v13 =	vadd.s32 v9, v11;
	v14 =	vbroadcast v12, $0xF;
	v12 =	vsub.s32 v3, v12  }
0xe3: {  	v9 =	vld [tilespmem:$0xFBF0];
	v11 =	vadd.s32 v11, v10;
	(xrf0) =	vadd.scan.msk.s32 $0xffff, v4;
	v10, _, _ =	vpop (xrf0);
	v12 =	vadd.s32 v13, v12  }
0xe4: {  	v15 =	vbroadcast v10, $0xF;
	v16 =	vsub.s32 v1, v10;
	v13 =	vadd.s32 v13, v14  }
0xe5: {  	vm2 =	vgt.s32 v11, v0;
	v10 =	vld [tilespmem:$0xFBE0];
	v11 =	vadd.s32 v14, v12;
	v12 =	vadd.s32 v13, v16  }
0xe6: {  	v12 =	vadd.s32 v15, v12  }
0xe7: {  	(xrf0) =	vadd.scan.msk.s32 $0xffff, v6  }
0xe8: {  	vm3 =	vgt.s32 v11, v0;
	v14, _, _ =	vpop (xrf0);
	(xrf0) =	vadd.scan.msk.s32 $0xffff, v9  }
0xe9: {  	v11 =	vld [tilespmem:$0xFBD0];
	v13 =	vadd.s32 v13, v15;
	v15 =	vbroadcast v14, $0xF;
	vm4 =	vgt.s32 v12, v0;
	v12, _, _ =	vpop (xrf0)  }
0xea: {  	v14 =	vsub.s32 v2, v14;
	(xrf0) =	vadd.scan.msk.s32 $0xffff, v10;
	v16 =	vbroadcast v12, $0xF;
	v22 =	vsub.s32 v4, v12  }
0xeb: {  	v17 =	vmpcnt.ones.xlane vm0;
	v18 =	vmpcnt.ones.xlane vm1;
	v14 =	vadd.s32 v13, v14;
	v12 =	vld [tilespmem:$0xFBC0]  }
0xec: {  	v19 =	vmpcnt.ones.xlane vm2;
	v13 =	vadd.s32 v13, v15;
	v14 =	vadd.s32 v15, v14  }
0xed: {  	vm5 =	vgt.s32 v14, v0;
	v15 =	vadd.s32 v13, v22;
	v23 =	vadd.s32 v13, v16;
	v22, _, _ =	vpop (xrf0)  }
0xee: {  	v14 =	vadd.s32 v16, v15;
	(xrf0) =	vadd.scan.msk.s32 $0xffff, v11;
	v24 =	vbroadcast v22, $0xF;
	v13 =	vsub.s32 v6, v22;
	v16, _, _ =	vpop (xrf0)  }
0xef: {  	v20 =	vmpcnt.ones.xlane vm3;
	v15 =	vadd.s32 v23, v13;
	v13 =	vld [tilespmem:$0xFBB0];
	v25 =	vbroadcast v16, $0xF  }
0xf0: {  	vm6 =	vgt.s32 v14, v0;
	v14 =	vld [tilespmem:$0xFBA0];
	(xrf0) =	vadd.scan.msk.s32 $0xffff, v12;
	v26, _, _ =	vpop (xrf0);
	v15 =	vadd.s32 v24, v15;
	v24 =	vadd.s32 v23, v24  }
0xf1: {  	v28 =	vbroadcast v26, $0xF;
	v26 =	vsub.s32 v10, v26;
	v27 =	vadd.s32 v24, v25  }
0xf2: {  	v16 =	vsub.s32 v9, v16;
	vm7 =	vgt.s32 v15, v0;
	v15 =	vld [tilespmem:$0xFB90];
	v26 =	vadd.s32 v27, v26  }
0xf3: {  	v21 =	vmpcnt.ones.xlane vm4;
	v16 =	vadd.s32 v24, v16;
	v26 =	vadd.s32 v28, v26  }
0xf4: {  	v22 =	vmpcnt.ones.xlane vm5;
	v23 =	vmpcnt.ones.xlane vm6;
	v25 =	vadd.s32 v25, v16;
	v16 =	vld [tilespmem:$0xFB80];
	v29, _, _ =	vpop (xrf0);
	(xrf0) =	vadd.scan.msk.s32 $0xffff, v13  }
0xf5: {  	v27 =	vadd.s32 v27, v28;
	v30 =	vbroadcast v29, $0xF;
	v29 =	vsub.s32 v11, v29;
	(xrf0) =	vadd.scan.msk.s32 $0xffff, v14  }
0xf6: {  	vm8 =	vgt.s32 v25, v0;
	vm9 =	vgt.s32 v26, v0;
	v28 =	vadd.s32 v27, v29;
	v26, _, _ =	vpop (xrf0)  }
0xf7: {  	v28 =	vadd.s32 v30, v28;
	(xrf0) =	vadd.scan.msk.s32 $0xffff, v15;
	v29 =	vadd.s32 v27, v30;
	v30 =	vbroadcast v26, $0xF  }
0xf8: {  	v24 =	vmpcnt.ones.xlane vm7;
	v25 =	vmpcnt.ones.xlane vm8;
	v27 =	vsub.s32 v12, v26  }
0xf9: {  	v26 =	vmpcnt.ones.xlane vm9;
	vm10 =	vgt.s32 v28, v0;
	(xrf0) =	vadd.scan.msk.s32 $0xffff, v16;
	v28 =	vadd.s32 v29, v27  }
0xfa: {  	v27 =	vmpcnt.ones.xlane vm10;
	v28 =	vadd.s32 v30, v28;
	v29 =	vadd.s32 v29, v30;
	v31, _, _ =	vpop (xrf0)  }
0xfb: {  	vm11 =	vgt.s32 v28, v0;
	v30, _, _ =	vpop (xrf0);
	v32 =	vbroadcast v31, $0xF;
	v31 =	vsub.s32 v13, v31  }
0xfc: {  	v28 =	vmpcnt.ones.xlane vm11;
	v31 =	vadd.s32 v29, v31;
	v33 =	vbroadcast v30, $0xF  }
0xfd: {  	v34, _, _ =	vpop (xrf0);
	v30 =	vsub.s32 v14, v30;
	v31 =	vadd.s32 v32, v31;
	v29 =	vadd.s32 v29, v32  }
0xfe: {  	v61 =	vbroadcast v34, $0xF;
	v30 =	vadd.s32 v29, v30;
	v29 =	vadd.s32 v29, v33  }
0xff: {  	v62, _, _ =	vpop (xrf0);
	vm12 =	vgt.s32 v31, v0;
	v31 =	vadd.s32 v33, v30;
	v30 =	vadd.s32 v29, v16  }
0x100: {  	v34 =	vsub.s32 v15, v34;
	v35 =	vbroadcast v62, $0xF;
	v36 =	vadd.s32 v61, v30  }
0x101: {  	v29 =	vadd.s32 v29, v34;
	v30 =	vmpcnt.ones.xlane vm12;
	v33 =	vsub.s32 v36, v62  }
0x102: {  	vm13 =	vgt.s32 v31, v0;
	v29 =	vadd.s32 v61, v29;
	v63 =	vadd.s32 v35, v33  }
0x103: {  	v31 =	vmpcnt.ones.xlane vm13;
	vm15 =	vgt.s32 v29, v0;
	vm14 =	vgt.s32 v63, v0  }
0x104: {  	s11 =	simm.s32 $0x0;
	s10 =	simm.s32 $0x100;
	v29 =	vimm.s32 $0x0;
	v32 =	vmpcnt.ones.xlane vm15;
	v33 =	vmpcnt.ones.xlane vm14  }
.LBB2_11:
0x105: {  	p0 =	sne.s32 s10, $0x3F00;
	[tilespmem:s11+$0xEBB0] =	vst v29;
	s12 =	smov.u32 s10;
	s10 =	sadd.s32 $0x100, s10  }
.Ltmp5:
0x106: {  	[tilespmem:s11+$0xEBA0] =	vst v29;
	(pc) =	sbr.rel @p0 .LBB2_11-.Ltmp5, $3  }
0x107: {  	[tilespmem:s11+$0xEB80] =	vst v29  }
0x108: {  	[tilespmem:s11+$0xEB90] =	vst v29;
	_ =	sdelay $0x1  }
0x109: {  	s11 =	sshra.s32 s12, $0x2  }
0x10a: {  	v17 =	vadd.s32 v17, v18  }
0x10b: {  	v17 =	vadd.s32 v19, v17  }
0x10c: {  	v17 =	vadd.s32 v20, v17  }
0x10d: {  	v17 =	vadd.s32 v21, v17  }
0x10e: {  	v17 =	vadd.s32 v22, v17  }
0x10f: {  	v17 =	vadd.s32 v23, v17  }
0x110: {  	v17 =	vadd.s32 v24, v17  }
0x111: {  	v17 =	vadd.s32 v25, v17  }
0x112: {  	v17 =	vadd.s32 v26, v17  }
0x113: {  	v17 =	vadd.s32 v27, v17  }
0x114: {  	v17 =	vadd.s32 v28, v17  }
0x115: {  	v17 =	vadd.s32 v30, v17  }
0x116: {  	v17 =	vadd.s32 v31, v17  }
0x117: {  	v17 =	vadd.s32 v32, v17  }
0x118: {  	v17 =	vadd.s32 v33, v17  }
0x119: {  	(v2sf) =	vpush v17, $0x0;
	_ =	sdelay $0xd  }
0x11a: {  	[tilespmem:s11+$0xEBB0] =	vst v29  }
0x11b: {  	[tilespmem:s11+$0xEBA0] =	vst v29;
	s10 =	spop (v2sf)  }
0x11c: {  	[tilespmem:s11+$0xEB80] =	vst v29;
	v18 =	vlaneseq.u32;
	s10 =	sadd.s32 $0xFFFFFFFF, s10  }
0x11d: {  	[tilespmem:s11+$0xEB90] =	vst v29;
	s11 =	simm.s32 $0x0;
	s12 =	simm.s32 $0x0;
	s13 =	simm.s32 $0xEB80;
	v18 =	vmul.u32 $0x100, v18;
	v19 =	vimm.s32 $0x1;
	v17 =	vmov s10  }
.LBB2_13:
0x11e: {  	s14 =	sshra.s32 s12, $0x2  }
0x11f: {  	v20 =	vld [tilespmem:s14+$0x0];
	_ =	sdelay $0x4  }
0x120: {  	v21 =	vshrl.u32 v20, $0x10;
	v20 =	vshrl.u32 v20, $0x18  }
0x121: {  	vm0 =	veq.s32 v20, v17;
	v20 =	vand.u32 $0xFF, v21  }
0x122: {  	v20 =	vor.u32 v18, v20;
	_ =	sdelay $0x4  }
0x123: {  	[tilespmem:v20+s13+$0x0] =	vst.idx.add.s32.msk vm0, v19  }
0x124: {  	v20 =	vld [tilespmem:s14+$0x10];
	_ =	sdelay $0x4  }
0x125: {  	v60 =	vshrl.u32 v20, $0x10;
	v20 =	vshrl.u32 v20, $0x18  }
0x126: {  	vm0 =	veq.s32 v20, v17;
	v20 =	vand.u32 $0xFF, v60  }
0x127: {  	v20 =	vor.u32 v18, v20;
	_ =	sdelay $0x4  }
0x128: {  	[tilespmem:v20+s13+$0x0] =	vst.idx.add.s32.msk vm0, v19  }
0x129: {  	v20 =	vld [tilespmem:s14+$0x20];
	_ =	sdelay $0x4  }
0x12a: {  	v61 =	vshrl.u32 v20, $0x10;
	v20 =	vshrl.u32 v20, $0x18  }
0x12b: {  	vm0 =	veq.s32 v20, v17;
	v20 =	vand.u32 $0xFF, v61  }
0x12c: {  	v20 =	vor.u32 v18, v20;
	_ =	sdelay $0x4  }
0x12d: {  	[tilespmem:v20+s13+$0x0] =	vst.idx.add.s32.msk vm0, v19  }
0x12e: {  	v20 =	vld [tilespmem:s14+$0x30];
	_ =	sdelay $0x4  }
0x12f: {  	v62 =	vshrl.u32 v20, $0x10;
	v20 =	vshrl.u32 v20, $0x18  }
0x130: {  	vm0 =	veq.s32 v20, v17;
	v20 =	vand.u32 $0xFF, v62  }
0x131: {  	v20 =	vor.u32 v18, v20;
	_ =	sdelay $0x4  }
0x132: {  	[tilespmem:v20+s13+$0x0] =	vst.idx.add.s32.msk vm0, v19  }
0x133: {  	v20 =	vld [tilespmem:s14+$0x40];
	_ =	sdelay $0x4  }
0x134: {  	v63 =	vshrl.u32 v20, $0x10;
	v20 =	vshrl.u32 v20, $0x18  }
0x135: {  	vm0 =	veq.s32 v20, v17;
	v20 =	vand.u32 $0xFF, v63  }
0x136: {  	p0 =	sne.s32 s12, $0x13740;
	v20 =	vor.u32 v18, v20  }
.Ltmp6:
0x137: {  	_ = 	snop;
	(pc) =	sbr.rel @p0 .LBB2_13-.Ltmp6, $2  }
0x138: {  	_ =	sdelay $0x2  }
0x139: {  	s12 =	sadd.s32 $0x140, s12;
	[tilespmem:v20+s13+$0x0] =	vst.idx.add.s32.msk vm0, v19  }
0x13a: {  	s11 =	sand.u32 $0xF0, s11;
	v18 =	vld [tilespmem:s13+$0x0]  }
0x13b: {  	v17 =	vld [tilespmem:s11+$0xEC80]  }
0x13c: {  	v19 =	vld [tilespmem:s11+$0xED80]  }
0x13d: {  	v20 =	vld [tilespmem:s11+$0xEE80]  }
0x13e: {  	v21 =	vld [tilespmem:s11+$0xEF80]  }
0x13f: {  	v22 =	vld [tilespmem:s11+$0xF080]  }
0x140: {  	v17 =	vadd.s32 v18, v17;
	v18 =	vld [tilespmem:s11+$0xF180]  }
0x141: {  	v17 =	vadd.s32 v19, v17;
	v19 =	vld [tilespmem:s11+$0xF280]  }
0x142: {  	v58 =	vld [tilespmem:s11+$0xF380];
	v17 =	vadd.s32 v20, v17  }
0x143: {  	v59 =	vld [tilespmem:s11+$0xF480];
	v17 =	vadd.s32 v21, v17  }
0x144: {  	v60 =	vld [tilespmem:s11+$0xF580];
	v17 =	vadd.s32 v22, v17  }
0x145: {  	v17 =	vadd.s32 v18, v17;
	v18 =	vld [tilespmem:s11+$0xF680]  }
0x146: {  	v17 =	vadd.s32 v19, v17;
	v19 =	vld [tilespmem:s11+$0xF780]  }
0x147: {  	v61 =	vld [tilespmem:s11+$0xF880];
	v17 =	vadd.s32 v58, v17  }
0x148: {  	v62 =	vld [tilespmem:s11+$0xF980];
	v17 =	vadd.s32 v59, v17  }
0x149: {  	v63 =	vld [tilespmem:s11+$0xFA80];
	v17 =	vadd.s32 v60, v17  }
0x14a: {  	v17 =	vadd.s32 v18, v17  }
0x14b: {  	v17 =	vadd.s32 v19, v17  }
0x14c: {  	v17 =	vadd.s32 v61, v17  }
0x14d: {  	v17 =	vadd.s32 v62, v17  }
0x14e: {  	s12 =	simm.s32 $0x10;
	s11 =	simm.s32 $0xFB80;
	v17 =	vadd.s32 v63, v17  }
0x14f: {  	s12 =	sand.u32 $0xF0, s12;
	[tilespmem:s11+$0x0] =	vst v17  }
0x150: {  	s14 =	simm.s32 $0x20;
	s13 =	simm.s32 $0xEB90;
	v17 =	vld [tilespmem:s12+$0xEC80]  }
.LBB2_15:
0x151: {  	p0 =	sne.s32 s14, $0xF0;
	v18 =	vld [tilespmem:s13+$0x0]  }
0x152: {  	v19 =	vld [tilespmem:s12+$0xED80]  }
0x153: {  	v20 =	vld [tilespmem:s12+$0xEE80]  }
0x154: {  	v21 =	vld [tilespmem:s12+$0xEF80]  }
0x155: {  	v22 =	vld [tilespmem:s12+$0xF080]  }
0x156: {  	v17 =	vadd.s32 v18, v17;
	v18 =	vld [tilespmem:s12+$0xF180]  }
0x157: {  	v17 =	vadd.s32 v19, v17;
	v19 =	vld [tilespmem:s12+$0xF280]  }
0x158: {  	v17 =	vadd.s32 v20, v17;
	v20 =	vld [tilespmem:s12+$0xF380]  }
0x159: {  	v17 =	vadd.s32 v21, v17;
	v21 =	vld [tilespmem:s12+$0xF480]  }
0x15a: {  	v17 =	vadd.s32 v22, v17;
	v22 =	vld [tilespmem:s12+$0xF580]  }
0x15b: {  	v17 =	vadd.s32 v18, v17;
	v18 =	vld [tilespmem:s12+$0xF680]  }
0x15c: {  	v17 =	vadd.s32 v19, v17;
	v19 =	vld [tilespmem:s12+$0xF780]  }
0x15d: {  	v17 =	vadd.s32 v20, v17;
	v20 =	vld [tilespmem:s12+$0xF880]  }
0x15e: {  	v17 =	vadd.s32 v21, v17;
	v21 =	vld [tilespmem:s12+$0xF980]  }
0x15f: {  	v17 =	vadd.s32 v22, v17;
	v22 =	vld [tilespmem:s12+$0xFA80]  }
0x160: {  	v17 =	vadd.s32 v18, v17  }
0x161: {  	v17 =	vadd.s32 v19, v17  }
.Ltmp7:
0x162: {  	v17 =	vadd.s32 v20, v17;
	(pc) =	sbr.rel @p0 .LBB2_15-.Ltmp7, $4  }
0x163: {  	v17 =	vadd.s32 v21, v17  }
0x164: {  	s11 =	sadd.s32 $0x10, s11;
	v17 =	vadd.s32 v22, v17  }
0x165: {  	s12 =	sand.u32 $0xF0, s14;
	[tilespmem:s11+$0x0] =	vst v17  }
0x166: {  	s13 =	sadd.s32 $0x10, s13;
	s14 =	sadd.s32 $0x10, s14;
	v17 =	vld [tilespmem:s12+$0xEC80]  }
0x167: {  	v18 =	vld [tilespmem:s13+$0x0]  }
0x168: {  	v19 =	vld [tilespmem:s12+$0xED80]  }
0x169: {  	v20 =	vld [tilespmem:s12+$0xEE80]  }
0x16a: {  	v21 =	vld [tilespmem:s12+$0xEF80]  }
0x16b: {  	v22 =	vld [tilespmem:s12+$0xF080]  }
0x16c: {  	v17 =	vadd.s32 v18, v17;
	v18 =	vld [tilespmem:s12+$0xF180]  }
0x16d: {  	v17 =	vadd.s32 v19, v17;
	v19 =	vld [tilespmem:s12+$0xF280]  }
0x16e: {  	v49 =	vld [tilespmem:s12+$0xF380];
	v17 =	vadd.s32 v20, v17  }
0x16f: {  	v50 =	vld [tilespmem:s12+$0xF480];
	v17 =	vadd.s32 v21, v17  }
0x170: {  	v51 =	vld [tilespmem:s12+$0xF580];
	v17 =	vadd.s32 v22, v17  }
0x171: {  	v17 =	vadd.s32 v18, v17;
	v18 =	vld [tilespmem:s12+$0xF680]  }
0x172: {  	v17 =	vadd.s32 v19, v17;
	v19 =	vld [tilespmem:s12+$0xF780]  }
0x173: {  	v52 =	vld [tilespmem:s12+$0xF880];
	v17 =	vadd.s32 v49, v17  }
0x174: {  	v53 =	vld [tilespmem:s12+$0xF980];
	v17 =	vadd.s32 v50, v17  }
0x175: {  	v54 =	vld [tilespmem:s12+$0xFA80];
	v17 =	vadd.s32 v51, v17  }
0x176: {  	v17 =	vadd.s32 v18, v17  }
0x177: {  	v17 =	vadd.s32 v19, v17  }
0x178: {  	v17 =	vadd.s32 v52, v17  }
0x179: {  	v17 =	vadd.s32 v53, v17  }
0x17a: {  	s11 =	sadd.s32 $0x10, s11;
	s21 =	sadd.s32 $0x1000, s9;
	s22 =	simm.s32 $0x80;
	v17 =	vadd.s32 v54, v17  }
0x17b: {  	s14 =	simm.s32 $0x400;
	s23 =	simm.s32 $0x3;
	[tilespmem:s11+$0x0] =	vst v17;
	s11 =	simm.s32 $0xFB80  }
0x17c: {  	[spmem:s21] =	stream.strided.scatter [tilespmem:s11], [sflag:$0x3], $0x100, s14, s22, $0x38;
	[tilespmem:$0x18B80] =	vst v63  }
0x17d: {  	_ =	swait.ge [sflag:s23], $0x100  }
0x17e: {  	[sflag:s23] =	ssyncset.done $0x0  }
0x17f: {  	[sflag:s23] =	ssyncadd.s32 $0xFFFFFF00  }
0x180: {  	s24 =	sadd.s32 $0x1000, s8;
	s25 =	simm.s32 $0xFC80;
	[bflag:$0x0] =	sbarrier.arrive $0xFFFF  }
0x181: {  	[tilespmem:s25], [sflag:$0x3] =	stream.linear.gather [spmem:s24], $0x1000, $0x38;
	[tilespmem:$0x18B80] =	vst v63  }
0x182: {  	s26 =	simm.s32 $0x0;
	_ =	swait.ge [sflag:s23], $0x1000  }
0x183: {  	s28 =	sand.u32 $0x70, s26;
	s13 =	sand.u32 $0x400, s26;
	[sflag:s23] =	ssyncset.done $0x0  }
0x184: {  	s29 =	sor.u32 s28, s13;
	[sflag:s23] =	ssyncadd.s32 $0xFFFFF000  }
0x185: {  	v17 =	vld [tilespmem:s29+$0xFD00]  }
0x186: {  	v18 =	vld [tilespmem:s29+$0xFC80]  }
0x187: {  	v19 =	vld [tilespmem:s29+$0xFD80]  }
0x188: {  	v55 =	vld [tilespmem:s29+$0xFE00]  }
0x189: {  	v56 =	vld [tilespmem:s29+$0xFE80]  }
0x18a: {  	v57 =	vld [tilespmem:s29+$0xFF00]  }
0x18b: {  	s13 =	sadd.s32 $0xFC80, s29;
	v17 =	vadd.s32 v18, v17;
	v18 =	vld [tilespmem:s29+$0xFF80]  }
0x18c: {  	v17 =	vadd.s32 v19, v17;
	v19 =	vld [tilespmem:s13+$0x380]  }
0x18d: {  	v58 =	vld [tilespmem:s29+$0x10480];
	v17 =	vadd.s32 v55, v17  }
0x18e: {  	v59 =	vld [tilespmem:s29+$0x10500];
	v17 =	vadd.s32 v56, v17  }
0x18f: {  	v60 =	vld [tilespmem:s29+$0x10580];
	v17 =	vadd.s32 v57, v17  }
0x190: {  	v17 =	vadd.s32 v18, v17;
	v18 =	vld [tilespmem:s29+$0x10600]  }
0x191: {  	v17 =	vadd.s32 v19, v17;
	v19 =	vld [tilespmem:s29+$0x10680]  }
0x192: {  	v61 =	vld [tilespmem:s29+$0x10700];
	v17 =	vadd.s32 v58, v17  }
0x193: {  	v62 =	vld [tilespmem:s29+$0x10780];
	v17 =	vadd.s32 v59, v17  }
0x194: {  	v63 =	vld [tilespmem:s29+$0x10800];
	v17 =	vadd.s32 v60, v17  }
0x195: {  	v17 =	vadd.s32 v18, v17  }
0x196: {  	v17 =	vadd.s32 v19, v17  }
0x197: {  	v17 =	vadd.s32 v61, v17  }
0x198: {  	s30 =	simm.s32 $0x10;
	s13 =	simm.s32 $0x80;
	v17 =	vadd.s32 v62, v17  }
0x199: {  	s12 =	sand.u32 $0x70, s30;
	s31 =	sand.u32 $0x400, s13;
	v17 =	vadd.s32 v63, v17  }
0x19a: {  	s14 =	simm.s32 $0x20;
	s12 =	sor.u32 s12, s31;
	[tilespmem:s11+$0x0] =	vst v17  }
.LBB2_17:
0x19b: {  	p0 =	sne.s32 s14, $0xF0;
	v17 =	vld [tilespmem:s12+$0xFD00]  }
0x19c: {  	v18 =	vld [tilespmem:s12+$0xFC80]  }
0x19d: {  	v19 =	vld [tilespmem:s12+$0xFD80]  }
0x19e: {  	v20 =	vld [tilespmem:s12+$0xFE00]  }
0x19f: {  	v21 =	vld [tilespmem:s12+$0xFE80]  }
0x1a0: {  	v22 =	vld [tilespmem:s12+$0xFF00]  }
0x1a1: {  	s15 =	sadd.s32 $0xFC80, s12;
	v17 =	vadd.s32 v18, v17;
	v18 =	vld [tilespmem:s12+$0xFF80]  }
0x1a2: {  	v17 =	vadd.s32 v19, v17;
	v19 =	vld [tilespmem:s15+$0x380]  }
0x1a3: {  	v17 =	vadd.s32 v20, v17;
	v20 =	vld [tilespmem:s12+$0x10480]  }
0x1a4: {  	v17 =	vadd.s32 v21, v17;
	v21 =	vld [tilespmem:s12+$0x10500]  }
0x1a5: {  	v17 =	vadd.s32 v22, v17;
	v22 =	vld [tilespmem:s12+$0x10580]  }
0x1a6: {  	v17 =	vadd.s32 v18, v17;
	v18 =	vld [tilespmem:s12+$0x10600]  }
0x1a7: {  	v17 =	vadd.s32 v19, v17;
	v19 =	vld [tilespmem:s12+$0x10680]  }
0x1a8: {  	v17 =	vadd.s32 v20, v17;
	v20 =	vld [tilespmem:s12+$0x10700]  }
0x1a9: {  	v17 =	vadd.s32 v21, v17;
	v21 =	vld [tilespmem:s12+$0x10780]  }
0x1aa: {  	v17 =	vadd.s32 v22, v17;
	v22 =	vld [tilespmem:s12+$0x10800]  }
0x1ab: {  	v17 =	vadd.s32 v18, v17  }
.Ltmp8:
0x1ac: {  	v17 =	vadd.s32 v19, v17;
	(pc) =	sbr.rel @p0 .LBB2_17-.Ltmp8, $4  }
0x1ad: {  	v17 =	vadd.s32 v20, v17  }
0x1ae: {  	s13 =	sadd.s32 $0x80, s13;
	v17 =	vadd.s32 v21, v17  }
0x1af: {  	s11 =	sadd.s32 $0x10, s11;
	s15 =	sand.u32 $0x400, s13;
	s12 =	sand.u32 $0x70, s14;
	v17 =	vadd.s32 v22, v17  }
0x1b0: {  	s14 =	sadd.s32 $0x10, s14;
	s12 =	sor.u32 s12, s15;
	[tilespmem:s11+$0x0] =	vst v17  }
0x1b1: {  	v17 =	vld [tilespmem:s12+$0xFD00]  }
0x1b2: {  	v18 =	vld [tilespmem:s12+$0xFC80]  }
0x1b3: {  	v19 =	vld [tilespmem:s12+$0xFD80]  }
0x1b4: {  	v20 =	vld [tilespmem:s12+$0xFE00]  }
0x1b5: {  	v21 =	vld [tilespmem:s12+$0xFE80]  }
0x1b6: {  	v23 =	vld [tilespmem:$0x1FFF0]  }
0x1b7: {  	v22 =	vld [tilespmem:s12+$0xFF00]  }
0x1b8: {  	s13 =	sadd.s32 $0xFC80, s12;
	v17 =	vadd.s32 v18, v17;
	v18 =	vld [tilespmem:s12+$0xFF80]  }
0x1b9: {  	v17 =	vadd.s32 v19, v17;
	v19 =	vld [tilespmem:s13+$0x380]  }
0x1ba: {  	v17 =	vadd.s32 v20, v17;
	v20 =	vld [tilespmem:s12+$0x10480]  }
0x1bb: {  	vm0 =	vnez.u8 v23;
	v17 =	vadd.s32 v21, v17;
	v21 =	vld [tilespmem:s12+$0x10500]  }
0x1bc: {  	v8 =	vsel vm1, $0x0, v8;
	v7 =	vsel vm0, $0x0, v7;
	v17 =	vadd.s32 v22, v17;
	v22 =	vld [tilespmem:s12+$0x10580]  }
0x1bd: {  	v5 =	vsel vm2, $0x0, v5;
	v7 =	vadd.s32 v7, v8;
	v17 =	vadd.s32 v18, v17;
	v18 =	vld [tilespmem:s12+$0x10600]  }
0x1be: {  	v3 =	vsel vm3, $0x0, v3;
	v5 =	vadd.s32 v5, v7;
	v8 =	vadd.s32 v19, v17;
	v17 =	vld [tilespmem:s12+$0x10680]  }
0x1bf: {  	v1 =	vsel vm4, $0x0, v1;
	v3 =	vadd.s32 v3, v5;
	v7 =	vadd.s32 v20, v8;
	v8 =	vld [tilespmem:s12+$0x10700]  }
0x1c0: {  	v2 =	vsel vm5, $0x0, v2;
	v1 =	vadd.s32 v1, v3;
	v5 =	vadd.s32 v21, v7;
	v7 =	vld [tilespmem:s12+$0x10780]  }
0x1c1: {  	v1 =	vadd.s32 v2, v1;
	v2 =	vsel vm6, $0x0, v4;
	v3 =	vadd.s32 v22, v5;
	v5 =	vld [tilespmem:s12+$0x10800]  }
0x1c2: {  	v1 =	vadd.s32 v2, v1;
	v2 =	vsel vm7, $0x0, v6;
	v3 =	vadd.s32 v18, v3  }
0x1c3: {  	v1 =	vadd.s32 v2, v1;
	v2 =	vsel vm8, $0x0, v9;
	v3 =	vadd.s32 v17, v3  }
0x1c4: {  	v1 =	vadd.s32 v2, v1;
	v2 =	vsel vm9, $0x0, v10;
	v3 =	vadd.s32 v8, v3  }
0x1c5: {  	v1 =	vadd.s32 v2, v1;
	v2 =	vsel vm10, $0x0, v11;
	v3 =	vadd.s32 v7, v3  }
0x1c6: {  	s11 =	sadd.s32 $0x10, s11;
	v1 =	vadd.s32 v2, v1;
	v2 =	vsel vm11, $0x0, v12;
	v3 =	vadd.s32 v5, v3  }
0x1c7: {  	v1 =	vadd.s32 v2, v1;
	v2 =	vsel vm12, $0x0, v13;
	[tilespmem:s11+$0x0] =	vst v3  }
0x1c8: {  	v1 =	vadd.s32 v2, v1;
	v3 =	vsel vm13, $0x0, v14;
	v2 =	vld [tilespmem:$0xFC70]  }
0x1c9: {  	v1 =	vadd.s32 v3, v1;
	v3 =	vsel vm15, $0x0, v15;
	v5 =	vld [tilespmem:$0xFC60]  }
0x1ca: {  	v1 =	vadd.s32 v3, v1;
	v3 =	vsel vm14, $0x0, v16  }
0x1cb: {  	v1 =	vadd.s32 v3, v1  }
0x1cc: {  	v6 =	vld [tilespmem:$0xFC50];
	(xrf0) =	vadd.scan.msk.s32 $0xffff, v1  }
0x1cd: {  	(xrf0) =	vadd.scan.msk.s32 $0xffff, v2  }
0x1ce: {  	(xrf0) =	vadd.scan.msk.s32 $0xffff, v5;
	_ =	sdelay $0x1  }
0x1cf: {  	v4 =	vld [tilespmem:$0xFC40]  }
0x1d0: {  	(xrf0) =	vadd.scan.msk.s32 $0xffff, v6  }
0x1d1: {  	v1 =	vld [tilespmem:$0xFC30];
	v7, _, _ =	vpop (xrf0)  }
0x1d2: {  	v8, _, _ =	vpop (xrf0)  }
0x1d3: {  	v10 =	vbroadcast v7, $0xF;
	v9 =	vbroadcast v8, $0xF;
	v11, _, _ =	vpop (xrf0)  }
0x1d4: {  	(xrf0) =	vadd.scan.msk.s32 $0xffff, v4;
	v12 =	vbroadcast v11, $0xF  }
0x1d5: {  	v3 =	vld [tilespmem:$0xFC20];
	v8 =	vsub.s32 v2, v8;
	v0 =	vsub.s32 v0, v10;
	v13 =	vadd.s32 v5, v9  }
0x1d6: {  	(xrf0) =	vadd.scan.msk.s32 $0xffff, v1;
	v8 =	vadd.s32 v9, v8;
	v10 =	vsub.s32 v13, v11;
	v11, _, _ =	vpop (xrf0);
	v9 =	vadd.s32 v9, v12  }
0x1d7: {  	v7 =	vld [tilespmem:$0xFC10];
	v10 =	vadd.s32 v12, v10;
	v12 =	vbroadcast v11, $0xF;
	v11 =	vsub.s32 v6, v11  }
0x1d8: {  	vm0 =	vgt.s32 v8, v0  }
0x1d9: {  	v13 =	vimm.s32 $0x0;
	vm1 =	vgt.s32 v10, v0;
	v10 =	vadd.s32 v9, v11  }
0x1da: {  	(xrf0) =	vadd.scan.msk.s32 $0xffff, v3;
	v13 =	vsel vm0, $0xFFFFFFFF, v13;
	v11, _, _ =	vpop (xrf0)  }
0x1db: {  	v8 =	vld [tilespmem:$0xFC00];
	[tilespmem:$0x1FFE0] =	vst v13;
	v13 =	vadd.s32 v9, v12;
	v14 =	vbroadcast v11, $0xF;
	v11 =	vsub.s32 v4, v11  }
0x1dc: {  	v9 =	vld [tilespmem:$0xFBF0];
	v12 =	vadd.s32 v12, v10;
	(xrf0) =	vadd.scan.msk.s32 $0xffff, v7;
	v10, _, _ =	vpop (xrf0);
	v11 =	vadd.s32 v13, v11  }
0x1dd: {  	v15 =	vbroadcast v10, $0xF;
	v16 =	vsub.s32 v1, v10;
	v13 =	vadd.s32 v13, v14  }
0x1de: {  	vm2 =	vgt.s32 v12, v0;
	v10 =	vld [tilespmem:$0xFBE0];
	v12 =	vadd.s32 v13, v16  }
0x1df: {  	v12 =	vadd.s32 v15, v12  }
0x1e0: {  	(xrf0) =	vadd.scan.msk.s32 $0xffff, v8;
	v11 =	vadd.s32 v14, v11  }
0x1e1: {  	vm3 =	vgt.s32 v11, v0;
	v14, _, _ =	vpop (xrf0);
	(xrf0) =	vadd.scan.msk.s32 $0xffff, v9  }
0x1e2: {  	v11 =	vld [tilespmem:$0xFBD0];
	v13 =	vadd.s32 v13, v15;
	v15 =	vbroadcast v14, $0xF;
	vm4 =	vgt.s32 v12, v0;
	v12, _, _ =	vpop (xrf0)  }
0x1e3: {  	v14 =	vsub.s32 v3, v14;
	(xrf0) =	vadd.scan.msk.s32 $0xffff, v10;
	v16 =	vbroadcast v12, $0xF;
	v22 =	vsub.s32 v7, v12  }
0x1e4: {  	v17 =	vmpcnt.ones.xlane vm0;
	v18 =	vmpcnt.ones.xlane vm1;
	v14 =	vadd.s32 v13, v14;
	v12 =	vld [tilespmem:$0xFBC0]  }
0x1e5: {  	v19 =	vmpcnt.ones.xlane vm2;
	v13 =	vadd.s32 v13, v15;
	v14 =	vadd.s32 v15, v14  }
0x1e6: {  	vm5 =	vgt.s32 v14, v0;
	v15 =	vadd.s32 v13, v22;
	v23 =	vadd.s32 v13, v16;
	v22, _, _ =	vpop (xrf0)  }
0x1e7: {  	v14 =	vadd.s32 v16, v15;
	(xrf0) =	vadd.scan.msk.s32 $0xffff, v11;
	v24 =	vbroadcast v22, $0xF;
	v13 =	vsub.s32 v8, v22;
	v16, _, _ =	vpop (xrf0)  }
0x1e8: {  	v20 =	vmpcnt.ones.xlane vm3;
	v15 =	vadd.s32 v23, v13;
	v13 =	vld [tilespmem:$0xFBB0];
	v25 =	vbroadcast v16, $0xF  }
0x1e9: {  	vm6 =	vgt.s32 v14, v0;
	v14 =	vld [tilespmem:$0xFBA0];
	(xrf0) =	vadd.scan.msk.s32 $0xffff, v12;
	v26, _, _ =	vpop (xrf0);
	v15 =	vadd.s32 v24, v15;
	v24 =	vadd.s32 v23, v24  }
0x1ea: {  	v28 =	vbroadcast v26, $0xF;
	v26 =	vsub.s32 v10, v26;
	v27 =	vadd.s32 v24, v25  }
0x1eb: {  	v16 =	vsub.s32 v9, v16;
	vm7 =	vgt.s32 v15, v0;
	v15 =	vld [tilespmem:$0xFB90];
	v26 =	vadd.s32 v27, v26  }
0x1ec: {  	v21 =	vmpcnt.ones.xlane vm4;
	v16 =	vadd.s32 v24, v16;
	v26 =	vadd.s32 v28, v26  }
0x1ed: {  	v22 =	vmpcnt.ones.xlane vm5;
	v23 =	vmpcnt.ones.xlane vm6;
	v25 =	vadd.s32 v25, v16;
	v16 =	vld [tilespmem:$0xFB80];
	v29, _, _ =	vpop (xrf0);
	(xrf0) =	vadd.scan.msk.s32 $0xffff, v13  }
0x1ee: {  	v27 =	vadd.s32 v27, v28;
	v30 =	vbroadcast v29, $0xF;
	v29 =	vsub.s32 v11, v29;
	(xrf0) =	vadd.scan.msk.s32 $0xffff, v14  }
0x1ef: {  	vm8 =	vgt.s32 v25, v0;
	vm9 =	vgt.s32 v26, v0;
	v28 =	vadd.s32 v27, v29;
	v26, _, _ =	vpop (xrf0)  }
0x1f0: {  	v28 =	vadd.s32 v30, v28;
	(xrf0) =	vadd.scan.msk.s32 $0xffff, v15;
	v29 =	vadd.s32 v27, v30;
	v30 =	vbroadcast v26, $0xF  }
0x1f1: {  	v24 =	vmpcnt.ones.xlane vm7;
	v25 =	vmpcnt.ones.xlane vm8;
	v27 =	vsub.s32 v12, v26  }
0x1f2: {  	v26 =	vmpcnt.ones.xlane vm9;
	vm10 =	vgt.s32 v28, v0;
	(xrf0) =	vadd.scan.msk.s32 $0xffff, v16;
	v28 =	vadd.s32 v29, v27  }
0x1f3: {  	v27 =	vmpcnt.ones.xlane vm10;
	v28 =	vadd.s32 v30, v28;
	v29 =	vadd.s32 v29, v30;
	v31, _, _ =	vpop (xrf0)  }
0x1f4: {  	vm11 =	vgt.s32 v28, v0;
	v30, _, _ =	vpop (xrf0);
	v32 =	vbroadcast v31, $0xF;
	v31 =	vsub.s32 v13, v31  }
0x1f5: {  	v28 =	vmpcnt.ones.xlane vm11;
	v31 =	vadd.s32 v29, v31;
	v33 =	vbroadcast v30, $0xF  }
0x1f6: {  	v34, _, _ =	vpop (xrf0);
	v30 =	vsub.s32 v14, v30;
	v31 =	vadd.s32 v32, v31;
	v29 =	vadd.s32 v29, v32  }
0x1f7: {  	v61 =	vbroadcast v34, $0xF;
	v30 =	vadd.s32 v29, v30;
	v29 =	vadd.s32 v29, v33  }
0x1f8: {  	v62, _, _ =	vpop (xrf0);
	vm12 =	vgt.s32 v31, v0;
	v31 =	vadd.s32 v33, v30;
	v30 =	vadd.s32 v29, v16  }
0x1f9: {  	v34 =	vsub.s32 v15, v34;
	v35 =	vbroadcast v62, $0xF;
	v36 =	vadd.s32 v61, v30  }
0x1fa: {  	v29 =	vadd.s32 v29, v34;
	v30 =	vmpcnt.ones.xlane vm12;
	v33 =	vsub.s32 v36, v62  }
0x1fb: {  	vm13 =	vgt.s32 v31, v0;
	v29 =	vadd.s32 v61, v29;
	v63 =	vadd.s32 v35, v33  }
0x1fc: {  	v31 =	vmpcnt.ones.xlane vm13;
	vm15 =	vgt.s32 v29, v0;
	vm14 =	vgt.s32 v63, v0  }
0x1fd: {  	s12 =	simm.s32 $0x100;
	s11 =	simm.s32 $0x0;
	v29 =	vimm.s32 $0x0;
	v32 =	vmpcnt.ones.xlane vm15;
	v33 =	vmpcnt.ones.xlane vm14  }
.LBB2_19:
0x1fe: {  	p0 =	sne.s32 s12, $0x3F00;
	[tilespmem:s11+$0xEBB0] =	vst v29;
	s13 =	smov.u32 s12;
	s12 =	sadd.s32 $0x100, s12  }
.Ltmp9:
0x1ff: {  	[tilespmem:s11+$0xEBA0] =	vst v29;
	(pc) =	sbr.rel @p0 .LBB2_19-.Ltmp9, $3  }
0x200: {  	[tilespmem:s11+$0xEB80] =	vst v29  }
0x201: {  	[tilespmem:s11+$0xEB90] =	vst v29;
	_ =	sdelay $0x1  }
0x202: {  	s11 =	sshra.s32 s13, $0x2  }
0x203: {  	v17 =	vadd.s32 v17, v18  }
0x204: {  	v17 =	vadd.s32 v19, v17  }
0x205: {  	v17 =	vadd.s32 v20, v17  }
0x206: {  	v17 =	vadd.s32 v21, v17  }
0x207: {  	v17 =	vadd.s32 v22, v17  }
0x208: {  	v17 =	vadd.s32 v23, v17  }
0x209: {  	v17 =	vadd.s32 v24, v17  }
0x20a: {  	v17 =	vadd.s32 v25, v17  }
0x20b: {  	v17 =	vadd.s32 v26, v17  }
0x20c: {  	v17 =	vadd.s32 v27, v17  }
0x20d: {  	v17 =	vadd.s32 v28, v17  }
0x20e: {  	v17 =	vadd.s32 v30, v17  }
0x20f: {  	v17 =	vadd.s32 v31, v17  }
0x210: {  	v17 =	vadd.s32 v32, v17  }
0x211: {  	v17 =	vadd.s32 v33, v17  }
0x212: {  	(v2sf) =	vpush v17, $0x0;
	_ =	sdelay $0xe  }
0x213: {  	[tilespmem:s11+$0xEBB0] =	vst v29;
	s10 =	sshll.u32 s10, $0x8;
	s12 =	spop (v2sf)  }
0x214: {  	[tilespmem:s11+$0xEBA0] =	vst v29;
	s10 =	sadd.s32 s12, s10  }
0x215: {  	[tilespmem:s11+$0xEB80] =	vst v29;
	v18 =	vlaneseq.u32;
	s10 =	sadd.s32 $0xFFFFFFFF, s10  }
0x216: {  	[tilespmem:s11+$0xEB90] =	vst v29;
	s11 =	simm.s32 $0x0;
	s13 =	simm.s32 $0xEB80;
	v18 =	vmul.u32 $0x100, v18;
	v19 =	vimm.s32 $0x1;
	s12 =	simm.s32 $0x0;
	v17 =	vmov s10  }
.LBB2_21:
0x217: {  	s14 =	sshra.s32 s12, $0x2  }
0x218: {  	v20 =	vld [tilespmem:s14+$0x0];
	_ =	sdelay $0x4  }
0x219: {  	v21 =	vshrl.u32 v20, $0x8;
	v20 =	vshrl.u32 v20, $0x10  }
0x21a: {  	vm0 =	veq.s32 v20, v17;
	v20 =	vand.u32 $0xFF, v21  }
0x21b: {  	v20 =	vor.u32 v18, v20;
	_ =	sdelay $0x4  }
0x21c: {  	[tilespmem:v20+s13+$0x0] =	vst.idx.add.s32.msk vm0, v19  }
0x21d: {  	v20 =	vld [tilespmem:s14+$0x10];
	_ =	sdelay $0x4  }
0x21e: {  	v60 =	vshrl.u32 v20, $0x8;
	v20 =	vshrl.u32 v20, $0x10  }
0x21f: {  	vm0 =	veq.s32 v20, v17;
	v20 =	vand.u32 $0xFF, v60  }
0x220: {  	v20 =	vor.u32 v18, v20;
	_ =	sdelay $0x4  }
0x221: {  	[tilespmem:v20+s13+$0x0] =	vst.idx.add.s32.msk vm0, v19  }
0x222: {  	v20 =	vld [tilespmem:s14+$0x20];
	_ =	sdelay $0x4  }
0x223: {  	v61 =	vshrl.u32 v20, $0x8;
	v20 =	vshrl.u32 v20, $0x10  }
0x224: {  	vm0 =	veq.s32 v20, v17;
	v20 =	vand.u32 $0xFF, v61  }
0x225: {  	v20 =	vor.u32 v18, v20;
	_ =	sdelay $0x4  }
0x226: {  	[tilespmem:v20+s13+$0x0] =	vst.idx.add.s32.msk vm0, v19  }
0x227: {  	v20 =	vld [tilespmem:s14+$0x30];
	_ =	sdelay $0x4  }
0x228: {  	v62 =	vshrl.u32 v20, $0x8;
	v20 =	vshrl.u32 v20, $0x10  }
0x229: {  	vm0 =	veq.s32 v20, v17;
	v20 =	vand.u32 $0xFF, v62  }
0x22a: {  	v20 =	vor.u32 v18, v20;
	_ =	sdelay $0x4  }
0x22b: {  	[tilespmem:v20+s13+$0x0] =	vst.idx.add.s32.msk vm0, v19  }
0x22c: {  	v20 =	vld [tilespmem:s14+$0x40];
	_ =	sdelay $0x4  }
0x22d: {  	v63 =	vshrl.u32 v20, $0x8;
	v20 =	vshrl.u32 v20, $0x10  }
0x22e: {  	vm0 =	veq.s32 v20, v17;
	v20 =	vand.u32 $0xFF, v63  }
0x22f: {  	p0 =	sne.s32 s12, $0x13740;
	v20 =	vor.u32 v18, v20  }
.Ltmp10:
0x230: {  	_ = 	snop;
	(pc) =	sbr.rel @p0 .LBB2_21-.Ltmp10, $2  }
0x231: {  	_ =	sdelay $0x2  }
0x232: {  	s12 =	sadd.s32 $0x140, s12;
	[tilespmem:v20+s13+$0x0] =	vst.idx.add.s32.msk vm0, v19  }
0x233: {  	s11 =	sand.u32 $0xF0, s11;
	v18 =	vld [tilespmem:s13+$0x0]  }
0x234: {  	v17 =	vld [tilespmem:s11+$0xEC80]  }
0x235: {  	v19 =	vld [tilespmem:s11+$0xED80]  }
0x236: {  	v20 =	vld [tilespmem:s11+$0xEE80]  }
0x237: {  	v21 =	vld [tilespmem:s11+$0xEF80]  }
0x238: {  	v22 =	vld [tilespmem:s11+$0xF080]  }
0x239: {  	v17 =	vadd.s32 v18, v17;
	v18 =	vld [tilespmem:s11+$0xF180]  }
0x23a: {  	v17 =	vadd.s32 v19, v17;
	v19 =	vld [tilespmem:s11+$0xF280]  }
0x23b: {  	v58 =	vld [tilespmem:s11+$0xF380];
	v17 =	vadd.s32 v20, v17  }
0x23c: {  	v59 =	vld [tilespmem:s11+$0xF480];
	v17 =	vadd.s32 v21, v17  }
0x23d: {  	v60 =	vld [tilespmem:s11+$0xF580];
	v17 =	vadd.s32 v22, v17  }
0x23e: {  	v17 =	vadd.s32 v18, v17;
	v18 =	vld [tilespmem:s11+$0xF680]  }
0x23f: {  	v17 =	vadd.s32 v19, v17;
	v19 =	vld [tilespmem:s11+$0xF780]  }
0x240: {  	v61 =	vld [tilespmem:s11+$0xF880];
	v17 =	vadd.s32 v58, v17  }
0x241: {  	v62 =	vld [tilespmem:s11+$0xF980];
	v17 =	vadd.s32 v59, v17  }
0x242: {  	v63 =	vld [tilespmem:s11+$0xFA80];
	v17 =	vadd.s32 v60, v17  }
0x243: {  	v17 =	vadd.s32 v18, v17  }
0x244: {  	v17 =	vadd.s32 v19, v17  }
0x245: {  	v17 =	vadd.s32 v61, v17  }
0x246: {  	v17 =	vadd.s32 v62, v17  }
0x247: {  	s12 =	simm.s32 $0x10;
	s11 =	simm.s32 $0xFB80;
	v17 =	vadd.s32 v63, v17  }
0x248: {  	s12 =	sand.u32 $0xF0, s12;
	[tilespmem:s11+$0x0] =	vst v17  }
0x249: {  	s14 =	simm.s32 $0x20;
	s13 =	simm.s32 $0xEB90;
	v17 =	vld [tilespmem:s12+$0xEC80]  }
.LBB2_23:
0x24a: {  	p0 =	sne.s32 s14, $0xF0;
	v18 =	vld [tilespmem:s13+$0x0]  }
0x24b: {  	v19 =	vld [tilespmem:s12+$0xED80]  }
0x24c: {  	v20 =	vld [tilespmem:s12+$0xEE80]  }
0x24d: {  	v21 =	vld [tilespmem:s12+$0xEF80]  }
0x24e: {  	v22 =	vld [tilespmem:s12+$0xF080]  }
0x24f: {  	v17 =	vadd.s32 v18, v17;
	v18 =	vld [tilespmem:s12+$0xF180]  }
0x250: {  	v17 =	vadd.s32 v19, v17;
	v19 =	vld [tilespmem:s12+$0xF280]  }
0x251: {  	v17 =	vadd.s32 v20, v17;
	v20 =	vld [tilespmem:s12+$0xF380]  }
0x252: {  	v17 =	vadd.s32 v21, v17;
	v21 =	vld [tilespmem:s12+$0xF480]  }
0x253: {  	v17 =	vadd.s32 v22, v17;
	v22 =	vld [tilespmem:s12+$0xF580]  }
0x254: {  	v17 =	vadd.s32 v18, v17;
	v18 =	vld [tilespmem:s12+$0xF680]  }
0x255: {  	v17 =	vadd.s32 v19, v17;
	v19 =	vld [tilespmem:s12+$0xF780]  }
0x256: {  	v17 =	vadd.s32 v20, v17;
	v20 =	vld [tilespmem:s12+$0xF880]  }
0x257: {  	v17 =	vadd.s32 v21, v17;
	v21 =	vld [tilespmem:s12+$0xF980]  }
0x258: {  	v17 =	vadd.s32 v22, v17;
	v22 =	vld [tilespmem:s12+$0xFA80]  }
0x259: {  	v17 =	vadd.s32 v18, v17  }
0x25a: {  	v17 =	vadd.s32 v19, v17  }
.Ltmp11:
0x25b: {  	v17 =	vadd.s32 v20, v17;
	(pc) =	sbr.rel @p0 .LBB2_23-.Ltmp11, $4  }
0x25c: {  	v17 =	vadd.s32 v21, v17  }
0x25d: {  	s11 =	sadd.s32 $0x10, s11;
	v17 =	vadd.s32 v22, v17  }
0x25e: {  	s12 =	sand.u32 $0xF0, s14;
	[tilespmem:s11+$0x0] =	vst v17  }
0x25f: {  	s13 =	sadd.s32 $0x10, s13;
	s14 =	sadd.s32 $0x10, s14;
	v17 =	vld [tilespmem:s12+$0xEC80]  }
0x260: {  	v18 =	vld [tilespmem:s13+$0x0]  }
0x261: {  	v19 =	vld [tilespmem:s12+$0xED80]  }
0x262: {  	v20 =	vld [tilespmem:s12+$0xEE80]  }
0x263: {  	v21 =	vld [tilespmem:s12+$0xEF80]  }
0x264: {  	v22 =	vld [tilespmem:s12+$0xF080]  }
0x265: {  	v17 =	vadd.s32 v18, v17;
	v18 =	vld [tilespmem:s12+$0xF180]  }
0x266: {  	v17 =	vadd.s32 v19, v17;
	v19 =	vld [tilespmem:s12+$0xF280]  }
0x267: {  	v49 =	vld [tilespmem:s12+$0xF380];
	v17 =	vadd.s32 v20, v17  }
0x268: {  	v50 =	vld [tilespmem:s12+$0xF480];
	v17 =	vadd.s32 v21, v17  }
0x269: {  	v51 =	vld [tilespmem:s12+$0xF580];
	v17 =	vadd.s32 v22, v17  }
0x26a: {  	v17 =	vadd.s32 v18, v17;
	v18 =	vld [tilespmem:s12+$0xF680]  }
0x26b: {  	v17 =	vadd.s32 v19, v17;
	v19 =	vld [tilespmem:s12+$0xF780]  }
0x26c: {  	v52 =	vld [tilespmem:s12+$0xF880];
	v17 =	vadd.s32 v49, v17  }
0x26d: {  	v53 =	vld [tilespmem:s12+$0xF980];
	v17 =	vadd.s32 v50, v17  }
0x26e: {  	v54 =	vld [tilespmem:s12+$0xFA80];
	v17 =	vadd.s32 v51, v17  }
0x26f: {  	v17 =	vadd.s32 v18, v17  }
0x270: {  	v17 =	vadd.s32 v19, v17  }
0x271: {  	v17 =	vadd.s32 v52, v17  }
0x272: {  	v17 =	vadd.s32 v53, v17  }
0x273: {  	s11 =	sadd.s32 $0x10, s11;
	s21 =	sadd.s32 $0x2000, s9;
	s22 =	simm.s32 $0x80;
	v17 =	vadd.s32 v54, v17  }
0x274: {  	s14 =	simm.s32 $0x400;
	s23 =	simm.s32 $0x3;
	[tilespmem:s11+$0x0] =	vst v17;
	s11 =	simm.s32 $0xFB80  }
0x275: {  	[spmem:s21] =	stream.strided.scatter [tilespmem:s11], [sflag:$0x3], $0x100, s14, s22, $0x38;
	[tilespmem:$0x18B80] =	vst v63  }
0x276: {  	_ =	swait.ge [sflag:s23], $0x100  }
0x277: {  	[sflag:s23] =	ssyncset.done $0x0  }
0x278: {  	[sflag:s23] =	ssyncadd.s32 $0xFFFFFF00  }
0x279: {  	s24 =	sadd.s32 $0x2000, s8;
	s25 =	simm.s32 $0xFC80;
	[bflag:$0x0] =	sbarrier.arrive $0xFFFF  }
0x27a: {  	[tilespmem:s25], [sflag:$0x3] =	stream.linear.gather [spmem:s24], $0x1000, $0x38;
	[tilespmem:$0x18B80] =	vst v63  }
0x27b: {  	s26 =	simm.s32 $0x0;
	_ =	swait.ge [sflag:s23], $0x1000  }
0x27c: {  	s28 =	sand.u32 $0x70, s26;
	s13 =	sand.u32 $0x400, s26;
	[sflag:s23] =	ssyncset.done $0x0  }
0x27d: {  	s29 =	sor.u32 s28, s13;
	[sflag:s23] =	ssyncadd.s32 $0xFFFFF000  }
0x27e: {  	v17 =	vld [tilespmem:s29+$0xFD00]  }
0x27f: {  	v18 =	vld [tilespmem:s29+$0xFC80]  }
0x280: {  	v19 =	vld [tilespmem:s29+$0xFD80]  }
0x281: {  	v55 =	vld [tilespmem:s29+$0xFE00]  }
0x282: {  	v56 =	vld [tilespmem:s29+$0xFE80]  }
0x283: {  	v57 =	vld [tilespmem:s29+$0xFF00]  }
0x284: {  	s13 =	sadd.s32 $0xFC80, s29;
	v17 =	vadd.s32 v18, v17;
	v18 =	vld [tilespmem:s29+$0xFF80]  }
0x285: {  	v17 =	vadd.s32 v19, v17;
	v19 =	vld [tilespmem:s13+$0x380]  }
0x286: {  	v58 =	vld [tilespmem:s29+$0x10480];
	v17 =	vadd.s32 v55, v17  }
0x287: {  	v59 =	vld [tilespmem:s29+$0x10500];
	v17 =	vadd.s32 v56, v17  }
0x288: {  	v60 =	vld [tilespmem:s29+$0x10580];
	v17 =	vadd.s32 v57, v17  }
0x289: {  	v17 =	vadd.s32 v18, v17;
	v18 =	vld [tilespmem:s29+$0x10600]  }
0x28a: {  	v17 =	vadd.s32 v19, v17;
	v19 =	vld [tilespmem:s29+$0x10680]  }
0x28b: {  	v61 =	vld [tilespmem:s29+$0x10700];
	v17 =	vadd.s32 v58, v17  }
0x28c: {  	v62 =	vld [tilespmem:s29+$0x10780];
	v17 =	vadd.s32 v59, v17  }
0x28d: {  	v63 =	vld [tilespmem:s29+$0x10800];
	v17 =	vadd.s32 v60, v17  }
0x28e: {  	v17 =	vadd.s32 v18, v17  }
0x28f: {  	v17 =	vadd.s32 v19, v17  }
0x290: {  	v17 =	vadd.s32 v61, v17  }
0x291: {  	s30 =	simm.s32 $0x10;
	s13 =	simm.s32 $0x80;
	v17 =	vadd.s32 v62, v17  }
0x292: {  	s12 =	sand.u32 $0x70, s30;
	s31 =	sand.u32 $0x400, s13;
	v17 =	vadd.s32 v63, v17  }
0x293: {  	s14 =	simm.s32 $0x20;
	s12 =	sor.u32 s12, s31;
	[tilespmem:s11+$0x0] =	vst v17  }
.LBB2_25:
0x294: {  	p0 =	sne.s32 s14, $0xF0;
	v17 =	vld [tilespmem:s12+$0xFD00]  }
0x295: {  	v18 =	vld [tilespmem:s12+$0xFC80]  }
0x296: {  	v19 =	vld [tilespmem:s12+$0xFD80]  }
0x297: {  	v20 =	vld [tilespmem:s12+$0xFE00]  }
0x298: {  	v21 =	vld [tilespmem:s12+$0xFE80]  }
0x299: {  	v22 =	vld [tilespmem:s12+$0xFF00]  }
0x29a: {  	s15 =	sadd.s32 $0xFC80, s12;
	v17 =	vadd.s32 v18, v17;
	v18 =	vld [tilespmem:s12+$0xFF80]  }
0x29b: {  	v17 =	vadd.s32 v19, v17;
	v19 =	vld [tilespmem:s15+$0x380]  }
0x29c: {  	v17 =	vadd.s32 v20, v17;
	v20 =	vld [tilespmem:s12+$0x10480]  }
0x29d: {  	v17 =	vadd.s32 v21, v17;
	v21 =	vld [tilespmem:s12+$0x10500]  }
0x29e: {  	v17 =	vadd.s32 v22, v17;
	v22 =	vld [tilespmem:s12+$0x10580]  }
0x29f: {  	v17 =	vadd.s32 v18, v17;
	v18 =	vld [tilespmem:s12+$0x10600]  }
0x2a0: {  	v17 =	vadd.s32 v19, v17;
	v19 =	vld [tilespmem:s12+$0x10680]  }
0x2a1: {  	v17 =	vadd.s32 v20, v17;
	v20 =	vld [tilespmem:s12+$0x10700]  }
0x2a2: {  	v17 =	vadd.s32 v21, v17;
	v21 =	vld [tilespmem:s12+$0x10780]  }
0x2a3: {  	v17 =	vadd.s32 v22, v17;
	v22 =	vld [tilespmem:s12+$0x10800]  }
0x2a4: {  	v17 =	vadd.s32 v18, v17  }
.Ltmp12:
0x2a5: {  	v17 =	vadd.s32 v19, v17;
	(pc) =	sbr.rel @p0 .LBB2_25-.Ltmp12, $4  }
0x2a6: {  	v17 =	vadd.s32 v20, v17  }
0x2a7: {  	s13 =	sadd.s32 $0x80, s13;
	v17 =	vadd.s32 v21, v17  }
0x2a8: {  	s11 =	sadd.s32 $0x10, s11;
	s15 =	sand.u32 $0x400, s13;
	s12 =	sand.u32 $0x70, s14;
	v17 =	vadd.s32 v22, v17  }
0x2a9: {  	s14 =	sadd.s32 $0x10, s14;
	s12 =	sor.u32 s12, s15;
	[tilespmem:s11+$0x0] =	vst v17  }
0x2aa: {  	v17 =	vld [tilespmem:s12+$0xFD00]  }
0x2ab: {  	v18 =	vld [tilespmem:s12+$0xFC80]  }
0x2ac: {  	v19 =	vld [tilespmem:s12+$0xFD80]  }
0x2ad: {  	v20 =	vld [tilespmem:s12+$0xFE00]  }
0x2ae: {  	v21 =	vld [tilespmem:s12+$0xFE80]  }
0x2af: {  	v23 =	vld [tilespmem:$0x1FFE0]  }
0x2b0: {  	v22 =	vld [tilespmem:s12+$0xFF00]  }
0x2b1: {  	s13 =	sadd.s32 $0xFC80, s12;
	v17 =	vadd.s32 v18, v17;
	v18 =	vld [tilespmem:s12+$0xFF80]  }
0x2b2: {  	v17 =	vadd.s32 v19, v17;
	v19 =	vld [tilespmem:s13+$0x380]  }
0x2b3: {  	v17 =	vadd.s32 v20, v17;
	v20 =	vld [tilespmem:s12+$0x10480]  }
0x2b4: {  	vm0 =	vnez.u8 v23;
	v17 =	vadd.s32 v21, v17;
	v21 =	vld [tilespmem:s12+$0x10500]  }
0x2b5: {  	v5 =	vsel vm1, $0x0, v5;
	v2 =	vsel vm0, $0x0, v2;
	v17 =	vadd.s32 v22, v17;
	v22 =	vld [tilespmem:s12+$0x10580]  }
0x2b6: {  	v2 =	vadd.s32 v2, v5;
	v5 =	vsel vm2, $0x0, v6;
	v17 =	vadd.s32 v18, v17;
	v18 =	vld [tilespmem:s12+$0x10600]  }
0x2b7: {  	v4 =	vsel vm3, $0x0, v4;
	v2 =	vadd.s32 v5, v2;
	v6 =	vadd.s32 v19, v17;
	v17 =	vld [tilespmem:s12+$0x10680]  }
0x2b8: {  	v1 =	vsel vm4, $0x0, v1;
	v2 =	vadd.s32 v4, v2;
	v5 =	vadd.s32 v20, v6;
	v6 =	vld [tilespmem:s12+$0x10700]  }
0x2b9: {  	v1 =	vadd.s32 v1, v2;
	v2 =	vsel vm5, $0x0, v3;
	v4 =	vadd.s32 v21, v5;
	v5 =	vld [tilespmem:s12+$0x10780]  }
0x2ba: {  	v1 =	vadd.s32 v2, v1;
	v2 =	vsel vm6, $0x0, v7;
	v3 =	vadd.s32 v22, v4;
	v4 =	vld [tilespmem:s12+$0x10800]  }
0x2bb: {  	v1 =	vadd.s32 v2, v1;
	v2 =	vsel vm7, $0x0, v8;
	v3 =	vadd.s32 v18, v3  }
0x2bc: {  	v1 =	vadd.s32 v2, v1;
	v2 =	vsel vm8, $0x0, v9;
	v3 =	vadd.s32 v17, v3  }
0x2bd: {  	v1 =	vadd.s32 v2, v1;
	v2 =	vsel vm9, $0x0, v10;
	v3 =	vadd.s32 v6, v3  }
0x2be: {  	v1 =	vadd.s32 v2, v1;
	v2 =	vsel vm10, $0x0, v11;
	v3 =	vadd.s32 v5, v3  }
0x2bf: {  	s11 =	sadd.s32 $0x10, s11;
	v1 =	vadd.s32 v2, v1;
	v2 =	vsel vm11, $0x0, v12;
	v3 =	vadd.s32 v4, v3  }
0x2c0: {  	v1 =	vadd.s32 v2, v1;
	v2 =	vsel vm12, $0x0, v13;
	[tilespmem:s11+$0x0] =	vst v3  }
0x2c1: {  	v1 =	vadd.s32 v2, v1;
	v3 =	vsel vm13, $0x0, v14;
	v2 =	vld [tilespmem:$0xFC70]  }
0x2c2: {  	v1 =	vadd.s32 v3, v1;
	v3 =	vsel vm15, $0x0, v15;
	v5 =	vld [tilespmem:$0xFC60]  }
0x2c3: {  	v1 =	vadd.s32 v3, v1;
	v3 =	vsel vm14, $0x0, v16  }
0x2c4: {  	v1 =	vadd.s32 v3, v1  }
0x2c5: {  	v6 =	vld [tilespmem:$0xFC50];
	(xrf0) =	vadd.scan.msk.s32 $0xffff, v1  }
0x2c6: {  	(xrf0) =	vadd.scan.msk.s32 $0xffff, v2  }
0x2c7: {  	(xrf0) =	vadd.scan.msk.s32 $0xffff, v5;
	_ =	sdelay $0x1  }
0x2c8: {  	v4 =	vld [tilespmem:$0xFC40]  }
0x2c9: {  	(xrf0) =	vadd.scan.msk.s32 $0xffff, v6  }
0x2ca: {  	v1 =	vld [tilespmem:$0xFC30];
	v7, _, _ =	vpop (xrf0)  }
0x2cb: {  	v8, _, _ =	vpop (xrf0)  }
0x2cc: {  	v10 =	vbroadcast v7, $0xF;
	v9 =	vbroadcast v8, $0xF;
	v11, _, _ =	vpop (xrf0)  }
0x2cd: {  	(xrf0) =	vadd.scan.msk.s32 $0xffff, v4;
	v12 =	vbroadcast v11, $0xF  }
0x2ce: {  	v3 =	vld [tilespmem:$0xFC20];
	v8 =	vsub.s32 v2, v8;
	v0 =	vsub.s32 v0, v10;
	v13 =	vadd.s32 v5, v9  }
0x2cf: {  	(xrf0) =	vadd.scan.msk.s32 $0xffff, v1;
	v8 =	vadd.s32 v9, v8;
	v10 =	vsub.s32 v13, v11;
	v11, _, _ =	vpop (xrf0);
	v9 =	vadd.s32 v9, v12  }
0x2d0: {  	v7 =	vld [tilespmem:$0xFC10];
	v10 =	vadd.s32 v12, v10;
	v12 =	vbroadcast v11, $0xF;
	v11 =	vsub.s32 v6, v11  }
0x2d1: {  	vm0 =	vgt.s32 v8, v0  }
0x2d2: {  	v13 =	vimm.s32 $0x0;
	vm1 =	vgt.s32 v10, v0;
	v10 =	vadd.s32 v9, v11  }
0x2d3: {  	(xrf0) =	vadd.scan.msk.s32 $0xffff, v3;
	v13 =	vsel vm0, $0xFFFFFFFF, v13;
	v11, _, _ =	vpop (xrf0)  }
0x2d4: {  	v8 =	vld [tilespmem:$0xFC00];
	[tilespmem:$0x1FFD0] =	vst v13;
	v13 =	vadd.s32 v9, v12;
	v14 =	vbroadcast v11, $0xF;
	v11 =	vsub.s32 v4, v11  }
0x2d5: {  	v9 =	vld [tilespmem:$0xFBF0];
	v12 =	vadd.s32 v12, v10;
	(xrf0) =	vadd.scan.msk.s32 $0xffff, v7;
	v10, _, _ =	vpop (xrf0);
	v11 =	vadd.s32 v13, v11  }
0x2d6: {  	v15 =	vbroadcast v10, $0xF;
	v16 =	vsub.s32 v1, v10;
	v13 =	vadd.s32 v13, v14  }
0x2d7: {  	vm2 =	vgt.s32 v12, v0;
	v10 =	vld [tilespmem:$0xFBE0];
	v12 =	vadd.s32 v13, v16  }
0x2d8: {  	v12 =	vadd.s32 v15, v12  }
0x2d9: {  	(xrf0) =	vadd.scan.msk.s32 $0xffff, v8;
	v11 =	vadd.s32 v14, v11  }
0x2da: {  	vm3 =	vgt.s32 v11, v0;
	v14, _, _ =	vpop (xrf0);
	(xrf0) =	vadd.scan.msk.s32 $0xffff, v9  }
0x2db: {  	v11 =	vld [tilespmem:$0xFBD0];
	v13 =	vadd.s32 v13, v15;
	v15 =	vbroadcast v14, $0xF;
	vm4 =	vgt.s32 v12, v0;
	v12, _, _ =	vpop (xrf0)  }
0x2dc: {  	v14 =	vsub.s32 v3, v14;
	(xrf0) =	vadd.scan.msk.s32 $0xffff, v10;
	v16 =	vbroadcast v12, $0xF;
	v22 =	vsub.s32 v7, v12  }
0x2dd: {  	v17 =	vmpcnt.ones.xlane vm0;
	v18 =	vmpcnt.ones.xlane vm1;
	v14 =	vadd.s32 v13, v14;
	v12 =	vld [tilespmem:$0xFBC0]  }
0x2de: {  	v19 =	vmpcnt.ones.xlane vm2;
	v13 =	vadd.s32 v13, v15;
	v14 =	vadd.s32 v15, v14  }
0x2df: {  	vm5 =	vgt.s32 v14, v0;
	v15 =	vadd.s32 v13, v22;
	v23 =	vadd.s32 v13, v16;
	v22, _, _ =	vpop (xrf0)  }
0x2e0: {  	v14 =	vadd.s32 v16, v15;
	(xrf0) =	vadd.scan.msk.s32 $0xffff, v11;
	v24 =	vbroadcast v22, $0xF;
	v13 =	vsub.s32 v8, v22;
	v16, _, _ =	vpop (xrf0)  }
0x2e1: {  	v20 =	vmpcnt.ones.xlane vm3;
	v15 =	vadd.s32 v23, v13;
	v13 =	vld [tilespmem:$0xFBB0];
	v25 =	vbroadcast v16, $0xF  }
0x2e2: {  	vm6 =	vgt.s32 v14, v0;
	v14 =	vld [tilespmem:$0xFBA0];
	(xrf0) =	vadd.scan.msk.s32 $0xffff, v12;
	v26, _, _ =	vpop (xrf0);
	v15 =	vadd.s32 v24, v15;
	v24 =	vadd.s32 v23, v24  }
0x2e3: {  	v28 =	vbroadcast v26, $0xF;
	v26 =	vsub.s32 v10, v26;
	v27 =	vadd.s32 v24, v25  }
0x2e4: {  	v16 =	vsub.s32 v9, v16;
	vm7 =	vgt.s32 v15, v0;
	v15 =	vld [tilespmem:$0xFB90];
	v26 =	vadd.s32 v27, v26  }
0x2e5: {  	v21 =	vmpcnt.ones.xlane vm4;
	v16 =	vadd.s32 v24, v16;
	v26 =	vadd.s32 v28, v26  }
0x2e6: {  	v22 =	vmpcnt.ones.xlane vm5;
	v23 =	vmpcnt.ones.xlane vm6;
	v25 =	vadd.s32 v25, v16;
	v16 =	vld [tilespmem:$0xFB80];
	v29, _, _ =	vpop (xrf0);
	(xrf0) =	vadd.scan.msk.s32 $0xffff, v13  }
0x2e7: {  	v27 =	vadd.s32 v27, v28;
	v30 =	vbroadcast v29, $0xF;
	v29 =	vsub.s32 v11, v29;
	(xrf0) =	vadd.scan.msk.s32 $0xffff, v14  }
0x2e8: {  	vm8 =	vgt.s32 v25, v0;
	vm9 =	vgt.s32 v26, v0;
	v28 =	vadd.s32 v27, v29;
	v26, _, _ =	vpop (xrf0)  }
0x2e9: {  	v28 =	vadd.s32 v30, v28;
	(xrf0) =	vadd.scan.msk.s32 $0xffff, v15;
	v29 =	vadd.s32 v27, v30;
	v30 =	vbroadcast v26, $0xF  }
0x2ea: {  	v24 =	vmpcnt.ones.xlane vm7;
	v25 =	vmpcnt.ones.xlane vm8;
	v27 =	vsub.s32 v12, v26  }
0x2eb: {  	v26 =	vmpcnt.ones.xlane vm9;
	vm10 =	vgt.s32 v28, v0;
	(xrf0) =	vadd.scan.msk.s32 $0xffff, v16;
	v28 =	vadd.s32 v29, v27  }
0x2ec: {  	v27 =	vmpcnt.ones.xlane vm10;
	v28 =	vadd.s32 v30, v28;
	v29 =	vadd.s32 v29, v30;
	v31, _, _ =	vpop (xrf0)  }
0x2ed: {  	vm11 =	vgt.s32 v28, v0;
	v30, _, _ =	vpop (xrf0);
	v32 =	vbroadcast v31, $0xF;
	v31 =	vsub.s32 v13, v31  }
0x2ee: {  	v28 =	vmpcnt.ones.xlane vm11;
	v31 =	vadd.s32 v29, v31;
	v33 =	vbroadcast v30, $0xF  }
0x2ef: {  	v34, _, _ =	vpop (xrf0);
	v30 =	vsub.s32 v14, v30;
	v31 =	vadd.s32 v32, v31;
	v29 =	vadd.s32 v29, v32  }
0x2f0: {  	v61 =	vbroadcast v34, $0xF;
	v30 =	vadd.s32 v29, v30;
	v29 =	vadd.s32 v29, v33  }
0x2f1: {  	v62, _, _ =	vpop (xrf0);
	vm12 =	vgt.s32 v31, v0;
	v31 =	vadd.s32 v33, v30;
	v30 =	vadd.s32 v29, v16  }
0x2f2: {  	v34 =	vsub.s32 v15, v34;
	v35 =	vbroadcast v62, $0xF;
	v36 =	vadd.s32 v61, v30  }
0x2f3: {  	v29 =	vadd.s32 v29, v34;
	v30 =	vmpcnt.ones.xlane vm12;
	v33 =	vsub.s32 v36, v62  }
0x2f4: {  	vm13 =	vgt.s32 v31, v0;
	v29 =	vadd.s32 v61, v29;
	v63 =	vadd.s32 v35, v33  }
0x2f5: {  	v31 =	vmpcnt.ones.xlane vm13;
	vm15 =	vgt.s32 v29, v0;
	vm14 =	vgt.s32 v63, v0  }
0x2f6: {  	s12 =	simm.s32 $0x100;
	s11 =	simm.s32 $0x0;
	v29 =	vimm.s32 $0x0;
	v32 =	vmpcnt.ones.xlane vm15;
	v33 =	vmpcnt.ones.xlane vm14  }
.LBB2_27:
0x2f7: {  	p0 =	sne.s32 s12, $0x3F00;
	[tilespmem:s11+$0xEBB0] =	vst v29;
	s13 =	smov.u32 s12;
	s12 =	sadd.s32 $0x100, s12  }
.Ltmp13:
0x2f8: {  	[tilespmem:s11+$0xEBA0] =	vst v29;
	(pc) =	sbr.rel @p0 .LBB2_27-.Ltmp13, $3  }
0x2f9: {  	[tilespmem:s11+$0xEB80] =	vst v29  }
0x2fa: {  	[tilespmem:s11+$0xEB90] =	vst v29;
	_ =	sdelay $0x1  }
0x2fb: {  	s11 =	sshra.s32 s13, $0x2  }
0x2fc: {  	v17 =	vadd.s32 v17, v18  }
0x2fd: {  	v17 =	vadd.s32 v19, v17  }
0x2fe: {  	v17 =	vadd.s32 v20, v17  }
0x2ff: {  	v17 =	vadd.s32 v21, v17  }
0x300: {  	v17 =	vadd.s32 v22, v17  }
0x301: {  	v17 =	vadd.s32 v23, v17  }
0x302: {  	v17 =	vadd.s32 v24, v17  }
0x303: {  	v17 =	vadd.s32 v25, v17  }
0x304: {  	v17 =	vadd.s32 v26, v17  }
0x305: {  	v17 =	vadd.s32 v27, v17  }
0x306: {  	v17 =	vadd.s32 v28, v17  }
0x307: {  	v17 =	vadd.s32 v30, v17  }
0x308: {  	v17 =	vadd.s32 v31, v17  }
0x309: {  	v17 =	vadd.s32 v32, v17  }
0x30a: {  	v17 =	vadd.s32 v33, v17  }
0x30b: {  	(v2sf) =	vpush v17, $0x0;
	_ =	sdelay $0xe  }
0x30c: {  	[tilespmem:s11+$0xEBB0] =	vst v29;
	s10 =	sshll.u32 s10, $0x8;
	s12 =	spop (v2sf)  }
0x30d: {  	[tilespmem:s11+$0xEBA0] =	vst v29;
	s10 =	sadd.s32 s12, s10  }
0x30e: {  	[tilespmem:s11+$0xEB80] =	vst v29;
	v18 =	vlaneseq.u32;
	s10 =	sadd.s32 $0xFFFFFFFF, s10  }
0x30f: {  	[tilespmem:s11+$0xEB90] =	vst v29;
	s11 =	simm.s32 $0x0;
	s13 =	simm.s32 $0xEB80;
	v18 =	vmul.u32 $0x100, v18;
	v19 =	vimm.s32 $0x1;
	s12 =	simm.s32 $0x0;
	v17 =	vmov s10  }
.LBB2_29:
0x310: {  	s14 =	sshra.s32 s12, $0x2  }
0x311: {  	v20 =	vld [tilespmem:s14+$0x0];
	_ =	sdelay $0x4  }
0x312: {  	v21 =	vshrl.u32 v20, $0x8  }
0x313: {  	v20 =	vand.u32 $0xFF, v20;
	vm0 =	veq.s32 v21, v17  }
0x314: {  	v20 =	vor.u32 v18, v20;
	_ =	sdelay $0x4  }
0x315: {  	[tilespmem:v20+s13+$0x0] =	vst.idx.add.s32.msk vm0, v19  }
0x316: {  	v20 =	vld [tilespmem:s14+$0x10];
	_ =	sdelay $0x4  }
0x317: {  	v60 =	vshrl.u32 v20, $0x8  }
0x318: {  	v20 =	vand.u32 $0xFF, v20;
	vm0 =	veq.s32 v60, v17  }
0x319: {  	v20 =	vor.u32 v18, v20;
	_ =	sdelay $0x4  }
0x31a: {  	[tilespmem:v20+s13+$0x0] =	vst.idx.add.s32.msk vm0, v19  }
0x31b: {  	v20 =	vld [tilespmem:s14+$0x20];
	_ =	sdelay $0x4  }
0x31c: {  	v61 =	vshrl.u32 v20, $0x8  }
0x31d: {  	v20 =	vand.u32 $0xFF, v20;
	vm0 =	veq.s32 v61, v17  }
0x31e: {  	v20 =	vor.u32 v18, v20;
	_ =	sdelay $0x4  }
0x31f: {  	[tilespmem:v20+s13+$0x0] =	vst.idx.add.s32.msk vm0, v19  }
0x320: {  	v20 =	vld [tilespmem:s14+$0x30];
	_ =	sdelay $0x4  }
0x321: {  	v62 =	vshrl.u32 v20, $0x8  }
0x322: {  	v20 =	vand.u32 $0xFF, v20;
	vm0 =	veq.s32 v62, v17  }
0x323: {  	v20 =	vor.u32 v18, v20;
	_ =	sdelay $0x4  }
0x324: {  	[tilespmem:v20+s13+$0x0] =	vst.idx.add.s32.msk vm0, v19  }
0x325: {  	v20 =	vld [tilespmem:s14+$0x40];
	_ =	sdelay $0x4  }
0x326: {  	v63 =	vshrl.u32 v20, $0x8  }
0x327: {  	v20 =	vand.u32 $0xFF, v20;
	vm0 =	veq.s32 v63, v17  }
0x328: {  	p0 =	sne.s32 s12, $0x13740;
	v20 =	vor.u32 v18, v20  }
.Ltmp14:
0x329: {  	_ = 	snop;
	(pc) =	sbr.rel @p0 .LBB2_29-.Ltmp14, $2  }
0x32a: {  	_ =	sdelay $0x2  }
0x32b: {  	s12 =	sadd.s32 $0x140, s12;
	[tilespmem:v20+s13+$0x0] =	vst.idx.add.s32.msk vm0, v19  }
0x32c: {  	s11 =	sand.u32 $0xF0, s11;
	v18 =	vld [tilespmem:s13+$0x0]  }
0x32d: {  	v17 =	vld [tilespmem:s11+$0xEC80]  }
0x32e: {  	v19 =	vld [tilespmem:s11+$0xED80]  }
0x32f: {  	v20 =	vld [tilespmem:s11+$0xEE80]  }
0x330: {  	v21 =	vld [tilespmem:s11+$0xEF80]  }
0x331: {  	v22 =	vld [tilespmem:s11+$0xF080]  }
0x332: {  	v17 =	vadd.s32 v18, v17;
	v18 =	vld [tilespmem:s11+$0xF180]  }
0x333: {  	v17 =	vadd.s32 v19, v17;
	v19 =	vld [tilespmem:s11+$0xF280]  }
0x334: {  	v58 =	vld [tilespmem:s11+$0xF380];
	v17 =	vadd.s32 v20, v17  }
0x335: {  	v59 =	vld [tilespmem:s11+$0xF480];
	v17 =	vadd.s32 v21, v17  }
0x336: {  	v60 =	vld [tilespmem:s11+$0xF580];
	v17 =	vadd.s32 v22, v17  }
0x337: {  	v17 =	vadd.s32 v18, v17;
	v18 =	vld [tilespmem:s11+$0xF680]  }
0x338: {  	v17 =	vadd.s32 v19, v17;
	v19 =	vld [tilespmem:s11+$0xF780]  }
0x339: {  	v61 =	vld [tilespmem:s11+$0xF880];
	v17 =	vadd.s32 v58, v17  }
0x33a: {  	v62 =	vld [tilespmem:s11+$0xF980];
	v17 =	vadd.s32 v59, v17  }
0x33b: {  	v63 =	vld [tilespmem:s11+$0xFA80];
	v17 =	vadd.s32 v60, v17  }
0x33c: {  	v17 =	vadd.s32 v18, v17  }
0x33d: {  	v17 =	vadd.s32 v19, v17  }
0x33e: {  	v17 =	vadd.s32 v61, v17  }
0x33f: {  	v17 =	vadd.s32 v62, v17  }
0x340: {  	s12 =	simm.s32 $0x10;
	s11 =	simm.s32 $0xFB80;
	v17 =	vadd.s32 v63, v17  }
0x341: {  	s12 =	sand.u32 $0xF0, s12;
	[tilespmem:s11+$0x0] =	vst v17  }
0x342: {  	s14 =	simm.s32 $0x20;
	s13 =	simm.s32 $0xEB90;
	v17 =	vld [tilespmem:s12+$0xEC80]  }
.LBB2_31:
0x343: {  	p0 =	sne.s32 s14, $0xF0;
	v18 =	vld [tilespmem:s13+$0x0]  }
0x344: {  	v19 =	vld [tilespmem:s12+$0xED80]  }
0x345: {  	v20 =	vld [tilespmem:s12+$0xEE80]  }
0x346: {  	v21 =	vld [tilespmem:s12+$0xEF80]  }
0x347: {  	v22 =	vld [tilespmem:s12+$0xF080]  }
0x348: {  	v17 =	vadd.s32 v18, v17;
	v18 =	vld [tilespmem:s12+$0xF180]  }
0x349: {  	v17 =	vadd.s32 v19, v17;
	v19 =	vld [tilespmem:s12+$0xF280]  }
0x34a: {  	v17 =	vadd.s32 v20, v17;
	v20 =	vld [tilespmem:s12+$0xF380]  }
0x34b: {  	v17 =	vadd.s32 v21, v17;
	v21 =	vld [tilespmem:s12+$0xF480]  }
0x34c: {  	v17 =	vadd.s32 v22, v17;
	v22 =	vld [tilespmem:s12+$0xF580]  }
0x34d: {  	v17 =	vadd.s32 v18, v17;
	v18 =	vld [tilespmem:s12+$0xF680]  }
0x34e: {  	v17 =	vadd.s32 v19, v17;
	v19 =	vld [tilespmem:s12+$0xF780]  }
0x34f: {  	v17 =	vadd.s32 v20, v17;
	v20 =	vld [tilespmem:s12+$0xF880]  }
0x350: {  	v17 =	vadd.s32 v21, v17;
	v21 =	vld [tilespmem:s12+$0xF980]  }
0x351: {  	v17 =	vadd.s32 v22, v17;
	v22 =	vld [tilespmem:s12+$0xFA80]  }
0x352: {  	v17 =	vadd.s32 v18, v17  }
0x353: {  	v17 =	vadd.s32 v19, v17  }
.Ltmp15:
0x354: {  	v17 =	vadd.s32 v20, v17;
	(pc) =	sbr.rel @p0 .LBB2_31-.Ltmp15, $4  }
0x355: {  	v17 =	vadd.s32 v21, v17  }
0x356: {  	s11 =	sadd.s32 $0x10, s11;
	v17 =	vadd.s32 v22, v17  }
0x357: {  	s12 =	sand.u32 $0xF0, s14;
	[tilespmem:s11+$0x0] =	vst v17  }
0x358: {  	s13 =	sadd.s32 $0x10, s13;
	s14 =	sadd.s32 $0x10, s14;
	v17 =	vld [tilespmem:s12+$0xEC80]  }
0x359: {  	v18 =	vld [tilespmem:s13+$0x0]  }
0x35a: {  	v19 =	vld [tilespmem:s12+$0xED80]  }
0x35b: {  	v20 =	vld [tilespmem:s12+$0xEE80]  }
0x35c: {  	v21 =	vld [tilespmem:s12+$0xEF80]  }
0x35d: {  	v22 =	vld [tilespmem:s12+$0xF080]  }
0x35e: {  	v17 =	vadd.s32 v18, v17;
	v18 =	vld [tilespmem:s12+$0xF180]  }
0x35f: {  	v17 =	vadd.s32 v19, v17;
	v19 =	vld [tilespmem:s12+$0xF280]  }
0x360: {  	v49 =	vld [tilespmem:s12+$0xF380];
	v17 =	vadd.s32 v20, v17  }
0x361: {  	v50 =	vld [tilespmem:s12+$0xF480];
	v17 =	vadd.s32 v21, v17  }
0x362: {  	v51 =	vld [tilespmem:s12+$0xF580];
	v17 =	vadd.s32 v22, v17  }
0x363: {  	v17 =	vadd.s32 v18, v17;
	v18 =	vld [tilespmem:s12+$0xF680]  }
0x364: {  	v17 =	vadd.s32 v19, v17;
	v19 =	vld [tilespmem:s12+$0xF780]  }
0x365: {  	v52 =	vld [tilespmem:s12+$0xF880];
	v17 =	vadd.s32 v49, v17  }
0x366: {  	v53 =	vld [tilespmem:s12+$0xF980];
	v17 =	vadd.s32 v50, v17  }
0x367: {  	v54 =	vld [tilespmem:s12+$0xFA80];
	v17 =	vadd.s32 v51, v17  }
0x368: {  	v17 =	vadd.s32 v18, v17  }
0x369: {  	v17 =	vadd.s32 v19, v17  }
0x36a: {  	v17 =	vadd.s32 v52, v17  }
0x36b: {  	v17 =	vadd.s32 v53, v17  }
0x36c: {  	s11 =	sadd.s32 $0x10, s11;
	s21 =	sadd.s32 $0x3000, s9;
	s22 =	simm.s32 $0x80;
	v17 =	vadd.s32 v54, v17  }
0x36d: {  	s23 =	simm.s32 $0x400;
	s9 =	simm.s32 $0xFB80;
	s24 =	simm.s32 $0x3;
	[tilespmem:s11+$0x0] =	vst v17  }
0x36e: {  	[spmem:s21] =	stream.strided.scatter [tilespmem:s9], [sflag:$0x3], $0x100, s23, s22, $0x38;
	[tilespmem:$0x18B80] =	vst v63  }
0x36f: {  	_ =	swait.ge [sflag:s24], $0x100  }
0x370: {  	[sflag:s24] =	ssyncset.done $0x0  }
0x371: {  	[sflag:s24] =	ssyncadd.s32 $0xFFFFFF00  }
0x372: {  	s8 =	sadd.s32 $0x3000, s8;
	s25 =	simm.s32 $0xFC80;
	[bflag:$0x0] =	sbarrier.arrive $0xFFFF  }
0x373: {  	[tilespmem:s25], [sflag:$0x3] =	stream.linear.gather [spmem:s8], $0x1000, $0x38;
	[tilespmem:$0x18B80] =	vst v63  }
0x374: {  	s26 =	simm.s32 $0x0;
	_ =	swait.ge [sflag:s24], $0x1000  }
0x375: {  	s28 =	sand.u32 $0x70, s26;
	s8 =	sand.u32 $0x400, s26;
	[sflag:s24] =	ssyncset.done $0x0  }
0x376: {  	s8 =	sor.u32 s28, s8;
	[sflag:s24] =	ssyncadd.s32 $0xFFFFF000  }
0x377: {  	v17 =	vld [tilespmem:s8+$0xFD00]  }
0x378: {  	v18 =	vld [tilespmem:s8+$0xFC80]  }
0x379: {  	v19 =	vld [tilespmem:s8+$0xFD80]  }
0x37a: {  	v55 =	vld [tilespmem:s8+$0xFE00]  }
0x37b: {  	v56 =	vld [tilespmem:s8+$0xFE80]  }
0x37c: {  	v57 =	vld [tilespmem:s8+$0xFF00]  }
0x37d: {  	s29 =	sadd.s32 $0xFC80, s8;
	v17 =	vadd.s32 v18, v17;
	v18 =	vld [tilespmem:s8+$0xFF80]  }
0x37e: {  	v17 =	vadd.s32 v19, v17;
	v19 =	vld [tilespmem:s29+$0x380]  }
0x37f: {  	v58 =	vld [tilespmem:s8+$0x10480];
	v17 =	vadd.s32 v55, v17  }
0x380: {  	v59 =	vld [tilespmem:s8+$0x10500];
	v17 =	vadd.s32 v56, v17  }
0x381: {  	v60 =	vld [tilespmem:s8+$0x10580];
	v17 =	vadd.s32 v57, v17  }
0x382: {  	v17 =	vadd.s32 v18, v17;
	v18 =	vld [tilespmem:s8+$0x10600]  }
0x383: {  	v17 =	vadd.s32 v19, v17;
	v19 =	vld [tilespmem:s8+$0x10680]  }
0x384: {  	v61 =	vld [tilespmem:s8+$0x10700];
	v17 =	vadd.s32 v58, v17  }
0x385: {  	v62 =	vld [tilespmem:s8+$0x10780];
	v17 =	vadd.s32 v59, v17  }
0x386: {  	v63 =	vld [tilespmem:s8+$0x10800];
	v17 =	vadd.s32 v60, v17  }
0x387: {  	v17 =	vadd.s32 v18, v17  }
0x388: {  	v17 =	vadd.s32 v19, v17  }
0x389: {  	v17 =	vadd.s32 v61, v17  }
0x38a: {  	s30 =	simm.s32 $0x10;
	s11 =	simm.s32 $0x80;
	v17 =	vadd.s32 v62, v17  }
0x38b: {  	s31 =	sand.u32 $0x400, s11;
	s8 =	sand.u32 $0x70, s30;
	v17 =	vadd.s32 v63, v17  }
0x38c: {  	s12 =	simm.s32 $0x20;
	s8 =	sor.u32 s8, s31;
	[tilespmem:s9+$0x0] =	vst v17  }
.LBB2_33:
0x38d: {  	p0 =	sne.s32 s12, $0xF0;
	v17 =	vld [tilespmem:s8+$0xFD00]  }
0x38e: {  	v18 =	vld [tilespmem:s8+$0xFC80]  }
0x38f: {  	v19 =	vld [tilespmem:s8+$0xFD80]  }
0x390: {  	v20 =	vld [tilespmem:s8+$0xFE00]  }
0x391: {  	v21 =	vld [tilespmem:s8+$0xFE80]  }
0x392: {  	v22 =	vld [tilespmem:s8+$0xFF00]  }
0x393: {  	s13 =	sadd.s32 $0xFC80, s8;
	v17 =	vadd.s32 v18, v17;
	v18 =	vld [tilespmem:s8+$0xFF80]  }
0x394: {  	v17 =	vadd.s32 v19, v17;
	v19 =	vld [tilespmem:s13+$0x380]  }
0x395: {  	v17 =	vadd.s32 v20, v17;
	v20 =	vld [tilespmem:s8+$0x10480]  }
0x396: {  	v17 =	vadd.s32 v21, v17;
	v21 =	vld [tilespmem:s8+$0x10500]  }
0x397: {  	v17 =	vadd.s32 v22, v17;
	v22 =	vld [tilespmem:s8+$0x10580]  }
0x398: {  	v17 =	vadd.s32 v18, v17;
	v18 =	vld [tilespmem:s8+$0x10600]  }
0x399: {  	v17 =	vadd.s32 v19, v17;
	v19 =	vld [tilespmem:s8+$0x10680]  }
0x39a: {  	v17 =	vadd.s32 v20, v17;
	v20 =	vld [tilespmem:s8+$0x10700]  }
0x39b: {  	v17 =	vadd.s32 v21, v17;
	v21 =	vld [tilespmem:s8+$0x10780]  }
0x39c: {  	v17 =	vadd.s32 v22, v17;
	v22 =	vld [tilespmem:s8+$0x10800]  }
0x39d: {  	v17 =	vadd.s32 v18, v17  }
.Ltmp16:
0x39e: {  	v17 =	vadd.s32 v19, v17;
	(pc) =	sbr.rel @p0 .LBB2_33-.Ltmp16, $4  }
0x39f: {  	v17 =	vadd.s32 v20, v17  }
0x3a0: {  	s11 =	sadd.s32 $0x80, s11;
	v17 =	vadd.s32 v21, v17  }
0x3a1: {  	s9 =	sadd.s32 $0x10, s9;
	s13 =	sand.u32 $0x400, s11;
	s8 =	sand.u32 $0x70, s12;
	v17 =	vadd.s32 v22, v17  }
0x3a2: {  	s12 =	sadd.s32 $0x10, s12;
	s8 =	sor.u32 s8, s13;
	[tilespmem:s9+$0x0] =	vst v17  }
0x3a3: {  	v17 =	vld [tilespmem:s8+$0xFD00]  }
0x3a4: {  	v18 =	vld [tilespmem:s8+$0xFC80]  }
0x3a5: {  	v19 =	vld [tilespmem:s8+$0xFD80]  }
0x3a6: {  	v20 =	vld [tilespmem:s8+$0xFE00]  }
0x3a7: {  	v21 =	vld [tilespmem:s8+$0xFE80]  }
0x3a8: {  	v23 =	vld [tilespmem:$0x1FFD0]  }
0x3a9: {  	v22 =	vld [tilespmem:s8+$0xFF00]  }
0x3aa: {  	s11 =	sadd.s32 $0xFC80, s8;
	v43 =	vld [tilespmem:s8+$0xFF80];
	v17 =	vadd.s32 v18, v17  }
0x3ab: {  	v44 =	vld [tilespmem:s11+$0x380];
	v17 =	vadd.s32 v19, v17  }
0x3ac: {  	v45 =	vld [tilespmem:s8+$0x10480];
	v17 =	vadd.s32 v20, v17  }
0x3ad: {  	v46 =	vld [tilespmem:s8+$0x10500];
	vm0 =	vnez.u8 v23;
	v17 =	vadd.s32 v21, v17  }
0x3ae: {  	v47 =	vld [tilespmem:s8+$0x10580];
	v5 =	vsel vm1, $0x0, v5;
	v2 =	vsel vm0, $0x0, v2;
	v17 =	vadd.s32 v22, v17  }
0x3af: {  	v48 =	vld [tilespmem:s8+$0x10600];
	v49 =	vsel vm2, $0x0, v6;
	v2 =	vadd.s32 v2, v5;
	v17 =	vadd.s32 v43, v17  }
0x3b0: {  	v51 =	vld [tilespmem:s8+$0x10680];
	v4 =	vsel vm3, $0x0, v4;
	v2 =	vadd.s32 v49, v2;
	v50 =	vadd.s32 v44, v17  }
0x3b1: {  	v53 =	vld [tilespmem:s8+$0x10700];
	v1 =	vsel vm4, $0x0, v1;
	v2 =	vadd.s32 v4, v2;
	v52 =	vadd.s32 v45, v50  }
0x3b2: {  	v55 =	vld [tilespmem:s8+$0x10780];
	v1 =	vadd.s32 v1, v2;
	v2 =	vsel vm5, $0x0, v3;
	v54 =	vadd.s32 v46, v52  }
0x3b3: {  	v56 =	vld [tilespmem:s8+$0x10800];
	v1 =	vadd.s32 v2, v1;
	v2 =	vsel vm6, $0x0, v7;
	v3 =	vadd.s32 v47, v54  }
0x3b4: {  	v1 =	vadd.s32 v2, v1;
	v2 =	vsel vm7, $0x0, v8;
	v3 =	vadd.s32 v48, v3  }
0x3b5: {  	v1 =	vadd.s32 v2, v1;
	v2 =	vsel vm8, $0x0, v9;
	v3 =	vadd.s32 v51, v3  }
0x3b6: {  	v1 =	vadd.s32 v2, v1;
	v2 =	vsel vm9, $0x0, v10;
	v3 =	vadd.s32 v53, v3  }
0x3b7: {  	v1 =	vadd.s32 v2, v1;
	v2 =	vsel vm10, $0x0, v11;
	v3 =	vadd.s32 v55, v3  }
0x3b8: {  	s28 =	sadd.s32 $0x10, s9;
	v1 =	vadd.s32 v2, v1;
	v2 =	vsel vm11, $0x0, v12;
	v3 =	vadd.s32 v56, v3  }
0x3b9: {  	v1 =	vadd.s32 v2, v1;
	v2 =	vsel vm12, $0x0, v13;
	[tilespmem:s28+$0x0] =	vst v3  }
0x3ba: {  	v1 =	vadd.s32 v2, v1;
	v2 =	vsel vm13, $0x0, v14;
	v3 =	vld [tilespmem:$0xFC70]  }
0x3bb: {  	v1 =	vadd.s32 v2, v1;
	v2 =	vsel vm15, $0x0, v15  }
0x3bc: {  	v1 =	vadd.s32 v2, v1;
	v2 =	vsel vm14, $0x0, v16;
	v57 =	vld [tilespmem:$0xFC60]  }
0x3bd: {  	v1 =	vadd.s32 v2, v1  }
0x3be: {  	(xrf0) =	vadd.scan.msk.s32 $0xffff, v1  }
0x3bf: {  	v1 =	vld [tilespmem:$0xFC50];
	(xrf0) =	vadd.scan.msk.s32 $0xffff, v3;
	_ =	sdelay $0x1  }
0x3c0: {  	v2 =	vld [tilespmem:$0xFC40];
	(xrf0) =	vadd.scan.msk.s32 $0xffff, v57;
	_ =	sdelay $0x2  }
0x3c1: {  	v59 =	vld [tilespmem:$0xFC30];
	v58, _, _ =	vpop (xrf0);
	(xrf0) =	vadd.scan.msk.s32 $0xffff, v1  }
0x3c2: {  	v60, _, _ =	vpop (xrf0)  }
0x3c3: {  	v63 =	vld [tilespmem:$0xFC20];
	(xrf0) =	vadd.scan.msk.s32 $0xffff, v2;
	v61 =	vbroadcast v60, $0xF  }
0x3c4: {  	v5 =	vbroadcast v58, $0xF;
	v62, _, _ =	vpop (xrf0)  }
0x3c5: {  	v17 =	vld [tilespmem:$0xFC10];
	v3 =	vsub.s32 v3, v60;
	v15 =	vbroadcast v62, $0xF;
	v4 =	vadd.s32 v57, v61  }
0x3c6: {  	v0 =	vsub.s32 v0, v5;
	(xrf0) =	vadd.scan.msk.s32 $0xffff, v59;
	v3 =	vadd.s32 v61, v3;
	v4 =	vsub.s32 v4, v62  }
0x3c7: {  	v16, _, _ =	vpop (xrf0);
	vm12 =	vgt.s32 v3, v0;
	v3 =	vadd.s32 v15, v4  }
0x3c8: {  	(xrf0) =	vadd.scan.msk.s32 $0xffff, v63;
	vm13 =	vgt.s32 v3, v0;
	v3 =	vbroadcast v16, $0xF  }
0x3c9: {  	v1 =	vsub.s32 v1, v16;
	v7 =	vadd.s32 v61, v15;
	v18 =	vmpcnt.ones.xlane vm12;
	v20, _, _ =	vpop (xrf0)  }
0x3ca: {  	v23 =	vld [tilespmem:$0xFC00];
	v1 =	vadd.s32 v7, v1;
	(xrf0) =	vadd.scan.msk.s32 $0xffff, v17;
	v19 =	vmpcnt.ones.xlane vm13;
	v22 =	vbroadcast v20, $0xF  }
0x3cb: {  	v2 =	vsub.s32 v2, v20;
	v21 =	vadd.s32 v7, v3;
	v1 =	vadd.s32 v3, v1  }
0x3cc: {  	v25 =	vld [tilespmem:$0xFBF0];
	v2 =	vadd.s32 v21, v2;
	v24 =	vadd.s32 v18, v19;
	v26 =	vadd.s32 v21, v22;
	v3, _, _ =	vpop (xrf0)  }
0x3cd: {  	v29 =	vld [tilespmem:$0xFBE0];
	vm14 =	vgt.s32 v1, v0;
	v2 =	vadd.s32 v22, v2;
	v27 =	vbroadcast v3, $0xF  }
0x3ce: {  	v3 =	vsub.s32 v59, v3;
	vm15 =	vgt.s32 v2, v0;
	v2 =	vmpcnt.ones.xlane vm14;
	v28, _, _ =	vpop (xrf0)  }
0x3cf: {  	(xrf0) =	vadd.scan.msk.s32 $0xffff, v23;
	v1 =	vadd.s32 v26, v3;
	v3 =	vmpcnt.ones.xlane vm15;
	v30 =	vbroadcast v28, $0xF  }
0x3d0: {  	v31 =	vld [tilespmem:$0xFBD0];
	v6 =	vsub.s32 v63, v28;
	v32, _, _ =	vpop (xrf0);
	v1 =	vadd.s32 v27, v1;
	v9 =	vadd.s32 v26, v27  }
0x3d1: {  	(xrf0) =	vadd.scan.msk.s32 $0xffff, v25;
	v2 =	vadd.s32 v2, v24;
	v33 =	vbroadcast v32, $0xF;
	vm4 =	vgt.s32 v1, v0  }
0x3d2: {  	(xrf0) =	vadd.scan.msk.s32 $0xffff, v29;
	v1 =	vadd.s32 v9, v6;
	v2 =	vadd.s32 v3, v2;
	v3 =	vmpcnt.ones.xlane vm4  }
0x3d3: {  	v5 =	vsub.s32 v17, v32;
	v9 =	vadd.s32 v9, v30;
	v1 =	vadd.s32 v30, v1  }
0x3d4: {  	vm5 =	vgt.s32 v1, v0;
	v1 =	vadd.s32 v9, v5;
	v2 =	vadd.s32 v3, v2;
	v3 =	vld [tilespmem:$0xFBC0]  }
0x3d5: {  	v35 =	vadd.s32 v9, v33;
	v34 =	vmpcnt.ones.xlane vm5;
	v1 =	vadd.s32 v33, v1;
	v36, _, _ =	vpop (xrf0);
	(xrf0) =	vadd.scan.msk.s32 $0xffff, v31  }
0x3d6: {  	v39 =	vld [tilespmem:$0xFBB0];
	vm6 =	vgt.s32 v1, v0;
	v1 =	vbroadcast v36, $0xF;
	v4 =	vsub.s32 v23, v36  }
0x3d7: {  	v38, _, _ =	vpop (xrf0);
	v2 =	vadd.s32 v34, v2;
	v37 =	vmpcnt.ones.xlane vm6;
	v4 =	vadd.s32 v35, v4  }
0x3d8: {  	v44 =	vld [tilespmem:$0xFBA0];
	v40 =	vbroadcast v38, $0xF;
	v8 =	vsub.s32 v25, v38;
	v43, _, _ =	vpop (xrf0);
	v7 =	vadd.s32 v35, v1  }
0x3d9: {  	v1 =	vadd.s32 v1, v4;
	v5 =	vsub.s32 v29, v43;
	v41 =	vadd.s32 v7, v8;
	(xrf0) =	vadd.scan.msk.s32 $0xffff, v3  }
0x3da: {  	v2 =	vadd.s32 v37, v2;
	vm7 =	vgt.s32 v1, v0;
	v1 =	vadd.s32 v40, v41  }
0x3db: {  	v42 =	vadd.s32 v7, v40;
	vm8 =	vgt.s32 v1, v0;
	v1 =	vbroadcast v43, $0xF;
	v47, _, _ =	vpop (xrf0);
	(xrf0) =	vadd.scan.msk.s32 $0xffff, v39  }
0x3dc: {  	v48 =	vld [tilespmem:$0xFB90];
	v45 =	vmpcnt.ones.xlane vm7;
	v5 =	vadd.s32 v42, v5;
	v46 =	vmpcnt.ones.xlane vm8  }
0x3dd: {  	v51 =	vld [tilespmem:$0xFB80];
	v49 =	vbroadcast v47, $0xF;
	v6 =	vsub.s32 v31, v47;
	(xrf0) =	vadd.scan.msk.s32 $0xffff, v44;
	v4 =	vadd.s32 v42, v1  }
0x3de: {  	v2 =	vadd.s32 v45, v2;
	v1 =	vadd.s32 v1, v5;
	v50 =	vadd.s32 v4, v6  }
0x3df: {  	v2 =	vadd.s32 v46, v2;
	vm9 =	vgt.s32 v1, v0;
	v4 =	vadd.s32 v4, v49;
	v52, _, _ =	vpop (xrf0)  }
0x3e0: {  	v1 =	vadd.s32 v49, v50;
	v53 =	vbroadcast v52, $0xF;
	v3 =	vsub.s32 v3, v52  }
0x3e1: {  	v54 =	vmpcnt.ones.xlane vm9;
	vm10 =	vgt.s32 v1, v0;
	(xrf0) =	vadd.scan.msk.s32 $0xffff, v48;
	v55, _, _ =	vpop (xrf0);
	v1 =	vadd.s32 v4, v3  }
0x3e2: {  	(xrf0) =	vadd.scan.msk.s32 $0xffff, v51;
	v3 =	vmpcnt.ones.xlane vm10;
	v8 =	vsub.s32 v39, v55;
	v1 =	vadd.s32 v53, v1  }
0x3e3: {  	v57, _, _ =	vpop (xrf0);
	v4 =	vadd.s32 v4, v53;
	vm11 =	vgt.s32 v1, v0;
	v1 =	vbroadcast v55, $0xF  }
0x3e4: {  	v2 =	vadd.s32 v54, v2;
	v7 =	vsub.s32 v44, v57;
	v8 =	vadd.s32 v4, v8  }
0x3e5: {  	v2 =	vadd.s32 v3, v2;
	v56 =	vmpcnt.ones.xlane vm11;
	v3 =	vadd.s32 v1, v8  }
0x3e6: {  	v1 =	vadd.s32 v4, v1;
	vm12 =	vgt.s32 v3, v0;
	v3 =	vbroadcast v57, $0xF  }
0x3e7: {  	v58, _, _ =	vpop (xrf0);
	v2 =	vadd.s32 v56, v2;
	v7 =	vadd.s32 v1, v7  }
0x3e8: {  	v60 =	vbroadcast v58, $0xF;
	v5 =	vsub.s32 v48, v58;
	v61, _, _ =	vpop (xrf0);
	v1 =	vadd.s32 v1, v3  }
0x3e9: {  	v59 =	vmpcnt.ones.xlane vm12;
	v62 =	vbroadcast v61, $0xF;
	v6 =	vadd.s32 v1, v51  }
0x3ea: {  	v3 =	vadd.s32 v3, v7;
	v1 =	vadd.s32 v1, v5;
	v6 =	vadd.s32 v60, v6  }
0x3eb: {  	vm13 =	vgt.s32 v3, v0;
	v1 =	vadd.s32 v60, v1;
	v3 =	vsub.s32 v6, v61  }
0x3ec: {  	v63 =	vmpcnt.ones.xlane vm13;
	vm14 =	vgt.s32 v1, v0;
	v1 =	vadd.s32 v62, v3  }
0x3ed: {  	v2 =	vadd.s32 v59, v2;
	v3 =	vmpcnt.ones.xlane vm14;
	vm15 =	vgt.s32 v1, v0  }
0x3ee: {  	v0 =	vadd.s32 v63, v2;
	v1 =	vmpcnt.ones.xlane vm15  }
0x3ef: {  	v0 =	vadd.s32 v3, v0  }
0x3f0: {  	v0 =	vadd.s32 v1, v0  }
0x3f1: {  	(v2sf) =	vpush v0, $0x0;
	_ =	sdelay $0xe  }
0x3f2: {  	s30 =	simm.s32 $0x1;
	s29 =	spop (v2sf)  }
0x3f3: {  	_ =	swait.ge [sflag:s30], $0x4E20  }
0x3f4: {  	s10 =	sshll.u32 s10, $0x8;
	[sflag:s30] =	ssyncset.done $0x0  }
0x3f5: {  	s31 =	simm.s32 $0x2;
	s8 =	sadd.s32 s29, s10;
	[sflag:s30] =	ssyncadd.s32 $0xFFFFB1E0  }
0x3f6: {  	s8 =	sadd.s32 $0xFFFFFFFF, s8;
	_ =	swait.ge [sflag:s31], $0x4E20  }
0x3f7: {  	v0 =	vmov s8;
	[sflag:s31] =	ssyncset.done $0x0  }
0x3f8: {  	s9 =	simm.s32 $0x10C80;
	v1 =	vimm.s32 $0x1;
	s8 =	simm.s32 $0x0;
	v0 =	vbroadcast v0, $0x0;
	[sflag:s31] =	ssyncadd.s32 $0xFFFFB1E0  }
.LBB2_35:
0x3f9: {  	s10 =	sshra.s32 s8, $0x2  }
0x3fa: {  	v2 =	vld [tilespmem:s10+$0x0];
	_ =	sdelay $0x2  }
0x3fb: {  	v3 =	vld [tilespmem:s10+$0x4E80];
	_ =	sdelay $0x1  }
0x3fc: {  	vm0 =	vgt.f32 v2, v0;
	_ =	sdelay $0x3  }
0x3fd: {  	v2 =	vnsel vm0, $0x0, v2  }
0x3fe: {  	[tilespmem:s10+$0x0] =	vst v2  }
0x3ff: {  	[tilespmem:v3+s9+$0x0] =	vst.idx.msk vm0, v1  }
0x400: {  	v2 =	vld [tilespmem:s10+$0x9D00];
	_ =	sdelay $0x7  }
0x401: {  	[tilespmem:v2+s9+$0x0] =	vst.idx.msk vm0, v1  }
0x402: {  	v2 =	vld [tilespmem:s10+$0x10];
	_ =	sdelay $0x2  }
0x403: {  	v3 =	vld [tilespmem:s10+$0x4E90];
	_ =	sdelay $0x1  }
0x404: {  	vm12 =	vgt.f32 v2, v0;
	_ =	sdelay $0x3  }
0x405: {  	v2 =	vnsel vm12, $0x0, v2  }
0x406: {  	[tilespmem:s10+$0x10] =	vst v2  }
0x407: {  	[tilespmem:v3+s9+$0x0] =	vst.idx.msk vm12, v1  }
0x408: {  	v2 =	vld [tilespmem:s10+$0x9D10];
	_ =	sdelay $0x7  }
0x409: {  	[tilespmem:v2+s9+$0x0] =	vst.idx.msk vm12, v1  }
0x40a: {  	v2 =	vld [tilespmem:s10+$0x20];
	_ =	sdelay $0x2  }
0x40b: {  	v3 =	vld [tilespmem:s10+$0x4EA0];
	_ =	sdelay $0x1  }
0x40c: {  	vm13 =	vgt.f32 v2, v0;
	_ =	sdelay $0x3  }
0x40d: {  	v2 =	vnsel vm13, $0x0, v2  }
0x40e: {  	[tilespmem:s10+$0x20] =	vst v2  }
0x40f: {  	[tilespmem:v3+s9+$0x0] =	vst.idx.msk vm13, v1  }
0x410: {  	v2 =	vld [tilespmem:s10+$0x9D20];
	_ =	sdelay $0x7  }
0x411: {  	[tilespmem:v2+s9+$0x0] =	vst.idx.msk vm13, v1  }
0x412: {  	v2 =	vld [tilespmem:s10+$0x30];
	_ =	sdelay $0x2  }
0x413: {  	v3 =	vld [tilespmem:s10+$0x4EB0];
	_ =	sdelay $0x1  }
0x414: {  	vm14 =	vgt.f32 v2, v0;
	_ =	sdelay $0x3  }
0x415: {  	v2 =	vnsel vm14, $0x0, v2  }
0x416: {  	[tilespmem:s10+$0x30] =	vst v2  }
0x417: {  	[tilespmem:v3+s9+$0x0] =	vst.idx.msk vm14, v1  }
0x418: {  	v2 =	vld [tilespmem:s10+$0x9D30];
	_ =	sdelay $0x7  }
0x419: {  	[tilespmem:v2+s9+$0x0] =	vst.idx.msk vm14, v1  }
0x41a: {  	v2 =	vld [tilespmem:s10+$0x40];
	_ =	sdelay $0x2  }
0x41b: {  	v3 =	vld [tilespmem:s10+$0x4EC0];
	_ =	sdelay $0x1  }
0x41c: {  	vm15 =	vgt.f32 v2, v0;
	_ =	sdelay $0x3  }
0x41d: {  	v2 =	vnsel vm15, $0x0, v2  }
0x41e: {  	[tilespmem:s10+$0x40] =	vst v2  }
0x41f: {  	[tilespmem:v3+s9+$0x0] =	vst.idx.msk vm15, v1  }
0x420: {  	v2 =	vld [tilespmem:s10+$0x9D40];
	_ =	sdelay $0x2  }
0x421: {  	p0 =	sne.s32 s8, $0x13740  }
.Ltmp17:
0x422: {  	_ = 	snop;
	(pc) =	sbr.rel @p0 .LBB2_35-.Ltmp17, $2  }
0x423: {  	_ =	sdelay $0x2  }
0x424: {  	s8 =	sadd.s32 $0x140, s8;
	[tilespmem:v2+s9+$0x0] =	vst.idx.msk vm15, v1  }
0x425: {  	s4 =	sadd.s32 s4, s5;
	s7 =	smul.u32 $0x50000, s7;
	s5 =	simm.s32 $0x0  }
0x426: {  	[hbm4b:s4+s5] =	stream.linear.scatter [tilespmem:s5], [sflag:$0x3], $0x4E20, $0x38;
	[tilespmem:$0x18B80] =	vst v63  }
0x427: {  	s4 =	simm.s32 $0x3  }
0x428: {  	s10 =	simm.s32 $0x80;
	s7 =	sshrl.u32 s7, $0x2;
	_ =	swait.ge [sflag:s4], $0x4E20  }
0x429: {  	s8 =	simm.s32 $0x400;
	s7 =	sadd.s32 s7, s3;
	[sflag:s4] =	ssyncset.done $0x0  }
0x42a: {  	s9 =	simm.s32 $0x10C80;
	s6 =	sadd.s32 s6, s7;
	[sflag:s4] =	ssyncadd.s32 $0xFFFFB1E0  }
0x42b: {  	[spmem:s6] =	stream.strided.scatter [tilespmem:s9], [sflag:$0x3], $0x2800, s8, s10, $0x38;
	[tilespmem:$0x18B80] =	vst v63  }
0x42c: {  	s11 =	smul.u32 $0x5000, s0;
	_ =	swait.ge [sflag:s4], $0x2800  }
0x42d: {  	[sflag:s4] =	ssyncset.done $0x0  }
0x42e: {  	s6 =	sshrl.u32 s11, $0x2;
	[sflag:s4] =	ssyncadd.s32 $0xFFFFD800  }
0x42f: {  	s12 =	simm.s32 $0x13480;
	s3 =	sadd.s32 s6, s3;
	[bflag:$0x0] =	sbarrier.arrive $0xFFFF  }
0x430: {  	[tilespmem:s12], [sflag:$0x3] =	stream.linear.gather [spmem:s3], $0x80, $0x38;
	[tilespmem:$0x18B80] =	vst v63  }
0x431: {  	s14 =	simm.s32 $0x13880;
	s13 =	sadd.s32 $0x400, s3  }
0x432: {  	[tilespmem:s14], [sflag:$0x3] =	stream.linear.gather [spmem:s13], $0x80, $0x38;
	[tilespmem:$0x18B80] =	vst v63  }
0x433: {  	s16 =	simm.s32 $0x13C80;
	s15 =	sadd.s32 $0x800, s3  }
0x434: {  	[tilespmem:s16], [sflag:$0x3] =	stream.linear.gather [spmem:s15], $0x80, $0x38;
	[tilespmem:$0x18B80] =	vst v63  }
0x435: {  	s18 =	simm.s32 $0x14080;
	s17 =	sadd.s32 $0xC00, s3  }
0x436: {  	[tilespmem:s18], [sflag:$0x3] =	stream.linear.gather [spmem:s17], $0x80, $0x38;
	[tilespmem:$0x18B80] =	vst v63  }
0x437: {  	s20 =	simm.s32 $0x14480;
	s19 =	sadd.s32 $0x1000, s3  }
0x438: {  	[tilespmem:s20], [sflag:$0x3] =	stream.linear.gather [spmem:s19], $0x80, $0x38;
	[tilespmem:$0x18B80] =	vst v63  }
0x439: {  	_ =	swait.ge [sflag:s4], $0x280  }
0x43a: {  	[sflag:s4] =	ssyncset.done $0x0  }
0x43b: {  	s22 =	simm.s32 $0x13500;
	s21 =	sadd.s32 $0x80, s3;
	[sflag:s4] =	ssyncadd.s32 $0xFFFFFD80  }
0x43c: {  	[tilespmem:s22], [sflag:$0x3] =	stream.linear.gather [spmem:s21], $0x80, $0x38;
	[tilespmem:$0x18B80] =	vst v63  }
0x43d: {  	s24 =	simm.s32 $0x13900;
	s23 =	sadd.s32 $0x480, s3  }
0x43e: {  	[tilespmem:s24], [sflag:$0x3] =	stream.linear.gather [spmem:s23], $0x80, $0x38;
	[tilespmem:$0x18B80] =	vst v63  }
0x43f: {  	s26 =	simm.s32 $0x13D00;
	s25 =	sadd.s32 $0x880, s3  }
0x440: {  	[tilespmem:s26], [sflag:$0x3] =	stream.linear.gather [spmem:s25], $0x80, $0x38;
	[tilespmem:$0x18B80] =	vst v63  }
0x441: {  	s29 =	simm.s32 $0x14100;
	s28 =	sadd.s32 $0xC80, s3  }
0x442: {  	[tilespmem:s29], [sflag:$0x3] =	stream.linear.gather [spmem:s28], $0x80, $0x38;
	[tilespmem:$0x18B80] =	vst v63  }
0x443: {  	s31 =	simm.s32 $0x14500;
	s30 =	sadd.s32 $0x1080, s3  }
0x444: {  	[tilespmem:s31], [sflag:$0x3] =	stream.linear.gather [spmem:s30], $0x80, $0x38;
	[tilespmem:$0x18B80] =	vst v63  }
0x445: {  	_ =	swait.ge [sflag:s4], $0x280  }
0x446: {  	[sflag:s4] =	ssyncset.done $0x0  }
0x447: {  	s8 =	simm.s32 $0x13580;
	s7 =	sadd.s32 $0x100, s3;
	[sflag:s4] =	ssyncadd.s32 $0xFFFFFD80  }
0x448: {  	[tilespmem:s8], [sflag:$0x3] =	stream.linear.gather [spmem:s7], $0x80, $0x38;
	[tilespmem:$0x18B80] =	vst v63  }
0x449: {  	s10 =	simm.s32 $0x13980;
	s9 =	sadd.s32 $0x500, s3  }
0x44a: {  	[tilespmem:s10], [sflag:$0x3] =	stream.linear.gather [spmem:s9], $0x80, $0x38;
	[tilespmem:$0x18B80] =	vst v63  }
0x44b: {  	s11 =	sadd.s32 $0x900, s3;
	s12 =	simm.s32 $0x13D80  }
0x44c: {  	[tilespmem:s12], [sflag:$0x3] =	stream.linear.gather [spmem:s11], $0x80, $0x38;
	[tilespmem:$0x18B80] =	vst v63  }
0x44d: {  	s13 =	sadd.s32 $0xD00, s3;
	s14 =	simm.s32 $0x14180  }
0x44e: {  	[tilespmem:s14], [sflag:$0x3] =	stream.linear.gather [spmem:s13], $0x80, $0x38;
	[tilespmem:$0x18B80] =	vst v63  }
0x44f: {  	s15 =	sadd.s32 $0x1100, s3;
	s16 =	simm.s32 $0x14580  }
0x450: {  	[tilespmem:s16], [sflag:$0x3] =	stream.linear.gather [spmem:s15], $0x80, $0x38;
	[tilespmem:$0x18B80] =	vst v63  }
0x451: {  	_ =	swait.ge [sflag:s4], $0x280  }
0x452: {  	[sflag:s4] =	ssyncset.done $0x0  }
0x453: {  	s17 =	sadd.s32 $0x180, s3;
	s18 =	simm.s32 $0x13600;
	[sflag:s4] =	ssyncadd.s32 $0xFFFFFD80  }
0x454: {  	[tilespmem:s18], [sflag:$0x3] =	stream.linear.gather [spmem:s17], $0x80, $0x38;
	[tilespmem:$0x18B80] =	vst v63  }
0x455: {  	s19 =	sadd.s32 $0x580, s3;
	s20 =	simm.s32 $0x13A00  }
0x456: {  	[tilespmem:s20], [sflag:$0x3] =	stream.linear.gather [spmem:s19], $0x80, $0x38;
	[tilespmem:$0x18B80] =	vst v63  }
0x457: {  	s21 =	sadd.s32 $0x980, s3;
	s22 =	simm.s32 $0x13E00  }
0x458: {  	[tilespmem:s22], [sflag:$0x3] =	stream.linear.gather [spmem:s21], $0x80, $0x38;
	[tilespmem:$0x18B80] =	vst v63  }
0x459: {  	s23 =	sadd.s32 $0xD80, s3;
	s24 =	simm.s32 $0x14200  }
0x45a: {  	[tilespmem:s24], [sflag:$0x3] =	stream.linear.gather [spmem:s23], $0x80, $0x38;
	[tilespmem:$0x18B80] =	vst v63  }
0x45b: {  	s25 =	sadd.s32 $0x1180, s3;
	s26 =	simm.s32 $0x14600  }
0x45c: {  	[tilespmem:s26], [sflag:$0x3] =	stream.linear.gather [spmem:s25], $0x80, $0x38;
	[tilespmem:$0x18B80] =	vst v63  }
0x45d: {  	_ =	swait.ge [sflag:s4], $0x280  }
0x45e: {  	[sflag:s4] =	ssyncset.done $0x0  }
0x45f: {  	s28 =	sadd.s32 $0x200, s3;
	s29 =	simm.s32 $0x13680;
	[sflag:s4] =	ssyncadd.s32 $0xFFFFFD80  }
0x460: {  	[tilespmem:s29], [sflag:$0x3] =	stream.linear.gather [spmem:s28], $0x80, $0x38;
	[tilespmem:$0x18B80] =	vst v63  }
0x461: {  	s30 =	sadd.s32 $0x600, s3;
	s31 =	simm.s32 $0x13A80  }
0x462: {  	[tilespmem:s31], [sflag:$0x3] =	stream.linear.gather [spmem:s30], $0x80, $0x38;
	[tilespmem:$0x18B80] =	vst v63  }
0x463: {  	s7 =	sadd.s32 $0xA00, s3;
	s8 =	simm.s32 $0x13E80  }
0x464: {  	[tilespmem:s8], [sflag:$0x3] =	stream.linear.gather [spmem:s7], $0x80, $0x38;
	[tilespmem:$0x18B80] =	vst v63  }
0x465: {  	s9 =	sadd.s32 $0xE00, s3;
	s10 =	simm.s32 $0x14280  }
0x466: {  	[tilespmem:s10], [sflag:$0x3] =	stream.linear.gather [spmem:s9], $0x80, $0x38;
	[tilespmem:$0x18B80] =	vst v63  }
0x467: {  	s11 =	sadd.s32 $0x1200, s3;
	s12 =	simm.s32 $0x14680  }
0x468: {  	[tilespmem:s12], [sflag:$0x3] =	stream.linear.gather [spmem:s11], $0x80, $0x38;
	[tilespmem:$0x18B80] =	vst v63  }
0x469: {  	_ =	swait.ge [sflag:s4], $0x280  }
0x46a: {  	[sflag:s4] =	ssyncset.done $0x0  }
0x46b: {  	s13 =	sadd.s32 $0x280, s3;
	s14 =	simm.s32 $0x13700;
	[sflag:s4] =	ssyncadd.s32 $0xFFFFFD80  }
0x46c: {  	[tilespmem:s14], [sflag:$0x3] =	stream.linear.gather [spmem:s13], $0x80, $0x38;
	[tilespmem:$0x18B80] =	vst v63  }
0x46d: {  	s15 =	sadd.s32 $0x680, s3;
	s16 =	simm.s32 $0x13B00  }
0x46e: {  	[tilespmem:s16], [sflag:$0x3] =	stream.linear.gather [spmem:s15], $0x80, $0x38;
	[tilespmem:$0x18B80] =	vst v63  }
0x46f: {  	s17 =	sadd.s32 $0xA80, s3;
	s18 =	simm.s32 $0x13F00  }
0x470: {  	[tilespmem:s18], [sflag:$0x3] =	stream.linear.gather [spmem:s17], $0x80, $0x38;
	[tilespmem:$0x18B80] =	vst v63  }
0x471: {  	s19 =	sadd.s32 $0xE80, s3;
	s20 =	simm.s32 $0x14300  }
0x472: {  	[tilespmem:s20], [sflag:$0x3] =	stream.linear.gather [spmem:s19], $0x80, $0x38;
	[tilespmem:$0x18B80] =	vst v63  }
0x473: {  	s21 =	sadd.s32 $0x1280, s3;
	s22 =	simm.s32 $0x14700  }
0x474: {  	[tilespmem:s22], [sflag:$0x3] =	stream.linear.gather [spmem:s21], $0x80, $0x38;
	[tilespmem:$0x18B80] =	vst v63  }
0x475: {  	_ =	swait.ge [sflag:s4], $0x280  }
0x476: {  	[sflag:s4] =	ssyncset.done $0x0  }
0x477: {  	s23 =	sadd.s32 $0x300, s3;
	s24 =	simm.s32 $0x13780;
	[sflag:s4] =	ssyncadd.s32 $0xFFFFFD80  }
0x478: {  	[tilespmem:s24], [sflag:$0x3] =	stream.linear.gather [spmem:s23], $0x80, $0x38;
	[tilespmem:$0x18B80] =	vst v63  }
0x479: {  	s25 =	sadd.s32 $0x700, s3;
	s26 =	simm.s32 $0x13B80  }
0x47a: {  	[tilespmem:s26], [sflag:$0x3] =	stream.linear.gather [spmem:s25], $0x80, $0x38;
	[tilespmem:$0x18B80] =	vst v63  }
0x47b: {  	s28 =	sadd.s32 $0xB00, s3;
	s29 =	simm.s32 $0x13F80  }
0x47c: {  	[tilespmem:s29], [sflag:$0x3] =	stream.linear.gather [spmem:s28], $0x80, $0x38;
	[tilespmem:$0x18B80] =	vst v63  }
0x47d: {  	s30 =	sadd.s32 $0xF00, s3;
	s31 =	simm.s32 $0x14380  }
0x47e: {  	[tilespmem:s31], [sflag:$0x3] =	stream.linear.gather [spmem:s30], $0x80, $0x38;
	[tilespmem:$0x18B80] =	vst v63  }
0x47f: {  	s7 =	sadd.s32 $0x1300, s3;
	s8 =	simm.s32 $0x14780  }
0x480: {  	[tilespmem:s8], [sflag:$0x3] =	stream.linear.gather [spmem:s7], $0x80, $0x38;
	[tilespmem:$0x18B80] =	vst v63  }
0x481: {  	_ =	swait.ge [sflag:s4], $0x280  }
0x482: {  	[sflag:s4] =	ssyncset.done $0x0  }
0x483: {  	s9 =	sadd.s32 $0x380, s3;
	s10 =	simm.s32 $0x13800;
	[sflag:s4] =	ssyncadd.s32 $0xFFFFFD80  }
0x484: {  	[tilespmem:s10], [sflag:$0x3] =	stream.linear.gather [spmem:s9], $0x80, $0x38;
	[tilespmem:$0x18B80] =	vst v63  }
0x485: {  	s11 =	sadd.s32 $0x780, s3;
	s12 =	simm.s32 $0x13C00  }
0x486: {  	[tilespmem:s12], [sflag:$0x3] =	stream.linear.gather [spmem:s11], $0x80, $0x38;
	[tilespmem:$0x18B80] =	vst v63  }
0x487: {  	s13 =	sadd.s32 $0xB80, s3;
	s14 =	simm.s32 $0x14000  }
0x488: {  	[tilespmem:s14], [sflag:$0x3] =	stream.linear.gather [spmem:s13], $0x80, $0x38;
	[tilespmem:$0x18B80] =	vst v63  }
0x489: {  	s15 =	sadd.s32 $0xF80, s3;
	s16 =	simm.s32 $0x14400  }
0x48a: {  	[tilespmem:s16], [sflag:$0x3] =	stream.linear.gather [spmem:s15], $0x80, $0x38;
	[tilespmem:$0x18B80] =	vst v63  }
0x48b: {  	s17 =	sadd.s32 $0x1380, s3;
	s18 =	simm.s32 $0x14800  }
0x48c: {  	[tilespmem:s18], [sflag:$0x3] =	stream.linear.gather [spmem:s17], $0x80, $0x38;
	[tilespmem:$0x18B80] =	vst v63  }
0x48d: {  	_ =	swait.ge [sflag:s4], $0x280  }
0x48e: {  	[sflag:s4] =	ssyncset.done $0x0  }
0x48f: {  	s19 =	sadd.s32 $0x14000, s3;
	s20 =	simm.s32 $0x14880;
	[sflag:s4] =	ssyncadd.s32 $0xFFFFFD80  }
0x490: {  	[tilespmem:s20], [sflag:$0x3] =	stream.linear.gather [spmem:s19], $0x80, $0x38;
	[tilespmem:$0x18B80] =	vst v63  }
0x491: {  	s21 =	sadd.s32 $0x14400, s3;
	s22 =	simm.s32 $0x14C80  }
0x492: {  	[tilespmem:s22], [sflag:$0x3] =	stream.linear.gather [spmem:s21], $0x80, $0x38;
	[tilespmem:$0x18B80] =	vst v63  }
0x493: {  	s23 =	sadd.s32 $0x14800, s3;
	s24 =	simm.s32 $0x15080  }
0x494: {  	[tilespmem:s24], [sflag:$0x3] =	stream.linear.gather [spmem:s23], $0x80, $0x38;
	[tilespmem:$0x18B80] =	vst v63  }
0x495: {  	s25 =	sadd.s32 $0x14C00, s3;
	s26 =	simm.s32 $0x15480  }
0x496: {  	[tilespmem:s26], [sflag:$0x3] =	stream.linear.gather [spmem:s25], $0x80, $0x38;
	[tilespmem:$0x18B80] =	vst v63  }
0x497: {  	s28 =	sadd.s32 $0x15000, s3;
	s29 =	simm.s32 $0x15880  }
0x498: {  	[tilespmem:s29], [sflag:$0x3] =	stream.linear.gather [spmem:s28], $0x80, $0x38;
	[tilespmem:$0x18B80] =	vst v63  }
0x499: {  	_ =	swait.ge [sflag:s4], $0x280  }
0x49a: {  	[sflag:s4] =	ssyncset.done $0x0  }
0x49b: {  	s30 =	sadd.s32 $0x14080, s3;
	s31 =	simm.s32 $0x14900;
	[sflag:s4] =	ssyncadd.s32 $0xFFFFFD80  }
0x49c: {  	[tilespmem:s31], [sflag:$0x3] =	stream.linear.gather [spmem:s30], $0x80, $0x38;
	[tilespmem:$0x18B80] =	vst v63  }
0x49d: {  	s7 =	sadd.s32 $0x14480, s3;
	s8 =	simm.s32 $0x14D00  }
0x49e: {  	[tilespmem:s8], [sflag:$0x3] =	stream.linear.gather [spmem:s7], $0x80, $0x38;
	[tilespmem:$0x18B80] =	vst v63  }
0x49f: {  	s9 =	sadd.s32 $0x14880, s3;
	s10 =	simm.s32 $0x15100  }
0x4a0: {  	[tilespmem:s10], [sflag:$0x3] =	stream.linear.gather [spmem:s9], $0x80, $0x38;
	[tilespmem:$0x18B80] =	vst v63  }
0x4a1: {  	s11 =	sadd.s32 $0x14C80, s3;
	s12 =	simm.s32 $0x15500  }
0x4a2: {  	[tilespmem:s12], [sflag:$0x3] =	stream.linear.gather [spmem:s11], $0x80, $0x38;
	[tilespmem:$0x18B80] =	vst v63  }
0x4a3: {  	s13 =	sadd.s32 $0x15080, s3;
	s14 =	simm.s32 $0x15900  }
0x4a4: {  	[tilespmem:s14], [sflag:$0x3] =	stream.linear.gather [spmem:s13], $0x80, $0x38;
	[tilespmem:$0x18B80] =	vst v63  }
0x4a5: {  	_ =	swait.ge [sflag:s4], $0x280  }
0x4a6: {  	[sflag:s4] =	ssyncset.done $0x0  }
0x4a7: {  	s15 =	sadd.s32 $0x14100, s3;
	s16 =	simm.s32 $0x14980;
	[sflag:s4] =	ssyncadd.s32 $0xFFFFFD80  }
0x4a8: {  	[tilespmem:s16], [sflag:$0x3] =	stream.linear.gather [spmem:s15], $0x80, $0x38;
	[tilespmem:$0x18B80] =	vst v63  }
0x4a9: {  	s17 =	sadd.s32 $0x14500, s3;
	s18 =	simm.s32 $0x14D80  }
0x4aa: {  	[tilespmem:s18], [sflag:$0x3] =	stream.linear.gather [spmem:s17], $0x80, $0x38;
	[tilespmem:$0x18B80] =	vst v63  }
0x4ab: {  	s19 =	sadd.s32 $0x14900, s3;
	s20 =	simm.s32 $0x15180  }
0x4ac: {  	[tilespmem:s20], [sflag:$0x3] =	stream.linear.gather [spmem:s19], $0x80, $0x38;
	[tilespmem:$0x18B80] =	vst v63  }
0x4ad: {  	s21 =	sadd.s32 $0x14D00, s3;
	s22 =	simm.s32 $0x15580  }
0x4ae: {  	[tilespmem:s22], [sflag:$0x3] =	stream.linear.gather [spmem:s21], $0x80, $0x38;
	[tilespmem:$0x18B80] =	vst v63  }
0x4af: {  	s23 =	sadd.s32 $0x15100, s3;
	s24 =	simm.s32 $0x15980  }
0x4b0: {  	[tilespmem:s24], [sflag:$0x3] =	stream.linear.gather [spmem:s23], $0x80, $0x38;
	[tilespmem:$0x18B80] =	vst v63  }
0x4b1: {  	_ =	swait.ge [sflag:s4], $0x280  }
0x4b2: {  	[sflag:s4] =	ssyncset.done $0x0  }
0x4b3: {  	s25 =	sadd.s32 $0x14180, s3;
	s26 =	simm.s32 $0x14A00;
	[sflag:s4] =	ssyncadd.s32 $0xFFFFFD80  }
0x4b4: {  	[tilespmem:s26], [sflag:$0x3] =	stream.linear.gather [spmem:s25], $0x80, $0x38;
	[tilespmem:$0x18B80] =	vst v63  }
0x4b5: {  	s28 =	sadd.s32 $0x14580, s3;
	s29 =	simm.s32 $0x14E00  }
0x4b6: {  	[tilespmem:s29], [sflag:$0x3] =	stream.linear.gather [spmem:s28], $0x80, $0x38;
	[tilespmem:$0x18B80] =	vst v63  }
0x4b7: {  	s30 =	sadd.s32 $0x14980, s3;
	s31 =	simm.s32 $0x15200  }
0x4b8: {  	[tilespmem:s31], [sflag:$0x3] =	stream.linear.gather [spmem:s30], $0x80, $0x38;
	[tilespmem:$0x18B80] =	vst v63  }
0x4b9: {  	s7 =	sadd.s32 $0x14D80, s3;
	s8 =	simm.s32 $0x15600  }
0x4ba: {  	[tilespmem:s8], [sflag:$0x3] =	stream.linear.gather [spmem:s7], $0x80, $0x38;
	[tilespmem:$0x18B80] =	vst v63  }
0x4bb: {  	s9 =	sadd.s32 $0x15180, s3;
	s10 =	simm.s32 $0x15A00  }
0x4bc: {  	[tilespmem:s10], [sflag:$0x3] =	stream.linear.gather [spmem:s9], $0x80, $0x38;
	[tilespmem:$0x18B80] =	vst v63  }
0x4bd: {  	_ =	swait.ge [sflag:s4], $0x280  }
0x4be: {  	[sflag:s4] =	ssyncset.done $0x0  }
0x4bf: {  	s11 =	sadd.s32 $0x14200, s3;
	s12 =	simm.s32 $0x14A80;
	[sflag:s4] =	ssyncadd.s32 $0xFFFFFD80  }
0x4c0: {  	[tilespmem:s12], [sflag:$0x3] =	stream.linear.gather [spmem:s11], $0x80, $0x38;
	[tilespmem:$0x18B80] =	vst v63  }
0x4c1: {  	s13 =	sadd.s32 $0x14600, s3;
	s14 =	simm.s32 $0x14E80  }
0x4c2: {  	[tilespmem:s14], [sflag:$0x3] =	stream.linear.gather [spmem:s13], $0x80, $0x38;
	[tilespmem:$0x18B80] =	vst v63  }
0x4c3: {  	s15 =	sadd.s32 $0x14A00, s3;
	s16 =	simm.s32 $0x15280  }
0x4c4: {  	[tilespmem:s16], [sflag:$0x3] =	stream.linear.gather [spmem:s15], $0x80, $0x38;
	[tilespmem:$0x18B80] =	vst v63  }
0x4c5: {  	s17 =	sadd.s32 $0x14E00, s3;
	s18 =	simm.s32 $0x15680  }
0x4c6: {  	[tilespmem:s18], [sflag:$0x3] =	stream.linear.gather [spmem:s17], $0x80, $0x38;
	[tilespmem:$0x18B80] =	vst v63  }
0x4c7: {  	s19 =	sadd.s32 $0x15200, s3;
	s20 =	simm.s32 $0x15A80  }
0x4c8: {  	[tilespmem:s20], [sflag:$0x3] =	stream.linear.gather [spmem:s19], $0x80, $0x38;
	[tilespmem:$0x18B80] =	vst v63  }
0x4c9: {  	_ =	swait.ge [sflag:s4], $0x280  }
0x4ca: {  	[sflag:s4] =	ssyncset.done $0x0  }
0x4cb: {  	s21 =	sadd.s32 $0x14280, s3;
	s22 =	simm.s32 $0x14B00;
	[sflag:s4] =	ssyncadd.s32 $0xFFFFFD80  }
0x4cc: {  	[tilespmem:s22], [sflag:$0x3] =	stream.linear.gather [spmem:s21], $0x80, $0x38;
	[tilespmem:$0x18B80] =	vst v63  }
0x4cd: {  	s23 =	sadd.s32 $0x14680, s3;
	s24 =	simm.s32 $0x14F00  }
0x4ce: {  	[tilespmem:s24], [sflag:$0x3] =	stream.linear.gather [spmem:s23], $0x80, $0x38;
	[tilespmem:$0x18B80] =	vst v63  }
0x4cf: {  	s25 =	sadd.s32 $0x14A80, s3;
	s26 =	simm.s32 $0x15300  }
0x4d0: {  	[tilespmem:s26], [sflag:$0x3] =	stream.linear.gather [spmem:s25], $0x80, $0x38;
	[tilespmem:$0x18B80] =	vst v63  }
0x4d1: {  	s28 =	sadd.s32 $0x14E80, s3;
	s29 =	simm.s32 $0x15700  }
0x4d2: {  	[tilespmem:s29], [sflag:$0x3] =	stream.linear.gather [spmem:s28], $0x80, $0x38;
	[tilespmem:$0x18B80] =	vst v63  }
0x4d3: {  	s30 =	sadd.s32 $0x15280, s3;
	s31 =	simm.s32 $0x15B00  }
0x4d4: {  	[tilespmem:s31], [sflag:$0x3] =	stream.linear.gather [spmem:s30], $0x80, $0x38;
	[tilespmem:$0x18B80] =	vst v63  }
0x4d5: {  	_ =	swait.ge [sflag:s4], $0x280  }
0x4d6: {  	[sflag:s4] =	ssyncset.done $0x0  }
0x4d7: {  	s7 =	sadd.s32 $0x14300, s3;
	s8 =	simm.s32 $0x14B80;
	[sflag:s4] =	ssyncadd.s32 $0xFFFFFD80  }
0x4d8: {  	[tilespmem:s8], [sflag:$0x3] =	stream.linear.gather [spmem:s7], $0x80, $0x38;
	[tilespmem:$0x18B80] =	vst v63  }
0x4d9: {  	s9 =	sadd.s32 $0x14700, s3;
	s10 =	simm.s32 $0x14F80  }
0x4da: {  	[tilespmem:s10], [sflag:$0x3] =	stream.linear.gather [spmem:s9], $0x80, $0x38;
	[tilespmem:$0x18B80] =	vst v63  }
0x4db: {  	s11 =	sadd.s32 $0x14B00, s3;
	s12 =	simm.s32 $0x15380  }
0x4dc: {  	[tilespmem:s12], [sflag:$0x3] =	stream.linear.gather [spmem:s11], $0x80, $0x38;
	[tilespmem:$0x18B80] =	vst v63  }
0x4dd: {  	s13 =	sadd.s32 $0x14F00, s3;
	s14 =	simm.s32 $0x15780  }
0x4de: {  	[tilespmem:s14], [sflag:$0x3] =	stream.linear.gather [spmem:s13], $0x80, $0x38;
	[tilespmem:$0x18B80] =	vst v63  }
0x4df: {  	s15 =	sadd.s32 $0x15300, s3;
	s16 =	simm.s32 $0x15B80  }
0x4e0: {  	[tilespmem:s16], [sflag:$0x3] =	stream.linear.gather [spmem:s15], $0x80, $0x38;
	[tilespmem:$0x18B80] =	vst v63  }
0x4e1: {  	_ =	swait.ge [sflag:s4], $0x280  }
0x4e2: {  	[sflag:s4] =	ssyncset.done $0x0  }
0x4e3: {  	s17 =	sadd.s32 $0x14380, s3;
	s18 =	simm.s32 $0x14C00;
	[sflag:s4] =	ssyncadd.s32 $0xFFFFFD80  }
0x4e4: {  	[tilespmem:s18], [sflag:$0x3] =	stream.linear.gather [spmem:s17], $0x80, $0x38;
	[tilespmem:$0x18B80] =	vst v63  }
0x4e5: {  	s19 =	sadd.s32 $0x14780, s3;
	s20 =	simm.s32 $0x15000  }
0x4e6: {  	[tilespmem:s20], [sflag:$0x3] =	stream.linear.gather [spmem:s19], $0x80, $0x38;
	[tilespmem:$0x18B80] =	vst v63  }
0x4e7: {  	s21 =	sadd.s32 $0x14B80, s3;
	s22 =	simm.s32 $0x15400  }
0x4e8: {  	[tilespmem:s22], [sflag:$0x3] =	stream.linear.gather [spmem:s21], $0x80, $0x38;
	[tilespmem:$0x18B80] =	vst v63  }
0x4e9: {  	s23 =	sadd.s32 $0x14F80, s3;
	s24 =	simm.s32 $0x15800  }
0x4ea: {  	[tilespmem:s24], [sflag:$0x3] =	stream.linear.gather [spmem:s23], $0x80, $0x38;
	[tilespmem:$0x18B80] =	vst v63  }
0x4eb: {  	s3 =	sadd.s32 $0x15380, s3;
	s25 =	simm.s32 $0x15C00  }
0x4ec: {  	[tilespmem:s25], [sflag:$0x3] =	stream.linear.gather [spmem:s3], $0x80, $0x38;
	[tilespmem:$0x18B80] =	vst v63  }
0x4ed: {  	s26 =	sand.u32 $0x70, s5;
	s5 =	sand.u32 $0x1C00, s5;
	_ =	swait.ge [sflag:s4], $0x280  }
0x4ee: {  	s3 =	sor.u32 s26, s5;
	[sflag:s4] =	ssyncset.done $0x0  }
0x4ef: {  	s28 =	sadd.s32 $0x13480, s3;
	[sflag:s4] =	ssyncadd.s32 $0xFFFFFD80  }
0x4f0: {  	v0 =	vld [tilespmem:s28+$0x80]  }
0x4f1: {  	v1 =	vld [tilespmem:s3+$0x13480]  }
0x4f2: {  	v2 =	vld [tilespmem:s28+$0x100]  }
0x4f3: {  	v3 =	vld [tilespmem:s28+$0x180]  }
0x4f4: {  	v4 =	vld [tilespmem:s28+$0x200]  }
0x4f5: {  	v5 =	vld [tilespmem:s28+$0x280]  }
0x4f6: {  	v0 =	vor.u32 v1, v0;
	v1 =	vld [tilespmem:s28+$0x300]  }
0x4f7: {  	v0 =	vor.u32 v2, v0;
	v2 =	vld [tilespmem:s28+$0x380]  }
0x4f8: {  	v0 =	vor.u32 v3, v0;
	v3 =	vld [tilespmem:s3+$0x14880]  }
0x4f9: {  	v60 =	vld [tilespmem:s3+$0x14900];
	v0 =	vor.u32 v4, v0  }
0x4fa: {  	v61 =	vld [tilespmem:s3+$0x14980];
	v0 =	vor.u32 v5, v0  }
0x4fb: {  	v0 =	vor.u32 v1, v0;
	v1 =	vld [tilespmem:s3+$0x14A00]  }
0x4fc: {  	v0 =	vor.u32 v2, v0;
	v2 =	vld [tilespmem:s3+$0x14A80]  }
0x4fd: {  	v0 =	vor.u32 v3, v0;
	v3 =	vld [tilespmem:s3+$0x14B00]  }
0x4fe: {  	v62 =	vld [tilespmem:s3+$0x14B80];
	v0 =	vor.u32 v60, v0  }
0x4ff: {  	v63 =	vld [tilespmem:s3+$0x14C00];
	v0 =	vor.u32 v61, v0  }
0x500: {  	v0 =	vor.u32 v1, v0  }
0x501: {  	v0 =	vor.u32 v2, v0  }
0x502: {  	s29 =	simm.s32 $0x10;
	s5 =	simm.s32 $0x80;
	v0 =	vor.u32 v3, v0  }
0x503: {  	s30 =	sand.u32 $0x70, s29;
	s31 =	sand.u32 $0x1C00, s5;
	v0 =	vor.u32 v62, v0  }
0x504: {  	s6 =	simm.s32 $0x20;
	s4 =	sor.u32 s30, s31;
	s3 =	simm.s32 $0x15C80;
	v0 =	vor.u32 v63, v0  }
.LBB2_37:
0x505: {  	p0 =	sne.s32 s6, $0x270;
	s7 =	sadd.s32 $0x13480, s4;
	[tilespmem:s3+$0x0] =	vst v0  }
0x506: {  	v0 =	vld [tilespmem:s7+$0x80]  }
0x507: {  	v1 =	vld [tilespmem:s4+$0x13480]  }
0x508: {  	v2 =	vld [tilespmem:s7+$0x100]  }
0x509: {  	v3 =	vld [tilespmem:s7+$0x180]  }
0x50a: {  	v4 =	vld [tilespmem:s7+$0x200]  }
0x50b: {  	v5 =	vld [tilespmem:s7+$0x280]  }
0x50c: {  	v0 =	vor.u32 v1, v0;
	v1 =	vld [tilespmem:s7+$0x300]  }
0x50d: {  	v0 =	vor.u32 v2, v0;
	v2 =	vld [tilespmem:s7+$0x380]  }
0x50e: {  	v0 =	vor.u32 v3, v0;
	v3 =	vld [tilespmem:s4+$0x14880]  }
0x50f: {  	v0 =	vor.u32 v4, v0;
	v4 =	vld [tilespmem:s4+$0x14900]  }
0x510: {  	v0 =	vor.u32 v5, v0;
	v5 =	vld [tilespmem:s4+$0x14980]  }
0x511: {  	v0 =	vor.u32 v1, v0;
	v1 =	vld [tilespmem:s4+$0x14A00]  }
0x512: {  	v0 =	vor.u32 v2, v0;
	v2 =	vld [tilespmem:s4+$0x14A80]  }
0x513: {  	v0 =	vor.u32 v3, v0;
	v3 =	vld [tilespmem:s4+$0x14B00]  }
0x514: {  	v0 =	vor.u32 v4, v0;
	v4 =	vld [tilespmem:s4+$0x14B80]  }
0x515: {  	v0 =	vor.u32 v5, v0;
	v5 =	vld [tilespmem:s4+$0x14C00]  }
.Ltmp18:
0x516: {  	v0 =	vor.u32 v1, v0;
	(pc) =	sbr.rel @p0 .LBB2_37-.Ltmp18, $4  }
0x517: {  	v0 =	vor.u32 v2, v0  }
0x518: {  	s5 =	sadd.s32 $0x80, s5;
	v0 =	vor.u32 v3, v0  }
0x519: {  	s7 =	sand.u32 $0x1C00, s5;
	s4 =	sand.u32 $0x70, s6;
	v0 =	vor.u32 v4, v0  }
0x51a: {  	s3 =	sadd.s32 $0x10, s3;
	s6 =	sadd.s32 $0x10, s6;
	s4 =	sor.u32 s4, s7;
	v0 =	vor.u32 v5, v0  }
0x51b: {  	s5 =	sadd.s32 $0x13480, s4;
	[tilespmem:s3+$0x0] =	vst v0  }
0x51c: {  	v0 =	vld [tilespmem:s5+$0x80]  }
0x51d: {  	v1 =	vld [tilespmem:s4+$0x13480]  }
0x51e: {  	v2 =	vld [tilespmem:s5+$0x100]  }
0x51f: {  	v3 =	vld [tilespmem:s5+$0x180]  }
0x520: {  	v4 =	vld [tilespmem:s5+$0x200]  }
0x521: {  	v5 =	vld [tilespmem:s5+$0x280]  }
0x522: {  	v54 =	vld [tilespmem:s5+$0x300];
	v0 =	vor.u32 v1, v0  }
0x523: {  	v55 =	vld [tilespmem:s5+$0x380];
	v0 =	vor.u32 v2, v0  }
0x524: {  	v56 =	vld [tilespmem:s4+$0x14880];
	v0 =	vor.u32 v3, v0  }
0x525: {  	v57 =	vld [tilespmem:s4+$0x14900];
	v0 =	vor.u32 v4, v0  }
0x526: {  	v58 =	vld [tilespmem:s4+$0x14980];
	v0 =	vor.u32 v5, v0  }
0x527: {  	v59 =	vld [tilespmem:s4+$0x14A00];
	v0 =	vor.u32 v54, v0  }
0x528: {  	v60 =	vld [tilespmem:s4+$0x14A80];
	v0 =	vor.u32 v55, v0  }
0x529: {  	v61 =	vld [tilespmem:s4+$0x14B00];
	v0 =	vor.u32 v56, v0  }
0x52a: {  	v62 =	vld [tilespmem:s4+$0x14B80];
	v0 =	vor.u32 v57, v0  }
0x52b: {  	v63 =	vld [tilespmem:s4+$0x14C00];
	v0 =	vor.u32 v58, v0  }
0x52c: {  	v0 =	vor.u32 v59, v0  }
0x52d: {  	v0 =	vor.u32 v60, v0  }
0x52e: {  	v0 =	vor.u32 v61, v0  }
0x52f: {  	s26 =	smul.u32 $0x50, s0;
	v0 =	vor.u32 v62, v0  }
0x530: {  	s28 =	sadd.s32 $0x10, s3;
	s29 =	simm.s32 $0x0;
	v0 =	vor.u32 v63, v0  }
0x531: {  	s30 =	simm.s32 $0x15C80;
	s31 =	simm.s32 $0x3;
	s2 =	sadd.s32 s2, s26;
	[tilespmem:s28+$0x0] =	vst v0  }
0x532: {  	[hbm4b:s2+s29] =	stream.linear.scatter [tilespmem:s30], [sflag:$0x3], $0x280, $0x38;
	[tilespmem:$0x18B80] =	vst v63  }
0x533: {  	_ =	swait.ge [sflag:s31], $0x280  }
0x534: {  	[sflag:s31] =	ssyncset.done $0x0  }
0x535: {  	[sflag:s31] =	ssyncadd.s32 $0xFFFFFD80  }
0x536: {  	_ =	sfence.sel $0x180000  }
0x537: {  	[bflag:$0x0] =	sbarrier.arrive $0xFFFF  }
0x538: {  	p0 =	sne.s32 s0, $0x0;
	_ =	strace $0x90000047  }
0x539: {  	s0 =	sadd.s32 @!p0 $0x100000, s1;
	[bflag:$0x2] =	sbarrier.arrive $0xFFFF  }
0x53a: {  	[sflag:s0] =	ssyncadd.tile.s32 @!p0 $0x1;
	_ =	shalt  }
.Lfunc_end2:
_tile_overlayer_lowered:
.L_overlay_start_2:
0x53b: {  	(tag) =	ssettag $0x2  }
0x53c: {  	s0 =	rddreg [dreg:$0x0];
	s2 =	stileid.u32  }
0x53d: {  	s1 =	rddreg [dreg:$0x1];
	p0 =	sne.s32 s2, $0x0  }
0x53e: {  	s3 =	rddreg [dreg:$0x2];
	[bflag:$0x3] =	sbarrier.arrive $0xFFFF;
	s2 =	simm.s32 @!p0 $0x1C03  }
0x53f: {  	[timem:s3], [sflag:s2] =	dma.local @!p0 [hbm:s0], s1  }
0x540: {  	s0 =	simm.s32 @!p0 $0x3  }
0x541: {  	_ =	swait.ge @!p0 [sflag:s0], s1  }
0x542: {  	s1 =	ssub.s32 @!p0 $0x0, s1;
	[sflag:s0] =	ssyncset.done @!p0 $0x0  }
0x543: {  	[sflag:s0] =	ssyncadd.s32 @!p0 s1  }
0x544: {  	[bflag:$0x3] =	sbarrier.arrive $0xFFFF  }
0x545: {  	_ =	shalt  }

</sc_bundles>
